<compile_context>
chip_gen: v7x
topology: tpu7x:2x2x1
jax: 0.10.2.dev20260603
libtpu: 0.0.44.dev20260713+nightly
codegen_flags: <defaults>
</compile_context>

<pallas_src>
import jax
import jax.numpy as jnp
from jax import lax
from jax.experimental import pallas as pl
from jax.experimental.pallas import tpu as pltpu
from jax.experimental.pallas import tpu_sc as plsc

TOPK_K = 256
ROWS = 128
N = 32768
CHUNKS = N // 16
MASK31 = 0x7FFFFFFF
BIG = 0x7FFFFFFF
UNROLL = 8
HCOPIES = 4
SUBCORES = 32
SC_ROWS = 64

_H1_OFF = 0
_H2_OFF = 2048
_H3_OFF = 3072
_HTOT = 4096


def _find_crossing(hists, off, nbuckets, m):
    lanes = lax.broadcasted_iota(jnp.int32, (16,), 0)
    zeros16 = jnp.zeros((16,), jnp.int32)

    def body(c, carry):
        found, b, pbef, acc = carry
        vs = [h[pl.ds(off + c * 16, 16)] for h in hists]
        v = vs[0]
        for u in range(1, len(hists)):
            v = v + vs[u]
        for h in hists:
            h[pl.ds(off + c * 16, 16)] = zeros16
        cs = plsc.cumsum(v) + acc
        pb = cs - v
        cross = cs > m
        lane = jnp.min(jnp.where(cross, lanes, BIG))
        this_found = (lane < 16).astype(jnp.int32)
        use = this_found * (1 - found)
        b = jnp.where(use == 1, c * 16 + lane, b)
        pbef = jnp.where(use == 1, jnp.min(jnp.where(cross, pb, BIG)), pbef)
        found = jnp.maximum(found, this_found)
        acc = acc + jnp.sum(v)
        return found, b, pbef, acc

    init = (jnp.int32(0), jnp.int32(0), jnp.int32(0), jnp.int32(0))
    _, b, pbef, _ = lax.fori_loop(0, nbuckets // 16, body, init)
    return b, pbef


CANDMAX = 8192


def _make_sc_kernel(sc_rows):
    rows_per = sc_rows // SUBCORES
    mesh = plsc.VectorSubcoreMesh(core_axis_name="c", subcore_axis_name="s")

    @lambda body: pl.kernel(
        body,
        out_type=jax.ShapeDtypeStruct((sc_rows, N), jnp.float32),
        mesh=mesh,
        scratch_types=[
            pltpu.VMEM((N,), jnp.float32),
            pltpu.VMEM((N,), jnp.float32),
            pltpu.VMEM((CANDMAX + 16,), jnp.float32),
            pltpu.VMEM((CANDMAX + 16,), jnp.int32),
        ]
        + [pltpu.VMEM((_HTOT,), jnp.int32) for _ in range(HCOPIES)]
        + [pltpu.SemaphoreType.DMA] * 4,
        compiler_params=pltpu.CompilerParams(needs_layout_passes=False),
    )
    def sc_kernel(x_hbm, out_hbm, row_a, row_b, cand_v, cand_i, *rest):
        hists = rest[:HCOPIES]
        sems = rest[HCOPIES:]
        base = ROWS - sc_rows
        wid = lax.axis_index("s") * 2 + lax.axis_index("c")
        ones = jnp.ones((16,), jnp.int32)
        zeros16 = jnp.zeros((16,), jnp.int32)
        lanes = lax.broadcasted_iota(jnp.int32, (16,), 0)
        bufs = (row_a, row_b)
        isems = (sems[0], sems[1])
        osems = (sems[2], sems[3])

        def clr(c, _):
            for h in hists:
                h[pl.ds(c * 16, 16)] = zeros16
            return 0

        lax.fori_loop(0, _HTOT // 16, clr, 0)

        def process(row_v):

            def s1(c, _):
                for u in range(UNROLL):
                    v = row_v[pl.ds(c * (16 * UNROLL) + u * 16, 16)]
                    bits = plsc.bitcast(v, jnp.int32) & MASK31
                    b = lax.shift_right_logical(bits, 20)
                    plsc.addupdate_scatter(hists[u % HCOPIES], [b], ones)
                return 0

            lax.fori_loop(0, CHUNKS // UNROLL, s1, 0)

            m1 = jnp.int32(N - TOPK_K)
            b1, pbef1 = _find_crossing(hists, _H1_OFF, 2048, m1)
            m2 = m1 - pbef1

            def s2(c, cnt):
                for u in range(UNROLL):
                    off = c * (16 * UNROLL) + u * 16
                    v = row_v[pl.ds(off, 16)]
                    bits = plsc.bitcast(v, jnp.int32) & MASK31
                    top11 = lax.shift_right_logical(bits, 20)
                    match = top11 == b1
                    row_v[pl.ds(off, 16)] = jnp.where(top11 > b1, v, 0.0)
                    b = (lax.shift_right_logical(bits, 10) & 1023) + _H2_OFF
                    plsc.addupdate_scatter(hists[u % HCOPIES], [b], ones, mask=match)
                    plsc.store_compressed(cand_v.at[pl.ds(cnt, 16)], v, mask=match)
                    plsc.store_compressed(
                        cand_i.at[pl.ds(cnt, 16)], lanes + off, mask=match
                    )
                    cnt = cnt + jnp.sum(match.astype(jnp.int32))
                return cnt

            cnt = lax.fori_loop(0, CHUNKS // UNROLL, s2, jnp.int32(0))
            nc = (cnt + 15) // 16
            b2, pbef2 = _find_crossing(hists, _H2_OFF, 1024, m2)
            m3 = m2 - pbef2
            pfx21 = (b1 << 10) | b2

            def s3(c, _):
                bits = plsc.bitcast(cand_v[pl.ds(c * 16, 16)], jnp.int32) & MASK31
                valid = (c * 16 + lanes) < cnt
                match = valid & (lax.shift_right_logical(bits, 10) == pfx21)
                b = (bits & 1023) + _H3_OFF
                plsc.addupdate_scatter(hists[0], [b], ones, mask=match)
                return 0

            lax.fori_loop(0, nc, s3, 0)
            b3, _ = _find_crossing(hists, _H3_OFF, 1024, m3)
            thr = (pfx21 << 10) | b3

            def fx(c, _):
                vals = cand_v[pl.ds(c * 16, 16)]
                bits = plsc.bitcast(vals, jnp.int32) & MASK31
                idx = cand_i[pl.ds(c * 16, 16)]
                keep = ((c * 16 + lanes) < cnt) & (bits >= thr)
                plsc.store_scatter(row_v, [idx], vals, mask=keep)
                return 0

            lax.fori_loop(0, nc, fx, 0)

        r0 = wid * rows_per
        hin = {0: pltpu.async_copy(x_hbm.at[base + r0], bufs[0], isems[0])}
        hout = {}
        for j in range(rows_per):
            row = r0 + j
            buf = bufs[j % 2]
            hin[j].wait()
            if j + 1 < rows_per:
                hin[j + 1] = pltpu.async_copy(
                    x_hbm.at[base + row + 1], bufs[(j + 1) % 2], isems[(j + 1) % 2]
                )
            if j >= 2:
                hout[j - 2].wait()
            process(buf)
            hout[j] = pltpu.async_copy(buf, out_hbm.at[row], osems[j % 2])
        for j in range(max(0, rows_per - 2), rows_per):
            hout[j].wait()

    return sc_kernel


_SC_KERNEL = _make_sc_kernel(SC_ROWS)


def _tc_body(x_ref, o_ref, bits_ref):
    xv = x_ref[...]
    br = xv.shape[0]
    bits_ref[...] = lax.bitcast_convert_type(xv, jnp.int32) & jnp.int32(MASK31)
    k = jnp.int32(TOPK_K)

    def _cnt(bv, cand):
        return jnp.sum((bv >= cand).astype(jnp.int32), axis=1, keepdims=True)

    def pair_step(i, t):
        hi = lax.shift_left(jnp.int32(1), 30 - 2 * i)
        lo = lax.shift_right_logical(hi, 1)
        bv = bits_ref[...]
        c1 = t | hi
        c2 = c1 | lo
        c3 = t | lo
        ok1 = _cnt(bv, c1) >= k
        ok2 = _cnt(bv, c2) >= k
        ok3 = _cnt(bv, c3) >= k
        return jnp.where(ok1, jnp.where(ok2, c2, c1), jnp.where(ok3, c3, t))

    t = lax.fori_loop(0, 15, pair_step, jnp.zeros((br, 1), jnp.int32))
    bv = bits_ref[...]
    c0 = t | jnp.int32(1)
    t = jnp.where(_cnt(bv, c0) >= k, c0, t)
    o_ref[...] = jnp.where(bv >= t, xv, 0.0)


def _tc_call(x, tc_rows):
    n = x.shape[1]
    br = 8
    return pl.pallas_call(
        _tc_body,
        grid=(tc_rows // br,),
        in_specs=[pl.BlockSpec((br, n), lambda i: (i, 0))],
        out_specs=pl.BlockSpec((br, n), lambda i: (i, 0)),
        out_shape=jax.ShapeDtypeStruct((tc_rows, n), x.dtype),
        scratch_shapes=[pltpu.VMEM((br, n), jnp.int32)],
    )(x)


def kernel(x):
    out_sc = _SC_KERNEL(x)
    out_tc = _tc_call(x, ROWS - SC_ROWS)
    return jnp.concatenate([out_tc, out_sc], axis=0)

# --- scband reference (transcript-rebuilt; emitter-appended) ---
"""Pipeline reference for scband-top-knorm-activation-86904368268018 (READ-ONLY COPY).

The authoritative reference and input builder live on the scoring server;
editing this copy changes nothing except your own understanding.
"""

import jax, jax.numpy as jnp
import numpy as np

TOPK = 256

def setup_inputs(seed: int = 0) -> dict:
    key = jax.random.key(seed)
    x = jax.random.normal(key, (128, 32768), dtype=jnp.float32)
    return {"x": x}

def reference(x):
    # abs().topk along last dim
    abs_val, ind = jax.lax.top_k(jnp.abs(x), TOPK)
    # gather the original (signed) values at those indices
    val = jnp.take_along_axis(x, ind, axis=-1)
    # scatter into zeros_like(x)
    rows = jnp.arange(x.shape[0])[:, None]
    ret = jnp.zeros_like(x).at[rows, ind].set(val)
    return ret

if __name__ == "__main__":
    import jax
    _d = setup_inputs()
    print(jax.jit(kernel)(*tuple(_d.values())))

</pallas_src>

<mosaic_0001>
#map = affine_map<(d0, d1) -> (0, 0)>
module attributes {stable_mosaic.version = 14 : i64} {
  func.func @sc_kernel(%arg0: i32, %arg1: i32, %arg2: memref<128x32768xf32, #tpu.memory_space<hbm>>, %arg3: memref<64x32768xf32, #tpu.memory_space<hbm>>, %arg4: memref<32768xf32, #tpu.memory_space<vmem>>, %arg5: memref<32768xf32, #tpu.memory_space<vmem>>, %arg6: memref<8208xf32, #tpu.memory_space<vmem>>, %arg7: memref<8208xi32, #tpu.memory_space<vmem>>, %arg8: memref<4096xi32, #tpu.memory_space<vmem>>, %arg9: memref<4096xi32, #tpu.memory_space<vmem>>, %arg10: memref<4096xi32, #tpu.memory_space<vmem>>, %arg11: memref<4096xi32, #tpu.memory_space<vmem>>, %arg12: memref<!tpu.dma_semaphore, #tpu.memory_space<semaphore_mem>>, %arg13: memref<!tpu.dma_semaphore, #tpu.memory_space<semaphore_mem>>, %arg14: memref<!tpu.dma_semaphore, #tpu.memory_space<semaphore_mem>>, %arg15: memref<!tpu.dma_semaphore, #tpu.memory_space<semaphore_mem>>) attributes {dimension_semantics = [#tpu.dimension_semantics<core_parallel>, #tpu.dimension_semantics<subcore_parallel>], iteration_bounds = array<i64: 2, 16>, scalar_prefetch = 0 : i64, scratch_operands = 12 : i64, tpu.core_type = #tpu.core_type<sc_vector_subcore>, window_params = [{transform_indices = #map}, {transform_indices = #map}]} {
    %mul3A = arith.constant 2 : i32
    %mul3A_0 = arith.muli %arg1, %mul3A : i32
    %add3A = arith.addi %mul3A_0, %arg0 : i32
    %broadcast_in_dim3A = arith.constant 1 : i32
    %broadcast_in_dim3A_1 = vector.broadcast %broadcast_in_dim3A : i32 to vector<16xi32>
    %broadcast_in_dim3A_2 = arith.constant 0 : i32
    %broadcast_in_dim3A_3 = vector.broadcast %broadcast_in_dim3A_2 : i32 to vector<16xi32>
    %iota3A = tpu.iota {dimensions = array<i32: 0>} : vector<16xi32>
    %scan3A = arith.constant 0 : i32
    %scan3A_4 = arith.constant 0 : i32
    %scan3A_5 = arith.constant 256 : i32
    %scan3A_6 = arith.addi %scan3A_4, %scan3A_5 : i32
    %scan3A_7 = arith.constant 1 : i32
    %scan3A_8 = scf.for %scan3A_283 = %scan3A_4 to %scan3A_6 step %scan3A_7 iter_args(%scan3A_284 = %scan3A) -> (i32)  : i32 {
      %mul3A_285 = arith.constant 16 : i32
      %mul3A_286 = arith.muli %scan3A_283, %mul3A_285 : i32
      %swap3A = arith.index_cast %mul3A_286 : i32 to index
      %swap3A_287 = tpu.vector_load %arg8[%swap3A] {strides = array<i32>} : memref<4096xi32, #tpu.memory_space<vmem>>, vector<16xi32>,
      tpu.vector_store %arg8[%swap3A], %broadcast_in_dim3A_3 {strides = array<i32>} : memref<4096xi32, #tpu.memory_space<vmem>>, vector<16xi32>,
      %mul3A_288 = arith.constant 16 : i32
      %mul3A_289 = arith.muli %scan3A_283, %mul3A_288 : i32
      %swap3A_290 = arith.index_cast %mul3A_289 : i32 to index
      %swap3A_291 = tpu.vector_load %arg9[%swap3A_290] {strides = array<i32>} : memref<4096xi32, #tpu.memory_space<vmem>>, vector<16xi32>,
      tpu.vector_store %arg9[%swap3A_290], %broadcast_in_dim3A_3 {strides = array<i32>} : memref<4096xi32, #tpu.memory_space<vmem>>, vector<16xi32>,
      %mul3A_292 = arith.constant 16 : i32
      %mul3A_293 = arith.muli %scan3A_283, %mul3A_292 : i32
      %swap3A_294 = arith.index_cast %mul3A_293 : i32 to index
      %swap3A_295 = tpu.vector_load %arg10[%swap3A_294] {strides = array<i32>} : memref<4096xi32, #tpu.memory_space<vmem>>, vector<16xi32>,
      tpu.vector_store %arg10[%swap3A_294], %broadcast_in_dim3A_3 {strides = array<i32>} : memref<4096xi32, #tpu.memory_space<vmem>>, vector<16xi32>,
      %mul3A_296 = arith.constant 16 : i32
      %mul3A_297 = arith.muli %scan3A_283, %mul3A_296 : i32
      %swap3A_298 = arith.index_cast %mul3A_297 : i32 to index
      %swap3A_299 = tpu.vector_load %arg11[%swap3A_298] {strides = array<i32>} : memref<4096xi32, #tpu.memory_space<vmem>>, vector<16xi32>,
      tpu.vector_store %arg11[%swap3A_298], %broadcast_in_dim3A_3 {strides = array<i32>} : memref<4096xi32, #tpu.memory_space<vmem>>, vector<16xi32>,
      %scan3A_300 = arith.constant 0 : i32
      scf.yield %scan3A_300 : i32
    }
    %scan3A_9 = arith.constant 256 : i32
    %mul3A_10 = arith.constant 2 : i32
    %mul3A_11 = arith.muli %add3A, %mul3A_10 : i32
    %add3A_12 = arith.constant 64 : i32
    %add3A_13 = arith.addi %add3A_12, %mul3A_11 : i32
    %dma_start3A = arith.constant 0 : i32
    %dma_start3A_14 = tpu.memref_slice %arg2[%add3A_13, %dma_start3A] : memref<128x32768xf32, #tpu.memory_space<hbm>> -> memref<1x32768xf32, #tpu.memory_space<hbm>>
    %dma_start3A_15 = tpu.memref_squeeze %dma_start3A_14 : memref<1x32768xf32, #tpu.memory_space<hbm>> -> memref<32768xf32, #tpu.memory_space<hbm>>
    %dma_start3A_16 = arith.constant 0 : i32
    %dma_start3A_17 = tpu.memref_slice %arg2[%add3A_13, %dma_start3A_16] : memref<128x32768xf32, #tpu.memory_space<hbm>> -> memref<1x32768xf32, #tpu.memory_space<hbm>>
    %dma_start3A_18 = tpu.memref_squeeze %dma_start3A_17 : memref<1x32768xf32, #tpu.memory_space<hbm>> -> memref<32768xf32, #tpu.memory_space<hbm>>
    tpu.enqueue_dma source(%dma_start3A_18 : memref<32768xf32, #tpu.memory_space<hbm>>) target(%arg4 : memref<32768xf32, #tpu.memory_space<vmem>>) target_semaphore(%arg12 : memref<!tpu.dma_semaphore, #tpu.memory_space<semaphore_mem>>)
    %add3A_19 = arith.constant 0 : i32
    %add3A_20 = arith.addi %mul3A_11, %add3A_19 : i32
    %dma_wait3A = arith.constant 0 : i32
    %dma_wait3A_21 = tpu.memref_slice %arg2[%add3A_13, %dma_wait3A] : memref<128x32768xf32, #tpu.memory_space<hbm>> -> memref<1x32768xf32, #tpu.memory_space<hbm>>
    %dma_wait3A_22 = tpu.memref_squeeze %dma_wait3A_21 : memref<1x32768xf32, #tpu.memory_space<hbm>> -> memref<32768xf32, #tpu.memory_space<hbm>>
    %dma_wait3A_23 = arith.constant 0 : i32
    %dma_wait3A_24 = tpu.memref_slice %arg2[%add3A_13, %dma_wait3A_23] : memref<128x32768xf32, #tpu.memory_space<hbm>> -> memref<1x32768xf32, #tpu.memory_space<hbm>>
    %dma_wait3A_25 = tpu.memref_squeeze %dma_wait3A_24 : memref<1x32768xf32, #tpu.memory_space<hbm>> -> memref<32768xf32, #tpu.memory_space<hbm>>
    tpu.wait_dma2 semaphore(%arg12 : memref<!tpu.dma_semaphore, #tpu.memory_space<semaphore_mem>>) src(%dma_wait3A_25 : memref<32768xf32, #tpu.memory_space<hbm>>) dst(%arg4 : memref<32768xf32, #tpu.memory_space<vmem>>)
    %add3A_26 = arith.constant 64 : i32
    %add3A_27 = arith.addi %add3A_26, %add3A_20 : i32
    %add3A_28 = arith.constant 1 : i32
    %add3A_29 = arith.addi %add3A_27, %add3A_28 : i32
    %dma_start3A_30 = arith.constant 0 : i32
    %dma_start3A_31 = tpu.memref_slice %arg2[%add3A_29, %dma_start3A_30] : memref<128x32768xf32, #tpu.memory_space<hbm>> -> memref<1x32768xf32, #tpu.memory_space<hbm>>
    %dma_start3A_32 = tpu.memref_squeeze %dma_start3A_31 : memref<1x32768xf32, #tpu.memory_space<hbm>> -> memref<32768xf32, #tpu.memory_space<hbm>>
    %dma_start3A_33 = arith.constant 0 : i32
    %dma_start3A_34 = tpu.memref_slice %arg2[%add3A_29, %dma_start3A_33] : memref<128x32768xf32, #tpu.memory_space<hbm>> -> memref<1x32768xf32, #tpu.memory_space<hbm>>
    %dma_start3A_35 = tpu.memref_squeeze %dma_start3A_34 : memref<1x32768xf32, #tpu.memory_space<hbm>> -> memref<32768xf32, #tpu.memory_space<hbm>>
    tpu.enqueue_dma source(%dma_start3A_35 : memref<32768xf32, #tpu.memory_space<hbm>>) target(%arg5 : memref<32768xf32, #tpu.memory_space<vmem>>) target_semaphore(%arg13 : memref<!tpu.dma_semaphore, #tpu.memory_space<semaphore_mem>>)
    %scan3A_36 = arith.constant 0 : i32
    %scan3A_37 = arith.constant 0 : i32
    %scan3A_38 = arith.constant 256 : i32
    %scan3A_39 = arith.addi %scan3A_37, %scan3A_38 : i32
    %scan3A_40 = arith.constant 1 : i32
    %scan3A_41 = scf.for %scan3A_283 = %scan3A_37 to %scan3A_39 step %scan3A_40 iter_args(%scan3A_284 = %scan3A_36) -> (i32)  : i32 {
      %mul3A_285 = arith.constant 128 : i32
      %mul3A_286 = arith.muli %scan3A_283, %mul3A_285 : i32
      %add3A_287 = arith.constant 0 : i32
      %add3A_288 = arith.addi %mul3A_286, %add3A_287 : i32
      %get3A = arith.index_cast %add3A_288 : i32 to index
      %get3A_289 = tpu.vector_load %arg4[%get3A] {strides = array<i32>} : memref<32768xf32, #tpu.memory_space<vmem>>, vector<16xf32>,
      %bitcast3A = vector.bitcast %get3A_289 : vector<16xf32> to vector<16xi32>
      %and3A_290 = arith.constant 2147483647 : i32
      %and3A_291 = vector.broadcast %and3A_290 : i32 to vector<16xi32>
      %and3A_292 = arith.andi %bitcast3A, %and3A_291 : vector<16xi32>
      %shift_right_logical3A = arith.constant 20 : i32
      %shift_right_logical3A_293 = vector.broadcast %shift_right_logical3A : i32 to vector<16xi32>
      %shift_right_logical3A_294 = arith.shrui %and3A_292, %shift_right_logical3A_293 : vector<16xi32>
      tpu.vector_store_idx %arg8[%shift_right_logical3A_294], %broadcast_in_dim3A_1 {add = true} : memref<4096xi32, #tpu.memory_space<vmem>>[vector<16xi32>], vector<16xi32>,
      %mul3A_295 = arith.constant 128 : i32
      %mul3A_296 = arith.muli %scan3A_283, %mul3A_295 : i32
      %add3A_297 = arith.constant 16 : i32
      %add3A_298 = arith.addi %mul3A_296, %add3A_297 : i32
      %get3A_299 = arith.index_cast %add3A_298 : i32 to index
      %get3A_300 = tpu.vector_load %arg4[%get3A_299] {strides = array<i32>} : memref<32768xf32, #tpu.memory_space<vmem>>, vector<16xf32>,
      %bitcast3A_301 = vector.bitcast %get3A_300 : vector<16xf32> to vector<16xi32>
      %and3A_302 = arith.constant 2147483647 : i32
      %and3A_303 = vector.broadcast %and3A_302 : i32 to vector<16xi32>
      %and3A_304 = arith.andi %bitcast3A_301, %and3A_303 : vector<16xi32>
      %shift_right_logical3A_305 = arith.constant 20 : i32
      %shift_right_logical3A_306 = vector.broadcast %shift_right_logical3A_305 : i32 to vector<16xi32>
      %shift_right_logical3A_307 = arith.shrui %and3A_304, %shift_right_logical3A_306 : vector<16xi32>
      tpu.vector_store_idx %arg9[%shift_right_logical3A_307], %broadcast_in_dim3A_1 {add = true} : memref<4096xi32, #tpu.memory_space<vmem>>[vector<16xi32>], vector<16xi32>,
      %mul3A_308 = arith.constant 128 : i32
      %mul3A_309 = arith.muli %scan3A_283, %mul3A_308 : i32
      %add3A_310 = arith.constant 32 : i32
      %add3A_311 = arith.addi %mul3A_309, %add3A_310 : i32
      %get3A_312 = arith.index_cast %add3A_311 : i32 to index
      %get3A_313 = tpu.vector_load %arg4[%get3A_312] {strides = array<i32>} : memref<32768xf32, #tpu.memory_space<vmem>>, vector<16xf32>,
      %bitcast3A_314 = vector.bitcast %get3A_313 : vector<16xf32> to vector<16xi32>
      %and3A_315 = arith.constant 2147483647 : i32
      %and3A_316 = vector.broadcast %and3A_315 : i32 to vector<16xi32>
      %and3A_317 = arith.andi %bitcast3A_314, %and3A_316 : vector<16xi32>
      %shift_right_logical3A_318 = arith.constant 20 : i32
      %shift_right_logical3A_319 = vector.broadcast %shift_right_logical3A_318 : i32 to vector<16xi32>
      %shift_right_logical3A_320 = arith.shrui %and3A_317, %shift_right_logical3A_319 : vector<16xi32>
      tpu.vector_store_idx %arg10[%shift_right_logical3A_320], %broadcast_in_dim3A_1 {add = true} : memref<4096xi32, #tpu.memory_space<vmem>>[vector<16xi32>], vector<16xi32>,
      %mul3A_321 = arith.constant 128 : i32
      %mul3A_322 = arith.muli %scan3A_283, %mul3A_321 : i32
      %add3A_323 = arith.constant 48 : i32
      %add3A_324 = arith.addi %mul3A_322, %add3A_323 : i32
      %get3A_325 = arith.index_cast %add3A_324 : i32 to index
      %get3A_326 = tpu.vector_load %arg4[%get3A_325] {strides = array<i32>} : memref<32768xf32, #tpu.memory_space<vmem>>, vector<16xf32>,
      %bitcast3A_327 = vector.bitcast %get3A_326 : vector<16xf32> to vector<16xi32>
      %and3A_328 = arith.constant 2147483647 : i32
      %and3A_329 = vector.broadcast %and3A_328 : i32 to vector<16xi32>
      %and3A_330 = arith.andi %bitcast3A_327, %and3A_329 : vector<16xi32>
      %shift_right_logical3A_331 = arith.constant 20 : i32
      %shift_right_logical3A_332 = vector.broadcast %shift_right_logical3A_331 : i32 to vector<16xi32>
      %shift_right_logical3A_333 = arith.shrui %and3A_330, %shift_right_logical3A_332 : vector<16xi32>
      tpu.vector_store_idx %arg11[%shift_right_logical3A_333], %broadcast_in_dim3A_1 {add = true} : memref<4096xi32, #tpu.memory_space<vmem>>[vector<16xi32>], vector<16xi32>,
      %mul3A_334 = arith.constant 128 : i32
      %mul3A_335 = arith.muli %scan3A_283, %mul3A_334 : i32
      %add3A_336 = arith.constant 64 : i32
      %add3A_337 = arith.addi %mul3A_335, %add3A_336 : i32
      %get3A_338 = arith.index_cast %add3A_337 : i32 to index
      %get3A_339 = tpu.vector_load %arg4[%get3A_338] {strides = array<i32>} : memref<32768xf32, #tpu.memory_space<vmem>>, vector<16xf32>,
      %bitcast3A_340 = vector.bitcast %get3A_339 : vector<16xf32> to vector<16xi32>
      %and3A_341 = arith.constant 2147483647 : i32
      %and3A_342 = vector.broadcast %and3A_341 : i32 to vector<16xi32>
      %and3A_343 = arith.andi %bitcast3A_340, %and3A_342 : vector<16xi32>
      %shift_right_logical3A_344 = arith.constant 20 : i32
      %shift_right_logical3A_345 = vector.broadcast %shift_right_logical3A_344 : i32 to vector<16xi32>
      %shift_right_logical3A_346 = arith.shrui %and3A_343, %shift_right_logical3A_345 : vector<16xi32>
      tpu.vector_store_idx %arg8[%shift_right_logical3A_346], %broadcast_in_dim3A_1 {add = true} : memref<4096xi32, #tpu.memory_space<vmem>>[vector<16xi32>], vector<16xi32>,
      %mul3A_347 = arith.constant 128 : i32
      %mul3A_348 = arith.muli %scan3A_283, %mul3A_347 : i32
      %add3A_349 = arith.constant 80 : i32
      %add3A_350 = arith.addi %mul3A_348, %add3A_349 : i32
      %get3A_351 = arith.index_cast %add3A_350 : i32 to index
      %get3A_352 = tpu.vector_load %arg4[%get3A_351] {strides = array<i32>} : memref<32768xf32, #tpu.memory_space<vmem>>, vector<16xf32>,
      %bitcast3A_353 = vector.bitcast %get3A_352 : vector<16xf32> to vector<16xi32>
      %and3A_354 = arith.constant 2147483647 : i32
      %and3A_355 = vector.broadcast %and3A_354 : i32 to vector<16xi32>
      %and3A_356 = arith.andi %bitcast3A_353, %and3A_355 : vector<16xi32>
      %shift_right_logical3A_357 = arith.constant 20 : i32
      %shift_right_logical3A_358 = vector.broadcast %shift_right_logical3A_357 : i32 to vector<16xi32>
      %shift_right_logical3A_359 = arith.shrui %and3A_356, %shift_right_logical3A_358 : vector<16xi32>
      tpu.vector_store_idx %arg9[%shift_right_logical3A_359], %broadcast_in_dim3A_1 {add = true} : memref<4096xi32, #tpu.memory_space<vmem>>[vector<16xi32>], vector<16xi32>,
      %mul3A_360 = arith.constant 128 : i32
      %mul3A_361 = arith.muli %scan3A_283, %mul3A_360 : i32
      %add3A_362 = arith.constant 96 : i32
      %add3A_363 = arith.addi %mul3A_361, %add3A_362 : i32
      %get3A_364 = arith.index_cast %add3A_363 : i32 to index
      %get3A_365 = tpu.vector_load %arg4[%get3A_364] {strides = array<i32>} : memref<32768xf32, #tpu.memory_space<vmem>>, vector<16xf32>,
      %bitcast3A_366 = vector.bitcast %get3A_365 : vector<16xf32> to vector<16xi32>
      %and3A_367 = arith.constant 2147483647 : i32
      %and3A_368 = vector.broadcast %and3A_367 : i32 to vector<16xi32>
      %and3A_369 = arith.andi %bitcast3A_366, %and3A_368 : vector<16xi32>
      %shift_right_logical3A_370 = arith.constant 20 : i32
      %shift_right_logical3A_371 = vector.broadcast %shift_right_logical3A_370 : i32 to vector<16xi32>
      %shift_right_logical3A_372 = arith.shrui %and3A_369, %shift_right_logical3A_371 : vector<16xi32>
      tpu.vector_store_idx %arg10[%shift_right_logical3A_372], %broadcast_in_dim3A_1 {add = true} : memref<4096xi32, #tpu.memory_space<vmem>>[vector<16xi32>], vector<16xi32>,
      %mul3A_373 = arith.constant 128 : i32
      %mul3A_374 = arith.muli %scan3A_283, %mul3A_373 : i32
      %add3A_375 = arith.constant 112 : i32
      %add3A_376 = arith.addi %mul3A_374, %add3A_375 : i32
      %get3A_377 = arith.index_cast %add3A_376 : i32 to index
      %get3A_378 = tpu.vector_load %arg4[%get3A_377] {strides = array<i32>} : memref<32768xf32, #tpu.memory_space<vmem>>, vector<16xf32>,
      %bitcast3A_379 = vector.bitcast %get3A_378 : vector<16xf32> to vector<16xi32>
      %and3A_380 = arith.constant 2147483647 : i32
      %and3A_381 = vector.broadcast %and3A_380 : i32 to vector<16xi32>
      %and3A_382 = arith.andi %bitcast3A_379, %and3A_381 : vector<16xi32>
      %shift_right_logical3A_383 = arith.constant 20 : i32
      %shift_right_logical3A_384 = vector.broadcast %shift_right_logical3A_383 : i32 to vector<16xi32>
      %shift_right_logical3A_385 = arith.shrui %and3A_382, %shift_right_logical3A_384 : vector<16xi32>
      tpu.vector_store_idx %arg11[%shift_right_logical3A_385], %broadcast_in_dim3A_1 {add = true} : memref<4096xi32, #tpu.memory_space<vmem>>[vector<16xi32>], vector<16xi32>,
      %scan3A_386 = arith.constant 0 : i32
      scf.yield %scan3A_386 : i32
    }
    %scan3A_42 = arith.constant 256 : i32
    %iota3A_43 = tpu.iota {dimensions = array<i32: 0>} : vector<16xi32>
    %broadcast_in_dim3A_44 = arith.constant 0 : i32
    %broadcast_in_dim3A_45 = vector.broadcast %broadcast_in_dim3A_44 : i32 to vector<16xi32>
    %scan3A_46 = arith.constant 32512 : i32
    %scan3A_47 = arith.constant 0 : i32
    %scan3A_48 = arith.constant 0 : i32
    %scan3A_49 = arith.constant 0 : i32
    %scan3A_50 = arith.constant 0 : i32
    %scan3A_51 = arith.constant 0 : i32
    %scan3A_52 = arith.constant 128 : i32
    %scan3A_53 = arith.addi %scan3A_51, %scan3A_52 : i32
    %scan3A_54 = arith.constant 1 : i32
    %scan3A_55:4 = scf.for %scan3A_283 = %scan3A_51 to %scan3A_53 step %scan3A_54 iter_args(%scan3A_284 = %scan3A_47, %scan3A_285 = %scan3A_48, %scan3A_286 = %scan3A_49, %scan3A_287 = %scan3A_50) -> (i32, i32, i32, i32)  : i32 {
      %mul3A_288 = arith.constant 16 : i32
      %mul3A_289 = arith.muli %scan3A_283, %mul3A_288 : i32
      %add3A_290 = arith.constant 0 : i32
      %add3A_291 = arith.addi %add3A_290, %mul3A_289 : i32
      %get3A = arith.index_cast %add3A_291 : i32 to index
      %get3A_292 = tpu.vector_load %arg8[%get3A] {strides = array<i32>} : memref<4096xi32, #tpu.memory_space<vmem>>, vector<16xi32>,
      %mul3A_293 = arith.constant 16 : i32
      %mul3A_294 = arith.muli %scan3A_283, %mul3A_293 : i32
      %add3A_295 = arith.constant 0 : i32
      %add3A_296 = arith.addi %add3A_295, %mul3A_294 : i32
      %get3A_297 = arith.index_cast %add3A_296 : i32 to index
      %get3A_298 = tpu.vector_load %arg9[%get3A_297] {strides = array<i32>} : memref<4096xi32, #tpu.memory_space<vmem>>, vector<16xi32>,
      %mul3A_299 = arith.constant 16 : i32
      %mul3A_300 = arith.muli %scan3A_283, %mul3A_299 : i32
      %add3A_301 = arith.constant 0 : i32
      %add3A_302 = arith.addi %add3A_301, %mul3A_300 : i32
      %get3A_303 = arith.index_cast %add3A_302 : i32 to index
      %get3A_304 = tpu.vector_load %arg10[%get3A_303] {strides = array<i32>} : memref<4096xi32, #tpu.memory_space<vmem>>, vector<16xi32>,
      %mul3A_305 = arith.constant 16 : i32
      %mul3A_306 = arith.muli %scan3A_283, %mul3A_305 : i32
      %add3A_307 = arith.constant 0 : i32
      %add3A_308 = arith.addi %add3A_307, %mul3A_306 : i32
      %get3A_309 = arith.index_cast %add3A_308 : i32 to index
      %get3A_310 = tpu.vector_load %arg11[%get3A_309] {strides = array<i32>} : memref<4096xi32, #tpu.memory_space<vmem>>, vector<16xi32>,
      %add3A_311 = arith.addi %get3A_292, %get3A_298 : vector<16xi32>
      %add3A_312 = arith.addi %add3A_311, %get3A_304 : vector<16xi32>
      %add3A_313 = arith.addi %add3A_312, %get3A_310 : vector<16xi32>
      %mul3A_314 = arith.constant 16 : i32
      %mul3A_315 = arith.muli %scan3A_283, %mul3A_314 : i32
      %add3A_316 = arith.constant 0 : i32
      %add3A_317 = arith.addi %add3A_316, %mul3A_315 : i32
      %swap3A = arith.index_cast %add3A_317 : i32 to index
      %swap3A_318 = tpu.vector_load %arg8[%swap3A] {strides = array<i32>} : memref<4096xi32, #tpu.memory_space<vmem>>, vector<16xi32>,
      tpu.vector_store %arg8[%swap3A], %broadcast_in_dim3A_45 {strides = array<i32>} : memref<4096xi32, #tpu.memory_space<vmem>>, vector<16xi32>,
      %mul3A_319 = arith.constant 16 : i32
      %mul3A_320 = arith.muli %scan3A_283, %mul3A_319 : i32
      %add3A_321 = arith.constant 0 : i32
      %add3A_322 = arith.addi %add3A_321, %mul3A_320 : i32
      %swap3A_323 = arith.index_cast %add3A_322 : i32 to index
      %swap3A_324 = tpu.vector_load %arg9[%swap3A_323] {strides = array<i32>} : memref<4096xi32, #tpu.memory_space<vmem>>, vector<16xi32>,
      tpu.vector_store %arg9[%swap3A_323], %broadcast_in_dim3A_45 {strides = array<i32>} : memref<4096xi32, #tpu.memory_space<vmem>>, vector<16xi32>,
      %mul3A_325 = arith.constant 16 : i32
      %mul3A_326 = arith.muli %scan3A_283, %mul3A_325 : i32
      %add3A_327 = arith.constant 0 : i32
      %add3A_328 = arith.addi %add3A_327, %mul3A_326 : i32
      %swap3A_329 = arith.index_cast %add3A_328 : i32 to index
      %swap3A_330 = tpu.vector_load %arg10[%swap3A_329] {strides = array<i32>} : memref<4096xi32, #tpu.memory_space<vmem>>, vector<16xi32>,
      tpu.vector_store %arg10[%swap3A_329], %broadcast_in_dim3A_45 {strides = array<i32>} : memref<4096xi32, #tpu.memory_space<vmem>>, vector<16xi32>,
      %mul3A_331 = arith.constant 16 : i32
      %mul3A_332 = arith.muli %scan3A_283, %mul3A_331 : i32
      %add3A_333 = arith.constant 0 : i32
      %add3A_334 = arith.addi %add3A_333, %mul3A_332 : i32
      %swap3A_335 = arith.index_cast %add3A_334 : i32 to index
      %swap3A_336 = tpu.vector_load %arg11[%swap3A_335] {strides = array<i32>} : memref<4096xi32, #tpu.memory_space<vmem>>, vector<16xi32>,
      tpu.vector_store %arg11[%swap3A_335], %broadcast_in_dim3A_45 {strides = array<i32>} : memref<4096xi32, #tpu.memory_space<vmem>>, vector<16xi32>,
      %broadcast_in_dim3A_337 = arith.constant true
      %broadcast_in_dim3A_338 = vector.broadcast %broadcast_in_dim3A_337 : i1 to vector<16xi1>
      %masked_cumsum3A = tpu.scan <sum>, %add3A_313 masked %broadcast_in_dim3A_338 : vector<16xi32>, vector<16xi1> -> vector<16xi32>
      %add3A_339 = vector.broadcast %scan3A_287 : i32 to vector<16xi32>
      %add3A_340 = arith.addi %masked_cumsum3A, %add3A_339 : vector<16xi32>
      %sub3A_341 = arith.subi %add3A_340, %add3A_313 : vector<16xi32>
      %gt3A = vector.broadcast %scan3A_46 : i32 to vector<16xi32>
      %gt3A_342 = arith.cmpi sgt, %add3A_340, %gt3A : vector<16xi32>
      %jit3A_343 = arith.constant 2147483647 : i32
      %broadcast_in_dim3A_344 = vector.broadcast %jit3A_343 : i32 to vector<16xi32>
      %select_n3A_345 = arith.select %gt3A_342, %iota3A_43, %broadcast_in_dim3A_344 : vector<16xi1>, vector<16xi32>
      %reduce_min3A = arith.constant true
      %reduce_min3A_346 = vector.broadcast %reduce_min3A : i1 to vector<16xi1>
      %reduce_min3A_347 = arith.constant -2147483648 : i32
      %reduce_min3A_348 = vector.broadcast %reduce_min3A_347 : i32 to vector<16xi32>
      %reduce_min3A_349 = arith.xori %select_n3A_345, %reduce_min3A_348 : vector<16xi32>
      %reduce_min3A_350 = tpu.scan <min>, %reduce_min3A_349 masked %reduce_min3A_346 : vector<16xi32>, vector<16xi1> -> vector<16xi32>
      %reduce_min3A_351 = arith.xori %reduce_min3A_350, %reduce_min3A_348 : vector<16xi32>
      %reduce_min3A_352 = vector.extract %reduce_min3A_351[15] : i32 from vector<16xi32>
      %lt3A = arith.constant 16 : i32
      %lt3A_353 = arith.cmpi slt, %reduce_min3A_352, %lt3A : i32
      %convert_element_type3A = arith.extui %lt3A_353 : i1 to i32
      %sub3A_354 = arith.constant 1 : i32
      %sub3A_355 = arith.subi %sub3A_354, %scan3A_284 : i32
      %mul3A_356 = arith.muli %convert_element_type3A, %sub3A_355 : i32
      %eq3A = arith.constant 1 : i32
      %eq3A_357 = arith.cmpi eq, %mul3A_356, %eq3A : i32
      %mul3A_358 = arith.constant 16 : i32
      %mul3A_359 = arith.muli %scan3A_283, %mul3A_358 : i32
      %add3A_360 = arith.addi %mul3A_359, %reduce_min3A_352 : i32
      %select_n3A_361 = arith.select %eq3A_357, %add3A_360, %scan3A_285 : i32
      %eq3A_362 = arith.constant 1 : i32
      %eq3A_363 = arith.cmpi eq, %mul3A_356, %eq3A_362 : i32
      %jit3A_364 = arith.constant 2147483647 : i32
      %broadcast_in_dim3A_365 = vector.broadcast %jit3A_364 : i32 to vector<16xi32>
      %select_n3A_366 = arith.select %gt3A_342, %sub3A_341, %broadcast_in_dim3A_365 : vector<16xi1>, vector<16xi32>
      %reduce_min3A_367 = arith.constant true
      %reduce_min3A_368 = vector.broadcast %reduce_min3A_367 : i1 to vector<16xi1>
      %reduce_min3A_369 = arith.constant -2147483648 : i32
      %reduce_min3A_370 = vector.broadcast %reduce_min3A_369 : i32 to vector<16xi32>
      %reduce_min3A_371 = arith.xori %select_n3A_366, %reduce_min3A_370 : vector<16xi32>
      %reduce_min3A_372 = tpu.scan <min>, %reduce_min3A_371 masked %reduce_min3A_368 : vector<16xi32>, vector<16xi1> -> vector<16xi32>
      %reduce_min3A_373 = arith.xori %reduce_min3A_372, %reduce_min3A_370 : vector<16xi32>
      %reduce_min3A_374 = vector.extract %reduce_min3A_373[15] : i32 from vector<16xi32>
      %select_n3A_375 = arith.select %eq3A_363, %reduce_min3A_374, %scan3A_286 : i32
      %max3A = arith.maxsi %scan3A_284, %convert_element_type3A : i32
      %reduce_sum3A = arith.constant true
      %reduce_sum3A_376 = vector.broadcast %reduce_sum3A : i1 to vector<16xi1>
      %reduce_sum3A_377 = tpu.scan <sum>, %add3A_313 masked %reduce_sum3A_376 : vector<16xi32>, vector<16xi1> -> vector<16xi32>
      %reduce_sum3A_378 = vector.extract %reduce_sum3A_377[15] : i32 from vector<16xi32>
      %add3A_379 = arith.addi %scan3A_287, %reduce_sum3A_378 : i32
      scf.yield %max3A, %select_n3A_361, %select_n3A_375, %add3A_379 : i32, i32, i32, i32
    }
    %scan3A_56 = arith.constant 128 : i32
    %sub3A = arith.constant 32512 : i32
    %sub3A_57 = arith.subi %sub3A, %scan3A_55#2 : i32
    %scan3A_58 = arith.constant 0 : i32
    %scan3A_59 = arith.constant 0 : i32
    %scan3A_60 = arith.constant 256 : i32
    %scan3A_61 = arith.addi %scan3A_59, %scan3A_60 : i32
    %scan3A_62 = arith.constant 1 : i32
    %scan3A_63 = scf.for %scan3A_283 = %scan3A_59 to %scan3A_61 step %scan3A_62 iter_args(%scan3A_284 = %scan3A_58) -> (i32)  : i32 {
      %mul3A_285 = arith.constant 128 : i32
      %mul3A_286 = arith.muli %scan3A_283, %mul3A_285 : i32
      %add3A_287 = arith.constant 0 : i32
      %add3A_288 = arith.addi %mul3A_286, %add3A_287 : i32
      %get3A = arith.index_cast %add3A_288 : i32 to index
      %get3A_289 = tpu.vector_load %arg4[%get3A] {strides = array<i32>} : memref<32768xf32, #tpu.memory_space<vmem>>, vector<16xf32>,
      %bitcast3A = vector.bitcast %get3A_289 : vector<16xf32> to vector<16xi32>
      %and3A_290 = arith.constant 2147483647 : i32
      %and3A_291 = vector.broadcast %and3A_290 : i32 to vector<16xi32>
      %and3A_292 = arith.andi %bitcast3A, %and3A_291 : vector<16xi32>
      %shift_right_logical3A = arith.constant 20 : i32
      %shift_right_logical3A_293 = vector.broadcast %shift_right_logical3A : i32 to vector<16xi32>
      %shift_right_logical3A_294 = arith.shrui %and3A_292, %shift_right_logical3A_293 : vector<16xi32>
      %eq3A = vector.broadcast %scan3A_55#1 : i32 to vector<16xi32>
      %eq3A_295 = arith.cmpi eq, %shift_right_logical3A_294, %eq3A : vector<16xi32>
      %gt3A = vector.broadcast %scan3A_55#1 : i32 to vector<16xi32>
      %gt3A_296 = arith.cmpi sgt, %shift_right_logical3A_294, %gt3A : vector<16xi32>
      %jit3A_297 = arith.constant 0.000000e+00 : f32
      %broadcast_in_dim3A_298 = vector.broadcast %jit3A_297 : f32 to vector<16xf32>
      %select_n3A_299 = arith.select %gt3A_296, %get3A_289, %broadcast_in_dim3A_298 : vector<16xi1>, vector<16xf32>
      %swap3A = arith.index_cast %add3A_288 : i32 to index
      %swap3A_300 = tpu.vector_load %arg4[%swap3A] {strides = array<i32>} : memref<32768xf32, #tpu.memory_space<vmem>>, vector<16xf32>,
      tpu.vector_store %arg4[%swap3A], %select_n3A_299 {strides = array<i32>} : memref<32768xf32, #tpu.memory_space<vmem>>, vector<16xf32>,
      %shift_right_logical3A_301 = arith.constant 10 : i32
      %shift_right_logical3A_302 = vector.broadcast %shift_right_logical3A_301 : i32 to vector<16xi32>
      %shift_right_logical3A_303 = arith.shrui %and3A_292, %shift_right_logical3A_302 : vector<16xi32>
      %and3A_304 = arith.constant 1023 : i32
      %and3A_305 = vector.broadcast %and3A_304 : i32 to vector<16xi32>
      %and3A_306 = arith.andi %shift_right_logical3A_303, %and3A_305 : vector<16xi32>
      %add3A_307 = arith.constant 2048 : i32
      %add3A_308 = vector.broadcast %add3A_307 : i32 to vector<16xi32>
      %add3A_309 = arith.addi %and3A_306, %add3A_308 : vector<16xi32>
      tpu.vector_store_idx %arg8[%add3A_309], %broadcast_in_dim3A_1 masked %eq3A_295 {add = true} : memref<4096xi32, #tpu.memory_space<vmem>>[vector<16xi32>], vector<16xi32>, vector<16xi1>
      %swap3A_310 = arith.index_cast %scan3A_284 : i32 to index
      %swap3A_311 = tpu.vector_load %arg6[%swap3A_310] masked %eq3A_295 {strides = array<i32>} : memref<8208xf32, #tpu.memory_space<vmem>>, vector<16xf32>, vector<16xi1>
      tpu.vector_store %arg6[%swap3A_310], %get3A_289 masked %eq3A_295 {strides = array<i32>} : memref<8208xf32, #tpu.memory_space<vmem>>, vector<16xf32>, vector<16xi1>
      %add3A_312 = vector.broadcast %add3A_288 : i32 to vector<16xi32>
      %add3A_313 = arith.addi %iota3A, %add3A_312 : vector<16xi32>
      %swap3A_314 = arith.index_cast %scan3A_284 : i32 to index
      %swap3A_315 = tpu.vector_load %arg7[%swap3A_314] masked %eq3A_295 {strides = array<i32>} : memref<8208xi32, #tpu.memory_space<vmem>>, vector<16xi32>, vector<16xi1>
      tpu.vector_store %arg7[%swap3A_314], %add3A_313 masked %eq3A_295 {strides = array<i32>} : memref<8208xi32, #tpu.memory_space<vmem>>, vector<16xi32>, vector<16xi1>
      %convert_element_type3A = arith.extui %eq3A_295 : vector<16xi1> to vector<16xi32>
      %reduce_sum3A = arith.constant true
      %reduce_sum3A_316 = vector.broadcast %reduce_sum3A : i1 to vector<16xi1>
      %reduce_sum3A_317 = tpu.scan <sum>, %convert_element_type3A masked %reduce_sum3A_316 : vector<16xi32>, vector<16xi1> -> vector<16xi32>
      %reduce_sum3A_318 = vector.extract %reduce_sum3A_317[15] : i32 from vector<16xi32>
      %add3A_319 = arith.addi %scan3A_284, %reduce_sum3A_318 : i32
      %mul3A_320 = arith.constant 128 : i32
      %mul3A_321 = arith.muli %scan3A_283, %mul3A_320 : i32
      %add3A_322 = arith.constant 16 : i32
      %add3A_323 = arith.addi %mul3A_321, %add3A_322 : i32
      %get3A_324 = arith.index_cast %add3A_323 : i32 to index
      %get3A_325 = tpu.vector_load %arg4[%get3A_324] {strides = array<i32>} : memref<32768xf32, #tpu.memory_space<vmem>>, vector<16xf32>,
      %bitcast3A_326 = vector.bitcast %get3A_325 : vector<16xf32> to vector<16xi32>
      %and3A_327 = arith.constant 2147483647 : i32
      %and3A_328 = vector.broadcast %and3A_327 : i32 to vector<16xi32>
      %and3A_329 = arith.andi %bitcast3A_326, %and3A_328 : vector<16xi32>
      %shift_right_logical3A_330 = arith.constant 20 : i32
      %shift_right_logical3A_331 = vector.broadcast %shift_right_logical3A_330 : i32 to vector<16xi32>
      %shift_right_logical3A_332 = arith.shrui %and3A_329, %shift_right_logical3A_331 : vector<16xi32>
      %eq3A_333 = vector.broadcast %scan3A_55#1 : i32 to vector<16xi32>
      %eq3A_334 = arith.cmpi eq, %shift_right_logical3A_332, %eq3A_333 : vector<16xi32>
      %gt3A_335 = vector.broadcast %scan3A_55#1 : i32 to vector<16xi32>
      %gt3A_336 = arith.cmpi sgt, %shift_right_logical3A_332, %gt3A_335 : vector<16xi32>
      %jit3A_337 = arith.constant 0.000000e+00 : f32
      %broadcast_in_dim3A_338 = vector.broadcast %jit3A_337 : f32 to vector<16xf32>
      %select_n3A_339 = arith.select %gt3A_336, %get3A_325, %broadcast_in_dim3A_338 : vector<16xi1>, vector<16xf32>
      %swap3A_340 = arith.index_cast %add3A_323 : i32 to index
      %swap3A_341 = tpu.vector_load %arg4[%swap3A_340] {strides = array<i32>} : memref<32768xf32, #tpu.memory_space<vmem>>, vector<16xf32>,
      tpu.vector_store %arg4[%swap3A_340], %select_n3A_339 {strides = array<i32>} : memref<32768xf32, #tpu.memory_space<vmem>>, vector<16xf32>,
      %shift_right_logical3A_342 = arith.constant 10 : i32
      %shift_right_logical3A_343 = vector.broadcast %shift_right_logical3A_342 : i32 to vector<16xi32>
      %shift_right_logical3A_344 = arith.shrui %and3A_329, %shift_right_logical3A_343 : vector<16xi32>
      %and3A_345 = arith.constant 1023 : i32
      %and3A_346 = vector.broadcast %and3A_345 : i32 to vector<16xi32>
      %and3A_347 = arith.andi %shift_right_logical3A_344, %and3A_346 : vector<16xi32>
      %add3A_348 = arith.constant 2048 : i32
      %add3A_349 = vector.broadcast %add3A_348 : i32 to vector<16xi32>
      %add3A_350 = arith.addi %and3A_347, %add3A_349 : vector<16xi32>
      tpu.vector_store_idx %arg9[%add3A_350], %broadcast_in_dim3A_1 masked %eq3A_334 {add = true} : memref<4096xi32, #tpu.memory_space<vmem>>[vector<16xi32>], vector<16xi32>, vector<16xi1>
      %swap3A_351 = arith.index_cast %add3A_319 : i32 to index
      %swap3A_352 = tpu.vector_load %arg6[%swap3A_351] masked %eq3A_334 {strides = array<i32>} : memref<8208xf32, #tpu.memory_space<vmem>>, vector<16xf32>, vector<16xi1>
      tpu.vector_store %arg6[%swap3A_351], %get3A_325 masked %eq3A_334 {strides = array<i32>} : memref<8208xf32, #tpu.memory_space<vmem>>, vector<16xf32>, vector<16xi1>
      %add3A_353 = vector.broadcast %add3A_323 : i32 to vector<16xi32>
      %add3A_354 = arith.addi %iota3A, %add3A_353 : vector<16xi32>
      %swap3A_355 = arith.index_cast %add3A_319 : i32 to index
      %swap3A_356 = tpu.vector_load %arg7[%swap3A_355] masked %eq3A_334 {strides = array<i32>} : memref<8208xi32, #tpu.memory_space<vmem>>, vector<16xi32>, vector<16xi1>
      tpu.vector_store %arg7[%swap3A_355], %add3A_354 masked %eq3A_334 {strides = array<i32>} : memref<8208xi32, #tpu.memory_space<vmem>>, vector<16xi32>, vector<16xi1>
      %convert_element_type3A_357 = arith.extui %eq3A_334 : vector<16xi1> to vector<16xi32>
      %reduce_sum3A_358 = arith.constant true
      %reduce_sum3A_359 = vector.broadcast %reduce_sum3A_358 : i1 to vector<16xi1>
      %reduce_sum3A_360 = tpu.scan <sum>, %convert_element_type3A_357 masked %reduce_sum3A_359 : vector<16xi32>, vector<16xi1> -> vector<16xi32>
      %reduce_sum3A_361 = vector.extract %reduce_sum3A_360[15] : i32 from vector<16xi32>
      %add3A_362 = arith.addi %add3A_319, %reduce_sum3A_361 : i32
      %mul3A_363 = arith.constant 128 : i32
      %mul3A_364 = arith.muli %scan3A_283, %mul3A_363 : i32
      %add3A_365 = arith.constant 32 : i32
      %add3A_366 = arith.addi %mul3A_364, %add3A_365 : i32
      %get3A_367 = arith.index_cast %add3A_366 : i32 to index
      %get3A_368 = tpu.vector_load %arg4[%get3A_367] {strides = array<i32>} : memref<32768xf32, #tpu.memory_space<vmem>>, vector<16xf32>,
      %bitcast3A_369 = vector.bitcast %get3A_368 : vector<16xf32> to vector<16xi32>
      %and3A_370 = arith.constant 2147483647 : i32
      %and3A_371 = vector.broadcast %and3A_370 : i32 to vector<16xi32>
      %and3A_372 = arith.andi %bitcast3A_369, %and3A_371 : vector<16xi32>
      %shift_right_logical3A_373 = arith.constant 20 : i32
      %shift_right_logical3A_374 = vector.broadcast %shift_right_logical3A_373 : i32 to vector<16xi32>
      %shift_right_logical3A_375 = arith.shrui %and3A_372, %shift_right_logical3A_374 : vector<16xi32>
      %eq3A_376 = vector.broadcast %scan3A_55#1 : i32 to vector<16xi32>
      %eq3A_377 = arith.cmpi eq, %shift_right_logical3A_375, %eq3A_376 : vector<16xi32>
      %gt3A_378 = vector.broadcast %scan3A_55#1 : i32 to vector<16xi32>
      %gt3A_379 = arith.cmpi sgt, %shift_right_logical3A_375, %gt3A_378 : vector<16xi32>
      %jit3A_380 = arith.constant 0.000000e+00 : f32
      %broadcast_in_dim3A_381 = vector.broadcast %jit3A_380 : f32 to vector<16xf32>
      %select_n3A_382 = arith.select %gt3A_379, %get3A_368, %broadcast_in_dim3A_381 : vector<16xi1>, vector<16xf32>
      %swap3A_383 = arith.index_cast %add3A_366 : i32 to index
      %swap3A_384 = tpu.vector_load %arg4[%swap3A_383] {strides = array<i32>} : memref<32768xf32, #tpu.memory_space<vmem>>, vector<16xf32>,
      tpu.vector_store %arg4[%swap3A_383], %select_n3A_382 {strides = array<i32>} : memref<32768xf32, #tpu.memory_space<vmem>>, vector<16xf32>,
      %shift_right_logical3A_385 = arith.constant 10 : i32
      %shift_right_logical3A_386 = vector.broadcast %shift_right_logical3A_385 : i32 to vector<16xi32>
      %shift_right_logical3A_387 = arith.shrui %and3A_372, %shift_right_logical3A_386 : vector<16xi32>
      %and3A_388 = arith.constant 1023 : i32
      %and3A_389 = vector.broadcast %and3A_388 : i32 to vector<16xi32>
      %and3A_390 = arith.andi %shift_right_logical3A_387, %and3A_389 : vector<16xi32>
      %add3A_391 = arith.constant 2048 : i32
      %add3A_392 = vector.broadcast %add3A_391 : i32 to vector<16xi32>
      %add3A_393 = arith.addi %and3A_390, %add3A_392 : vector<16xi32>
      tpu.vector_store_idx %arg10[%add3A_393], %broadcast_in_dim3A_1 masked %eq3A_377 {add = true} : memref<4096xi32, #tpu.memory_space<vmem>>[vector<16xi32>], vector<16xi32>, vector<16xi1>
      %swap3A_394 = arith.index_cast %add3A_362 : i32 to index
      %swap3A_395 = tpu.vector_load %arg6[%swap3A_394] masked %eq3A_377 {strides = array<i32>} : memref<8208xf32, #tpu.memory_space<vmem>>, vector<16xf32>, vector<16xi1>
      tpu.vector_store %arg6[%swap3A_394], %get3A_368 masked %eq3A_377 {strides = array<i32>} : memref<8208xf32, #tpu.memory_space<vmem>>, vector<16xf32>, vector<16xi1>
      %add3A_396 = vector.broadcast %add3A_366 : i32 to vector<16xi32>
      %add3A_397 = arith.addi %iota3A, %add3A_396 : vector<16xi32>
      %swap3A_398 = arith.index_cast %add3A_362 : i32 to index
      %swap3A_399 = tpu.vector_load %arg7[%swap3A_398] masked %eq3A_377 {strides = array<i32>} : memref<8208xi32, #tpu.memory_space<vmem>>, vector<16xi32>, vector<16xi1>
      tpu.vector_store %arg7[%swap3A_398], %add3A_397 masked %eq3A_377 {strides = array<i32>} : memref<8208xi32, #tpu.memory_space<vmem>>, vector<16xi32>, vector<16xi1>
      %convert_element_type3A_400 = arith.extui %eq3A_377 : vector<16xi1> to vector<16xi32>
      %reduce_sum3A_401 = arith.constant true
      %reduce_sum3A_402 = vector.broadcast %reduce_sum3A_401 : i1 to vector<16xi1>
      %reduce_sum3A_403 = tpu.scan <sum>, %convert_element_type3A_400 masked %reduce_sum3A_402 : vector<16xi32>, vector<16xi1> -> vector<16xi32>
      %reduce_sum3A_404 = vector.extract %reduce_sum3A_403[15] : i32 from vector<16xi32>
      %add3A_405 = arith.addi %add3A_362, %reduce_sum3A_404 : i32
      %mul3A_406 = arith.constant 128 : i32
      %mul3A_407 = arith.muli %scan3A_283, %mul3A_406 : i32
      %add3A_408 = arith.constant 48 : i32
      %add3A_409 = arith.addi %mul3A_407, %add3A_408 : i32
      %get3A_410 = arith.index_cast %add3A_409 : i32 to index
      %get3A_411 = tpu.vector_load %arg4[%get3A_410] {strides = array<i32>} : memref<32768xf32, #tpu.memory_space<vmem>>, vector<16xf32>,
      %bitcast3A_412 = vector.bitcast %get3A_411 : vector<16xf32> to vector<16xi32>
      %and3A_413 = arith.constant 2147483647 : i32
      %and3A_414 = vector.broadcast %and3A_413 : i32 to vector<16xi32>
      %and3A_415 = arith.andi %bitcast3A_412, %and3A_414 : vector<16xi32>
      %shift_right_logical3A_416 = arith.constant 20 : i32
      %shift_right_logical3A_417 = vector.broadcast %shift_right_logical3A_416 : i32 to vector<16xi32>
      %shift_right_logical3A_418 = arith.shrui %and3A_415, %shift_right_logical3A_417 : vector<16xi32>
      %eq3A_419 = vector.broadcast %scan3A_55#1 : i32 to vector<16xi32>
      %eq3A_420 = arith.cmpi eq, %shift_right_logical3A_418, %eq3A_419 : vector<16xi32>
      %gt3A_421 = vector.broadcast %scan3A_55#1 : i32 to vector<16xi32>
      %gt3A_422 = arith.cmpi sgt, %shift_right_logical3A_418, %gt3A_421 : vector<16xi32>
      %jit3A_423 = arith.constant 0.000000e+00 : f32
      %broadcast_in_dim3A_424 = vector.broadcast %jit3A_423 : f32 to vector<16xf32>
      %select_n3A_425 = arith.select %gt3A_422, %get3A_411, %broadcast_in_dim3A_424 : vector<16xi1>, vector<16xf32>
      %swap3A_426 = arith.index_cast %add3A_409 : i32 to index
      %swap3A_427 = tpu.vector_load %arg4[%swap3A_426] {strides = array<i32>} : memref<32768xf32, #tpu.memory_space<vmem>>, vector<16xf32>,
      tpu.vector_store %arg4[%swap3A_426], %select_n3A_425 {strides = array<i32>} : memref<32768xf32, #tpu.memory_space<vmem>>, vector<16xf32>,
      %shift_right_logical3A_428 = arith.constant 10 : i32
      %shift_right_logical3A_429 = vector.broadcast %shift_right_logical3A_428 : i32 to vector<16xi32>
      %shift_right_logical3A_430 = arith.shrui %and3A_415, %shift_right_logical3A_429 : vector<16xi32>
      %and3A_431 = arith.constant 1023 : i32
      %and3A_432 = vector.broadcast %and3A_431 : i32 to vector<16xi32>
      %and3A_433 = arith.andi %shift_right_logical3A_430, %and3A_432 : vector<16xi32>
      %add3A_434 = arith.constant 2048 : i32
      %add3A_435 = vector.broadcast %add3A_434 : i32 to vector<16xi32>
      %add3A_436 = arith.addi %and3A_433, %add3A_435 : vector<16xi32>
      tpu.vector_store_idx %arg11[%add3A_436], %broadcast_in_dim3A_1 masked %eq3A_420 {add = true} : memref<4096xi32, #tpu.memory_space<vmem>>[vector<16xi32>], vector<16xi32>, vector<16xi1>
      %swap3A_437 = arith.index_cast %add3A_405 : i32 to index
      %swap3A_438 = tpu.vector_load %arg6[%swap3A_437] masked %eq3A_420 {strides = array<i32>} : memref<8208xf32, #tpu.memory_space<vmem>>, vector<16xf32>, vector<16xi1>
      tpu.vector_store %arg6[%swap3A_437], %get3A_411 masked %eq3A_420 {strides = array<i32>} : memref<8208xf32, #tpu.memory_space<vmem>>, vector<16xf32>, vector<16xi1>
      %add3A_439 = vector.broadcast %add3A_409 : i32 to vector<16xi32>
      %add3A_440 = arith.addi %iota3A, %add3A_439 : vector<16xi32>
      %swap3A_441 = arith.index_cast %add3A_405 : i32 to index
      %swap3A_442 = tpu.vector_load %arg7[%swap3A_441] masked %eq3A_420 {strides = array<i32>} : memref<8208xi32, #tpu.memory_space<vmem>>, vector<16xi32>, vector<16xi1>
      tpu.vector_store %arg7[%swap3A_441], %add3A_440 masked %eq3A_420 {strides = array<i32>} : memref<8208xi32, #tpu.memory_space<vmem>>, vector<16xi32>, vector<16xi1>
      %convert_element_type3A_443 = arith.extui %eq3A_420 : vector<16xi1> to vector<16xi32>
      %reduce_sum3A_444 = arith.constant true
      %reduce_sum3A_445 = vector.broadcast %reduce_sum3A_444 : i1 to vector<16xi1>
      %reduce_sum3A_446 = tpu.scan <sum>, %convert_element_type3A_443 masked %reduce_sum3A_445 : vector<16xi32>, vector<16xi1> -> vector<16xi32>
      %reduce_sum3A_447 = vector.extract %reduce_sum3A_446[15] : i32 from vector<16xi32>
      %add3A_448 = arith.addi %add3A_405, %reduce_sum3A_447 : i32
      %mul3A_449 = arith.constant 128 : i32
      %mul3A_450 = arith.muli %scan3A_283, %mul3A_449 : i32
      %add3A_451 = arith.constant 64 : i32
      %add3A_452 = arith.addi %mul3A_450, %add3A_451 : i32
      %get3A_453 = arith.index_cast %add3A_452 : i32 to index
      %get3A_454 = tpu.vector_load %arg4[%get3A_453] {strides = array<i32>} : memref<32768xf32, #tpu.memory_space<vmem>>, vector<16xf32>,
      %bitcast3A_455 = vector.bitcast %get3A_454 : vector<16xf32> to vector<16xi32>
      %and3A_456 = arith.constant 2147483647 : i32
      %and3A_457 = vector.broadcast %and3A_456 : i32 to vector<16xi32>
      %and3A_458 = arith.andi %bitcast3A_455, %and3A_457 : vector<16xi32>
      %shift_right_logical3A_459 = arith.constant 20 : i32
      %shift_right_logical3A_460 = vector.broadcast %shift_right_logical3A_459 : i32 to vector<16xi32>
      %shift_right_logical3A_461 = arith.shrui %and3A_458, %shift_right_logical3A_460 : vector<16xi32>
      %eq3A_462 = vector.broadcast %scan3A_55#1 : i32 to vector<16xi32>
      %eq3A_463 = arith.cmpi eq, %shift_right_logical3A_461, %eq3A_462 : vector<16xi32>
      %gt3A_464 = vector.broadcast %scan3A_55#1 : i32 to vector<16xi32>
      %gt3A_465 = arith.cmpi sgt, %shift_right_logical3A_461, %gt3A_464 : vector<16xi32>
      %jit3A_466 = arith.constant 0.000000e+00 : f32
      %broadcast_in_dim3A_467 = vector.broadcast %jit3A_466 : f32 to vector<16xf32>
      %select_n3A_468 = arith.select %gt3A_465, %get3A_454, %broadcast_in_dim3A_467 : vector<16xi1>, vector<16xf32>
      %swap3A_469 = arith.index_cast %add3A_452 : i32 to index
      %swap3A_470 = tpu.vector_load %arg4[%swap3A_469] {strides = array<i32>} : memref<32768xf32, #tpu.memory_space<vmem>>, vector<16xf32>,
      tpu.vector_store %arg4[%swap3A_469], %select_n3A_468 {strides = array<i32>} : memref<32768xf32, #tpu.memory_space<vmem>>, vector<16xf32>,
      %shift_right_logical3A_471 = arith.constant 10 : i32
      %shift_right_logical3A_472 = vector.broadcast %shift_right_logical3A_471 : i32 to vector<16xi32>
      %shift_right_logical3A_473 = arith.shrui %and3A_458, %shift_right_logical3A_472 : vector<16xi32>
      %and3A_474 = arith.constant 1023 : i32
      %and3A_475 = vector.broadcast %and3A_474 : i32 to vector<16xi32>
      %and3A_476 = arith.andi %shift_right_logical3A_473, %and3A_475 : vector<16xi32>
      %add3A_477 = arith.constant 2048 : i32
      %add3A_478 = vector.broadcast %add3A_477 : i32 to vector<16xi32>
      %add3A_479 = arith.addi %and3A_476, %add3A_478 : vector<16xi32>
      tpu.vector_store_idx %arg8[%add3A_479], %broadcast_in_dim3A_1 masked %eq3A_463 {add = true} : memref<4096xi32, #tpu.memory_space<vmem>>[vector<16xi32>], vector<16xi32>, vector<16xi1>
      %swap3A_480 = arith.index_cast %add3A_448 : i32 to index
      %swap3A_481 = tpu.vector_load %arg6[%swap3A_480] masked %eq3A_463 {strides = array<i32>} : memref<8208xf32, #tpu.memory_space<vmem>>, vector<16xf32>, vector<16xi1>
      tpu.vector_store %arg6[%swap3A_480], %get3A_454 masked %eq3A_463 {strides = array<i32>} : memref<8208xf32, #tpu.memory_space<vmem>>, vector<16xf32>, vector<16xi1>
      %add3A_482 = vector.broadcast %add3A_452 : i32 to vector<16xi32>
      %add3A_483 = arith.addi %iota3A, %add3A_482 : vector<16xi32>
      %swap3A_484 = arith.index_cast %add3A_448 : i32 to index
      %swap3A_485 = tpu.vector_load %arg7[%swap3A_484] masked %eq3A_463 {strides = array<i32>} : memref<8208xi32, #tpu.memory_space<vmem>>, vector<16xi32>, vector<16xi1>
      tpu.vector_store %arg7[%swap3A_484], %add3A_483 masked %eq3A_463 {strides = array<i32>} : memref<8208xi32, #tpu.memory_space<vmem>>, vector<16xi32>, vector<16xi1>
      %convert_element_type3A_486 = arith.extui %eq3A_463 : vector<16xi1> to vector<16xi32>
      %reduce_sum3A_487 = arith.constant true
      %reduce_sum3A_488 = vector.broadcast %reduce_sum3A_487 : i1 to vector<16xi1>
      %reduce_sum3A_489 = tpu.scan <sum>, %convert_element_type3A_486 masked %reduce_sum3A_488 : vector<16xi32>, vector<16xi1> -> vector<16xi32>
      %reduce_sum3A_490 = vector.extract %reduce_sum3A_489[15] : i32 from vector<16xi32>
      %add3A_491 = arith.addi %add3A_448, %reduce_sum3A_490 : i32
      %mul3A_492 = arith.constant 128 : i32
      %mul3A_493 = arith.muli %scan3A_283, %mul3A_492 : i32
      %add3A_494 = arith.constant 80 : i32
      %add3A_495 = arith.addi %mul3A_493, %add3A_494 : i32
      %get3A_496 = arith.index_cast %add3A_495 : i32 to index
      %get3A_497 = tpu.vector_load %arg4[%get3A_496] {strides = array<i32>} : memref<32768xf32, #tpu.memory_space<vmem>>, vector<16xf32>,
      %bitcast3A_498 = vector.bitcast %get3A_497 : vector<16xf32> to vector<16xi32>
      %and3A_499 = arith.constant 2147483647 : i32
      %and3A_500 = vector.broadcast %and3A_499 : i32 to vector<16xi32>
      %and3A_501 = arith.andi %bitcast3A_498, %and3A_500 : vector<16xi32>
      %shift_right_logical3A_502 = arith.constant 20 : i32
      %shift_right_logical3A_503 = vector.broadcast %shift_right_logical3A_502 : i32 to vector<16xi32>
      %shift_right_logical3A_504 = arith.shrui %and3A_501, %shift_right_logical3A_503 : vector<16xi32>
      %eq3A_505 = vector.broadcast %scan3A_55#1 : i32 to vector<16xi32>
      %eq3A_506 = arith.cmpi eq, %shift_right_logical3A_504, %eq3A_505 : vector<16xi32>
      %gt3A_507 = vector.broadcast %scan3A_55#1 : i32 to vector<16xi32>
      %gt3A_508 = arith.cmpi sgt, %shift_right_logical3A_504, %gt3A_507 : vector<16xi32>
      %jit3A_509 = arith.constant 0.000000e+00 : f32
      %broadcast_in_dim3A_510 = vector.broadcast %jit3A_509 : f32 to vector<16xf32>
      %select_n3A_511 = arith.select %gt3A_508, %get3A_497, %broadcast_in_dim3A_510 : vector<16xi1>, vector<16xf32>
      %swap3A_512 = arith.index_cast %add3A_495 : i32 to index
      %swap3A_513 = tpu.vector_load %arg4[%swap3A_512] {strides = array<i32>} : memref<32768xf32, #tpu.memory_space<vmem>>, vector<16xf32>,
      tpu.vector_store %arg4[%swap3A_512], %select_n3A_511 {strides = array<i32>} : memref<32768xf32, #tpu.memory_space<vmem>>, vector<16xf32>,
      %shift_right_logical3A_514 = arith.constant 10 : i32
      %shift_right_logical3A_515 = vector.broadcast %shift_right_logical3A_514 : i32 to vector<16xi32>
      %shift_right_logical3A_516 = arith.shrui %and3A_501, %shift_right_logical3A_515 : vector<16xi32>
      %and3A_517 = arith.constant 1023 : i32
      %and3A_518 = vector.broadcast %and3A_517 : i32 to vector<16xi32>
      %and3A_519 = arith.andi %shift_right_logical3A_516, %and3A_518 : vector<16xi32>
      %add3A_520 = arith.constant 2048 : i32
      %add3A_521 = vector.broadcast %add3A_520 : i32 to vector<16xi32>
      %add3A_522 = arith.addi %and3A_519, %add3A_521 : vector<16xi32>
      tpu.vector_store_idx %arg9[%add3A_522], %broadcast_in_dim3A_1 masked %eq3A_506 {add = true} : memref<4096xi32, #tpu.memory_space<vmem>>[vector<16xi32>], vector<16xi32>, vector<16xi1>
      %swap3A_523 = arith.index_cast %add3A_491 : i32 to index
      %swap3A_524 = tpu.vector_load %arg6[%swap3A_523] masked %eq3A_506 {strides = array<i32>} : memref<8208xf32, #tpu.memory_space<vmem>>, vector<16xf32>, vector<16xi1>
      tpu.vector_store %arg6[%swap3A_523], %get3A_497 masked %eq3A_506 {strides = array<i32>} : memref<8208xf32, #tpu.memory_space<vmem>>, vector<16xf32>, vector<16xi1>
      %add3A_525 = vector.broadcast %add3A_495 : i32 to vector<16xi32>
      %add3A_526 = arith.addi %iota3A, %add3A_525 : vector<16xi32>
      %swap3A_527 = arith.index_cast %add3A_491 : i32 to index
      %swap3A_528 = tpu.vector_load %arg7[%swap3A_527] masked %eq3A_506 {strides = array<i32>} : memref<8208xi32, #tpu.memory_space<vmem>>, vector<16xi32>, vector<16xi1>
      tpu.vector_store %arg7[%swap3A_527], %add3A_526 masked %eq3A_506 {strides = array<i32>} : memref<8208xi32, #tpu.memory_space<vmem>>, vector<16xi32>, vector<16xi1>
      %convert_element_type3A_529 = arith.extui %eq3A_506 : vector<16xi1> to vector<16xi32>
      %reduce_sum3A_530 = arith.constant true
      %reduce_sum3A_531 = vector.broadcast %reduce_sum3A_530 : i1 to vector<16xi1>
      %reduce_sum3A_532 = tpu.scan <sum>, %convert_element_type3A_529 masked %reduce_sum3A_531 : vector<16xi32>, vector<16xi1> -> vector<16xi32>
      %reduce_sum3A_533 = vector.extract %reduce_sum3A_532[15] : i32 from vector<16xi32>
      %add3A_534 = arith.addi %add3A_491, %reduce_sum3A_533 : i32
      %mul3A_535 = arith.constant 128 : i32
      %mul3A_536 = arith.muli %scan3A_283, %mul3A_535 : i32
      %add3A_537 = arith.constant 96 : i32
      %add3A_538 = arith.addi %mul3A_536, %add3A_537 : i32
      %get3A_539 = arith.index_cast %add3A_538 : i32 to index
      %get3A_540 = tpu.vector_load %arg4[%get3A_539] {strides = array<i32>} : memref<32768xf32, #tpu.memory_space<vmem>>, vector<16xf32>,
      %bitcast3A_541 = vector.bitcast %get3A_540 : vector<16xf32> to vector<16xi32>
      %and3A_542 = arith.constant 2147483647 : i32
      %and3A_543 = vector.broadcast %and3A_542 : i32 to vector<16xi32>
      %and3A_544 = arith.andi %bitcast3A_541, %and3A_543 : vector<16xi32>
      %shift_right_logical3A_545 = arith.constant 20 : i32
      %shift_right_logical3A_546 = vector.broadcast %shift_right_logical3A_545 : i32 to vector<16xi32>
      %shift_right_logical3A_547 = arith.shrui %and3A_544, %shift_right_logical3A_546 : vector<16xi32>
      %eq3A_548 = vector.broadcast %scan3A_55#1 : i32 to vector<16xi32>
      %eq3A_549 = arith.cmpi eq, %shift_right_logical3A_547, %eq3A_548 : vector<16xi32>
      %gt3A_550 = vector.broadcast %scan3A_55#1 : i32 to vector<16xi32>
      %gt3A_551 = arith.cmpi sgt, %shift_right_logical3A_547, %gt3A_550 : vector<16xi32>
      %jit3A_552 = arith.constant 0.000000e+00 : f32
      %broadcast_in_dim3A_553 = vector.broadcast %jit3A_552 : f32 to vector<16xf32>
      %select_n3A_554 = arith.select %gt3A_551, %get3A_540, %broadcast_in_dim3A_553 : vector<16xi1>, vector<16xf32>
      %swap3A_555 = arith.index_cast %add3A_538 : i32 to index
      %swap3A_556 = tpu.vector_load %arg4[%swap3A_555] {strides = array<i32>} : memref<32768xf32, #tpu.memory_space<vmem>>, vector<16xf32>,
      tpu.vector_store %arg4[%swap3A_555], %select_n3A_554 {strides = array<i32>} : memref<32768xf32, #tpu.memory_space<vmem>>, vector<16xf32>,
      %shift_right_logical3A_557 = arith.constant 10 : i32
      %shift_right_logical3A_558 = vector.broadcast %shift_right_logical3A_557 : i32 to vector<16xi32>
      %shift_right_logical3A_559 = arith.shrui %and3A_544, %shift_right_logical3A_558 : vector<16xi32>
      %and3A_560 = arith.constant 1023 : i32
      %and3A_561 = vector.broadcast %and3A_560 : i32 to vector<16xi32>
      %and3A_562 = arith.andi %shift_right_logical3A_559, %and3A_561 : vector<16xi32>
      %add3A_563 = arith.constant 2048 : i32
      %add3A_564 = vector.broadcast %add3A_563 : i32 to vector<16xi32>
      %add3A_565 = arith.addi %and3A_562, %add3A_564 : vector<16xi32>
      tpu.vector_store_idx %arg10[%add3A_565], %broadcast_in_dim3A_1 masked %eq3A_549 {add = true} : memref<4096xi32, #tpu.memory_space<vmem>>[vector<16xi32>], vector<16xi32>, vector<16xi1>
      %swap3A_566 = arith.index_cast %add3A_534 : i32 to index
      %swap3A_567 = tpu.vector_load %arg6[%swap3A_566] masked %eq3A_549 {strides = array<i32>} : memref<8208xf32, #tpu.memory_space<vmem>>, vector<16xf32>, vector<16xi1>
      tpu.vector_store %arg6[%swap3A_566], %get3A_540 masked %eq3A_549 {strides = array<i32>} : memref<8208xf32, #tpu.memory_space<vmem>>, vector<16xf32>, vector<16xi1>
      %add3A_568 = vector.broadcast %add3A_538 : i32 to vector<16xi32>
      %add3A_569 = arith.addi %iota3A, %add3A_568 : vector<16xi32>
      %swap3A_570 = arith.index_cast %add3A_534 : i32 to index
      %swap3A_571 = tpu.vector_load %arg7[%swap3A_570] masked %eq3A_549 {strides = array<i32>} : memref<8208xi32, #tpu.memory_space<vmem>>, vector<16xi32>, vector<16xi1>
      tpu.vector_store %arg7[%swap3A_570], %add3A_569 masked %eq3A_549 {strides = array<i32>} : memref<8208xi32, #tpu.memory_space<vmem>>, vector<16xi32>, vector<16xi1>
      %convert_element_type3A_572 = arith.extui %eq3A_549 : vector<16xi1> to vector<16xi32>
      %reduce_sum3A_573 = arith.constant true
      %reduce_sum3A_574 = vector.broadcast %reduce_sum3A_573 : i1 to vector<16xi1>
      %reduce_sum3A_575 = tpu.scan <sum>, %convert_element_type3A_572 masked %reduce_sum3A_574 : vector<16xi32>, vector<16xi1> -> vector<16xi32>
      %reduce_sum3A_576 = vector.extract %reduce_sum3A_575[15] : i32 from vector<16xi32>
      %add3A_577 = arith.addi %add3A_534, %reduce_sum3A_576 : i32
      %mul3A_578 = arith.constant 128 : i32
      %mul3A_579 = arith.muli %scan3A_283, %mul3A_578 : i32
      %add3A_580 = arith.constant 112 : i32
      %add3A_581 = arith.addi %mul3A_579, %add3A_580 : i32
      %get3A_582 = arith.index_cast %add3A_581 : i32 to index
      %get3A_583 = tpu.vector_load %arg4[%get3A_582] {strides = array<i32>} : memref<32768xf32, #tpu.memory_space<vmem>>, vector<16xf32>,
      %bitcast3A_584 = vector.bitcast %get3A_583 : vector<16xf32> to vector<16xi32>
      %and3A_585 = arith.constant 2147483647 : i32
      %and3A_586 = vector.broadcast %and3A_585 : i32 to vector<16xi32>
      %and3A_587 = arith.andi %bitcast3A_584, %and3A_586 : vector<16xi32>
      %shift_right_logical3A_588 = arith.constant 20 : i32
      %shift_right_logical3A_589 = vector.broadcast %shift_right_logical3A_588 : i32 to vector<16xi32>
      %shift_right_logical3A_590 = arith.shrui %and3A_587, %shift_right_logical3A_589 : vector<16xi32>
      %eq3A_591 = vector.broadcast %scan3A_55#1 : i32 to vector<16xi32>
      %eq3A_592 = arith.cmpi eq, %shift_right_logical3A_590, %eq3A_591 : vector<16xi32>
      %gt3A_593 = vector.broadcast %scan3A_55#1 : i32 to vector<16xi32>
      %gt3A_594 = arith.cmpi sgt, %shift_right_logical3A_590, %gt3A_593 : vector<16xi32>
      %jit3A_595 = arith.constant 0.000000e+00 : f32
      %broadcast_in_dim3A_596 = vector.broadcast %jit3A_595 : f32 to vector<16xf32>
      %select_n3A_597 = arith.select %gt3A_594, %get3A_583, %broadcast_in_dim3A_596 : vector<16xi1>, vector<16xf32>
      %swap3A_598 = arith.index_cast %add3A_581 : i32 to index
      %swap3A_599 = tpu.vector_load %arg4[%swap3A_598] {strides = array<i32>} : memref<32768xf32, #tpu.memory_space<vmem>>, vector<16xf32>,
      tpu.vector_store %arg4[%swap3A_598], %select_n3A_597 {strides = array<i32>} : memref<32768xf32, #tpu.memory_space<vmem>>, vector<16xf32>,
      %shift_right_logical3A_600 = arith.constant 10 : i32
      %shift_right_logical3A_601 = vector.broadcast %shift_right_logical3A_600 : i32 to vector<16xi32>
      %shift_right_logical3A_602 = arith.shrui %and3A_587, %shift_right_logical3A_601 : vector<16xi32>
      %and3A_603 = arith.constant 1023 : i32
      %and3A_604 = vector.broadcast %and3A_603 : i32 to vector<16xi32>
      %and3A_605 = arith.andi %shift_right_logical3A_602, %and3A_604 : vector<16xi32>
      %add3A_606 = arith.constant 2048 : i32
      %add3A_607 = vector.broadcast %add3A_606 : i32 to vector<16xi32>
      %add3A_608 = arith.addi %and3A_605, %add3A_607 : vector<16xi32>
      tpu.vector_store_idx %arg11[%add3A_608], %broadcast_in_dim3A_1 masked %eq3A_592 {add = true} : memref<4096xi32, #tpu.memory_space<vmem>>[vector<16xi32>], vector<16xi32>, vector<16xi1>
      %swap3A_609 = arith.index_cast %add3A_577 : i32 to index
      %swap3A_610 = tpu.vector_load %arg6[%swap3A_609] masked %eq3A_592 {strides = array<i32>} : memref<8208xf32, #tpu.memory_space<vmem>>, vector<16xf32>, vector<16xi1>
      tpu.vector_store %arg6[%swap3A_609], %get3A_583 masked %eq3A_592 {strides = array<i32>} : memref<8208xf32, #tpu.memory_space<vmem>>, vector<16xf32>, vector<16xi1>
      %add3A_611 = vector.broadcast %add3A_581 : i32 to vector<16xi32>
      %add3A_612 = arith.addi %iota3A, %add3A_611 : vector<16xi32>
      %swap3A_613 = arith.index_cast %add3A_577 : i32 to index
      %swap3A_614 = tpu.vector_load %arg7[%swap3A_613] masked %eq3A_592 {strides = array<i32>} : memref<8208xi32, #tpu.memory_space<vmem>>, vector<16xi32>, vector<16xi1>
      tpu.vector_store %arg7[%swap3A_613], %add3A_612 masked %eq3A_592 {strides = array<i32>} : memref<8208xi32, #tpu.memory_space<vmem>>, vector<16xi32>, vector<16xi1>
      %convert_element_type3A_615 = arith.extui %eq3A_592 : vector<16xi1> to vector<16xi32>
      %reduce_sum3A_616 = arith.constant true
      %reduce_sum3A_617 = vector.broadcast %reduce_sum3A_616 : i1 to vector<16xi1>
      %reduce_sum3A_618 = tpu.scan <sum>, %convert_element_type3A_615 masked %reduce_sum3A_617 : vector<16xi32>, vector<16xi1> -> vector<16xi32>
      %reduce_sum3A_619 = vector.extract %reduce_sum3A_618[15] : i32 from vector<16xi32>
      %add3A_620 = arith.addi %add3A_577, %reduce_sum3A_619 : i32
      scf.yield %add3A_620 : i32
    }
    %scan3A_64 = arith.constant 256 : i32
    %add3A_65 = arith.constant 15 : i32
    %add3A_66 = arith.addi %scan3A_63, %add3A_65 : i32
    %jit3A = arith.constant 16 : i32
    %div3A = arith.divsi %add3A_66, %jit3A : i32
    %sign3A = arith.constant 0 : i32
    %sign3A_67 = arith.cmpi sgt, %add3A_66, %sign3A : i32
    %sign3A_68 = arith.extui %sign3A_67 : i1 to i32
    %sign3A_69 = arith.constant 0 : i32
    %sign3A_70 = arith.cmpi slt, %add3A_66, %sign3A_69 : i32
    %sign3A_71 = arith.extui %sign3A_70 : i1 to i32
    %sign3A_72 = arith.subi %sign3A_68, %sign3A_71 : i32
    %sign3A_73 = arith.constant 0 : i32
    %sign3A_74 = arith.cmpi sgt, %jit3A, %sign3A_73 : i32
    %sign3A_75 = arith.extui %sign3A_74 : i1 to i32
    %sign3A_76 = arith.constant 0 : i32
    %sign3A_77 = arith.cmpi slt, %jit3A, %sign3A_76 : i32
    %sign3A_78 = arith.extui %sign3A_77 : i1 to i32
    %sign3A_79 = arith.subi %sign3A_75, %sign3A_78 : i32
    %ne3A = arith.cmpi ne, %sign3A_72, %sign3A_79 : i32
    %rem3A = arith.remsi %add3A_66, %jit3A : i32
    %ne3A_80 = arith.constant 0 : i32
    %ne3A_81 = arith.cmpi ne, %rem3A, %ne3A_80 : i32
    %and3A = arith.andi %ne3A, %ne3A_81 : i1
    %sub3A_82 = arith.constant 1 : i32
    %sub3A_83 = arith.subi %div3A, %sub3A_82 : i32
    %select_n3A = arith.select %and3A, %sub3A_83, %div3A : i32
    %iota3A_84 = tpu.iota {dimensions = array<i32: 0>} : vector<16xi32>
    %broadcast_in_dim3A_85 = arith.constant 0 : i32
    %broadcast_in_dim3A_86 = vector.broadcast %broadcast_in_dim3A_85 : i32 to vector<16xi32>
    %scan3A_87 = arith.constant 0 : i32
    %scan3A_88 = arith.constant 0 : i32
    %scan3A_89 = arith.constant 0 : i32
    %scan3A_90 = arith.constant 0 : i32
    %scan3A_91 = arith.constant 0 : i32
    %scan3A_92 = arith.constant 64 : i32
    %scan3A_93 = arith.addi %scan3A_91, %scan3A_92 : i32
    %scan3A_94 = arith.constant 1 : i32
    %scan3A_95:4 = scf.for %scan3A_283 = %scan3A_91 to %scan3A_93 step %scan3A_94 iter_args(%scan3A_284 = %scan3A_87, %scan3A_285 = %scan3A_88, %scan3A_286 = %scan3A_89, %scan3A_287 = %scan3A_90) -> (i32, i32, i32, i32)  : i32 {
      %mul3A_288 = arith.constant 16 : i32
      %mul3A_289 = arith.muli %scan3A_283, %mul3A_288 : i32
      %add3A_290 = arith.constant 2048 : i32
      %add3A_291 = arith.addi %add3A_290, %mul3A_289 : i32
      %get3A = arith.index_cast %add3A_291 : i32 to index
      %get3A_292 = tpu.vector_load %arg8[%get3A] {strides = array<i32>} : memref<4096xi32, #tpu.memory_space<vmem>>, vector<16xi32>,
      %mul3A_293 = arith.constant 16 : i32
      %mul3A_294 = arith.muli %scan3A_283, %mul3A_293 : i32
      %add3A_295 = arith.constant 2048 : i32
      %add3A_296 = arith.addi %add3A_295, %mul3A_294 : i32
      %get3A_297 = arith.index_cast %add3A_296 : i32 to index
      %get3A_298 = tpu.vector_load %arg9[%get3A_297] {strides = array<i32>} : memref<4096xi32, #tpu.memory_space<vmem>>, vector<16xi32>,
      %mul3A_299 = arith.constant 16 : i32
      %mul3A_300 = arith.muli %scan3A_283, %mul3A_299 : i32
      %add3A_301 = arith.constant 2048 : i32
      %add3A_302 = arith.addi %add3A_301, %mul3A_300 : i32
      %get3A_303 = arith.index_cast %add3A_302 : i32 to index
      %get3A_304 = tpu.vector_load %arg10[%get3A_303] {strides = array<i32>} : memref<4096xi32, #tpu.memory_space<vmem>>, vector<16xi32>,
      %mul3A_305 = arith.constant 16 : i32
      %mul3A_306 = arith.muli %scan3A_283, %mul3A_305 : i32
      %add3A_307 = arith.constant 2048 : i32
      %add3A_308 = arith.addi %add3A_307, %mul3A_306 : i32
      %get3A_309 = arith.index_cast %add3A_308 : i32 to index
      %get3A_310 = tpu.vector_load %arg11[%get3A_309] {strides = array<i32>} : memref<4096xi32, #tpu.memory_space<vmem>>, vector<16xi32>,
      %add3A_311 = arith.addi %get3A_292, %get3A_298 : vector<16xi32>
      %add3A_312 = arith.addi %add3A_311, %get3A_304 : vector<16xi32>
      %add3A_313 = arith.addi %add3A_312, %get3A_310 : vector<16xi32>
      %mul3A_314 = arith.constant 16 : i32
      %mul3A_315 = arith.muli %scan3A_283, %mul3A_314 : i32
      %add3A_316 = arith.constant 2048 : i32
      %add3A_317 = arith.addi %add3A_316, %mul3A_315 : i32
      %swap3A = arith.index_cast %add3A_317 : i32 to index
      %swap3A_318 = tpu.vector_load %arg8[%swap3A] {strides = array<i32>} : memref<4096xi32, #tpu.memory_space<vmem>>, vector<16xi32>,
      tpu.vector_store %arg8[%swap3A], %broadcast_in_dim3A_86 {strides = array<i32>} : memref<4096xi32, #tpu.memory_space<vmem>>, vector<16xi32>,
      %mul3A_319 = arith.constant 16 : i32
      %mul3A_320 = arith.muli %scan3A_283, %mul3A_319 : i32
      %add3A_321 = arith.constant 2048 : i32
      %add3A_322 = arith.addi %add3A_321, %mul3A_320 : i32
      %swap3A_323 = arith.index_cast %add3A_322 : i32 to index
      %swap3A_324 = tpu.vector_load %arg9[%swap3A_323] {strides = array<i32>} : memref<4096xi32, #tpu.memory_space<vmem>>, vector<16xi32>,
      tpu.vector_store %arg9[%swap3A_323], %broadcast_in_dim3A_86 {strides = array<i32>} : memref<4096xi32, #tpu.memory_space<vmem>>, vector<16xi32>,
      %mul3A_325 = arith.constant 16 : i32
      %mul3A_326 = arith.muli %scan3A_283, %mul3A_325 : i32
      %add3A_327 = arith.constant 2048 : i32
      %add3A_328 = arith.addi %add3A_327, %mul3A_326 : i32
      %swap3A_329 = arith.index_cast %add3A_328 : i32 to index
      %swap3A_330 = tpu.vector_load %arg10[%swap3A_329] {strides = array<i32>} : memref<4096xi32, #tpu.memory_space<vmem>>, vector<16xi32>,
      tpu.vector_store %arg10[%swap3A_329], %broadcast_in_dim3A_86 {strides = array<i32>} : memref<4096xi32, #tpu.memory_space<vmem>>, vector<16xi32>,
      %mul3A_331 = arith.constant 16 : i32
      %mul3A_332 = arith.muli %scan3A_283, %mul3A_331 : i32
      %add3A_333 = arith.constant 2048 : i32
      %add3A_334 = arith.addi %add3A_333, %mul3A_332 : i32
      %swap3A_335 = arith.index_cast %add3A_334 : i32 to index
      %swap3A_336 = tpu.vector_load %arg11[%swap3A_335] {strides = array<i32>} : memref<4096xi32, #tpu.memory_space<vmem>>, vector<16xi32>,
      tpu.vector_store %arg11[%swap3A_335], %broadcast_in_dim3A_86 {strides = array<i32>} : memref<4096xi32, #tpu.memory_space<vmem>>, vector<16xi32>,
      %broadcast_in_dim3A_337 = arith.constant true
      %broadcast_in_dim3A_338 = vector.broadcast %broadcast_in_dim3A_337 : i1 to vector<16xi1>
      %masked_cumsum3A = tpu.scan <sum>, %add3A_313 masked %broadcast_in_dim3A_338 : vector<16xi32>, vector<16xi1> -> vector<16xi32>
      %add3A_339 = vector.broadcast %scan3A_287 : i32 to vector<16xi32>
      %add3A_340 = arith.addi %masked_cumsum3A, %add3A_339 : vector<16xi32>
      %sub3A_341 = arith.subi %add3A_340, %add3A_313 : vector<16xi32>
      %gt3A = vector.broadcast %sub3A_57 : i32 to vector<16xi32>
      %gt3A_342 = arith.cmpi sgt, %add3A_340, %gt3A : vector<16xi32>
      %jit3A_343 = arith.constant 2147483647 : i32
      %broadcast_in_dim3A_344 = vector.broadcast %jit3A_343 : i32 to vector<16xi32>
      %select_n3A_345 = arith.select %gt3A_342, %iota3A_84, %broadcast_in_dim3A_344 : vector<16xi1>, vector<16xi32>
      %reduce_min3A = arith.constant true
      %reduce_min3A_346 = vector.broadcast %reduce_min3A : i1 to vector<16xi1>
      %reduce_min3A_347 = arith.constant -2147483648 : i32
      %reduce_min3A_348 = vector.broadcast %reduce_min3A_347 : i32 to vector<16xi32>
      %reduce_min3A_349 = arith.xori %select_n3A_345, %reduce_min3A_348 : vector<16xi32>
      %reduce_min3A_350 = tpu.scan <min>, %reduce_min3A_349 masked %reduce_min3A_346 : vector<16xi32>, vector<16xi1> -> vector<16xi32>
      %reduce_min3A_351 = arith.xori %reduce_min3A_350, %reduce_min3A_348 : vector<16xi32>
      %reduce_min3A_352 = vector.extract %reduce_min3A_351[15] : i32 from vector<16xi32>
      %lt3A = arith.constant 16 : i32
      %lt3A_353 = arith.cmpi slt, %reduce_min3A_352, %lt3A : i32
      %convert_element_type3A = arith.extui %lt3A_353 : i1 to i32
      %sub3A_354 = arith.constant 1 : i32
      %sub3A_355 = arith.subi %sub3A_354, %scan3A_284 : i32
      %mul3A_356 = arith.muli %convert_element_type3A, %sub3A_355 : i32
      %eq3A = arith.constant 1 : i32
      %eq3A_357 = arith.cmpi eq, %mul3A_356, %eq3A : i32
      %mul3A_358 = arith.constant 16 : i32
      %mul3A_359 = arith.muli %scan3A_283, %mul3A_358 : i32
      %add3A_360 = arith.addi %mul3A_359, %reduce_min3A_352 : i32
      %select_n3A_361 = arith.select %eq3A_357, %add3A_360, %scan3A_285 : i32
      %eq3A_362 = arith.constant 1 : i32
      %eq3A_363 = arith.cmpi eq, %mul3A_356, %eq3A_362 : i32
      %jit3A_364 = arith.constant 2147483647 : i32
      %broadcast_in_dim3A_365 = vector.broadcast %jit3A_364 : i32 to vector<16xi32>
      %select_n3A_366 = arith.select %gt3A_342, %sub3A_341, %broadcast_in_dim3A_365 : vector<16xi1>, vector<16xi32>
      %reduce_min3A_367 = arith.constant true
      %reduce_min3A_368 = vector.broadcast %reduce_min3A_367 : i1 to vector<16xi1>
      %reduce_min3A_369 = arith.constant -2147483648 : i32
      %reduce_min3A_370 = vector.broadcast %reduce_min3A_369 : i32 to vector<16xi32>
      %reduce_min3A_371 = arith.xori %select_n3A_366, %reduce_min3A_370 : vector<16xi32>
      %reduce_min3A_372 = tpu.scan <min>, %reduce_min3A_371 masked %reduce_min3A_368 : vector<16xi32>, vector<16xi1> -> vector<16xi32>
      %reduce_min3A_373 = arith.xori %reduce_min3A_372, %reduce_min3A_370 : vector<16xi32>
      %reduce_min3A_374 = vector.extract %reduce_min3A_373[15] : i32 from vector<16xi32>
      %select_n3A_375 = arith.select %eq3A_363, %reduce_min3A_374, %scan3A_286 : i32
      %max3A = arith.maxsi %scan3A_284, %convert_element_type3A : i32
      %reduce_sum3A = arith.constant true
      %reduce_sum3A_376 = vector.broadcast %reduce_sum3A : i1 to vector<16xi1>
      %reduce_sum3A_377 = tpu.scan <sum>, %add3A_313 masked %reduce_sum3A_376 : vector<16xi32>, vector<16xi1> -> vector<16xi32>
      %reduce_sum3A_378 = vector.extract %reduce_sum3A_377[15] : i32 from vector<16xi32>
      %add3A_379 = arith.addi %scan3A_287, %reduce_sum3A_378 : i32
      scf.yield %max3A, %select_n3A_361, %select_n3A_375, %add3A_379 : i32, i32, i32, i32
    }
    %scan3A_96 = arith.constant 64 : i32
    %sub3A_97 = arith.subi %sub3A_57, %scan3A_95#2 : i32
    %shift_left3A = arith.constant 10 : i32
    %shift_left3A_98 = arith.shli %scan3A_55#1, %shift_left3A : i32
    %or3A = arith.ori %shift_left3A_98, %scan3A_95#1 : i32
    %while3A = arith.constant 0 : i32
    %while3A_99 = arith.constant 0 : i32
    %while3A_100 = arith.subi %select_n3A, %while3A : i32
    %while3A_101 = arith.addi %while3A, %while3A_100 : i32
    %while3A_102 = arith.constant 1 : i32
    %while3A_103 = arith.divsi %while3A_100, %while3A_102 : i32
    %while3A_104 = arith.muli %while3A_103, %while3A_102 : i32
    %while3A_105 = arith.addi %while3A, %while3A_104 : i32
    %while3A_106 = arith.constant 1 : i32
    %while3A_107 = scf.for %while3A_283 = %while3A to %while3A_105 step %while3A_106 iter_args(%while3A_284 = %while3A_99) -> (i32)  : i32 {
      %mul3A_285 = arith.constant 16 : i32
      %mul3A_286 = arith.muli %while3A_283, %mul3A_285 : i32
      %get3A = arith.index_cast %mul3A_286 : i32 to index
      %get3A_287 = tpu.vector_load %arg6[%get3A] {strides = array<i32>} : memref<8208xf32, #tpu.memory_space<vmem>>, vector<16xf32>,
      %bitcast3A = vector.bitcast %get3A_287 : vector<16xf32> to vector<16xi32>
      %and3A_288 = arith.constant 2147483647 : i32
      %and3A_289 = vector.broadcast %and3A_288 : i32 to vector<16xi32>
      %and3A_290 = arith.andi %bitcast3A, %and3A_289 : vector<16xi32>
      %mul3A_291 = arith.constant 16 : i32
      %mul3A_292 = arith.muli %while3A_283, %mul3A_291 : i32
      %add3A_293 = vector.broadcast %mul3A_292 : i32 to vector<16xi32>
      %add3A_294 = arith.addi %add3A_293, %iota3A : vector<16xi32>
      %lt3A = vector.broadcast %scan3A_63 : i32 to vector<16xi32>
      %lt3A_295 = arith.cmpi slt, %add3A_294, %lt3A : vector<16xi32>
      %shift_right_logical3A = arith.constant 10 : i32
      %shift_right_logical3A_296 = vector.broadcast %shift_right_logical3A : i32 to vector<16xi32>
      %shift_right_logical3A_297 = arith.shrui %and3A_290, %shift_right_logical3A_296 : vector<16xi32>
      %eq3A = vector.broadcast %or3A : i32 to vector<16xi32>
      %eq3A_298 = arith.cmpi eq, %shift_right_logical3A_297, %eq3A : vector<16xi32>
      %and3A_299 = arith.andi %lt3A_295, %eq3A_298 : vector<16xi1>
      %and3A_300 = arith.constant 1023 : i32
      %and3A_301 = vector.broadcast %and3A_300 : i32 to vector<16xi32>
      %and3A_302 = arith.andi %and3A_290, %and3A_301 : vector<16xi32>
      %add3A_303 = arith.constant 3072 : i32
      %add3A_304 = vector.broadcast %add3A_303 : i32 to vector<16xi32>
      %add3A_305 = arith.addi %and3A_302, %add3A_304 : vector<16xi32>
      tpu.vector_store_idx %arg8[%add3A_305], %broadcast_in_dim3A_1 masked %and3A_299 {add = true} : memref<4096xi32, #tpu.memory_space<vmem>>[vector<16xi32>], vector<16xi32>, vector<16xi1>
      %while3A_306 = arith.constant 0 : i32
      scf.yield %while3A_306 : i32
    }
    %while3A_108 = arith.constant 1 : i32
    %while3A_109 = scf.for %while3A_283 = %while3A_105 to %while3A_101 step %while3A_108 iter_args(%while3A_284 = %while3A_107) -> (i32)  : i32 {
      %mul3A_285 = arith.constant 16 : i32
      %mul3A_286 = arith.muli %while3A_283, %mul3A_285 : i32
      %get3A = arith.index_cast %mul3A_286 : i32 to index
      %get3A_287 = tpu.vector_load %arg6[%get3A] {strides = array<i32>} : memref<8208xf32, #tpu.memory_space<vmem>>, vector<16xf32>,
      %bitcast3A = vector.bitcast %get3A_287 : vector<16xf32> to vector<16xi32>
      %and3A_288 = arith.constant 2147483647 : i32
      %and3A_289 = vector.broadcast %and3A_288 : i32 to vector<16xi32>
      %and3A_290 = arith.andi %bitcast3A, %and3A_289 : vector<16xi32>
      %mul3A_291 = arith.constant 16 : i32
      %mul3A_292 = arith.muli %while3A_283, %mul3A_291 : i32
      %add3A_293 = vector.broadcast %mul3A_292 : i32 to vector<16xi32>
      %add3A_294 = arith.addi %add3A_293, %iota3A : vector<16xi32>
      %lt3A = vector.broadcast %scan3A_63 : i32 to vector<16xi32>
      %lt3A_295 = arith.cmpi slt, %add3A_294, %lt3A : vector<16xi32>
      %shift_right_logical3A = arith.constant 10 : i32
      %shift_right_logical3A_296 = vector.broadcast %shift_right_logical3A : i32 to vector<16xi32>
      %shift_right_logical3A_297 = arith.shrui %and3A_290, %shift_right_logical3A_296 : vector<16xi32>
      %eq3A = vector.broadcast %or3A : i32 to vector<16xi32>
      %eq3A_298 = arith.cmpi eq, %shift_right_logical3A_297, %eq3A : vector<16xi32>
      %and3A_299 = arith.andi %lt3A_295, %eq3A_298 : vector<16xi1>
      %and3A_300 = arith.constant 1023 : i32
      %and3A_301 = vector.broadcast %and3A_300 : i32 to vector<16xi32>
      %and3A_302 = arith.andi %and3A_290, %and3A_301 : vector<16xi32>
      %add3A_303 = arith.constant 3072 : i32
      %add3A_304 = vector.broadcast %add3A_303 : i32 to vector<16xi32>
      %add3A_305 = arith.addi %and3A_302, %add3A_304 : vector<16xi32>
      tpu.vector_store_idx %arg8[%add3A_305], %broadcast_in_dim3A_1 masked %and3A_299 {add = true} : memref<4096xi32, #tpu.memory_space<vmem>>[vector<16xi32>], vector<16xi32>, vector<16xi1>
      %while3A_306 = arith.constant 0 : i32
      scf.yield %while3A_306 : i32
    }
    %iota3A_110 = tpu.iota {dimensions = array<i32: 0>} : vector<16xi32>
    %broadcast_in_dim3A_111 = arith.constant 0 : i32
    %broadcast_in_dim3A_112 = vector.broadcast %broadcast_in_dim3A_111 : i32 to vector<16xi32>
    %scan3A_113 = arith.constant 0 : i32
    %scan3A_114 = arith.constant 0 : i32
    %scan3A_115 = arith.constant 0 : i32
    %scan3A_116 = arith.constant 0 : i32
    %scan3A_117 = arith.constant 0 : i32
    %scan3A_118 = arith.constant 64 : i32
    %scan3A_119 = arith.addi %scan3A_117, %scan3A_118 : i32
    %scan3A_120 = arith.constant 1 : i32
    %scan3A_121:4 = scf.for %scan3A_283 = %scan3A_117 to %scan3A_119 step %scan3A_120 iter_args(%scan3A_284 = %scan3A_113, %scan3A_285 = %scan3A_114, %scan3A_286 = %scan3A_115, %scan3A_287 = %scan3A_116) -> (i32, i32, i32, i32)  : i32 {
      %mul3A_288 = arith.constant 16 : i32
      %mul3A_289 = arith.muli %scan3A_283, %mul3A_288 : i32
      %add3A_290 = arith.constant 3072 : i32
      %add3A_291 = arith.addi %add3A_290, %mul3A_289 : i32
      %get3A = arith.index_cast %add3A_291 : i32 to index
      %get3A_292 = tpu.vector_load %arg8[%get3A] {strides = array<i32>} : memref<4096xi32, #tpu.memory_space<vmem>>, vector<16xi32>,
      %mul3A_293 = arith.constant 16 : i32
      %mul3A_294 = arith.muli %scan3A_283, %mul3A_293 : i32
      %add3A_295 = arith.constant 3072 : i32
      %add3A_296 = arith.addi %add3A_295, %mul3A_294 : i32
      %get3A_297 = arith.index_cast %add3A_296 : i32 to index
      %get3A_298 = tpu.vector_load %arg9[%get3A_297] {strides = array<i32>} : memref<4096xi32, #tpu.memory_space<vmem>>, vector<16xi32>,
      %mul3A_299 = arith.constant 16 : i32
      %mul3A_300 = arith.muli %scan3A_283, %mul3A_299 : i32
      %add3A_301 = arith.constant 3072 : i32
      %add3A_302 = arith.addi %add3A_301, %mul3A_300 : i32
      %get3A_303 = arith.index_cast %add3A_302 : i32 to index
      %get3A_304 = tpu.vector_load %arg10[%get3A_303] {strides = array<i32>} : memref<4096xi32, #tpu.memory_space<vmem>>, vector<16xi32>,
      %mul3A_305 = arith.constant 16 : i32
      %mul3A_306 = arith.muli %scan3A_283, %mul3A_305 : i32
      %add3A_307 = arith.constant 3072 : i32
      %add3A_308 = arith.addi %add3A_307, %mul3A_306 : i32
      %get3A_309 = arith.index_cast %add3A_308 : i32 to index
      %get3A_310 = tpu.vector_load %arg11[%get3A_309] {strides = array<i32>} : memref<4096xi32, #tpu.memory_space<vmem>>, vector<16xi32>,
      %add3A_311 = arith.addi %get3A_292, %get3A_298 : vector<16xi32>
      %add3A_312 = arith.addi %add3A_311, %get3A_304 : vector<16xi32>
      %add3A_313 = arith.addi %add3A_312, %get3A_310 : vector<16xi32>
      %mul3A_314 = arith.constant 16 : i32
      %mul3A_315 = arith.muli %scan3A_283, %mul3A_314 : i32
      %add3A_316 = arith.constant 3072 : i32
      %add3A_317 = arith.addi %add3A_316, %mul3A_315 : i32
      %swap3A = arith.index_cast %add3A_317 : i32 to index
      %swap3A_318 = tpu.vector_load %arg8[%swap3A] {strides = array<i32>} : memref<4096xi32, #tpu.memory_space<vmem>>, vector<16xi32>,
      tpu.vector_store %arg8[%swap3A], %broadcast_in_dim3A_112 {strides = array<i32>} : memref<4096xi32, #tpu.memory_space<vmem>>, vector<16xi32>,
      %mul3A_319 = arith.constant 16 : i32
      %mul3A_320 = arith.muli %scan3A_283, %mul3A_319 : i32
      %add3A_321 = arith.constant 3072 : i32
      %add3A_322 = arith.addi %add3A_321, %mul3A_320 : i32
      %swap3A_323 = arith.index_cast %add3A_322 : i32 to index
      %swap3A_324 = tpu.vector_load %arg9[%swap3A_323] {strides = array<i32>} : memref<4096xi32, #tpu.memory_space<vmem>>, vector<16xi32>,
      tpu.vector_store %arg9[%swap3A_323], %broadcast_in_dim3A_112 {strides = array<i32>} : memref<4096xi32, #tpu.memory_space<vmem>>, vector<16xi32>,
      %mul3A_325 = arith.constant 16 : i32
      %mul3A_326 = arith.muli %scan3A_283, %mul3A_325 : i32
      %add3A_327 = arith.constant 3072 : i32
      %add3A_328 = arith.addi %add3A_327, %mul3A_326 : i32
      %swap3A_329 = arith.index_cast %add3A_328 : i32 to index
      %swap3A_330 = tpu.vector_load %arg10[%swap3A_329] {strides = array<i32>} : memref<4096xi32, #tpu.memory_space<vmem>>, vector<16xi32>,
      tpu.vector_store %arg10[%swap3A_329], %broadcast_in_dim3A_112 {strides = array<i32>} : memref<4096xi32, #tpu.memory_space<vmem>>, vector<16xi32>,
      %mul3A_331 = arith.constant 16 : i32
      %mul3A_332 = arith.muli %scan3A_283, %mul3A_331 : i32
      %add3A_333 = arith.constant 3072 : i32
      %add3A_334 = arith.addi %add3A_333, %mul3A_332 : i32
      %swap3A_335 = arith.index_cast %add3A_334 : i32 to index
      %swap3A_336 = tpu.vector_load %arg11[%swap3A_335] {strides = array<i32>} : memref<4096xi32, #tpu.memory_space<vmem>>, vector<16xi32>,
      tpu.vector_store %arg11[%swap3A_335], %broadcast_in_dim3A_112 {strides = array<i32>} : memref<4096xi32, #tpu.memory_space<vmem>>, vector<16xi32>,
      %broadcast_in_dim3A_337 = arith.constant true
      %broadcast_in_dim3A_338 = vector.broadcast %broadcast_in_dim3A_337 : i1 to vector<16xi1>
      %masked_cumsum3A = tpu.scan <sum>, %add3A_313 masked %broadcast_in_dim3A_338 : vector<16xi32>, vector<16xi1> -> vector<16xi32>
      %add3A_339 = vector.broadcast %scan3A_287 : i32 to vector<16xi32>
      %add3A_340 = arith.addi %masked_cumsum3A, %add3A_339 : vector<16xi32>
      %sub3A_341 = arith.subi %add3A_340, %add3A_313 : vector<16xi32>
      %gt3A = vector.broadcast %sub3A_97 : i32 to vector<16xi32>
      %gt3A_342 = arith.cmpi sgt, %add3A_340, %gt3A : vector<16xi32>
      %jit3A_343 = arith.constant 2147483647 : i32
      %broadcast_in_dim3A_344 = vector.broadcast %jit3A_343 : i32 to vector<16xi32>
      %select_n3A_345 = arith.select %gt3A_342, %iota3A_110, %broadcast_in_dim3A_344 : vector<16xi1>, vector<16xi32>
      %reduce_min3A = arith.constant true
      %reduce_min3A_346 = vector.broadcast %reduce_min3A : i1 to vector<16xi1>
      %reduce_min3A_347 = arith.constant -2147483648 : i32
      %reduce_min3A_348 = vector.broadcast %reduce_min3A_347 : i32 to vector<16xi32>
      %reduce_min3A_349 = arith.xori %select_n3A_345, %reduce_min3A_348 : vector<16xi32>
      %reduce_min3A_350 = tpu.scan <min>, %reduce_min3A_349 masked %reduce_min3A_346 : vector<16xi32>, vector<16xi1> -> vector<16xi32>
      %reduce_min3A_351 = arith.xori %reduce_min3A_350, %reduce_min3A_348 : vector<16xi32>
      %reduce_min3A_352 = vector.extract %reduce_min3A_351[15] : i32 from vector<16xi32>
      %lt3A = arith.constant 16 : i32
      %lt3A_353 = arith.cmpi slt, %reduce_min3A_352, %lt3A : i32
      %convert_element_type3A = arith.extui %lt3A_353 : i1 to i32
      %sub3A_354 = arith.constant 1 : i32
      %sub3A_355 = arith.subi %sub3A_354, %scan3A_284 : i32
      %mul3A_356 = arith.muli %convert_element_type3A, %sub3A_355 : i32
      %eq3A = arith.constant 1 : i32
      %eq3A_357 = arith.cmpi eq, %mul3A_356, %eq3A : i32
      %mul3A_358 = arith.constant 16 : i32
      %mul3A_359 = arith.muli %scan3A_283, %mul3A_358 : i32
      %add3A_360 = arith.addi %mul3A_359, %reduce_min3A_352 : i32
      %select_n3A_361 = arith.select %eq3A_357, %add3A_360, %scan3A_285 : i32
      %eq3A_362 = arith.constant 1 : i32
      %eq3A_363 = arith.cmpi eq, %mul3A_356, %eq3A_362 : i32
      %jit3A_364 = arith.constant 2147483647 : i32
      %broadcast_in_dim3A_365 = vector.broadcast %jit3A_364 : i32 to vector<16xi32>
      %select_n3A_366 = arith.select %gt3A_342, %sub3A_341, %broadcast_in_dim3A_365 : vector<16xi1>, vector<16xi32>
      %reduce_min3A_367 = arith.constant true
      %reduce_min3A_368 = vector.broadcast %reduce_min3A_367 : i1 to vector<16xi1>
      %reduce_min3A_369 = arith.constant -2147483648 : i32
      %reduce_min3A_370 = vector.broadcast %reduce_min3A_369 : i32 to vector<16xi32>
      %reduce_min3A_371 = arith.xori %select_n3A_366, %reduce_min3A_370 : vector<16xi32>
      %reduce_min3A_372 = tpu.scan <min>, %reduce_min3A_371 masked %reduce_min3A_368 : vector<16xi32>, vector<16xi1> -> vector<16xi32>
      %reduce_min3A_373 = arith.xori %reduce_min3A_372, %reduce_min3A_370 : vector<16xi32>
      %reduce_min3A_374 = vector.extract %reduce_min3A_373[15] : i32 from vector<16xi32>
      %select_n3A_375 = arith.select %eq3A_363, %reduce_min3A_374, %scan3A_286 : i32
      %max3A = arith.maxsi %scan3A_284, %convert_element_type3A : i32
      %reduce_sum3A = arith.constant true
      %reduce_sum3A_376 = vector.broadcast %reduce_sum3A : i1 to vector<16xi1>
      %reduce_sum3A_377 = tpu.scan <sum>, %add3A_313 masked %reduce_sum3A_376 : vector<16xi32>, vector<16xi1> -> vector<16xi32>
      %reduce_sum3A_378 = vector.extract %reduce_sum3A_377[15] : i32 from vector<16xi32>
      %add3A_379 = arith.addi %scan3A_287, %reduce_sum3A_378 : i32
      scf.yield %max3A, %select_n3A_361, %select_n3A_375, %add3A_379 : i32, i32, i32, i32
    }
    %scan3A_122 = arith.constant 64 : i32
    %shift_left3A_123 = arith.constant 10 : i32
    %shift_left3A_124 = arith.shli %or3A, %shift_left3A_123 : i32
    %or3A_125 = arith.ori %shift_left3A_124, %scan3A_121#1 : i32
    %while3A_126 = arith.constant 0 : i32
    %while3A_127 = arith.constant 0 : i32
    %while3A_128 = arith.subi %select_n3A, %while3A_126 : i32
    %while3A_129 = arith.addi %while3A_126, %while3A_128 : i32
    %while3A_130 = arith.constant 1 : i32
    %while3A_131 = arith.divsi %while3A_128, %while3A_130 : i32
    %while3A_132 = arith.muli %while3A_131, %while3A_130 : i32
    %while3A_133 = arith.addi %while3A_126, %while3A_132 : i32
    %while3A_134 = arith.constant 1 : i32
    %while3A_135 = scf.for %while3A_283 = %while3A_126 to %while3A_133 step %while3A_134 iter_args(%while3A_284 = %while3A_127) -> (i32)  : i32 {
      %mul3A_285 = arith.constant 16 : i32
      %mul3A_286 = arith.muli %while3A_283, %mul3A_285 : i32
      %get3A = arith.index_cast %mul3A_286 : i32 to index
      %get3A_287 = tpu.vector_load %arg6[%get3A] {strides = array<i32>} : memref<8208xf32, #tpu.memory_space<vmem>>, vector<16xf32>,
      %bitcast3A = vector.bitcast %get3A_287 : vector<16xf32> to vector<16xi32>
      %and3A_288 = arith.constant 2147483647 : i32
      %and3A_289 = vector.broadcast %and3A_288 : i32 to vector<16xi32>
      %and3A_290 = arith.andi %bitcast3A, %and3A_289 : vector<16xi32>
      %mul3A_291 = arith.constant 16 : i32
      %mul3A_292 = arith.muli %while3A_283, %mul3A_291 : i32
      %get3A_293 = arith.index_cast %mul3A_292 : i32 to index
      %get3A_294 = tpu.vector_load %arg7[%get3A_293] {strides = array<i32>} : memref<8208xi32, #tpu.memory_space<vmem>>, vector<16xi32>,
      %mul3A_295 = arith.constant 16 : i32
      %mul3A_296 = arith.muli %while3A_283, %mul3A_295 : i32
      %add3A_297 = vector.broadcast %mul3A_296 : i32 to vector<16xi32>
      %add3A_298 = arith.addi %add3A_297, %iota3A : vector<16xi32>
      %lt3A = vector.broadcast %scan3A_63 : i32 to vector<16xi32>
      %lt3A_299 = arith.cmpi slt, %add3A_298, %lt3A : vector<16xi32>
      %ge3A = vector.broadcast %or3A_125 : i32 to vector<16xi32>
      %ge3A_300 = arith.cmpi sge, %and3A_290, %ge3A : vector<16xi32>
      %and3A_301 = arith.andi %lt3A_299, %ge3A_300 : vector<16xi1>
      tpu.vector_store_idx %arg4[%get3A_294], %get3A_287 masked %and3A_301 : memref<32768xf32, #tpu.memory_space<vmem>>[vector<16xi32>], vector<16xf32>, vector<16xi1>
      %while3A_302 = arith.constant 0 : i32
      scf.yield %while3A_302 : i32
    }
    %while3A_136 = arith.constant 1 : i32
    %while3A_137 = scf.for %while3A_283 = %while3A_133 to %while3A_129 step %while3A_136 iter_args(%while3A_284 = %while3A_135) -> (i32)  : i32 {
      %mul3A_285 = arith.constant 16 : i32
      %mul3A_286 = arith.muli %while3A_283, %mul3A_285 : i32
      %get3A = arith.index_cast %mul3A_286 : i32 to index
      %get3A_287 = tpu.vector_load %arg6[%get3A] {strides = array<i32>} : memref<8208xf32, #tpu.memory_space<vmem>>, vector<16xf32>,
      %bitcast3A = vector.bitcast %get3A_287 : vector<16xf32> to vector<16xi32>
      %and3A_288 = arith.constant 2147483647 : i32
      %and3A_289 = vector.broadcast %and3A_288 : i32 to vector<16xi32>
      %and3A_290 = arith.andi %bitcast3A, %and3A_289 : vector<16xi32>
      %mul3A_291 = arith.constant 16 : i32
      %mul3A_292 = arith.muli %while3A_283, %mul3A_291 : i32
      %get3A_293 = arith.index_cast %mul3A_292 : i32 to index
      %get3A_294 = tpu.vector_load %arg7[%get3A_293] {strides = array<i32>} : memref<8208xi32, #tpu.memory_space<vmem>>, vector<16xi32>,
      %mul3A_295 = arith.constant 16 : i32
      %mul3A_296 = arith.muli %while3A_283, %mul3A_295 : i32
      %add3A_297 = vector.broadcast %mul3A_296 : i32 to vector<16xi32>
      %add3A_298 = arith.addi %add3A_297, %iota3A : vector<16xi32>
      %lt3A = vector.broadcast %scan3A_63 : i32 to vector<16xi32>
      %lt3A_299 = arith.cmpi slt, %add3A_298, %lt3A : vector<16xi32>
      %ge3A = vector.broadcast %or3A_125 : i32 to vector<16xi32>
      %ge3A_300 = arith.cmpi sge, %and3A_290, %ge3A : vector<16xi32>
      %and3A_301 = arith.andi %lt3A_299, %ge3A_300 : vector<16xi1>
      tpu.vector_store_idx %arg4[%get3A_294], %get3A_287 masked %and3A_301 : memref<32768xf32, #tpu.memory_space<vmem>>[vector<16xi32>], vector<16xf32>, vector<16xi1>
      %while3A_302 = arith.constant 0 : i32
      scf.yield %while3A_302 : i32
    }
    %dma_start3A_138 = arith.constant 0 : i32
    %dma_start3A_139 = tpu.memref_slice %arg3[%add3A_20, %dma_start3A_138] : memref<64x32768xf32, #tpu.memory_space<hbm>> -> memref<1x32768xf32, #tpu.memory_space<hbm>>
    %dma_start3A_140 = tpu.memref_squeeze %dma_start3A_139 : memref<1x32768xf32, #tpu.memory_space<hbm>> -> memref<32768xf32, #tpu.memory_space<hbm>>
    %dma_start3A_141 = arith.constant 0 : i32
    %dma_start3A_142 = tpu.memref_slice %arg3[%add3A_20, %dma_start3A_141] : memref<64x32768xf32, #tpu.memory_space<hbm>> -> memref<1x32768xf32, #tpu.memory_space<hbm>>
    %dma_start3A_143 = tpu.memref_squeeze %dma_start3A_142 : memref<1x32768xf32, #tpu.memory_space<hbm>> -> memref<32768xf32, #tpu.memory_space<hbm>>
    tpu.enqueue_dma source(%arg4 : memref<32768xf32, #tpu.memory_space<vmem>>) target(%dma_start3A_143 : memref<32768xf32, #tpu.memory_space<hbm>>) target_semaphore(%arg14 : memref<!tpu.dma_semaphore, #tpu.memory_space<semaphore_mem>>)
    %add3A_144 = arith.constant 1 : i32
    %add3A_145 = arith.addi %mul3A_11, %add3A_144 : i32
    %dma_wait3A_146 = arith.constant 0 : i32
    %dma_wait3A_147 = tpu.memref_slice %arg2[%add3A_29, %dma_wait3A_146] : memref<128x32768xf32, #tpu.memory_space<hbm>> -> memref<1x32768xf32, #tpu.memory_space<hbm>>
    %dma_wait3A_148 = tpu.memref_squeeze %dma_wait3A_147 : memref<1x32768xf32, #tpu.memory_space<hbm>> -> memref<32768xf32, #tpu.memory_space<hbm>>
    %dma_wait3A_149 = arith.constant 0 : i32
    %dma_wait3A_150 = tpu.memref_slice %arg2[%add3A_29, %dma_wait3A_149] : memref<128x32768xf32, #tpu.memory_space<hbm>> -> memref<1x32768xf32, #tpu.memory_space<hbm>>
    %dma_wait3A_151 = tpu.memref_squeeze %dma_wait3A_150 : memref<1x32768xf32, #tpu.memory_space<hbm>> -> memref<32768xf32, #tpu.memory_space<hbm>>
    tpu.wait_dma2 semaphore(%arg13 : memref<!tpu.dma_semaphore, #tpu.memory_space<semaphore_mem>>) src(%dma_wait3A_151 : memref<32768xf32, #tpu.memory_space<hbm>>) dst(%arg5 : memref<32768xf32, #tpu.memory_space<vmem>>)
    %scan3A_152 = arith.constant 0 : i32
    %scan3A_153 = arith.constant 0 : i32
    %scan3A_154 = arith.constant 256 : i32
    %scan3A_155 = arith.addi %scan3A_153, %scan3A_154 : i32
    %scan3A_156 = arith.constant 1 : i32
    %scan3A_157 = scf.for %scan3A_283 = %scan3A_153 to %scan3A_155 step %scan3A_156 iter_args(%scan3A_284 = %scan3A_152) -> (i32)  : i32 {
      %mul3A_285 = arith.constant 128 : i32
      %mul3A_286 = arith.muli %scan3A_283, %mul3A_285 : i32
      %add3A_287 = arith.constant 0 : i32
      %add3A_288 = arith.addi %mul3A_286, %add3A_287 : i32
      %get3A = arith.index_cast %add3A_288 : i32 to index
      %get3A_289 = tpu.vector_load %arg5[%get3A] {strides = array<i32>} : memref<32768xf32, #tpu.memory_space<vmem>>, vector<16xf32>,
      %bitcast3A = vector.bitcast %get3A_289 : vector<16xf32> to vector<16xi32>
      %and3A_290 = arith.constant 2147483647 : i32
      %and3A_291 = vector.broadcast %and3A_290 : i32 to vector<16xi32>
      %and3A_292 = arith.andi %bitcast3A, %and3A_291 : vector<16xi32>
      %shift_right_logical3A = arith.constant 20 : i32
      %shift_right_logical3A_293 = vector.broadcast %shift_right_logical3A : i32 to vector<16xi32>
      %shift_right_logical3A_294 = arith.shrui %and3A_292, %shift_right_logical3A_293 : vector<16xi32>
      tpu.vector_store_idx %arg8[%shift_right_logical3A_294], %broadcast_in_dim3A_1 {add = true} : memref<4096xi32, #tpu.memory_space<vmem>>[vector<16xi32>], vector<16xi32>,
      %mul3A_295 = arith.constant 128 : i32
      %mul3A_296 = arith.muli %scan3A_283, %mul3A_295 : i32
      %add3A_297 = arith.constant 16 : i32
      %add3A_298 = arith.addi %mul3A_296, %add3A_297 : i32
      %get3A_299 = arith.index_cast %add3A_298 : i32 to index
      %get3A_300 = tpu.vector_load %arg5[%get3A_299] {strides = array<i32>} : memref<32768xf32, #tpu.memory_space<vmem>>, vector<16xf32>,
      %bitcast3A_301 = vector.bitcast %get3A_300 : vector<16xf32> to vector<16xi32>
      %and3A_302 = arith.constant 2147483647 : i32
      %and3A_303 = vector.broadcast %and3A_302 : i32 to vector<16xi32>
      %and3A_304 = arith.andi %bitcast3A_301, %and3A_303 : vector<16xi32>
      %shift_right_logical3A_305 = arith.constant 20 : i32
      %shift_right_logical3A_306 = vector.broadcast %shift_right_logical3A_305 : i32 to vector<16xi32>
      %shift_right_logical3A_307 = arith.shrui %and3A_304, %shift_right_logical3A_306 : vector<16xi32>
      tpu.vector_store_idx %arg9[%shift_right_logical3A_307], %broadcast_in_dim3A_1 {add = true} : memref<4096xi32, #tpu.memory_space<vmem>>[vector<16xi32>], vector<16xi32>,
      %mul3A_308 = arith.constant 128 : i32
      %mul3A_309 = arith.muli %scan3A_283, %mul3A_308 : i32
      %add3A_310 = arith.constant 32 : i32
      %add3A_311 = arith.addi %mul3A_309, %add3A_310 : i32
      %get3A_312 = arith.index_cast %add3A_311 : i32 to index
      %get3A_313 = tpu.vector_load %arg5[%get3A_312] {strides = array<i32>} : memref<32768xf32, #tpu.memory_space<vmem>>, vector<16xf32>,
      %bitcast3A_314 = vector.bitcast %get3A_313 : vector<16xf32> to vector<16xi32>
      %and3A_315 = arith.constant 2147483647 : i32
      %and3A_316 = vector.broadcast %and3A_315 : i32 to vector<16xi32>
      %and3A_317 = arith.andi %bitcast3A_314, %and3A_316 : vector<16xi32>
      %shift_right_logical3A_318 = arith.constant 20 : i32
      %shift_right_logical3A_319 = vector.broadcast %shift_right_logical3A_318 : i32 to vector<16xi32>
      %shift_right_logical3A_320 = arith.shrui %and3A_317, %shift_right_logical3A_319 : vector<16xi32>
      tpu.vector_store_idx %arg10[%shift_right_logical3A_320], %broadcast_in_dim3A_1 {add = true} : memref<4096xi32, #tpu.memory_space<vmem>>[vector<16xi32>], vector<16xi32>,
      %mul3A_321 = arith.constant 128 : i32
      %mul3A_322 = arith.muli %scan3A_283, %mul3A_321 : i32
      %add3A_323 = arith.constant 48 : i32
      %add3A_324 = arith.addi %mul3A_322, %add3A_323 : i32
      %get3A_325 = arith.index_cast %add3A_324 : i32 to index
      %get3A_326 = tpu.vector_load %arg5[%get3A_325] {strides = array<i32>} : memref<32768xf32, #tpu.memory_space<vmem>>, vector<16xf32>,
      %bitcast3A_327 = vector.bitcast %get3A_326 : vector<16xf32> to vector<16xi32>
      %and3A_328 = arith.constant 2147483647 : i32
      %and3A_329 = vector.broadcast %and3A_328 : i32 to vector<16xi32>
      %and3A_330 = arith.andi %bitcast3A_327, %and3A_329 : vector<16xi32>
      %shift_right_logical3A_331 = arith.constant 20 : i32
      %shift_right_logical3A_332 = vector.broadcast %shift_right_logical3A_331 : i32 to vector<16xi32>
      %shift_right_logical3A_333 = arith.shrui %and3A_330, %shift_right_logical3A_332 : vector<16xi32>
      tpu.vector_store_idx %arg11[%shift_right_logical3A_333], %broadcast_in_dim3A_1 {add = true} : memref<4096xi32, #tpu.memory_space<vmem>>[vector<16xi32>], vector<16xi32>,
      %mul3A_334 = arith.constant 128 : i32
      %mul3A_335 = arith.muli %scan3A_283, %mul3A_334 : i32
      %add3A_336 = arith.constant 64 : i32
      %add3A_337 = arith.addi %mul3A_335, %add3A_336 : i32
      %get3A_338 = arith.index_cast %add3A_337 : i32 to index
      %get3A_339 = tpu.vector_load %arg5[%get3A_338] {strides = array<i32>} : memref<32768xf32, #tpu.memory_space<vmem>>, vector<16xf32>,
      %bitcast3A_340 = vector.bitcast %get3A_339 : vector<16xf32> to vector<16xi32>
      %and3A_341 = arith.constant 2147483647 : i32
      %and3A_342 = vector.broadcast %and3A_341 : i32 to vector<16xi32>
      %and3A_343 = arith.andi %bitcast3A_340, %and3A_342 : vector<16xi32>
      %shift_right_logical3A_344 = arith.constant 20 : i32
      %shift_right_logical3A_345 = vector.broadcast %shift_right_logical3A_344 : i32 to vector<16xi32>
      %shift_right_logical3A_346 = arith.shrui %and3A_343, %shift_right_logical3A_345 : vector<16xi32>
      tpu.vector_store_idx %arg8[%shift_right_logical3A_346], %broadcast_in_dim3A_1 {add = true} : memref<4096xi32, #tpu.memory_space<vmem>>[vector<16xi32>], vector<16xi32>,
      %mul3A_347 = arith.constant 128 : i32
      %mul3A_348 = arith.muli %scan3A_283, %mul3A_347 : i32
      %add3A_349 = arith.constant 80 : i32
      %add3A_350 = arith.addi %mul3A_348, %add3A_349 : i32
      %get3A_351 = arith.index_cast %add3A_350 : i32 to index
      %get3A_352 = tpu.vector_load %arg5[%get3A_351] {strides = array<i32>} : memref<32768xf32, #tpu.memory_space<vmem>>, vector<16xf32>,
      %bitcast3A_353 = vector.bitcast %get3A_352 : vector<16xf32> to vector<16xi32>
      %and3A_354 = arith.constant 2147483647 : i32
      %and3A_355 = vector.broadcast %and3A_354 : i32 to vector<16xi32>
      %and3A_356 = arith.andi %bitcast3A_353, %and3A_355 : vector<16xi32>
      %shift_right_logical3A_357 = arith.constant 20 : i32
      %shift_right_logical3A_358 = vector.broadcast %shift_right_logical3A_357 : i32 to vector<16xi32>
      %shift_right_logical3A_359 = arith.shrui %and3A_356, %shift_right_logical3A_358 : vector<16xi32>
      tpu.vector_store_idx %arg9[%shift_right_logical3A_359], %broadcast_in_dim3A_1 {add = true} : memref<4096xi32, #tpu.memory_space<vmem>>[vector<16xi32>], vector<16xi32>,
      %mul3A_360 = arith.constant 128 : i32
      %mul3A_361 = arith.muli %scan3A_283, %mul3A_360 : i32
      %add3A_362 = arith.constant 96 : i32
      %add3A_363 = arith.addi %mul3A_361, %add3A_362 : i32
      %get3A_364 = arith.index_cast %add3A_363 : i32 to index
      %get3A_365 = tpu.vector_load %arg5[%get3A_364] {strides = array<i32>} : memref<32768xf32, #tpu.memory_space<vmem>>, vector<16xf32>,
      %bitcast3A_366 = vector.bitcast %get3A_365 : vector<16xf32> to vector<16xi32>
      %and3A_367 = arith.constant 2147483647 : i32
      %and3A_368 = vector.broadcast %and3A_367 : i32 to vector<16xi32>
      %and3A_369 = arith.andi %bitcast3A_366, %and3A_368 : vector<16xi32>
      %shift_right_logical3A_370 = arith.constant 20 : i32
      %shift_right_logical3A_371 = vector.broadcast %shift_right_logical3A_370 : i32 to vector<16xi32>
      %shift_right_logical3A_372 = arith.shrui %and3A_369, %shift_right_logical3A_371 : vector<16xi32>
      tpu.vector_store_idx %arg10[%shift_right_logical3A_372], %broadcast_in_dim3A_1 {add = true} : memref<4096xi32, #tpu.memory_space<vmem>>[vector<16xi32>], vector<16xi32>,
      %mul3A_373 = arith.constant 128 : i32
      %mul3A_374 = arith.muli %scan3A_283, %mul3A_373 : i32
      %add3A_375 = arith.constant 112 : i32
      %add3A_376 = arith.addi %mul3A_374, %add3A_375 : i32
      %get3A_377 = arith.index_cast %add3A_376 : i32 to index
      %get3A_378 = tpu.vector_load %arg5[%get3A_377] {strides = array<i32>} : memref<32768xf32, #tpu.memory_space<vmem>>, vector<16xf32>,
      %bitcast3A_379 = vector.bitcast %get3A_378 : vector<16xf32> to vector<16xi32>
      %and3A_380 = arith.constant 2147483647 : i32
      %and3A_381 = vector.broadcast %and3A_380 : i32 to vector<16xi32>
      %and3A_382 = arith.andi %bitcast3A_379, %and3A_381 : vector<16xi32>
      %shift_right_logical3A_383 = arith.constant 20 : i32
      %shift_right_logical3A_384 = vector.broadcast %shift_right_logical3A_383 : i32 to vector<16xi32>
      %shift_right_logical3A_385 = arith.shrui %and3A_382, %shift_right_logical3A_384 : vector<16xi32>
      tpu.vector_store_idx %arg11[%shift_right_logical3A_385], %broadcast_in_dim3A_1 {add = true} : memref<4096xi32, #tpu.memory_space<vmem>>[vector<16xi32>], vector<16xi32>,
      %scan3A_386 = arith.constant 0 : i32
      scf.yield %scan3A_386 : i32
    }
    %scan3A_158 = arith.constant 256 : i32
    %iota3A_159 = tpu.iota {dimensions = array<i32: 0>} : vector<16xi32>
    %broadcast_in_dim3A_160 = arith.constant 0 : i32
    %broadcast_in_dim3A_161 = vector.broadcast %broadcast_in_dim3A_160 : i32 to vector<16xi32>
    %scan3A_162 = arith.constant 32512 : i32
    %scan3A_163 = arith.constant 0 : i32
    %scan3A_164 = arith.constant 0 : i32
    %scan3A_165 = arith.constant 0 : i32
    %scan3A_166 = arith.constant 0 : i32
    %scan3A_167 = arith.constant 0 : i32
    %scan3A_168 = arith.constant 128 : i32
    %scan3A_169 = arith.addi %scan3A_167, %scan3A_168 : i32
    %scan3A_170 = arith.constant 1 : i32
    %scan3A_171:4 = scf.for %scan3A_283 = %scan3A_167 to %scan3A_169 step %scan3A_170 iter_args(%scan3A_284 = %scan3A_163, %scan3A_285 = %scan3A_164, %scan3A_286 = %scan3A_165, %scan3A_287 = %scan3A_166) -> (i32, i32, i32, i32)  : i32 {
      %mul3A_288 = arith.constant 16 : i32
      %mul3A_289 = arith.muli %scan3A_283, %mul3A_288 : i32
      %add3A_290 = arith.constant 0 : i32
      %add3A_291 = arith.addi %add3A_290, %mul3A_289 : i32
      %get3A = arith.index_cast %add3A_291 : i32 to index
      %get3A_292 = tpu.vector_load %arg8[%get3A] {strides = array<i32>} : memref<4096xi32, #tpu.memory_space<vmem>>, vector<16xi32>,
      %mul3A_293 = arith.constant 16 : i32
      %mul3A_294 = arith.muli %scan3A_283, %mul3A_293 : i32
      %add3A_295 = arith.constant 0 : i32
      %add3A_296 = arith.addi %add3A_295, %mul3A_294 : i32
      %get3A_297 = arith.index_cast %add3A_296 : i32 to index
      %get3A_298 = tpu.vector_load %arg9[%get3A_297] {strides = array<i32>} : memref<4096xi32, #tpu.memory_space<vmem>>, vector<16xi32>,
      %mul3A_299 = arith.constant 16 : i32
      %mul3A_300 = arith.muli %scan3A_283, %mul3A_299 : i32
      %add3A_301 = arith.constant 0 : i32
      %add3A_302 = arith.addi %add3A_301, %mul3A_300 : i32
      %get3A_303 = arith.index_cast %add3A_302 : i32 to index
      %get3A_304 = tpu.vector_load %arg10[%get3A_303] {strides = array<i32>} : memref<4096xi32, #tpu.memory_space<vmem>>, vector<16xi32>,
      %mul3A_305 = arith.constant 16 : i32
      %mul3A_306 = arith.muli %scan3A_283, %mul3A_305 : i32
      %add3A_307 = arith.constant 0 : i32
      %add3A_308 = arith.addi %add3A_307, %mul3A_306 : i32
      %get3A_309 = arith.index_cast %add3A_308 : i32 to index
      %get3A_310 = tpu.vector_load %arg11[%get3A_309] {strides = array<i32>} : memref<4096xi32, #tpu.memory_space<vmem>>, vector<16xi32>,
      %add3A_311 = arith.addi %get3A_292, %get3A_298 : vector<16xi32>
      %add3A_312 = arith.addi %add3A_311, %get3A_304 : vector<16xi32>
      %add3A_313 = arith.addi %add3A_312, %get3A_310 : vector<16xi32>
      %mul3A_314 = arith.constant 16 : i32
      %mul3A_315 = arith.muli %scan3A_283, %mul3A_314 : i32
      %add3A_316 = arith.constant 0 : i32
      %add3A_317 = arith.addi %add3A_316, %mul3A_315 : i32
      %swap3A = arith.index_cast %add3A_317 : i32 to index
      %swap3A_318 = tpu.vector_load %arg8[%swap3A] {strides = array<i32>} : memref<4096xi32, #tpu.memory_space<vmem>>, vector<16xi32>,
      tpu.vector_store %arg8[%swap3A], %broadcast_in_dim3A_161 {strides = array<i32>} : memref<4096xi32, #tpu.memory_space<vmem>>, vector<16xi32>,
      %mul3A_319 = arith.constant 16 : i32
      %mul3A_320 = arith.muli %scan3A_283, %mul3A_319 : i32
      %add3A_321 = arith.constant 0 : i32
      %add3A_322 = arith.addi %add3A_321, %mul3A_320 : i32
      %swap3A_323 = arith.index_cast %add3A_322 : i32 to index
      %swap3A_324 = tpu.vector_load %arg9[%swap3A_323] {strides = array<i32>} : memref<4096xi32, #tpu.memory_space<vmem>>, vector<16xi32>,
      tpu.vector_store %arg9[%swap3A_323], %broadcast_in_dim3A_161 {strides = array<i32>} : memref<4096xi32, #tpu.memory_space<vmem>>, vector<16xi32>,
      %mul3A_325 = arith.constant 16 : i32
      %mul3A_326 = arith.muli %scan3A_283, %mul3A_325 : i32
      %add3A_327 = arith.constant 0 : i32
      %add3A_328 = arith.addi %add3A_327, %mul3A_326 : i32
      %swap3A_329 = arith.index_cast %add3A_328 : i32 to index
      %swap3A_330 = tpu.vector_load %arg10[%swap3A_329] {strides = array<i32>} : memref<4096xi32, #tpu.memory_space<vmem>>, vector<16xi32>,
      tpu.vector_store %arg10[%swap3A_329], %broadcast_in_dim3A_161 {strides = array<i32>} : memref<4096xi32, #tpu.memory_space<vmem>>, vector<16xi32>,
      %mul3A_331 = arith.constant 16 : i32
      %mul3A_332 = arith.muli %scan3A_283, %mul3A_331 : i32
      %add3A_333 = arith.constant 0 : i32
      %add3A_334 = arith.addi %add3A_333, %mul3A_332 : i32
      %swap3A_335 = arith.index_cast %add3A_334 : i32 to index
      %swap3A_336 = tpu.vector_load %arg11[%swap3A_335] {strides = array<i32>} : memref<4096xi32, #tpu.memory_space<vmem>>, vector<16xi32>,
      tpu.vector_store %arg11[%swap3A_335], %broadcast_in_dim3A_161 {strides = array<i32>} : memref<4096xi32, #tpu.memory_space<vmem>>, vector<16xi32>,
      %broadcast_in_dim3A_337 = arith.constant true
      %broadcast_in_dim3A_338 = vector.broadcast %broadcast_in_dim3A_337 : i1 to vector<16xi1>
      %masked_cumsum3A = tpu.scan <sum>, %add3A_313 masked %broadcast_in_dim3A_338 : vector<16xi32>, vector<16xi1> -> vector<16xi32>
      %add3A_339 = vector.broadcast %scan3A_287 : i32 to vector<16xi32>
      %add3A_340 = arith.addi %masked_cumsum3A, %add3A_339 : vector<16xi32>
      %sub3A_341 = arith.subi %add3A_340, %add3A_313 : vector<16xi32>
      %gt3A = vector.broadcast %scan3A_162 : i32 to vector<16xi32>
      %gt3A_342 = arith.cmpi sgt, %add3A_340, %gt3A : vector<16xi32>
      %jit3A_343 = arith.constant 2147483647 : i32
      %broadcast_in_dim3A_344 = vector.broadcast %jit3A_343 : i32 to vector<16xi32>
      %select_n3A_345 = arith.select %gt3A_342, %iota3A_159, %broadcast_in_dim3A_344 : vector<16xi1>, vector<16xi32>
      %reduce_min3A = arith.constant true
      %reduce_min3A_346 = vector.broadcast %reduce_min3A : i1 to vector<16xi1>
      %reduce_min3A_347 = arith.constant -2147483648 : i32
      %reduce_min3A_348 = vector.broadcast %reduce_min3A_347 : i32 to vector<16xi32>
      %reduce_min3A_349 = arith.xori %select_n3A_345, %reduce_min3A_348 : vector<16xi32>
      %reduce_min3A_350 = tpu.scan <min>, %reduce_min3A_349 masked %reduce_min3A_346 : vector<16xi32>, vector<16xi1> -> vector<16xi32>
      %reduce_min3A_351 = arith.xori %reduce_min3A_350, %reduce_min3A_348 : vector<16xi32>
      %reduce_min3A_352 = vector.extract %reduce_min3A_351[15] : i32 from vector<16xi32>
      %lt3A = arith.constant 16 : i32
      %lt3A_353 = arith.cmpi slt, %reduce_min3A_352, %lt3A : i32
      %convert_element_type3A = arith.extui %lt3A_353 : i1 to i32
      %sub3A_354 = arith.constant 1 : i32
      %sub3A_355 = arith.subi %sub3A_354, %scan3A_284 : i32
      %mul3A_356 = arith.muli %convert_element_type3A, %sub3A_355 : i32
      %eq3A = arith.constant 1 : i32
      %eq3A_357 = arith.cmpi eq, %mul3A_356, %eq3A : i32
      %mul3A_358 = arith.constant 16 : i32
      %mul3A_359 = arith.muli %scan3A_283, %mul3A_358 : i32
      %add3A_360 = arith.addi %mul3A_359, %reduce_min3A_352 : i32
      %select_n3A_361 = arith.select %eq3A_357, %add3A_360, %scan3A_285 : i32
      %eq3A_362 = arith.constant 1 : i32
      %eq3A_363 = arith.cmpi eq, %mul3A_356, %eq3A_362 : i32
      %jit3A_364 = arith.constant 2147483647 : i32
      %broadcast_in_dim3A_365 = vector.broadcast %jit3A_364 : i32 to vector<16xi32>
      %select_n3A_366 = arith.select %gt3A_342, %sub3A_341, %broadcast_in_dim3A_365 : vector<16xi1>, vector<16xi32>
      %reduce_min3A_367 = arith.constant true
      %reduce_min3A_368 = vector.broadcast %reduce_min3A_367 : i1 to vector<16xi1>
      %reduce_min3A_369 = arith.constant -2147483648 : i32
      %reduce_min3A_370 = vector.broadcast %reduce_min3A_369 : i32 to vector<16xi32>
      %reduce_min3A_371 = arith.xori %select_n3A_366, %reduce_min3A_370 : vector<16xi32>
      %reduce_min3A_372 = tpu.scan <min>, %reduce_min3A_371 masked %reduce_min3A_368 : vector<16xi32>, vector<16xi1> -> vector<16xi32>
      %reduce_min3A_373 = arith.xori %reduce_min3A_372, %reduce_min3A_370 : vector<16xi32>
      %reduce_min3A_374 = vector.extract %reduce_min3A_373[15] : i32 from vector<16xi32>
      %select_n3A_375 = arith.select %eq3A_363, %reduce_min3A_374, %scan3A_286 : i32
      %max3A = arith.maxsi %scan3A_284, %convert_element_type3A : i32
      %reduce_sum3A = arith.constant true
      %reduce_sum3A_376 = vector.broadcast %reduce_sum3A : i1 to vector<16xi1>
      %reduce_sum3A_377 = tpu.scan <sum>, %add3A_313 masked %reduce_sum3A_376 : vector<16xi32>, vector<16xi1> -> vector<16xi32>
      %reduce_sum3A_378 = vector.extract %reduce_sum3A_377[15] : i32 from vector<16xi32>
      %add3A_379 = arith.addi %scan3A_287, %reduce_sum3A_378 : i32
      scf.yield %max3A, %select_n3A_361, %select_n3A_375, %add3A_379 : i32, i32, i32, i32
    }
    %scan3A_172 = arith.constant 128 : i32
    %sub3A_173 = arith.constant 32512 : i32
    %sub3A_174 = arith.subi %sub3A_173, %scan3A_171#2 : i32
    %scan3A_175 = arith.constant 0 : i32
    %scan3A_176 = arith.constant 0 : i32
    %scan3A_177 = arith.constant 256 : i32
    %scan3A_178 = arith.addi %scan3A_176, %scan3A_177 : i32
    %scan3A_179 = arith.constant 1 : i32
    %scan3A_180 = scf.for %scan3A_283 = %scan3A_176 to %scan3A_178 step %scan3A_179 iter_args(%scan3A_284 = %scan3A_175) -> (i32)  : i32 {
      %mul3A_285 = arith.constant 128 : i32
      %mul3A_286 = arith.muli %scan3A_283, %mul3A_285 : i32
      %add3A_287 = arith.constant 0 : i32
      %add3A_288 = arith.addi %mul3A_286, %add3A_287 : i32
      %get3A = arith.index_cast %add3A_288 : i32 to index
      %get3A_289 = tpu.vector_load %arg5[%get3A] {strides = array<i32>} : memref<32768xf32, #tpu.memory_space<vmem>>, vector<16xf32>,
      %bitcast3A = vector.bitcast %get3A_289 : vector<16xf32> to vector<16xi32>
      %and3A_290 = arith.constant 2147483647 : i32
      %and3A_291 = vector.broadcast %and3A_290 : i32 to vector<16xi32>
      %and3A_292 = arith.andi %bitcast3A, %and3A_291 : vector<16xi32>
      %shift_right_logical3A = arith.constant 20 : i32
      %shift_right_logical3A_293 = vector.broadcast %shift_right_logical3A : i32 to vector<16xi32>
      %shift_right_logical3A_294 = arith.shrui %and3A_292, %shift_right_logical3A_293 : vector<16xi32>
      %eq3A = vector.broadcast %scan3A_171#1 : i32 to vector<16xi32>
      %eq3A_295 = arith.cmpi eq, %shift_right_logical3A_294, %eq3A : vector<16xi32>
      %gt3A = vector.broadcast %scan3A_171#1 : i32 to vector<16xi32>
      %gt3A_296 = arith.cmpi sgt, %shift_right_logical3A_294, %gt3A : vector<16xi32>
      %jit3A_297 = arith.constant 0.000000e+00 : f32
      %broadcast_in_dim3A_298 = vector.broadcast %jit3A_297 : f32 to vector<16xf32>
      %select_n3A_299 = arith.select %gt3A_296, %get3A_289, %broadcast_in_dim3A_298 : vector<16xi1>, vector<16xf32>
      %swap3A = arith.index_cast %add3A_288 : i32 to index
      %swap3A_300 = tpu.vector_load %arg5[%swap3A] {strides = array<i32>} : memref<32768xf32, #tpu.memory_space<vmem>>, vector<16xf32>,
      tpu.vector_store %arg5[%swap3A], %select_n3A_299 {strides = array<i32>} : memref<32768xf32, #tpu.memory_space<vmem>>, vector<16xf32>,
      %shift_right_logical3A_301 = arith.constant 10 : i32
      %shift_right_logical3A_302 = vector.broadcast %shift_right_logical3A_301 : i32 to vector<16xi32>
      %shift_right_logical3A_303 = arith.shrui %and3A_292, %shift_right_logical3A_302 : vector<16xi32>
      %and3A_304 = arith.constant 1023 : i32
      %and3A_305 = vector.broadcast %and3A_304 : i32 to vector<16xi32>
      %and3A_306 = arith.andi %shift_right_logical3A_303, %and3A_305 : vector<16xi32>
      %add3A_307 = arith.constant 2048 : i32
      %add3A_308 = vector.broadcast %add3A_307 : i32 to vector<16xi32>
      %add3A_309 = arith.addi %and3A_306, %add3A_308 : vector<16xi32>
      tpu.vector_store_idx %arg8[%add3A_309], %broadcast_in_dim3A_1 masked %eq3A_295 {add = true} : memref<4096xi32, #tpu.memory_space<vmem>>[vector<16xi32>], vector<16xi32>, vector<16xi1>
      %swap3A_310 = arith.index_cast %scan3A_284 : i32 to index
      %swap3A_311 = tpu.vector_load %arg6[%swap3A_310] masked %eq3A_295 {strides = array<i32>} : memref<8208xf32, #tpu.memory_space<vmem>>, vector<16xf32>, vector<16xi1>
      tpu.vector_store %arg6[%swap3A_310], %get3A_289 masked %eq3A_295 {strides = array<i32>} : memref<8208xf32, #tpu.memory_space<vmem>>, vector<16xf32>, vector<16xi1>
      %add3A_312 = vector.broadcast %add3A_288 : i32 to vector<16xi32>
      %add3A_313 = arith.addi %iota3A, %add3A_312 : vector<16xi32>
      %swap3A_314 = arith.index_cast %scan3A_284 : i32 to index
      %swap3A_315 = tpu.vector_load %arg7[%swap3A_314] masked %eq3A_295 {strides = array<i32>} : memref<8208xi32, #tpu.memory_space<vmem>>, vector<16xi32>, vector<16xi1>
      tpu.vector_store %arg7[%swap3A_314], %add3A_313 masked %eq3A_295 {strides = array<i32>} : memref<8208xi32, #tpu.memory_space<vmem>>, vector<16xi32>, vector<16xi1>
      %convert_element_type3A = arith.extui %eq3A_295 : vector<16xi1> to vector<16xi32>
      %reduce_sum3A = arith.constant true
      %reduce_sum3A_316 = vector.broadcast %reduce_sum3A : i1 to vector<16xi1>
      %reduce_sum3A_317 = tpu.scan <sum>, %convert_element_type3A masked %reduce_sum3A_316 : vector<16xi32>, vector<16xi1> -> vector<16xi32>
      %reduce_sum3A_318 = vector.extract %reduce_sum3A_317[15] : i32 from vector<16xi32>
      %add3A_319 = arith.addi %scan3A_284, %reduce_sum3A_318 : i32
      %mul3A_320 = arith.constant 128 : i32
      %mul3A_321 = arith.muli %scan3A_283, %mul3A_320 : i32
      %add3A_322 = arith.constant 16 : i32
      %add3A_323 = arith.addi %mul3A_321, %add3A_322 : i32
      %get3A_324 = arith.index_cast %add3A_323 : i32 to index
      %get3A_325 = tpu.vector_load %arg5[%get3A_324] {strides = array<i32>} : memref<32768xf32, #tpu.memory_space<vmem>>, vector<16xf32>,
      %bitcast3A_326 = vector.bitcast %get3A_325 : vector<16xf32> to vector<16xi32>
      %and3A_327 = arith.constant 2147483647 : i32
      %and3A_328 = vector.broadcast %and3A_327 : i32 to vector<16xi32>
      %and3A_329 = arith.andi %bitcast3A_326, %and3A_328 : vector<16xi32>
      %shift_right_logical3A_330 = arith.constant 20 : i32
      %shift_right_logical3A_331 = vector.broadcast %shift_right_logical3A_330 : i32 to vector<16xi32>
      %shift_right_logical3A_332 = arith.shrui %and3A_329, %shift_right_logical3A_331 : vector<16xi32>
      %eq3A_333 = vector.broadcast %scan3A_171#1 : i32 to vector<16xi32>
      %eq3A_334 = arith.cmpi eq, %shift_right_logical3A_332, %eq3A_333 : vector<16xi32>
      %gt3A_335 = vector.broadcast %scan3A_171#1 : i32 to vector<16xi32>
      %gt3A_336 = arith.cmpi sgt, %shift_right_logical3A_332, %gt3A_335 : vector<16xi32>
      %jit3A_337 = arith.constant 0.000000e+00 : f32
      %broadcast_in_dim3A_338 = vector.broadcast %jit3A_337 : f32 to vector<16xf32>
      %select_n3A_339 = arith.select %gt3A_336, %get3A_325, %broadcast_in_dim3A_338 : vector<16xi1>, vector<16xf32>
      %swap3A_340 = arith.index_cast %add3A_323 : i32 to index
      %swap3A_341 = tpu.vector_load %arg5[%swap3A_340] {strides = array<i32>} : memref<32768xf32, #tpu.memory_space<vmem>>, vector<16xf32>,
      tpu.vector_store %arg5[%swap3A_340], %select_n3A_339 {strides = array<i32>} : memref<32768xf32, #tpu.memory_space<vmem>>, vector<16xf32>,
      %shift_right_logical3A_342 = arith.constant 10 : i32
      %shift_right_logical3A_343 = vector.broadcast %shift_right_logical3A_342 : i32 to vector<16xi32>
      %shift_right_logical3A_344 = arith.shrui %and3A_329, %shift_right_logical3A_343 : vector<16xi32>
      %and3A_345 = arith.constant 1023 : i32
      %and3A_346 = vector.broadcast %and3A_345 : i32 to vector<16xi32>
      %and3A_347 = arith.andi %shift_right_logical3A_344, %and3A_346 : vector<16xi32>
      %add3A_348 = arith.constant 2048 : i32
      %add3A_349 = vector.broadcast %add3A_348 : i32 to vector<16xi32>
      %add3A_350 = arith.addi %and3A_347, %add3A_349 : vector<16xi32>
      tpu.vector_store_idx %arg9[%add3A_350], %broadcast_in_dim3A_1 masked %eq3A_334 {add = true} : memref<4096xi32, #tpu.memory_space<vmem>>[vector<16xi32>], vector<16xi32>, vector<16xi1>
      %swap3A_351 = arith.index_cast %add3A_319 : i32 to index
      %swap3A_352 = tpu.vector_load %arg6[%swap3A_351] masked %eq3A_334 {strides = array<i32>} : memref<8208xf32, #tpu.memory_space<vmem>>, vector<16xf32>, vector<16xi1>
      tpu.vector_store %arg6[%swap3A_351], %get3A_325 masked %eq3A_334 {strides = array<i32>} : memref<8208xf32, #tpu.memory_space<vmem>>, vector<16xf32>, vector<16xi1>
      %add3A_353 = vector.broadcast %add3A_323 : i32 to vector<16xi32>
      %add3A_354 = arith.addi %iota3A, %add3A_353 : vector<16xi32>
      %swap3A_355 = arith.index_cast %add3A_319 : i32 to index
      %swap3A_356 = tpu.vector_load %arg7[%swap3A_355] masked %eq3A_334 {strides = array<i32>} : memref<8208xi32, #tpu.memory_space<vmem>>, vector<16xi32>, vector<16xi1>
      tpu.vector_store %arg7[%swap3A_355], %add3A_354 masked %eq3A_334 {strides = array<i32>} : memref<8208xi32, #tpu.memory_space<vmem>>, vector<16xi32>, vector<16xi1>
      %convert_element_type3A_357 = arith.extui %eq3A_334 : vector<16xi1> to vector<16xi32>
      %reduce_sum3A_358 = arith.constant true
      %reduce_sum3A_359 = vector.broadcast %reduce_sum3A_358 : i1 to vector<16xi1>
      %reduce_sum3A_360 = tpu.scan <sum>, %convert_element_type3A_357 masked %reduce_sum3A_359 : vector<16xi32>, vector<16xi1> -> vector<16xi32>
      %reduce_sum3A_361 = vector.extract %reduce_sum3A_360[15] : i32 from vector<16xi32>
      %add3A_362 = arith.addi %add3A_319, %reduce_sum3A_361 : i32
      %mul3A_363 = arith.constant 128 : i32
      %mul3A_364 = arith.muli %scan3A_283, %mul3A_363 : i32
      %add3A_365 = arith.constant 32 : i32
      %add3A_366 = arith.addi %mul3A_364, %add3A_365 : i32
      %get3A_367 = arith.index_cast %add3A_366 : i32 to index
      %get3A_368 = tpu.vector_load %arg5[%get3A_367] {strides = array<i32>} : memref<32768xf32, #tpu.memory_space<vmem>>, vector<16xf32>,
      %bitcast3A_369 = vector.bitcast %get3A_368 : vector<16xf32> to vector<16xi32>
      %and3A_370 = arith.constant 2147483647 : i32
      %and3A_371 = vector.broadcast %and3A_370 : i32 to vector<16xi32>
      %and3A_372 = arith.andi %bitcast3A_369, %and3A_371 : vector<16xi32>
      %shift_right_logical3A_373 = arith.constant 20 : i32
      %shift_right_logical3A_374 = vector.broadcast %shift_right_logical3A_373 : i32 to vector<16xi32>
      %shift_right_logical3A_375 = arith.shrui %and3A_372, %shift_right_logical3A_374 : vector<16xi32>
      %eq3A_376 = vector.broadcast %scan3A_171#1 : i32 to vector<16xi32>
      %eq3A_377 = arith.cmpi eq, %shift_right_logical3A_375, %eq3A_376 : vector<16xi32>
      %gt3A_378 = vector.broadcast %scan3A_171#1 : i32 to vector<16xi32>
      %gt3A_379 = arith.cmpi sgt, %shift_right_logical3A_375, %gt3A_378 : vector<16xi32>
      %jit3A_380 = arith.constant 0.000000e+00 : f32
      %broadcast_in_dim3A_381 = vector.broadcast %jit3A_380 : f32 to vector<16xf32>
      %select_n3A_382 = arith.select %gt3A_379, %get3A_368, %broadcast_in_dim3A_381 : vector<16xi1>, vector<16xf32>
      %swap3A_383 = arith.index_cast %add3A_366 : i32 to index
      %swap3A_384 = tpu.vector_load %arg5[%swap3A_383] {strides = array<i32>} : memref<32768xf32, #tpu.memory_space<vmem>>, vector<16xf32>,
      tpu.vector_store %arg5[%swap3A_383], %select_n3A_382 {strides = array<i32>} : memref<32768xf32, #tpu.memory_space<vmem>>, vector<16xf32>,
      %shift_right_logical3A_385 = arith.constant 10 : i32
      %shift_right_logical3A_386 = vector.broadcast %shift_right_logical3A_385 : i32 to vector<16xi32>
      %shift_right_logical3A_387 = arith.shrui %and3A_372, %shift_right_logical3A_386 : vector<16xi32>
      %and3A_388 = arith.constant 1023 : i32
      %and3A_389 = vector.broadcast %and3A_388 : i32 to vector<16xi32>
      %and3A_390 = arith.andi %shift_right_logical3A_387, %and3A_389 : vector<16xi32>
      %add3A_391 = arith.constant 2048 : i32
      %add3A_392 = vector.broadcast %add3A_391 : i32 to vector<16xi32>
      %add3A_393 = arith.addi %and3A_390, %add3A_392 : vector<16xi32>
      tpu.vector_store_idx %arg10[%add3A_393], %broadcast_in_dim3A_1 masked %eq3A_377 {add = true} : memref<4096xi32, #tpu.memory_space<vmem>>[vector<16xi32>], vector<16xi32>, vector<16xi1>
      %swap3A_394 = arith.index_cast %add3A_362 : i32 to index
      %swap3A_395 = tpu.vector_load %arg6[%swap3A_394] masked %eq3A_377 {strides = array<i32>} : memref<8208xf32, #tpu.memory_space<vmem>>, vector<16xf32>, vector<16xi1>
      tpu.vector_store %arg6[%swap3A_394], %get3A_368 masked %eq3A_377 {strides = array<i32>} : memref<8208xf32, #tpu.memory_space<vmem>>, vector<16xf32>, vector<16xi1>
      %add3A_396 = vector.broadcast %add3A_366 : i32 to vector<16xi32>
      %add3A_397 = arith.addi %iota3A, %add3A_396 : vector<16xi32>
      %swap3A_398 = arith.index_cast %add3A_362 : i32 to index
      %swap3A_399 = tpu.vector_load %arg7[%swap3A_398] masked %eq3A_377 {strides = array<i32>} : memref<8208xi32, #tpu.memory_space<vmem>>, vector<16xi32>, vector<16xi1>
      tpu.vector_store %arg7[%swap3A_398], %add3A_397 masked %eq3A_377 {strides = array<i32>} : memref<8208xi32, #tpu.memory_space<vmem>>, vector<16xi32>, vector<16xi1>
      %convert_element_type3A_400 = arith.extui %eq3A_377 : vector<16xi1> to vector<16xi32>
      %reduce_sum3A_401 = arith.constant true
      %reduce_sum3A_402 = vector.broadcast %reduce_sum3A_401 : i1 to vector<16xi1>
      %reduce_sum3A_403 = tpu.scan <sum>, %convert_element_type3A_400 masked %reduce_sum3A_402 : vector<16xi32>, vector<16xi1> -> vector<16xi32>
      %reduce_sum3A_404 = vector.extract %reduce_sum3A_403[15] : i32 from vector<16xi32>
      %add3A_405 = arith.addi %add3A_362, %reduce_sum3A_404 : i32
      %mul3A_406 = arith.constant 128 : i32
      %mul3A_407 = arith.muli %scan3A_283, %mul3A_406 : i32
      %add3A_408 = arith.constant 48 : i32
      %add3A_409 = arith.addi %mul3A_407, %add3A_408 : i32
      %get3A_410 = arith.index_cast %add3A_409 : i32 to index
      %get3A_411 = tpu.vector_load %arg5[%get3A_410] {strides = array<i32>} : memref<32768xf32, #tpu.memory_space<vmem>>, vector<16xf32>,
      %bitcast3A_412 = vector.bitcast %get3A_411 : vector<16xf32> to vector<16xi32>
      %and3A_413 = arith.constant 2147483647 : i32
      %and3A_414 = vector.broadcast %and3A_413 : i32 to vector<16xi32>
      %and3A_415 = arith.andi %bitcast3A_412, %and3A_414 : vector<16xi32>
      %shift_right_logical3A_416 = arith.constant 20 : i32
      %shift_right_logical3A_417 = vector.broadcast %shift_right_logical3A_416 : i32 to vector<16xi32>
      %shift_right_logical3A_418 = arith.shrui %and3A_415, %shift_right_logical3A_417 : vector<16xi32>
      %eq3A_419 = vector.broadcast %scan3A_171#1 : i32 to vector<16xi32>
      %eq3A_420 = arith.cmpi eq, %shift_right_logical3A_418, %eq3A_419 : vector<16xi32>
      %gt3A_421 = vector.broadcast %scan3A_171#1 : i32 to vector<16xi32>
      %gt3A_422 = arith.cmpi sgt, %shift_right_logical3A_418, %gt3A_421 : vector<16xi32>
      %jit3A_423 = arith.constant 0.000000e+00 : f32
      %broadcast_in_dim3A_424 = vector.broadcast %jit3A_423 : f32 to vector<16xf32>
      %select_n3A_425 = arith.select %gt3A_422, %get3A_411, %broadcast_in_dim3A_424 : vector<16xi1>, vector<16xf32>
      %swap3A_426 = arith.index_cast %add3A_409 : i32 to index
      %swap3A_427 = tpu.vector_load %arg5[%swap3A_426] {strides = array<i32>} : memref<32768xf32, #tpu.memory_space<vmem>>, vector<16xf32>,
      tpu.vector_store %arg5[%swap3A_426], %select_n3A_425 {strides = array<i32>} : memref<32768xf32, #tpu.memory_space<vmem>>, vector<16xf32>,
      %shift_right_logical3A_428 = arith.constant 10 : i32
      %shift_right_logical3A_429 = vector.broadcast %shift_right_logical3A_428 : i32 to vector<16xi32>
      %shift_right_logical3A_430 = arith.shrui %and3A_415, %shift_right_logical3A_429 : vector<16xi32>
      %and3A_431 = arith.constant 1023 : i32
      %and3A_432 = vector.broadcast %and3A_431 : i32 to vector<16xi32>
      %and3A_433 = arith.andi %shift_right_logical3A_430, %and3A_432 : vector<16xi32>
      %add3A_434 = arith.constant 2048 : i32
      %add3A_435 = vector.broadcast %add3A_434 : i32 to vector<16xi32>
      %add3A_436 = arith.addi %and3A_433, %add3A_435 : vector<16xi32>
      tpu.vector_store_idx %arg11[%add3A_436], %broadcast_in_dim3A_1 masked %eq3A_420 {add = true} : memref<4096xi32, #tpu.memory_space<vmem>>[vector<16xi32>], vector<16xi32>, vector<16xi1>
      %swap3A_437 = arith.index_cast %add3A_405 : i32 to index
      %swap3A_438 = tpu.vector_load %arg6[%swap3A_437] masked %eq3A_420 {strides = array<i32>} : memref<8208xf32, #tpu.memory_space<vmem>>, vector<16xf32>, vector<16xi1>
      tpu.vector_store %arg6[%swap3A_437], %get3A_411 masked %eq3A_420 {strides = array<i32>} : memref<8208xf32, #tpu.memory_space<vmem>>, vector<16xf32>, vector<16xi1>
      %add3A_439 = vector.broadcast %add3A_409 : i32 to vector<16xi32>
      %add3A_440 = arith.addi %iota3A, %add3A_439 : vector<16xi32>
      %swap3A_441 = arith.index_cast %add3A_405 : i32 to index
      %swap3A_442 = tpu.vector_load %arg7[%swap3A_441] masked %eq3A_420 {strides = array<i32>} : memref<8208xi32, #tpu.memory_space<vmem>>, vector<16xi32>, vector<16xi1>
      tpu.vector_store %arg7[%swap3A_441], %add3A_440 masked %eq3A_420 {strides = array<i32>} : memref<8208xi32, #tpu.memory_space<vmem>>, vector<16xi32>, vector<16xi1>
      %convert_element_type3A_443 = arith.extui %eq3A_420 : vector<16xi1> to vector<16xi32>
      %reduce_sum3A_444 = arith.constant true
      %reduce_sum3A_445 = vector.broadcast %reduce_sum3A_444 : i1 to vector<16xi1>
      %reduce_sum3A_446 = tpu.scan <sum>, %convert_element_type3A_443 masked %reduce_sum3A_445 : vector<16xi32>, vector<16xi1> -> vector<16xi32>
      %reduce_sum3A_447 = vector.extract %reduce_sum3A_446[15] : i32 from vector<16xi32>
      %add3A_448 = arith.addi %add3A_405, %reduce_sum3A_447 : i32
      %mul3A_449 = arith.constant 128 : i32
      %mul3A_450 = arith.muli %scan3A_283, %mul3A_449 : i32
      %add3A_451 = arith.constant 64 : i32
      %add3A_452 = arith.addi %mul3A_450, %add3A_451 : i32
      %get3A_453 = arith.index_cast %add3A_452 : i32 to index
      %get3A_454 = tpu.vector_load %arg5[%get3A_453] {strides = array<i32>} : memref<32768xf32, #tpu.memory_space<vmem>>, vector<16xf32>,
      %bitcast3A_455 = vector.bitcast %get3A_454 : vector<16xf32> to vector<16xi32>
      %and3A_456 = arith.constant 2147483647 : i32
      %and3A_457 = vector.broadcast %and3A_456 : i32 to vector<16xi32>
      %and3A_458 = arith.andi %bitcast3A_455, %and3A_457 : vector<16xi32>
      %shift_right_logical3A_459 = arith.constant 20 : i32
      %shift_right_logical3A_460 = vector.broadcast %shift_right_logical3A_459 : i32 to vector<16xi32>
      %shift_right_logical3A_461 = arith.shrui %and3A_458, %shift_right_logical3A_460 : vector<16xi32>
      %eq3A_462 = vector.broadcast %scan3A_171#1 : i32 to vector<16xi32>
      %eq3A_463 = arith.cmpi eq, %shift_right_logical3A_461, %eq3A_462 : vector<16xi32>
      %gt3A_464 = vector.broadcast %scan3A_171#1 : i32 to vector<16xi32>
      %gt3A_465 = arith.cmpi sgt, %shift_right_logical3A_461, %gt3A_464 : vector<16xi32>
      %jit3A_466 = arith.constant 0.000000e+00 : f32
      %broadcast_in_dim3A_467 = vector.broadcast %jit3A_466 : f32 to vector<16xf32>
      %select_n3A_468 = arith.select %gt3A_465, %get3A_454, %broadcast_in_dim3A_467 : vector<16xi1>, vector<16xf32>
      %swap3A_469 = arith.index_cast %add3A_452 : i32 to index
      %swap3A_470 = tpu.vector_load %arg5[%swap3A_469] {strides = array<i32>} : memref<32768xf32, #tpu.memory_space<vmem>>, vector<16xf32>,
      tpu.vector_store %arg5[%swap3A_469], %select_n3A_468 {strides = array<i32>} : memref<32768xf32, #tpu.memory_space<vmem>>, vector<16xf32>,
      %shift_right_logical3A_471 = arith.constant 10 : i32
      %shift_right_logical3A_472 = vector.broadcast %shift_right_logical3A_471 : i32 to vector<16xi32>
      %shift_right_logical3A_473 = arith.shrui %and3A_458, %shift_right_logical3A_472 : vector<16xi32>
      %and3A_474 = arith.constant 1023 : i32
      %and3A_475 = vector.broadcast %and3A_474 : i32 to vector<16xi32>
      %and3A_476 = arith.andi %shift_right_logical3A_473, %and3A_475 : vector<16xi32>
      %add3A_477 = arith.constant 2048 : i32
      %add3A_478 = vector.broadcast %add3A_477 : i32 to vector<16xi32>
      %add3A_479 = arith.addi %and3A_476, %add3A_478 : vector<16xi32>
      tpu.vector_store_idx %arg8[%add3A_479], %broadcast_in_dim3A_1 masked %eq3A_463 {add = true} : memref<4096xi32, #tpu.memory_space<vmem>>[vector<16xi32>], vector<16xi32>, vector<16xi1>
      %swap3A_480 = arith.index_cast %add3A_448 : i32 to index
      %swap3A_481 = tpu.vector_load %arg6[%swap3A_480] masked %eq3A_463 {strides = array<i32>} : memref<8208xf32, #tpu.memory_space<vmem>>, vector<16xf32>, vector<16xi1>
      tpu.vector_store %arg6[%swap3A_480], %get3A_454 masked %eq3A_463 {strides = array<i32>} : memref<8208xf32, #tpu.memory_space<vmem>>, vector<16xf32>, vector<16xi1>
      %add3A_482 = vector.broadcast %add3A_452 : i32 to vector<16xi32>
      %add3A_483 = arith.addi %iota3A, %add3A_482 : vector<16xi32>
      %swap3A_484 = arith.index_cast %add3A_448 : i32 to index
      %swap3A_485 = tpu.vector_load %arg7[%swap3A_484] masked %eq3A_463 {strides = array<i32>} : memref<8208xi32, #tpu.memory_space<vmem>>, vector<16xi32>, vector<16xi1>
      tpu.vector_store %arg7[%swap3A_484], %add3A_483 masked %eq3A_463 {strides = array<i32>} : memref<8208xi32, #tpu.memory_space<vmem>>, vector<16xi32>, vector<16xi1>
      %convert_element_type3A_486 = arith.extui %eq3A_463 : vector<16xi1> to vector<16xi32>
      %reduce_sum3A_487 = arith.constant true
      %reduce_sum3A_488 = vector.broadcast %reduce_sum3A_487 : i1 to vector<16xi1>
      %reduce_sum3A_489 = tpu.scan <sum>, %convert_element_type3A_486 masked %reduce_sum3A_488 : vector<16xi32>, vector<16xi1> -> vector<16xi32>
      %reduce_sum3A_490 = vector.extract %reduce_sum3A_489[15] : i32 from vector<16xi32>
      %add3A_491 = arith.addi %add3A_448, %reduce_sum3A_490 : i32
      %mul3A_492 = arith.constant 128 : i32
      %mul3A_493 = arith.muli %scan3A_283, %mul3A_492 : i32
      %add3A_494 = arith.constant 80 : i32
      %add3A_495 = arith.addi %mul3A_493, %add3A_494 : i32
      %get3A_496 = arith.index_cast %add3A_495 : i32 to index
      %get3A_497 = tpu.vector_load %arg5[%get3A_496] {strides = array<i32>} : memref<32768xf32, #tpu.memory_space<vmem>>, vector<16xf32>,
      %bitcast3A_498 = vector.bitcast %get3A_497 : vector<16xf32> to vector<16xi32>
      %and3A_499 = arith.constant 2147483647 : i32
      %and3A_500 = vector.broadcast %and3A_499 : i32 to vector<16xi32>
      %and3A_501 = arith.andi %bitcast3A_498, %and3A_500 : vector<16xi32>
      %shift_right_logical3A_502 = arith.constant 20 : i32
      %shift_right_logical3A_503 = vector.broadcast %shift_right_logical3A_502 : i32 to vector<16xi32>
      %shift_right_logical3A_504 = arith.shrui %and3A_501, %shift_right_logical3A_503 : vector<16xi32>
      %eq3A_505 = vector.broadcast %scan3A_171#1 : i32 to vector<16xi32>
      %eq3A_506 = arith.cmpi eq, %shift_right_logical3A_504, %eq3A_505 : vector<16xi32>
      %gt3A_507 = vector.broadcast %scan3A_171#1 : i32 to vector<16xi32>
      %gt3A_508 = arith.cmpi sgt, %shift_right_logical3A_504, %gt3A_507 : vector<16xi32>
      %jit3A_509 = arith.constant 0.000000e+00 : f32
      %broadcast_in_dim3A_510 = vector.broadcast %jit3A_509 : f32 to vector<16xf32>
      %select_n3A_511 = arith.select %gt3A_508, %get3A_497, %broadcast_in_dim3A_510 : vector<16xi1>, vector<16xf32>
      %swap3A_512 = arith.index_cast %add3A_495 : i32 to index
      %swap3A_513 = tpu.vector_load %arg5[%swap3A_512] {strides = array<i32>} : memref<32768xf32, #tpu.memory_space<vmem>>, vector<16xf32>,
      tpu.vector_store %arg5[%swap3A_512], %select_n3A_511 {strides = array<i32>} : memref<32768xf32, #tpu.memory_space<vmem>>, vector<16xf32>,
      %shift_right_logical3A_514 = arith.constant 10 : i32
      %shift_right_logical3A_515 = vector.broadcast %shift_right_logical3A_514 : i32 to vector<16xi32>
      %shift_right_logical3A_516 = arith.shrui %and3A_501, %shift_right_logical3A_515 : vector<16xi32>
      %and3A_517 = arith.constant 1023 : i32
      %and3A_518 = vector.broadcast %and3A_517 : i32 to vector<16xi32>
      %and3A_519 = arith.andi %shift_right_logical3A_516, %and3A_518 : vector<16xi32>
      %add3A_520 = arith.constant 2048 : i32
      %add3A_521 = vector.broadcast %add3A_520 : i32 to vector<16xi32>
      %add3A_522 = arith.addi %and3A_519, %add3A_521 : vector<16xi32>
      tpu.vector_store_idx %arg9[%add3A_522], %broadcast_in_dim3A_1 masked %eq3A_506 {add = true} : memref<4096xi32, #tpu.memory_space<vmem>>[vector<16xi32>], vector<16xi32>, vector<16xi1>
      %swap3A_523 = arith.index_cast %add3A_491 : i32 to index
      %swap3A_524 = tpu.vector_load %arg6[%swap3A_523] masked %eq3A_506 {strides = array<i32>} : memref<8208xf32, #tpu.memory_space<vmem>>, vector<16xf32>, vector<16xi1>
      tpu.vector_store %arg6[%swap3A_523], %get3A_497 masked %eq3A_506 {strides = array<i32>} : memref<8208xf32, #tpu.memory_space<vmem>>, vector<16xf32>, vector<16xi1>
      %add3A_525 = vector.broadcast %add3A_495 : i32 to vector<16xi32>
      %add3A_526 = arith.addi %iota3A, %add3A_525 : vector<16xi32>
      %swap3A_527 = arith.index_cast %add3A_491 : i32 to index
      %swap3A_528 = tpu.vector_load %arg7[%swap3A_527] masked %eq3A_506 {strides = array<i32>} : memref<8208xi32, #tpu.memory_space<vmem>>, vector<16xi32>, vector<16xi1>
      tpu.vector_store %arg7[%swap3A_527], %add3A_526 masked %eq3A_506 {strides = array<i32>} : memref<8208xi32, #tpu.memory_space<vmem>>, vector<16xi32>, vector<16xi1>
      %convert_element_type3A_529 = arith.extui %eq3A_506 : vector<16xi1> to vector<16xi32>
      %reduce_sum3A_530 = arith.constant true
      %reduce_sum3A_531 = vector.broadcast %reduce_sum3A_530 : i1 to vector<16xi1>
      %reduce_sum3A_532 = tpu.scan <sum>, %convert_element_type3A_529 masked %reduce_sum3A_531 : vector<16xi32>, vector<16xi1> -> vector<16xi32>
      %reduce_sum3A_533 = vector.extract %reduce_sum3A_532[15] : i32 from vector<16xi32>
      %add3A_534 = arith.addi %add3A_491, %reduce_sum3A_533 : i32
      %mul3A_535 = arith.constant 128 : i32
      %mul3A_536 = arith.muli %scan3A_283, %mul3A_535 : i32
      %add3A_537 = arith.constant 96 : i32
      %add3A_538 = arith.addi %mul3A_536, %add3A_537 : i32
      %get3A_539 = arith.index_cast %add3A_538 : i32 to index
      %get3A_540 = tpu.vector_load %arg5[%get3A_539] {strides = array<i32>} : memref<32768xf32, #tpu.memory_space<vmem>>, vector<16xf32>,
      %bitcast3A_541 = vector.bitcast %get3A_540 : vector<16xf32> to vector<16xi32>
      %and3A_542 = arith.constant 2147483647 : i32
      %and3A_543 = vector.broadcast %and3A_542 : i32 to vector<16xi32>
      %and3A_544 = arith.andi %bitcast3A_541, %and3A_543 : vector<16xi32>
      %shift_right_logical3A_545 = arith.constant 20 : i32
      %shift_right_logical3A_546 = vector.broadcast %shift_right_logical3A_545 : i32 to vector<16xi32>
      %shift_right_logical3A_547 = arith.shrui %and3A_544, %shift_right_logical3A_546 : vector<16xi32>
      %eq3A_548 = vector.broadcast %scan3A_171#1 : i32 to vector<16xi32>
      %eq3A_549 = arith.cmpi eq, %shift_right_logical3A_547, %eq3A_548 : vector<16xi32>
      %gt3A_550 = vector.broadcast %scan3A_171#1 : i32 to vector<16xi32>
      %gt3A_551 = arith.cmpi sgt, %shift_right_logical3A_547, %gt3A_550 : vector<16xi32>
      %jit3A_552 = arith.constant 0.000000e+00 : f32
      %broadcast_in_dim3A_553 = vector.broadcast %jit3A_552 : f32 to vector<16xf32>
      %select_n3A_554 = arith.select %gt3A_551, %get3A_540, %broadcast_in_dim3A_553 : vector<16xi1>, vector<16xf32>
      %swap3A_555 = arith.index_cast %add3A_538 : i32 to index
      %swap3A_556 = tpu.vector_load %arg5[%swap3A_555] {strides = array<i32>} : memref<32768xf32, #tpu.memory_space<vmem>>, vector<16xf32>,
      tpu.vector_store %arg5[%swap3A_555], %select_n3A_554 {strides = array<i32>} : memref<32768xf32, #tpu.memory_space<vmem>>, vector<16xf32>,
      %shift_right_logical3A_557 = arith.constant 10 : i32
      %shift_right_logical3A_558 = vector.broadcast %shift_right_logical3A_557 : i32 to vector<16xi32>
      %shift_right_logical3A_559 = arith.shrui %and3A_544, %shift_right_logical3A_558 : vector<16xi32>
      %and3A_560 = arith.constant 1023 : i32
      %and3A_561 = vector.broadcast %and3A_560 : i32 to vector<16xi32>
      %and3A_562 = arith.andi %shift_right_logical3A_559, %and3A_561 : vector<16xi32>
      %add3A_563 = arith.constant 2048 : i32
      %add3A_564 = vector.broadcast %add3A_563 : i32 to vector<16xi32>
      %add3A_565 = arith.addi %and3A_562, %add3A_564 : vector<16xi32>
      tpu.vector_store_idx %arg10[%add3A_565], %broadcast_in_dim3A_1 masked %eq3A_549 {add = true} : memref<4096xi32, #tpu.memory_space<vmem>>[vector<16xi32>], vector<16xi32>, vector<16xi1>
      %swap3A_566 = arith.index_cast %add3A_534 : i32 to index
      %swap3A_567 = tpu.vector_load %arg6[%swap3A_566] masked %eq3A_549 {strides = array<i32>} : memref<8208xf32, #tpu.memory_space<vmem>>, vector<16xf32>, vector<16xi1>
      tpu.vector_store %arg6[%swap3A_566], %get3A_540 masked %eq3A_549 {strides = array<i32>} : memref<8208xf32, #tpu.memory_space<vmem>>, vector<16xf32>, vector<16xi1>
      %add3A_568 = vector.broadcast %add3A_538 : i32 to vector<16xi32>
      %add3A_569 = arith.addi %iota3A, %add3A_568 : vector<16xi32>
      %swap3A_570 = arith.index_cast %add3A_534 : i32 to index
      %swap3A_571 = tpu.vector_load %arg7[%swap3A_570] masked %eq3A_549 {strides = array<i32>} : memref<8208xi32, #tpu.memory_space<vmem>>, vector<16xi32>, vector<16xi1>
      tpu.vector_store %arg7[%swap3A_570], %add3A_569 masked %eq3A_549 {strides = array<i32>} : memref<8208xi32, #tpu.memory_space<vmem>>, vector<16xi32>, vector<16xi1>
      %convert_element_type3A_572 = arith.extui %eq3A_549 : vector<16xi1> to vector<16xi32>
      %reduce_sum3A_573 = arith.constant true
      %reduce_sum3A_574 = vector.broadcast %reduce_sum3A_573 : i1 to vector<16xi1>
      %reduce_sum3A_575 = tpu.scan <sum>, %convert_element_type3A_572 masked %reduce_sum3A_574 : vector<16xi32>, vector<16xi1> -> vector<16xi32>
      %reduce_sum3A_576 = vector.extract %reduce_sum3A_575[15] : i32 from vector<16xi32>
      %add3A_577 = arith.addi %add3A_534, %reduce_sum3A_576 : i32
      %mul3A_578 = arith.constant 128 : i32
      %mul3A_579 = arith.muli %scan3A_283, %mul3A_578 : i32
      %add3A_580 = arith.constant 112 : i32
      %add3A_581 = arith.addi %mul3A_579, %add3A_580 : i32
      %get3A_582 = arith.index_cast %add3A_581 : i32 to index
      %get3A_583 = tpu.vector_load %arg5[%get3A_582] {strides = array<i32>} : memref<32768xf32, #tpu.memory_space<vmem>>, vector<16xf32>,
      %bitcast3A_584 = vector.bitcast %get3A_583 : vector<16xf32> to vector<16xi32>
      %and3A_585 = arith.constant 2147483647 : i32
      %and3A_586 = vector.broadcast %and3A_585 : i32 to vector<16xi32>
      %and3A_587 = arith.andi %bitcast3A_584, %and3A_586 : vector<16xi32>
      %shift_right_logical3A_588 = arith.constant 20 : i32
      %shift_right_logical3A_589 = vector.broadcast %shift_right_logical3A_588 : i32 to vector<16xi32>
      %shift_right_logical3A_590 = arith.shrui %and3A_587, %shift_right_logical3A_589 : vector<16xi32>
      %eq3A_591 = vector.broadcast %scan3A_171#1 : i32 to vector<16xi32>
      %eq3A_592 = arith.cmpi eq, %shift_right_logical3A_590, %eq3A_591 : vector<16xi32>
      %gt3A_593 = vector.broadcast %scan3A_171#1 : i32 to vector<16xi32>
      %gt3A_594 = arith.cmpi sgt, %shift_right_logical3A_590, %gt3A_593 : vector<16xi32>
      %jit3A_595 = arith.constant 0.000000e+00 : f32
      %broadcast_in_dim3A_596 = vector.broadcast %jit3A_595 : f32 to vector<16xf32>
      %select_n3A_597 = arith.select %gt3A_594, %get3A_583, %broadcast_in_dim3A_596 : vector<16xi1>, vector<16xf32>
      %swap3A_598 = arith.index_cast %add3A_581 : i32 to index
      %swap3A_599 = tpu.vector_load %arg5[%swap3A_598] {strides = array<i32>} : memref<32768xf32, #tpu.memory_space<vmem>>, vector<16xf32>,
      tpu.vector_store %arg5[%swap3A_598], %select_n3A_597 {strides = array<i32>} : memref<32768xf32, #tpu.memory_space<vmem>>, vector<16xf32>,
      %shift_right_logical3A_600 = arith.constant 10 : i32
      %shift_right_logical3A_601 = vector.broadcast %shift_right_logical3A_600 : i32 to vector<16xi32>
      %shift_right_logical3A_602 = arith.shrui %and3A_587, %shift_right_logical3A_601 : vector<16xi32>
      %and3A_603 = arith.constant 1023 : i32
      %and3A_604 = vector.broadcast %and3A_603 : i32 to vector<16xi32>
      %and3A_605 = arith.andi %shift_right_logical3A_602, %and3A_604 : vector<16xi32>
      %add3A_606 = arith.constant 2048 : i32
      %add3A_607 = vector.broadcast %add3A_606 : i32 to vector<16xi32>
      %add3A_608 = arith.addi %and3A_605, %add3A_607 : vector<16xi32>
      tpu.vector_store_idx %arg11[%add3A_608], %broadcast_in_dim3A_1 masked %eq3A_592 {add = true} : memref<4096xi32, #tpu.memory_space<vmem>>[vector<16xi32>], vector<16xi32>, vector<16xi1>
      %swap3A_609 = arith.index_cast %add3A_577 : i32 to index
      %swap3A_610 = tpu.vector_load %arg6[%swap3A_609] masked %eq3A_592 {strides = array<i32>} : memref<8208xf32, #tpu.memory_space<vmem>>, vector<16xf32>, vector<16xi1>
      tpu.vector_store %arg6[%swap3A_609], %get3A_583 masked %eq3A_592 {strides = array<i32>} : memref<8208xf32, #tpu.memory_space<vmem>>, vector<16xf32>, vector<16xi1>
      %add3A_611 = vector.broadcast %add3A_581 : i32 to vector<16xi32>
      %add3A_612 = arith.addi %iota3A, %add3A_611 : vector<16xi32>
      %swap3A_613 = arith.index_cast %add3A_577 : i32 to index
      %swap3A_614 = tpu.vector_load %arg7[%swap3A_613] masked %eq3A_592 {strides = array<i32>} : memref<8208xi32, #tpu.memory_space<vmem>>, vector<16xi32>, vector<16xi1>
      tpu.vector_store %arg7[%swap3A_613], %add3A_612 masked %eq3A_592 {strides = array<i32>} : memref<8208xi32, #tpu.memory_space<vmem>>, vector<16xi32>, vector<16xi1>
      %convert_element_type3A_615 = arith.extui %eq3A_592 : vector<16xi1> to vector<16xi32>
      %reduce_sum3A_616 = arith.constant true
      %reduce_sum3A_617 = vector.broadcast %reduce_sum3A_616 : i1 to vector<16xi1>
      %reduce_sum3A_618 = tpu.scan <sum>, %convert_element_type3A_615 masked %reduce_sum3A_617 : vector<16xi32>, vector<16xi1> -> vector<16xi32>
      %reduce_sum3A_619 = vector.extract %reduce_sum3A_618[15] : i32 from vector<16xi32>
      %add3A_620 = arith.addi %add3A_577, %reduce_sum3A_619 : i32
      scf.yield %add3A_620 : i32
    }
    %scan3A_181 = arith.constant 256 : i32
    %add3A_182 = arith.constant 15 : i32
    %add3A_183 = arith.addi %scan3A_180, %add3A_182 : i32
    %jit3A_184 = arith.constant 16 : i32
    %div3A_185 = arith.divsi %add3A_183, %jit3A_184 : i32
    %sign3A_186 = arith.constant 0 : i32
    %sign3A_187 = arith.cmpi sgt, %add3A_183, %sign3A_186 : i32
    %sign3A_188 = arith.extui %sign3A_187 : i1 to i32
    %sign3A_189 = arith.constant 0 : i32
    %sign3A_190 = arith.cmpi slt, %add3A_183, %sign3A_189 : i32
    %sign3A_191 = arith.extui %sign3A_190 : i1 to i32
    %sign3A_192 = arith.subi %sign3A_188, %sign3A_191 : i32
    %sign3A_193 = arith.constant 0 : i32
    %sign3A_194 = arith.cmpi sgt, %jit3A_184, %sign3A_193 : i32
    %sign3A_195 = arith.extui %sign3A_194 : i1 to i32
    %sign3A_196 = arith.constant 0 : i32
    %sign3A_197 = arith.cmpi slt, %jit3A_184, %sign3A_196 : i32
    %sign3A_198 = arith.extui %sign3A_197 : i1 to i32
    %sign3A_199 = arith.subi %sign3A_195, %sign3A_198 : i32
    %ne3A_200 = arith.cmpi ne, %sign3A_192, %sign3A_199 : i32
    %rem3A_201 = arith.remsi %add3A_183, %jit3A_184 : i32
    %ne3A_202 = arith.constant 0 : i32
    %ne3A_203 = arith.cmpi ne, %rem3A_201, %ne3A_202 : i32
    %and3A_204 = arith.andi %ne3A_200, %ne3A_203 : i1
    %sub3A_205 = arith.constant 1 : i32
    %sub3A_206 = arith.subi %div3A_185, %sub3A_205 : i32
    %select_n3A_207 = arith.select %and3A_204, %sub3A_206, %div3A_185 : i32
    %iota3A_208 = tpu.iota {dimensions = array<i32: 0>} : vector<16xi32>
    %broadcast_in_dim3A_209 = arith.constant 0 : i32
    %broadcast_in_dim3A_210 = vector.broadcast %broadcast_in_dim3A_209 : i32 to vector<16xi32>
    %scan3A_211 = arith.constant 0 : i32
    %scan3A_212 = arith.constant 0 : i32
    %scan3A_213 = arith.constant 0 : i32
    %scan3A_214 = arith.constant 0 : i32
    %scan3A_215 = arith.constant 0 : i32
    %scan3A_216 = arith.constant 64 : i32
    %scan3A_217 = arith.addi %scan3A_215, %scan3A_216 : i32
    %scan3A_218 = arith.constant 1 : i32
    %scan3A_219:4 = scf.for %scan3A_283 = %scan3A_215 to %scan3A_217 step %scan3A_218 iter_args(%scan3A_284 = %scan3A_211, %scan3A_285 = %scan3A_212, %scan3A_286 = %scan3A_213, %scan3A_287 = %scan3A_214) -> (i32, i32, i32, i32)  : i32 {
      %mul3A_288 = arith.constant 16 : i32
      %mul3A_289 = arith.muli %scan3A_283, %mul3A_288 : i32
      %add3A_290 = arith.constant 2048 : i32
      %add3A_291 = arith.addi %add3A_290, %mul3A_289 : i32
      %get3A = arith.index_cast %add3A_291 : i32 to index
      %get3A_292 = tpu.vector_load %arg8[%get3A] {strides = array<i32>} : memref<4096xi32, #tpu.memory_space<vmem>>, vector<16xi32>,
      %mul3A_293 = arith.constant 16 : i32
      %mul3A_294 = arith.muli %scan3A_283, %mul3A_293 : i32
      %add3A_295 = arith.constant 2048 : i32
      %add3A_296 = arith.addi %add3A_295, %mul3A_294 : i32
      %get3A_297 = arith.index_cast %add3A_296 : i32 to index
      %get3A_298 = tpu.vector_load %arg9[%get3A_297] {strides = array<i32>} : memref<4096xi32, #tpu.memory_space<vmem>>, vector<16xi32>,
      %mul3A_299 = arith.constant 16 : i32
      %mul3A_300 = arith.muli %scan3A_283, %mul3A_299 : i32
      %add3A_301 = arith.constant 2048 : i32
      %add3A_302 = arith.addi %add3A_301, %mul3A_300 : i32
      %get3A_303 = arith.index_cast %add3A_302 : i32 to index
      %get3A_304 = tpu.vector_load %arg10[%get3A_303] {strides = array<i32>} : memref<4096xi32, #tpu.memory_space<vmem>>, vector<16xi32>,
      %mul3A_305 = arith.constant 16 : i32
      %mul3A_306 = arith.muli %scan3A_283, %mul3A_305 : i32
      %add3A_307 = arith.constant 2048 : i32
      %add3A_308 = arith.addi %add3A_307, %mul3A_306 : i32
      %get3A_309 = arith.index_cast %add3A_308 : i32 to index
      %get3A_310 = tpu.vector_load %arg11[%get3A_309] {strides = array<i32>} : memref<4096xi32, #tpu.memory_space<vmem>>, vector<16xi32>,
      %add3A_311 = arith.addi %get3A_292, %get3A_298 : vector<16xi32>
      %add3A_312 = arith.addi %add3A_311, %get3A_304 : vector<16xi32>
      %add3A_313 = arith.addi %add3A_312, %get3A_310 : vector<16xi32>
      %mul3A_314 = arith.constant 16 : i32
      %mul3A_315 = arith.muli %scan3A_283, %mul3A_314 : i32
      %add3A_316 = arith.constant 2048 : i32
      %add3A_317 = arith.addi %add3A_316, %mul3A_315 : i32
      %swap3A = arith.index_cast %add3A_317 : i32 to index
      %swap3A_318 = tpu.vector_load %arg8[%swap3A] {strides = array<i32>} : memref<4096xi32, #tpu.memory_space<vmem>>, vector<16xi32>,
      tpu.vector_store %arg8[%swap3A], %broadcast_in_dim3A_210 {strides = array<i32>} : memref<4096xi32, #tpu.memory_space<vmem>>, vector<16xi32>,
      %mul3A_319 = arith.constant 16 : i32
      %mul3A_320 = arith.muli %scan3A_283, %mul3A_319 : i32
      %add3A_321 = arith.constant 2048 : i32
      %add3A_322 = arith.addi %add3A_321, %mul3A_320 : i32
      %swap3A_323 = arith.index_cast %add3A_322 : i32 to index
      %swap3A_324 = tpu.vector_load %arg9[%swap3A_323] {strides = array<i32>} : memref<4096xi32, #tpu.memory_space<vmem>>, vector<16xi32>,
      tpu.vector_store %arg9[%swap3A_323], %broadcast_in_dim3A_210 {strides = array<i32>} : memref<4096xi32, #tpu.memory_space<vmem>>, vector<16xi32>,
      %mul3A_325 = arith.constant 16 : i32
      %mul3A_326 = arith.muli %scan3A_283, %mul3A_325 : i32
      %add3A_327 = arith.constant 2048 : i32
      %add3A_328 = arith.addi %add3A_327, %mul3A_326 : i32
      %swap3A_329 = arith.index_cast %add3A_328 : i32 to index
      %swap3A_330 = tpu.vector_load %arg10[%swap3A_329] {strides = array<i32>} : memref<4096xi32, #tpu.memory_space<vmem>>, vector<16xi32>,
      tpu.vector_store %arg10[%swap3A_329], %broadcast_in_dim3A_210 {strides = array<i32>} : memref<4096xi32, #tpu.memory_space<vmem>>, vector<16xi32>,
      %mul3A_331 = arith.constant 16 : i32
      %mul3A_332 = arith.muli %scan3A_283, %mul3A_331 : i32
      %add3A_333 = arith.constant 2048 : i32
      %add3A_334 = arith.addi %add3A_333, %mul3A_332 : i32
      %swap3A_335 = arith.index_cast %add3A_334 : i32 to index
      %swap3A_336 = tpu.vector_load %arg11[%swap3A_335] {strides = array<i32>} : memref<4096xi32, #tpu.memory_space<vmem>>, vector<16xi32>,
      tpu.vector_store %arg11[%swap3A_335], %broadcast_in_dim3A_210 {strides = array<i32>} : memref<4096xi32, #tpu.memory_space<vmem>>, vector<16xi32>,
      %broadcast_in_dim3A_337 = arith.constant true
      %broadcast_in_dim3A_338 = vector.broadcast %broadcast_in_dim3A_337 : i1 to vector<16xi1>
      %masked_cumsum3A = tpu.scan <sum>, %add3A_313 masked %broadcast_in_dim3A_338 : vector<16xi32>, vector<16xi1> -> vector<16xi32>
      %add3A_339 = vector.broadcast %scan3A_287 : i32 to vector<16xi32>
      %add3A_340 = arith.addi %masked_cumsum3A, %add3A_339 : vector<16xi32>
      %sub3A_341 = arith.subi %add3A_340, %add3A_313 : vector<16xi32>
      %gt3A = vector.broadcast %sub3A_174 : i32 to vector<16xi32>
      %gt3A_342 = arith.cmpi sgt, %add3A_340, %gt3A : vector<16xi32>
      %jit3A_343 = arith.constant 2147483647 : i32
      %broadcast_in_dim3A_344 = vector.broadcast %jit3A_343 : i32 to vector<16xi32>
      %select_n3A_345 = arith.select %gt3A_342, %iota3A_208, %broadcast_in_dim3A_344 : vector<16xi1>, vector<16xi32>
      %reduce_min3A = arith.constant true
      %reduce_min3A_346 = vector.broadcast %reduce_min3A : i1 to vector<16xi1>
      %reduce_min3A_347 = arith.constant -2147483648 : i32
      %reduce_min3A_348 = vector.broadcast %reduce_min3A_347 : i32 to vector<16xi32>
      %reduce_min3A_349 = arith.xori %select_n3A_345, %reduce_min3A_348 : vector<16xi32>
      %reduce_min3A_350 = tpu.scan <min>, %reduce_min3A_349 masked %reduce_min3A_346 : vector<16xi32>, vector<16xi1> -> vector<16xi32>
      %reduce_min3A_351 = arith.xori %reduce_min3A_350, %reduce_min3A_348 : vector<16xi32>
      %reduce_min3A_352 = vector.extract %reduce_min3A_351[15] : i32 from vector<16xi32>
      %lt3A = arith.constant 16 : i32
      %lt3A_353 = arith.cmpi slt, %reduce_min3A_352, %lt3A : i32
      %convert_element_type3A = arith.extui %lt3A_353 : i1 to i32
      %sub3A_354 = arith.constant 1 : i32
      %sub3A_355 = arith.subi %sub3A_354, %scan3A_284 : i32
      %mul3A_356 = arith.muli %convert_element_type3A, %sub3A_355 : i32
      %eq3A = arith.constant 1 : i32
      %eq3A_357 = arith.cmpi eq, %mul3A_356, %eq3A : i32
      %mul3A_358 = arith.constant 16 : i32
      %mul3A_359 = arith.muli %scan3A_283, %mul3A_358 : i32
      %add3A_360 = arith.addi %mul3A_359, %reduce_min3A_352 : i32
      %select_n3A_361 = arith.select %eq3A_357, %add3A_360, %scan3A_285 : i32
      %eq3A_362 = arith.constant 1 : i32
      %eq3A_363 = arith.cmpi eq, %mul3A_356, %eq3A_362 : i32
      %jit3A_364 = arith.constant 2147483647 : i32
      %broadcast_in_dim3A_365 = vector.broadcast %jit3A_364 : i32 to vector<16xi32>
      %select_n3A_366 = arith.select %gt3A_342, %sub3A_341, %broadcast_in_dim3A_365 : vector<16xi1>, vector<16xi32>
      %reduce_min3A_367 = arith.constant true
      %reduce_min3A_368 = vector.broadcast %reduce_min3A_367 : i1 to vector<16xi1>
      %reduce_min3A_369 = arith.constant -2147483648 : i32
      %reduce_min3A_370 = vector.broadcast %reduce_min3A_369 : i32 to vector<16xi32>
      %reduce_min3A_371 = arith.xori %select_n3A_366, %reduce_min3A_370 : vector<16xi32>
      %reduce_min3A_372 = tpu.scan <min>, %reduce_min3A_371 masked %reduce_min3A_368 : vector<16xi32>, vector<16xi1> -> vector<16xi32>
      %reduce_min3A_373 = arith.xori %reduce_min3A_372, %reduce_min3A_370 : vector<16xi32>
      %reduce_min3A_374 = vector.extract %reduce_min3A_373[15] : i32 from vector<16xi32>
      %select_n3A_375 = arith.select %eq3A_363, %reduce_min3A_374, %scan3A_286 : i32
      %max3A = arith.maxsi %scan3A_284, %convert_element_type3A : i32
      %reduce_sum3A = arith.constant true
      %reduce_sum3A_376 = vector.broadcast %reduce_sum3A : i1 to vector<16xi1>
      %reduce_sum3A_377 = tpu.scan <sum>, %add3A_313 masked %reduce_sum3A_376 : vector<16xi32>, vector<16xi1> -> vector<16xi32>
      %reduce_sum3A_378 = vector.extract %reduce_sum3A_377[15] : i32 from vector<16xi32>
      %add3A_379 = arith.addi %scan3A_287, %reduce_sum3A_378 : i32
      scf.yield %max3A, %select_n3A_361, %select_n3A_375, %add3A_379 : i32, i32, i32, i32
    }
    %scan3A_220 = arith.constant 64 : i32
    %sub3A_221 = arith.subi %sub3A_174, %scan3A_219#2 : i32
    %shift_left3A_222 = arith.constant 10 : i32
    %shift_left3A_223 = arith.shli %scan3A_171#1, %shift_left3A_222 : i32
    %or3A_224 = arith.ori %shift_left3A_223, %scan3A_219#1 : i32
    %while3A_225 = arith.constant 0 : i32
    %while3A_226 = arith.constant 0 : i32
    %while3A_227 = arith.subi %select_n3A_207, %while3A_225 : i32
    %while3A_228 = arith.addi %while3A_225, %while3A_227 : i32
    %while3A_229 = arith.constant 1 : i32
    %while3A_230 = arith.divsi %while3A_227, %while3A_229 : i32
    %while3A_231 = arith.muli %while3A_230, %while3A_229 : i32
    %while3A_232 = arith.addi %while3A_225, %while3A_231 : i32
    %while3A_233 = arith.constant 1 : i32
    %while3A_234 = scf.for %while3A_283 = %while3A_225 to %while3A_232 step %while3A_233 iter_args(%while3A_284 = %while3A_226) -> (i32)  : i32 {
      %mul3A_285 = arith.constant 16 : i32
      %mul3A_286 = arith.muli %while3A_283, %mul3A_285 : i32
      %get3A = arith.index_cast %mul3A_286 : i32 to index
      %get3A_287 = tpu.vector_load %arg6[%get3A] {strides = array<i32>} : memref<8208xf32, #tpu.memory_space<vmem>>, vector<16xf32>,
      %bitcast3A = vector.bitcast %get3A_287 : vector<16xf32> to vector<16xi32>
      %and3A_288 = arith.constant 2147483647 : i32
      %and3A_289 = vector.broadcast %and3A_288 : i32 to vector<16xi32>
      %and3A_290 = arith.andi %bitcast3A, %and3A_289 : vector<16xi32>
      %mul3A_291 = arith.constant 16 : i32
      %mul3A_292 = arith.muli %while3A_283, %mul3A_291 : i32
      %add3A_293 = vector.broadcast %mul3A_292 : i32 to vector<16xi32>
      %add3A_294 = arith.addi %add3A_293, %iota3A : vector<16xi32>
      %lt3A = vector.broadcast %scan3A_180 : i32 to vector<16xi32>
      %lt3A_295 = arith.cmpi slt, %add3A_294, %lt3A : vector<16xi32>
      %shift_right_logical3A = arith.constant 10 : i32
      %shift_right_logical3A_296 = vector.broadcast %shift_right_logical3A : i32 to vector<16xi32>
      %shift_right_logical3A_297 = arith.shrui %and3A_290, %shift_right_logical3A_296 : vector<16xi32>
      %eq3A = vector.broadcast %or3A_224 : i32 to vector<16xi32>
      %eq3A_298 = arith.cmpi eq, %shift_right_logical3A_297, %eq3A : vector<16xi32>
      %and3A_299 = arith.andi %lt3A_295, %eq3A_298 : vector<16xi1>
      %and3A_300 = arith.constant 1023 : i32
      %and3A_301 = vector.broadcast %and3A_300 : i32 to vector<16xi32>
      %and3A_302 = arith.andi %and3A_290, %and3A_301 : vector<16xi32>
      %add3A_303 = arith.constant 3072 : i32
      %add3A_304 = vector.broadcast %add3A_303 : i32 to vector<16xi32>
      %add3A_305 = arith.addi %and3A_302, %add3A_304 : vector<16xi32>
      tpu.vector_store_idx %arg8[%add3A_305], %broadcast_in_dim3A_1 masked %and3A_299 {add = true} : memref<4096xi32, #tpu.memory_space<vmem>>[vector<16xi32>], vector<16xi32>, vector<16xi1>
      %while3A_306 = arith.constant 0 : i32
      scf.yield %while3A_306 : i32
    }
    %while3A_235 = arith.constant 1 : i32
    %while3A_236 = scf.for %while3A_283 = %while3A_232 to %while3A_228 step %while3A_235 iter_args(%while3A_284 = %while3A_234) -> (i32)  : i32 {
      %mul3A_285 = arith.constant 16 : i32
      %mul3A_286 = arith.muli %while3A_283, %mul3A_285 : i32
      %get3A = arith.index_cast %mul3A_286 : i32 to index
      %get3A_287 = tpu.vector_load %arg6[%get3A] {strides = array<i32>} : memref<8208xf32, #tpu.memory_space<vmem>>, vector<16xf32>,
      %bitcast3A = vector.bitcast %get3A_287 : vector<16xf32> to vector<16xi32>
      %and3A_288 = arith.constant 2147483647 : i32
      %and3A_289 = vector.broadcast %and3A_288 : i32 to vector<16xi32>
      %and3A_290 = arith.andi %bitcast3A, %and3A_289 : vector<16xi32>
      %mul3A_291 = arith.constant 16 : i32
      %mul3A_292 = arith.muli %while3A_283, %mul3A_291 : i32
      %add3A_293 = vector.broadcast %mul3A_292 : i32 to vector<16xi32>
      %add3A_294 = arith.addi %add3A_293, %iota3A : vector<16xi32>
      %lt3A = vector.broadcast %scan3A_180 : i32 to vector<16xi32>
      %lt3A_295 = arith.cmpi slt, %add3A_294, %lt3A : vector<16xi32>
      %shift_right_logical3A = arith.constant 10 : i32
      %shift_right_logical3A_296 = vector.broadcast %shift_right_logical3A : i32 to vector<16xi32>
      %shift_right_logical3A_297 = arith.shrui %and3A_290, %shift_right_logical3A_296 : vector<16xi32>
      %eq3A = vector.broadcast %or3A_224 : i32 to vector<16xi32>
      %eq3A_298 = arith.cmpi eq, %shift_right_logical3A_297, %eq3A : vector<16xi32>
      %and3A_299 = arith.andi %lt3A_295, %eq3A_298 : vector<16xi1>
      %and3A_300 = arith.constant 1023 : i32
      %and3A_301 = vector.broadcast %and3A_300 : i32 to vector<16xi32>
      %and3A_302 = arith.andi %and3A_290, %and3A_301 : vector<16xi32>
      %add3A_303 = arith.constant 3072 : i32
      %add3A_304 = vector.broadcast %add3A_303 : i32 to vector<16xi32>
      %add3A_305 = arith.addi %and3A_302, %add3A_304 : vector<16xi32>
      tpu.vector_store_idx %arg8[%add3A_305], %broadcast_in_dim3A_1 masked %and3A_299 {add = true} : memref<4096xi32, #tpu.memory_space<vmem>>[vector<16xi32>], vector<16xi32>, vector<16xi1>
      %while3A_306 = arith.constant 0 : i32
      scf.yield %while3A_306 : i32
    }
    %iota3A_237 = tpu.iota {dimensions = array<i32: 0>} : vector<16xi32>
    %broadcast_in_dim3A_238 = arith.constant 0 : i32
    %broadcast_in_dim3A_239 = vector.broadcast %broadcast_in_dim3A_238 : i32 to vector<16xi32>
    %scan3A_240 = arith.constant 0 : i32
    %scan3A_241 = arith.constant 0 : i32
    %scan3A_242 = arith.constant 0 : i32
    %scan3A_243 = arith.constant 0 : i32
    %scan3A_244 = arith.constant 0 : i32
    %scan3A_245 = arith.constant 64 : i32
    %scan3A_246 = arith.addi %scan3A_244, %scan3A_245 : i32
    %scan3A_247 = arith.constant 1 : i32
    %scan3A_248:4 = scf.for %scan3A_283 = %scan3A_244 to %scan3A_246 step %scan3A_247 iter_args(%scan3A_284 = %scan3A_240, %scan3A_285 = %scan3A_241, %scan3A_286 = %scan3A_242, %scan3A_287 = %scan3A_243) -> (i32, i32, i32, i32)  : i32 {
      %mul3A_288 = arith.constant 16 : i32
      %mul3A_289 = arith.muli %scan3A_283, %mul3A_288 : i32
      %add3A_290 = arith.constant 3072 : i32
      %add3A_291 = arith.addi %add3A_290, %mul3A_289 : i32
      %get3A = arith.index_cast %add3A_291 : i32 to index
      %get3A_292 = tpu.vector_load %arg8[%get3A] {strides = array<i32>} : memref<4096xi32, #tpu.memory_space<vmem>>, vector<16xi32>,
      %mul3A_293 = arith.constant 16 : i32
      %mul3A_294 = arith.muli %scan3A_283, %mul3A_293 : i32
      %add3A_295 = arith.constant 3072 : i32
      %add3A_296 = arith.addi %add3A_295, %mul3A_294 : i32
      %get3A_297 = arith.index_cast %add3A_296 : i32 to index
      %get3A_298 = tpu.vector_load %arg9[%get3A_297] {strides = array<i32>} : memref<4096xi32, #tpu.memory_space<vmem>>, vector<16xi32>,
      %mul3A_299 = arith.constant 16 : i32
      %mul3A_300 = arith.muli %scan3A_283, %mul3A_299 : i32
      %add3A_301 = arith.constant 3072 : i32
      %add3A_302 = arith.addi %add3A_301, %mul3A_300 : i32
      %get3A_303 = arith.index_cast %add3A_302 : i32 to index
      %get3A_304 = tpu.vector_load %arg10[%get3A_303] {strides = array<i32>} : memref<4096xi32, #tpu.memory_space<vmem>>, vector<16xi32>,
      %mul3A_305 = arith.constant 16 : i32
      %mul3A_306 = arith.muli %scan3A_283, %mul3A_305 : i32
      %add3A_307 = arith.constant 3072 : i32
      %add3A_308 = arith.addi %add3A_307, %mul3A_306 : i32
      %get3A_309 = arith.index_cast %add3A_308 : i32 to index
      %get3A_310 = tpu.vector_load %arg11[%get3A_309] {strides = array<i32>} : memref<4096xi32, #tpu.memory_space<vmem>>, vector<16xi32>,
      %add3A_311 = arith.addi %get3A_292, %get3A_298 : vector<16xi32>
      %add3A_312 = arith.addi %add3A_311, %get3A_304 : vector<16xi32>
      %add3A_313 = arith.addi %add3A_312, %get3A_310 : vector<16xi32>
      %mul3A_314 = arith.constant 16 : i32
      %mul3A_315 = arith.muli %scan3A_283, %mul3A_314 : i32
      %add3A_316 = arith.constant 3072 : i32
      %add3A_317 = arith.addi %add3A_316, %mul3A_315 : i32
      %swap3A = arith.index_cast %add3A_317 : i32 to index
      %swap3A_318 = tpu.vector_load %arg8[%swap3A] {strides = array<i32>} : memref<4096xi32, #tpu.memory_space<vmem>>, vector<16xi32>,
      tpu.vector_store %arg8[%swap3A], %broadcast_in_dim3A_239 {strides = array<i32>} : memref<4096xi32, #tpu.memory_space<vmem>>, vector<16xi32>,
      %mul3A_319 = arith.constant 16 : i32
      %mul3A_320 = arith.muli %scan3A_283, %mul3A_319 : i32
      %add3A_321 = arith.constant 3072 : i32
      %add3A_322 = arith.addi %add3A_321, %mul3A_320 : i32
      %swap3A_323 = arith.index_cast %add3A_322 : i32 to index
      %swap3A_324 = tpu.vector_load %arg9[%swap3A_323] {strides = array<i32>} : memref<4096xi32, #tpu.memory_space<vmem>>, vector<16xi32>,
      tpu.vector_store %arg9[%swap3A_323], %broadcast_in_dim3A_239 {strides = array<i32>} : memref<4096xi32, #tpu.memory_space<vmem>>, vector<16xi32>,
      %mul3A_325 = arith.constant 16 : i32
      %mul3A_326 = arith.muli %scan3A_283, %mul3A_325 : i32
      %add3A_327 = arith.constant 3072 : i32
      %add3A_328 = arith.addi %add3A_327, %mul3A_326 : i32
      %swap3A_329 = arith.index_cast %add3A_328 : i32 to index
      %swap3A_330 = tpu.vector_load %arg10[%swap3A_329] {strides = array<i32>} : memref<4096xi32, #tpu.memory_space<vmem>>, vector<16xi32>,
      tpu.vector_store %arg10[%swap3A_329], %broadcast_in_dim3A_239 {strides = array<i32>} : memref<4096xi32, #tpu.memory_space<vmem>>, vector<16xi32>,
      %mul3A_331 = arith.constant 16 : i32
      %mul3A_332 = arith.muli %scan3A_283, %mul3A_331 : i32
      %add3A_333 = arith.constant 3072 : i32
      %add3A_334 = arith.addi %add3A_333, %mul3A_332 : i32
      %swap3A_335 = arith.index_cast %add3A_334 : i32 to index
      %swap3A_336 = tpu.vector_load %arg11[%swap3A_335] {strides = array<i32>} : memref<4096xi32, #tpu.memory_space<vmem>>, vector<16xi32>,
      tpu.vector_store %arg11[%swap3A_335], %broadcast_in_dim3A_239 {strides = array<i32>} : memref<4096xi32, #tpu.memory_space<vmem>>, vector<16xi32>,
      %broadcast_in_dim3A_337 = arith.constant true
      %broadcast_in_dim3A_338 = vector.broadcast %broadcast_in_dim3A_337 : i1 to vector<16xi1>
      %masked_cumsum3A = tpu.scan <sum>, %add3A_313 masked %broadcast_in_dim3A_338 : vector<16xi32>, vector<16xi1> -> vector<16xi32>
      %add3A_339 = vector.broadcast %scan3A_287 : i32 to vector<16xi32>
      %add3A_340 = arith.addi %masked_cumsum3A, %add3A_339 : vector<16xi32>
      %sub3A_341 = arith.subi %add3A_340, %add3A_313 : vector<16xi32>
      %gt3A = vector.broadcast %sub3A_221 : i32 to vector<16xi32>
      %gt3A_342 = arith.cmpi sgt, %add3A_340, %gt3A : vector<16xi32>
      %jit3A_343 = arith.constant 2147483647 : i32
      %broadcast_in_dim3A_344 = vector.broadcast %jit3A_343 : i32 to vector<16xi32>
      %select_n3A_345 = arith.select %gt3A_342, %iota3A_237, %broadcast_in_dim3A_344 : vector<16xi1>, vector<16xi32>
      %reduce_min3A = arith.constant true
      %reduce_min3A_346 = vector.broadcast %reduce_min3A : i1 to vector<16xi1>
      %reduce_min3A_347 = arith.constant -2147483648 : i32
      %reduce_min3A_348 = vector.broadcast %reduce_min3A_347 : i32 to vector<16xi32>
      %reduce_min3A_349 = arith.xori %select_n3A_345, %reduce_min3A_348 : vector<16xi32>
      %reduce_min3A_350 = tpu.scan <min>, %reduce_min3A_349 masked %reduce_min3A_346 : vector<16xi32>, vector<16xi1> -> vector<16xi32>
      %reduce_min3A_351 = arith.xori %reduce_min3A_350, %reduce_min3A_348 : vector<16xi32>
      %reduce_min3A_352 = vector.extract %reduce_min3A_351[15] : i32 from vector<16xi32>
      %lt3A = arith.constant 16 : i32
      %lt3A_353 = arith.cmpi slt, %reduce_min3A_352, %lt3A : i32
      %convert_element_type3A = arith.extui %lt3A_353 : i1 to i32
      %sub3A_354 = arith.constant 1 : i32
      %sub3A_355 = arith.subi %sub3A_354, %scan3A_284 : i32
      %mul3A_356 = arith.muli %convert_element_type3A, %sub3A_355 : i32
      %eq3A = arith.constant 1 : i32
      %eq3A_357 = arith.cmpi eq, %mul3A_356, %eq3A : i32
      %mul3A_358 = arith.constant 16 : i32
      %mul3A_359 = arith.muli %scan3A_283, %mul3A_358 : i32
      %add3A_360 = arith.addi %mul3A_359, %reduce_min3A_352 : i32
      %select_n3A_361 = arith.select %eq3A_357, %add3A_360, %scan3A_285 : i32
      %eq3A_362 = arith.constant 1 : i32
      %eq3A_363 = arith.cmpi eq, %mul3A_356, %eq3A_362 : i32
      %jit3A_364 = arith.constant 2147483647 : i32
      %broadcast_in_dim3A_365 = vector.broadcast %jit3A_364 : i32 to vector<16xi32>
      %select_n3A_366 = arith.select %gt3A_342, %sub3A_341, %broadcast_in_dim3A_365 : vector<16xi1>, vector<16xi32>
      %reduce_min3A_367 = arith.constant true
      %reduce_min3A_368 = vector.broadcast %reduce_min3A_367 : i1 to vector<16xi1>
      %reduce_min3A_369 = arith.constant -2147483648 : i32
      %reduce_min3A_370 = vector.broadcast %reduce_min3A_369 : i32 to vector<16xi32>
      %reduce_min3A_371 = arith.xori %select_n3A_366, %reduce_min3A_370 : vector<16xi32>
      %reduce_min3A_372 = tpu.scan <min>, %reduce_min3A_371 masked %reduce_min3A_368 : vector<16xi32>, vector<16xi1> -> vector<16xi32>
      %reduce_min3A_373 = arith.xori %reduce_min3A_372, %reduce_min3A_370 : vector<16xi32>
      %reduce_min3A_374 = vector.extract %reduce_min3A_373[15] : i32 from vector<16xi32>
      %select_n3A_375 = arith.select %eq3A_363, %reduce_min3A_374, %scan3A_286 : i32
      %max3A = arith.maxsi %scan3A_284, %convert_element_type3A : i32
      %reduce_sum3A = arith.constant true
      %reduce_sum3A_376 = vector.broadcast %reduce_sum3A : i1 to vector<16xi1>
      %reduce_sum3A_377 = tpu.scan <sum>, %add3A_313 masked %reduce_sum3A_376 : vector<16xi32>, vector<16xi1> -> vector<16xi32>
      %reduce_sum3A_378 = vector.extract %reduce_sum3A_377[15] : i32 from vector<16xi32>
      %add3A_379 = arith.addi %scan3A_287, %reduce_sum3A_378 : i32
      scf.yield %max3A, %select_n3A_361, %select_n3A_375, %add3A_379 : i32, i32, i32, i32
    }
    %scan3A_249 = arith.constant 64 : i32
    %shift_left3A_250 = arith.constant 10 : i32
    %shift_left3A_251 = arith.shli %or3A_224, %shift_left3A_250 : i32
    %or3A_252 = arith.ori %shift_left3A_251, %scan3A_248#1 : i32
    %while3A_253 = arith.constant 0 : i32
    %while3A_254 = arith.constant 0 : i32
    %while3A_255 = arith.subi %select_n3A_207, %while3A_253 : i32
    %while3A_256 = arith.addi %while3A_253, %while3A_255 : i32
    %while3A_257 = arith.constant 1 : i32
    %while3A_258 = arith.divsi %while3A_255, %while3A_257 : i32
    %while3A_259 = arith.muli %while3A_258, %while3A_257 : i32
    %while3A_260 = arith.addi %while3A_253, %while3A_259 : i32
    %while3A_261 = arith.constant 1 : i32
    %while3A_262 = scf.for %while3A_283 = %while3A_253 to %while3A_260 step %while3A_261 iter_args(%while3A_284 = %while3A_254) -> (i32)  : i32 {
      %mul3A_285 = arith.constant 16 : i32
      %mul3A_286 = arith.muli %while3A_283, %mul3A_285 : i32
      %get3A = arith.index_cast %mul3A_286 : i32 to index
      %get3A_287 = tpu.vector_load %arg6[%get3A] {strides = array<i32>} : memref<8208xf32, #tpu.memory_space<vmem>>, vector<16xf32>,
      %bitcast3A = vector.bitcast %get3A_287 : vector<16xf32> to vector<16xi32>
      %and3A_288 = arith.constant 2147483647 : i32
      %and3A_289 = vector.broadcast %and3A_288 : i32 to vector<16xi32>
      %and3A_290 = arith.andi %bitcast3A, %and3A_289 : vector<16xi32>
      %mul3A_291 = arith.constant 16 : i32
      %mul3A_292 = arith.muli %while3A_283, %mul3A_291 : i32
      %get3A_293 = arith.index_cast %mul3A_292 : i32 to index
      %get3A_294 = tpu.vector_load %arg7[%get3A_293] {strides = array<i32>} : memref<8208xi32, #tpu.memory_space<vmem>>, vector<16xi32>,
      %mul3A_295 = arith.constant 16 : i32
      %mul3A_296 = arith.muli %while3A_283, %mul3A_295 : i32
      %add3A_297 = vector.broadcast %mul3A_296 : i32 to vector<16xi32>
      %add3A_298 = arith.addi %add3A_297, %iota3A : vector<16xi32>
      %lt3A = vector.broadcast %scan3A_180 : i32 to vector<16xi32>
      %lt3A_299 = arith.cmpi slt, %add3A_298, %lt3A : vector<16xi32>
      %ge3A = vector.broadcast %or3A_252 : i32 to vector<16xi32>
      %ge3A_300 = arith.cmpi sge, %and3A_290, %ge3A : vector<16xi32>
      %and3A_301 = arith.andi %lt3A_299, %ge3A_300 : vector<16xi1>
      tpu.vector_store_idx %arg5[%get3A_294], %get3A_287 masked %and3A_301 : memref<32768xf32, #tpu.memory_space<vmem>>[vector<16xi32>], vector<16xf32>, vector<16xi1>
      %while3A_302 = arith.constant 0 : i32
      scf.yield %while3A_302 : i32
    }
    %while3A_263 = arith.constant 1 : i32
    %while3A_264 = scf.for %while3A_283 = %while3A_260 to %while3A_256 step %while3A_263 iter_args(%while3A_284 = %while3A_262) -> (i32)  : i32 {
      %mul3A_285 = arith.constant 16 : i32
      %mul3A_286 = arith.muli %while3A_283, %mul3A_285 : i32
      %get3A = arith.index_cast %mul3A_286 : i32 to index
      %get3A_287 = tpu.vector_load %arg6[%get3A] {strides = array<i32>} : memref<8208xf32, #tpu.memory_space<vmem>>, vector<16xf32>,
      %bitcast3A = vector.bitcast %get3A_287 : vector<16xf32> to vector<16xi32>
      %and3A_288 = arith.constant 2147483647 : i32
      %and3A_289 = vector.broadcast %and3A_288 : i32 to vector<16xi32>
      %and3A_290 = arith.andi %bitcast3A, %and3A_289 : vector<16xi32>
      %mul3A_291 = arith.constant 16 : i32
      %mul3A_292 = arith.muli %while3A_283, %mul3A_291 : i32
      %get3A_293 = arith.index_cast %mul3A_292 : i32 to index
      %get3A_294 = tpu.vector_load %arg7[%get3A_293] {strides = array<i32>} : memref<8208xi32, #tpu.memory_space<vmem>>, vector<16xi32>,
      %mul3A_295 = arith.constant 16 : i32
      %mul3A_296 = arith.muli %while3A_283, %mul3A_295 : i32
      %add3A_297 = vector.broadcast %mul3A_296 : i32 to vector<16xi32>
      %add3A_298 = arith.addi %add3A_297, %iota3A : vector<16xi32>
      %lt3A = vector.broadcast %scan3A_180 : i32 to vector<16xi32>
      %lt3A_299 = arith.cmpi slt, %add3A_298, %lt3A : vector<16xi32>
      %ge3A = vector.broadcast %or3A_252 : i32 to vector<16xi32>
      %ge3A_300 = arith.cmpi sge, %and3A_290, %ge3A : vector<16xi32>
      %and3A_301 = arith.andi %lt3A_299, %ge3A_300 : vector<16xi1>
      tpu.vector_store_idx %arg5[%get3A_294], %get3A_287 masked %and3A_301 : memref<32768xf32, #tpu.memory_space<vmem>>[vector<16xi32>], vector<16xf32>, vector<16xi1>
      %while3A_302 = arith.constant 0 : i32
      scf.yield %while3A_302 : i32
    }
    %dma_start3A_265 = arith.constant 0 : i32
    %dma_start3A_266 = tpu.memref_slice %arg3[%add3A_145, %dma_start3A_265] : memref<64x32768xf32, #tpu.memory_space<hbm>> -> memref<1x32768xf32, #tpu.memory_space<hbm>>
    %dma_start3A_267 = tpu.memref_squeeze %dma_start3A_266 : memref<1x32768xf32, #tpu.memory_space<hbm>> -> memref<32768xf32, #tpu.memory_space<hbm>>
    %dma_start3A_268 = arith.constant 0 : i32
    %dma_start3A_269 = tpu.memref_slice %arg3[%add3A_145, %dma_start3A_268] : memref<64x32768xf32, #tpu.memory_space<hbm>> -> memref<1x32768xf32, #tpu.memory_space<hbm>>
    %dma_start3A_270 = tpu.memref_squeeze %dma_start3A_269 : memref<1x32768xf32, #tpu.memory_space<hbm>> -> memref<32768xf32, #tpu.memory_space<hbm>>
    tpu.enqueue_dma source(%arg5 : memref<32768xf32, #tpu.memory_space<vmem>>) target(%dma_start3A_270 : memref<32768xf32, #tpu.memory_space<hbm>>) target_semaphore(%arg15 : memref<!tpu.dma_semaphore, #tpu.memory_space<semaphore_mem>>)
    %dma_wait3A_271 = arith.constant 0 : i32
    %dma_wait3A_272 = tpu.memref_slice %arg3[%add3A_20, %dma_wait3A_271] : memref<64x32768xf32, #tpu.memory_space<hbm>> -> memref<1x32768xf32, #tpu.memory_space<hbm>>
    %dma_wait3A_273 = tpu.memref_squeeze %dma_wait3A_272 : memref<1x32768xf32, #tpu.memory_space<hbm>> -> memref<32768xf32, #tpu.memory_space<hbm>>
    %dma_wait3A_274 = arith.constant 0 : i32
    %dma_wait3A_275 = tpu.memref_slice %arg3[%add3A_20, %dma_wait3A_274] : memref<64x32768xf32, #tpu.memory_space<hbm>> -> memref<1x32768xf32, #tpu.memory_space<hbm>>
    %dma_wait3A_276 = tpu.memref_squeeze %dma_wait3A_275 : memref<1x32768xf32, #tpu.memory_space<hbm>> -> memref<32768xf32, #tpu.memory_space<hbm>>
    tpu.wait_dma2 semaphore(%arg14 : memref<!tpu.dma_semaphore, #tpu.memory_space<semaphore_mem>>) src(%arg4 : memref<32768xf32, #tpu.memory_space<vmem>>) dst(%dma_wait3A_276 : memref<32768xf32, #tpu.memory_space<hbm>>)
    %dma_wait3A_277 = arith.constant 0 : i32
    %dma_wait3A_278 = tpu.memref_slice %arg3[%add3A_145, %dma_wait3A_277] : memref<64x32768xf32, #tpu.memory_space<hbm>> -> memref<1x32768xf32, #tpu.memory_space<hbm>>
    %dma_wait3A_279 = tpu.memref_squeeze %dma_wait3A_278 : memref<1x32768xf32, #tpu.memory_space<hbm>> -> memref<32768xf32, #tpu.memory_space<hbm>>
    %dma_wait3A_280 = arith.constant 0 : i32
    %dma_wait3A_281 = tpu.memref_slice %arg3[%add3A_145, %dma_wait3A_280] : memref<64x32768xf32, #tpu.memory_space<hbm>> -> memref<1x32768xf32, #tpu.memory_space<hbm>>
    %dma_wait3A_282 = tpu.memref_squeeze %dma_wait3A_281 : memref<1x32768xf32, #tpu.memory_space<hbm>> -> memref<32768xf32, #tpu.memory_space<hbm>>
    tpu.wait_dma2 semaphore(%arg15 : memref<!tpu.dma_semaphore, #tpu.memory_space<semaphore_mem>>) src(%arg5 : memref<32768xf32, #tpu.memory_space<vmem>>) dst(%dma_wait3A_282 : memref<32768xf32, #tpu.memory_space<hbm>>)
    return
  }
}

module attributes {stable_mosaic.version = 14 : i64} {
  func.func @_tc_body(%arg0: i32, %arg1: memref<8x32768xf32, #tpu.memory_space<vmem>>, %arg2: memref<8x32768xf32, #tpu.memory_space<vmem>>, %arg3: memref<8x32768xi32, #tpu.memory_space<vmem>>) attributes {dimension_semantics = [#tpu.dimension_semantics<arbitrary>], iteration_bounds = array<i64: 8>, scalar_prefetch = 0 : i64, scratch_operands = 1 : i64, tpu.core_type = #tpu.core_type<tc>, window_params = [{transform_indices = @transform_0, window_bounds = array<i64: 8, 32768>}, {transform_indices = @transform_1, window_bounds = array<i64: 8, 32768>}]} {
    %get3A = arith.constant 0 : index
    %get3A_0 = arith.constant 0 : index
    %get3A_1 = vector.load %arg1[%get3A, %get3A_0] : memref<8x32768xf32, #tpu.memory_space<vmem>>, vector<8x32768xf32>
    %bitcast_convert_type3A = tpu.bitcast %get3A_1 : vector<8x32768xf32> -> vector<8x32768xi32>
    %and3A = arith.constant 2147483647 : i32
    %and3A_2 = vector.broadcast %and3A : i32 to vector<8x32768xi32>
    %and3A_3 = arith.andi %bitcast_convert_type3A, %and3A_2 : vector<8x32768xi32>
    %swap3A = arith.constant 0 : index
    %swap3A_4 = arith.constant 0 : index
    %swap3A_5 = vector.load %arg3[%swap3A, %swap3A_4] : memref<8x32768xi32, #tpu.memory_space<vmem>>, vector<8x32768xi32>
    tpu.vector_store %arg3[%swap3A, %swap3A_4], %and3A_3 {strides = array<i32>} : memref<8x32768xi32, #tpu.memory_space<vmem>>, vector<8x32768xi32>,
    %broadcast_in_dim3A = arith.constant 0 : i32
    %broadcast_in_dim3A_6 = vector.broadcast %broadcast_in_dim3A : i32 to vector<8x1xi32>
    %scan3A = arith.constant 256 : i32
    %scan3A_7 = arith.constant 0 : i32
    %scan3A_8 = arith.constant 15 : i32
    %scan3A_9 = arith.addi %scan3A_7, %scan3A_8 : i32
    %scan3A_10 = arith.constant 1 : i32
    %scan3A_11 = scf.for %scan3A_31 = %scan3A_7 to %scan3A_9 step %scan3A_10 iter_args(%scan3A_32 = %broadcast_in_dim3A_6) -> (vector<8x1xi32>)  : i32 {
      %mul3A = arith.constant 2 : i32
      %mul3A_33 = arith.muli %mul3A, %scan3A_31 : i32
      %sub3A = arith.constant 30 : i32
      %sub3A_34 = arith.subi %sub3A, %mul3A_33 : i32
      %shift_left3A = arith.constant 1 : i32
      %shift_left3A_35 = arith.shli %shift_left3A, %sub3A_34 : i32
      %shift_right_logical3A = arith.constant 1 : i32
      %shift_right_logical3A_36 = arith.shrui %shift_left3A_35, %shift_right_logical3A : i32
      %get3A_37 = arith.constant 0 : index
      %get3A_38 = arith.constant 0 : index
      %get3A_39 = vector.load %arg3[%get3A_37, %get3A_38] : memref<8x32768xi32, #tpu.memory_space<vmem>>, vector<8x32768xi32>
      %or3A_40 = vector.broadcast %shift_left3A_35 : i32 to vector<8x1xi32>
      %or3A_41 = arith.ori %scan3A_32, %or3A_40 : vector<8x1xi32>
      %or3A_42 = vector.broadcast %shift_right_logical3A_36 : i32 to vector<8x1xi32>
      %or3A_43 = arith.ori %or3A_41, %or3A_42 : vector<8x1xi32>
      %or3A_44 = vector.broadcast %shift_right_logical3A_36 : i32 to vector<8x1xi32>
      %or3A_45 = arith.ori %scan3A_32, %or3A_44 : vector<8x1xi32>
      %ge3A_46 = vector.broadcast %or3A_41 : vector<8x1xi32> to vector<8x32768xi32>
      %ge3A_47 = arith.cmpi sge, %get3A_39, %ge3A_46 : vector<8x32768xi32>
      %convert_element_type3A_48 = arith.extui %ge3A_47 : vector<8x32768xi1> to vector<8x32768xi32>
      %reduce_sum3A_49 = arith.constant dense<0> : vector<8xi32>
      %reduce_sum3A_50 = vector.multi_reduction <add>, %convert_element_type3A_48, %reduce_sum3A_49 [1] : vector<8x32768xi32> to vector<8xi32>
      %broadcast_in_dim3A_51 = vector.shape_cast %reduce_sum3A_50 : vector<8xi32> to vector<8x1xi32>
      %ge3A_52 = vector.broadcast %scan3A : i32 to vector<8x1xi32>
      %ge3A_53 = arith.cmpi sge, %broadcast_in_dim3A_51, %ge3A_52 : vector<8x1xi32>
      %ge3A_54 = vector.broadcast %or3A_43 : vector<8x1xi32> to vector<8x32768xi32>
      %ge3A_55 = arith.cmpi sge, %get3A_39, %ge3A_54 : vector<8x32768xi32>
      %convert_element_type3A_56 = arith.extui %ge3A_55 : vector<8x32768xi1> to vector<8x32768xi32>
      %reduce_sum3A_57 = arith.constant dense<0> : vector<8xi32>
      %reduce_sum3A_58 = vector.multi_reduction <add>, %convert_element_type3A_56, %reduce_sum3A_57 [1] : vector<8x32768xi32> to vector<8xi32>
      %broadcast_in_dim3A_59 = vector.shape_cast %reduce_sum3A_58 : vector<8xi32> to vector<8x1xi32>
      %ge3A_60 = vector.broadcast %scan3A : i32 to vector<8x1xi32>
      %ge3A_61 = arith.cmpi sge, %broadcast_in_dim3A_59, %ge3A_60 : vector<8x1xi32>
      %ge3A_62 = vector.broadcast %or3A_45 : vector<8x1xi32> to vector<8x32768xi32>
      %ge3A_63 = arith.cmpi sge, %get3A_39, %ge3A_62 : vector<8x32768xi32>
      %convert_element_type3A_64 = arith.extui %ge3A_63 : vector<8x32768xi1> to vector<8x32768xi32>
      %reduce_sum3A_65 = arith.constant dense<0> : vector<8xi32>
      %reduce_sum3A_66 = vector.multi_reduction <add>, %convert_element_type3A_64, %reduce_sum3A_65 [1] : vector<8x32768xi32> to vector<8xi32>
      %broadcast_in_dim3A_67 = vector.shape_cast %reduce_sum3A_66 : vector<8xi32> to vector<8x1xi32>
      %ge3A_68 = vector.broadcast %scan3A : i32 to vector<8x1xi32>
      %ge3A_69 = arith.cmpi sge, %broadcast_in_dim3A_67, %ge3A_68 : vector<8x1xi32>
      %select_n3A_70 = arith.select %ge3A_61, %or3A_43, %or3A_41 : vector<8x1xi1>, vector<8x1xi32>
      %select_n3A_71 = arith.select %ge3A_69, %or3A_45, %scan3A_32 : vector<8x1xi1>, vector<8x1xi32>
      %select_n3A_72 = arith.select %ge3A_53, %select_n3A_70, %select_n3A_71 : vector<8x1xi1>, vector<8x1xi32>
      scf.yield %select_n3A_72 : vector<8x1xi32>
    }
    %scan3A_12 = arith.constant 15 : i32
    %get3A_13 = arith.constant 0 : index
    %get3A_14 = arith.constant 0 : index
    %get3A_15 = vector.load %arg3[%get3A_13, %get3A_14] : memref<8x32768xi32, #tpu.memory_space<vmem>>, vector<8x32768xi32>
    %or3A = arith.constant 1 : i32
    %or3A_16 = vector.broadcast %or3A : i32 to vector<8x1xi32>
    %or3A_17 = arith.ori %scan3A_11, %or3A_16 : vector<8x1xi32>
    %ge3A = vector.broadcast %or3A_17 : vector<8x1xi32> to vector<8x32768xi32>
    %ge3A_18 = arith.cmpi sge, %get3A_15, %ge3A : vector<8x32768xi32>
    %convert_element_type3A = arith.extui %ge3A_18 : vector<8x32768xi1> to vector<8x32768xi32>
    %reduce_sum3A = arith.constant dense<0> : vector<8xi32>
    %reduce_sum3A_19 = vector.multi_reduction <add>, %convert_element_type3A, %reduce_sum3A [1] : vector<8x32768xi32> to vector<8xi32>
    %broadcast_in_dim3A_20 = vector.shape_cast %reduce_sum3A_19 : vector<8xi32> to vector<8x1xi32>
    %ge3A_21 = arith.constant 256 : i32
    %ge3A_22 = vector.broadcast %ge3A_21 : i32 to vector<8x1xi32>
    %ge3A_23 = arith.cmpi sge, %broadcast_in_dim3A_20, %ge3A_22 : vector<8x1xi32>
    %select_n3A = arith.select %ge3A_23, %or3A_17, %scan3A_11 : vector<8x1xi1>, vector<8x1xi32>
    %ge3A_24 = vector.broadcast %select_n3A : vector<8x1xi32> to vector<8x32768xi32>
    %ge3A_25 = arith.cmpi sge, %get3A_15, %ge3A_24 : vector<8x32768xi32>
    %jit3A = arith.constant 0.000000e+00 : f32
    %broadcast_in_dim3A_26 = vector.broadcast %jit3A : f32 to vector<8x32768xf32>
    %select_n3A_27 = arith.select %ge3A_25, %get3A_1, %broadcast_in_dim3A_26 : vector<8x32768xi1>, vector<8x32768xf32>
    %swap3A_28 = arith.constant 0 : index
    %swap3A_29 = arith.constant 0 : index
    %swap3A_30 = vector.load %arg2[%swap3A_28, %swap3A_29] : memref<8x32768xf32, #tpu.memory_space<vmem>>, vector<8x32768xf32>
    tpu.vector_store %arg2[%swap3A_28, %swap3A_29], %select_n3A_27 {strides = array<i32>} : memref<8x32768xf32, #tpu.memory_space<vmem>>, vector<8x32768xf32>,
    return
  }
  func.func @transform_0(%arg0: i32) -> (i32, i32) {
    %c0_i32 = arith.constant 0 : i32
    %c0_i32_0 = arith.constant 0 : i32
    return %arg0, %c0_i32 : i32, i32
  }
  func.func @transform_1(%arg0: i32) -> (i32, i32) {
    %c0_i32 = arith.constant 0 : i32
    %c0_i32_0 = arith.constant 0 : i32
    return %arg0, %c0_i32 : i32, i32
  }
}

</mosaic_0001>

<sc_bundles>
// kernel: kernel.4.cloned.1.call-start
scs
__scs_entry_jumppad:
0x0: {  	(pc) =	sbr.rel $0x88, $3  }
0x1: {  	(tag) =	ssettag $0x0;
	lr =	simm.s32 $0x1  }
0x2: {  	[smem:$0x3FA0] =	sst lr;
	_ =	strace $0xD0000000  }
0x3: {  	_ = 	snop  }
0x4: {  	_ = 	snop  }
0x5: {  	_ = 	snop  }
0x6: {  	_ = 	snop  }
0x7: {  	_ = 	snop  }
__scs_overlays_trampoline_lowered:
0x8: {  	[smem:$0x3FAF] =	sst s0  }
0x9: {  	[smem:$0x3FB0] =	sst s1  }
0xa: {  	[smem:$0x3FB1] =	sst s2  }
0xb: {  	[smem:$0x3FB2] =	sst s3  }
0xc: {  	[smem:$0x3FB3] =	sst s4  }
0xd: {  	[smem:$0x3FB4] =	sst s5  }
0xe: {  	[smem:$0x3FB5] =	sst s6  }
0xf: {  	[smem:$0x3FB6] =	sst s7  }
0x10: {  	[smem:$0x3FB7] =	sst s8  }
0x11: {  	[smem:$0x3FB8] =	sst s9;
	s0 =	simm.s32 @!p0 $0x0  }
0x12: {  	s1 =	sld [smem:$0x3F9E];
	s0 =	simm.s32 @p0 $0x1  }
0x13: {  	[smem:$0x3FB9] =	sst s0;
	s0 =	simm.s32 @!p1 $0x0  }
0x14: {  	s2 =	sld [smem:$0x3F9D];
	s0 =	simm.s32 @p1 $0x1  }
0x15: {  	[smem:$0x3FBA] =	sst s0;
	s0 =	simm.s32 @!p2 $0x0  }
0x16: {  	s3 =	sld [smem:$0x3FDB];
	s0 =	simm.s32 @p2 $0x1  }
0x17: {  	s4 =	simm.s32 $0x1BF5;
	[smem:$0x3FBC] =	sst s0  }
0x18: {  	s0 =	sld [smem:$0x3F9F];
	_ =	swait.ge [sflag:s4], $0x0  }
0x19: {  	s7 =	sld [smem:$0x3FA0]  }
0x1a: {  	s8 =	sadd.s32 $0xFFFFE003, lr  }
0x1b: {  	s9 =	sadd.s32 $0xFFFFFEF7, lr;
	s5 =	simm.s32 $0xFFFFFFFF;
	p2 =	slt.u32 s8, $0xFFFFF086  }
0x1c: {  	p1 =	slt.u32 s9, $0xF7A;
	s5 =	simm.s32 @!p2 $0x0  }
0x1d: {  	s5 =	simm.s32 @p1 $0x1;
	p0 =	seq.s32 s7, s2  }
0x1e: {  	s7 =	smul.u32 @!p0 $0xF7A, s2;
	p2 =	seq.s32 @!p0 s5, $0x0  }
0x1f: {  	s9 =	smul.u32 $0xF7A, s1;
	s8 =	simm.s32 @!p0 $0x1BF5;
	p2 =	por !p2, p0  }
0x20: {  	[sflag:s8] =	ssyncset.s32 @!p0 $0xFFFFF086;
	s6 =	sadd.s32 @!p0 s3, s7;
	s7 =	simm.s32 @!p0 $0x108  }
0x21: {  	s3 =	sadd.s32 s3, s9;
	s6 =	sadd.s32 @!p0 $0x88, s6;
	s7 =	simm.s32 @p2 $0x1082  }
0x22: {  	[simem:s7], [sflag:s8] =	dma.local @!p0 [hbm:s6], $0xF7A  }
0x23: {  	s9 =	sor.u32 $0xD0000000, s2;
	s6 =	simm.s32 $0x108;
	_ =	swait.ge @!p0 [sflag:s8], $0x0  }
0x24: {  	s3 =	sadd.s32 $0x88, s3;
	s6 =	simm.s32 @!p1 $0x1082;
	[sflag:s4] =	ssyncset.s32 $0xFFFFF086  }
0x25: {  	[simem:s6], [sflag:s4] =	dma.local [hbm:s3], $0xF7A  }
0x26: {  	[smem:$0x3FA0] =	sst s1;
	(tag) =	ssettag s2;
	_ =	strace s9  }
0x27: {  	s1 =	sld [smem:$0x3FB0]  }
0x28: {  	s2 =	sld [smem:$0x3FB1]  }
0x29: {  	s4 =	sld [smem:$0x3FB3]  }
0x2a: {  	p0 =	seq.s32 s5, $0x0;
	s5 =	sld [smem:$0x3FB4]  }
0x2b: {  	s6 =	sld [smem:$0x3FB5]  }
0x2c: {  	s7 =	sld [smem:$0x3FB6]  }
0x2d: {  	s3 =	simm.s32 $0x108;
	s8 =	sld [smem:$0x3FB7]  }
0x2e: {  	s3 =	simm.s32 @!p0 $0x1082;
	s9 =	sld [smem:$0x3FB8]  }
0x2f: {  	lr =	sadd.s32 s0, s3;
	s0 =	sld [smem:$0x3FAF]  }
0x30: {  	s3 =	sld [smem:$0x3FB2]  }
0x31: {  	[smem:$0x3FBB] =	sst s10  }
0x32: {  	s10 =	sld [smem:$0x3FB9];
	_ =	sdelay $0x3  }
0x33: {  	p0 =	seq.s32 s10, $0x1;
	s10 =	sld [smem:$0x3FBB];
	_ =	sdelay $0x3  }
0x34: {  	[smem:$0x3FBB] =	sst s10  }
0x35: {  	s10 =	sld [smem:$0x3FBA];
	_ =	sdelay $0x3  }
0x36: {  	p1 =	seq.s32 s10, $0x1;
	s10 =	sld [smem:$0x3FBB];
	_ =	sdelay $0x3  }
0x37: {  	[smem:$0x3FBB] =	sst s10  }
0x38: {  	s10 =	sld [smem:$0x3FBC]  }
0x39: {  	_ = 	snop;
	(pc) =	sbr.ind lr, $3  }
0x3a: {  	_ = 	snop  }
0x3b: {  	_ = 	snop  }
0x3c: {  	p2 =	seq.s32 s10, $0x1;
	s10 =	sld [smem:$0x3FBB]  }
0x3d: {  	_ =	shalt  }
0x3e: {  	_ =	shalt  }
0x3f: {  	_ =	shalt  }
0x40: {  	_ =	shalt  }
0x41: {  	_ =	shalt  }
0x42: {  	_ =	shalt  }
0x43: {  	_ =	shalt  }
0x44: {  	_ =	shalt  }
0x45: {  	_ =	shalt  }
0x46: {  	_ =	shalt  }
0x47: {  	_ =	shalt  }
0x48: {  	_ =	shalt  }
0x49: {  	_ =	shalt  }
0x4a: {  	_ =	shalt  }
0x4b: {  	_ =	shalt  }
0x4c: {  	_ =	shalt  }
0x4d: {  	_ =	shalt  }
0x4e: {  	_ =	shalt  }
0x4f: {  	_ =	shalt  }
0x50: {  	_ =	shalt  }
0x51: {  	_ =	shalt  }
0x52: {  	_ =	shalt  }
0x53: {  	_ =	shalt  }
0x54: {  	_ =	shalt  }
0x55: {  	_ =	shalt  }
0x56: {  	_ =	shalt  }
0x57: {  	_ =	shalt  }
0x58: {  	_ =	shalt  }
0x59: {  	_ =	shalt  }
0x5a: {  	_ =	shalt  }
0x5b: {  	_ =	shalt  }
0x5c: {  	_ =	shalt  }
0x5d: {  	_ =	shalt  }
0x5e: {  	_ =	shalt  }
0x5f: {  	_ =	shalt  }
0x60: {  	_ =	shalt  }
0x61: {  	_ =	shalt  }
0x62: {  	_ =	shalt  }
0x63: {  	_ =	shalt  }
0x64: {  	_ =	shalt  }
0x65: {  	_ =	shalt  }
0x66: {  	_ =	shalt  }
0x67: {  	_ =	shalt  }
0x68: {  	_ =	shalt  }
0x69: {  	_ =	shalt  }
0x6a: {  	_ =	shalt  }
0x6b: {  	_ =	shalt  }
0x6c: {  	_ =	shalt  }
0x6d: {  	_ =	shalt  }
0x6e: {  	_ =	shalt  }
0x6f: {  	_ =	shalt  }
0x70: {  	_ =	shalt  }
0x71: {  	_ =	shalt  }
0x72: {  	_ =	shalt  }
0x73: {  	_ =	shalt  }
0x74: {  	_ =	shalt  }
0x75: {  	_ =	shalt  }
0x76: {  	_ =	shalt  }
0x77: {  	_ =	shalt  }
0x78: {  	_ =	shalt  }
0x79: {  	_ =	shalt  }
0x7a: {  	_ =	shalt  }
0x7b: {  	_ =	shalt  }
0x7c: {  	_ =	shalt  }
0x7d: {  	_ =	shalt  }
0x7e: {  	_ =	shalt  }
0x7f: {  	_ =	shalt  }
0x80: {  	_ =	shalt  }
0x81: {  	_ =	shalt  }
0x82: {  	_ =	shalt  }
0x83: {  	_ =	shalt  }
0x84: {  	_ =	shalt  }
0x85: {  	_ =	shalt  }
0x86: {  	_ =	shalt  }
0x87: {  	_ =	shalt  }
.Lfunc_end0:
.L_simem_size_0:
called_computation_lowered:
.L_overlay_start_0:
0x88: {  	s2 =	sld [smem:$0x3FD9]  }
0x89: {  	s3 =	sld [smem:$0x3FFE];
	_ =	sdelay $0x1  }
0x8a: {  	s1 =	srdreg.scid  }
0x8b: {  	s0 =	sand.u32 $0x1, s1  }
0x8c: {  	s17 =	sshll.u32 s0, $0xA;
	s2 =	sadd.s32 s3, s2  }
0x8d: {  	s2 =	sadd.s32 s2, s17  }
0x8e: {  	[smem:$0x3FC7] =	sst s2  }
0x8f: {  	_ = 	snop  }
0x90: {  	s2 =	sld [smem:$0x3FC9];
	(tm) =	ssettm $0x1  }
0x91: {  	s18 =	sld [smem:$0x3FFB];
	_ =	sdelay $0x3  }
0x92: {  	_ =	strace s18  }
0x93: {  	s3 =	sld [smem:$0x3FFC];
	_ =	sdelay $0x3  }
0x94: {  	_ =	strace s3  }
0x95: {  	s3 =	sld [smem:$0x3FFD];
	_ =	sdelay $0x3  }
0x96: {  	_ =	strace s3  }
0x97: {  	_ =	strace $0x8FFFFFFF  }
0x98: {  	s19 =	sld [smem:$0x3FDB];
	_ =	sdelay $0x1  }
0x99: {  	s4 =	simm.s32 $_scs_section_size  }
0x9a: {  	s5 =	simm.s32 $_size__tile_overlayer_lowered;
	s6 =	simm.s32 $_tile_overlayer_lowered  }
0x9b: {  	s22 =	simm.s32 $0x1BFF;
	s21 =	sshll.u32 s6, $0x1;
	s3 =	sadd.s32 s4, s19  }
0x9c: {  	s7 =	simm.s32 $0x0;
	s20 =	sshll.u32 s5, $0x1;
	s5 =	sadd.s32 s21, s3  }
0x9d: {  	[timem:s7], [sflag:s22] =	dma.local [hbm:s5], s20  }
0x9e: {  	_ =	swait.ge [sflag:s22], s20  }
0x9f: {  	s4 =	ssub.s32 $0x0, s20;
	[sflag:s22] =	ssyncset.done $0x0  }
0xa0: {  	[sflag:s22] =	ssyncadd.s32 s4;
	_ =	sdelay $0x1  }
0xa1: {  	s23 =	simm.s32 $0x1B8B  }
0xa2: {  	_ =	swait.ge [sflag:s23], $0x1  }
0xa3: {  	[sflag:s23] =	ssyncset.done $0x0  }
0xa4: {  	s25 =	simm.s32 $0x1B8E;
	s24 =	sld [smem:$0x3FFE];
	[sflag:s23] =	ssyncadd.s32 $0xFFFFFFFF  }
0xa5: {  	s26 =	simm.s32 $execute0_lowered;
	[smem:$0x3FD2] =	sst s25  }
0xa6: {  	s5 =	sshll.u32 s26, $0x1;
	_ =	strace $0x80000046;
	[dreg:$0x1] =	wrdreg $0xFFFFFFFF  }
0xa7: {  	s28 =	simm.s32 $_size_execute0_lowered;
	s3 =	sadd.s32 s3, s5;
	[dreg:$0x0] =	wrdreg $0x0  }
0xa8: {  	s5 =	sshll.u32 s28, $0x1;
	[dreg:$0x2] =	wrdreg s3  }
0xa9: {  	[dreg:$0x3] =	wrdreg s5  }
0xaa: {  	[dreg:$0x4] =	wrdreg $0xC0  }
0xab: {  	_ =	task [dreg:s7], $0x5FFFF  }
0xac: {  	[dreg:$0x1] =	wrdreg $0xFFFFFFFF  }
0xad: {  	[dreg:$0x0] =	wrdreg $0x60  }
0xae: {  	[dreg:$0x2] =	wrdreg s2  }
0xaf: {  	[dreg:$0x3] =	wrdreg s24  }
0xb0: {  	[dreg:$0x4] =	wrdreg $0x9  }
0xb1: {  	_ =	task.clear_ibuf [dreg:s7], $0x5FFFF;
	_ =	strace $0x90000046  }
0xb2: {  	s29 =	simm.s32 $0x9;
	_ =	strace $0x80000048  }
0xb3: {  	_ =	swait.ge [sflag:s29], $0x1  }
0xb4: {  	[sflag:s29] =	ssyncadd.s32 $0xFFFFFFFF  }
0xb5: {  	_ =	strace $0x90000048  }
0xb6: {  	_ =	sfence  }
0xb7: {  	s30 =	sld [smem:$0x0];
	_ =	sdelay $0x2  }
0xb8: {  	s31 =	sshll.u32 s1, $0xD;
	s1 =	sshrl.u32 s1, $0x2  }
0xb9: {  	s3 =	sand.u32 $0x4000, s31;
	s1 =	sadd.s32 s1, s30  }
0xba: {  	s0 =	sor.u32 s3, s0;
	s1 =	sshll.u32 s1, $0x11  }
0xbb: {  	s0 =	sor.u32 s1, s0  }
0xbc: {  	s0 =	sadd.s32 $0x8F2B, s0  }
0xbd: {  	[sflag:s0] =	ssyncadd.remote.s32 $0x1  }
0xbe: {  	_ =	sfence.sel $0xFFFF  }
0xbf: {  	[dreg:$0x0] =	wrdreg $0xFFFFFFFF;
	(pc) =	sbr.abs _section_cstart, $3  }
0xc0: {  	[dreg:$0x1] =	wrdreg $0xFFFFFFFF  }
0xc1: {  	_ =	task.clear_ibuf [dreg:s7], $0x2FFFF;
	_ =	strace $0x9FFFFFFF  }
0xc2: {  	(tm) =	ssettm $0x7FFFFFFF  }
0xc3: {  	_ =	shalt  }
tec
execute0_lowered:
.L_overlay_start_1:
0x0: {  	(tag) =	ssettag $0x1  }
0x1: {  	s0 =	srdreg.scid;
	s1 =	rddreg [dreg:$0x0]  }
0x2: {  	s5 =	stileid.u32;
	s3 =	rddreg [dreg:$0x1]  }
0x3: {  	s11 =	simm.s32 $0x8000;
	s0 =	sand.u32 $0x1, s0;
	s2 =	sshll.u32 s5, $0x2  }
0x4: {  	s5 =	sshll.u32 s5, $0xE;
	s4 =	sshll.u32 s0, $0x1;
	s0 =	ssub.s32 $0x2, s0  }
0x5: {  	s4 =	sor.u32 s4, s2;
	s2 =	simm.s32 $0x0;
	s7 =	sshrl.u32 s0, $0x1  }
0x6: {  	s6 =	sshll.u32 s4, $0x4;
	[smem:$0x7FF] =	sst s2;
	s4 =	sor.u32 $0x41, s4  }
0x7: {  	s0 =	ssub.s32 s0, s7;
	s5 =	sor.u32 s5, s6;
	_ =	strace $0x80000047  }
0x8: {  	s29 =	sshll.u32 s4, $0x4;
	s4 =	sshll.u32 s4, $0xC;
	s0 =	smax.u32 s0, $0x1  }
0x9: {  	s5 =	sand.u32 $0x38060, s5;
	s6 =	sand.u32 $0x70, s29;
	s4 =	sand.u32 $0x78000, s4  }
0xa: {  	[dreg:$0x7] =	wrdreg s0;
	s3 =	sadd.s32 s5, s3;
	s5 =	sadd.s32 s5, s1  }
.Ltmp0:
0xb: {  	s1 =	sadd.s32 s1, s6;
	s5 =	sadd.s32 $0x40000, s5;
	(pc) =	sbr.rel .LBB2_1-.Ltmp0, $4  }
0xc: {  	s12 =	simm.s32 $0x14100;
	s1 =	sadd.s32 s4, s1;
	[dreg:$0x3] =	wrdreg s5  }
0xd: {  	s13 =	simm.s32 $0x15100;
	s30 =	sadd.s32 $0x400, s3;
	[dreg:$0x4] =	wrdreg s1  }
0xe: {  	v0 =	vlaneseq.u32;
	s14 =	simm.s32 $0x16100;
	s31 =	sadd.s32 $0x410, s3;
	[dreg:$0x5] =	wrdreg s30  }
0xf: {  	s15 =	simm.s32 $0x17100;
	v1 =	vimm.s32 $0x0;
	v2 =	vimm.s32 $0x1;
	v3 =	vor.u32 $0x80000000, v0;
	s4 =	simm.s32 $0x0;
	[dreg:$0x6] =	wrdreg s31  }
.LBB2_46:
0x10: {  	s3 =	simm.s32 $0x12080;
	s4 =	simm.s32 $0x0  }
.LBB2_50:
0x11: {  	s3 =	sadd.s32 @p0 $0x10, s3;
	s4 =	sadd.s32 @p0 $0x10, s4  }
0x12: {  	s0 =	smov.u32 @p0 s3;
	s1 =	smov.u32 @p0 s4  }
0x13: {  	v7 =	vand.u32 $0x7FFFFFFF, v6;
	v8 =	vld [tilespmem:s0+$0x0];
	v9 =	vor.u32 s1, v0  }
0x14: {  	vm1 =	vle.s32 v5, v7;
	vm0 =	vlt.s32 v9, v4  }
0x15: {  	vm0 =	vmand vm0, vm1;
	_ =	sdelay $0x5  }
0x16: {  	s4 =	rddreg [dreg:$0x8];
	[tilespmem:v8+s11+$0x0] =	vst.idx.msk vm0, v6  }
.LBB2_51:
0x17: {  	s0 =	rddreg [dreg:$0x6]  }
0x18: {  	s1 =	simm.s32 $0x80;
	s3 =	simm.s32 $0x400;
	s29 =	simm.s32 $0x3  }
0x19: {  	[hbm4b:s0+s1] =	stream.strided.scatter [tilespmem:s11], [sflag:$0x4], $0x8000, s3, s1, $0x38;
	[tilespmem:$0x18100] =	vst v63  }
0x1a: {  	_ =	swait.ge [sflag:s29], $0x8000  }
0x1b: {  	[sflag:s29] =	ssyncset.done $0x0  }
0x1c: {  	s30 =	simm.s32 $0x4;
	[sflag:s29] =	ssyncadd.s32 $0xFFFF8000  }
0x1d: {  	_ =	swait.ge [sflag:s30], $0x8000  }
0x1e: {  	s4 =	sadd.s32 $0x1, s4;
	s31 =	rddreg [dreg:$0x7]  }
0x1f: {  	p0 =	sne.s32 s4, s31  }
.Ltmp1:
0x20: {  	_ = 	snop;
	(pc) =	sbr.rel @!p0 .LBB2_52-.Ltmp1, $3  }
0x21: {  	_ =	sdelay $0x1  }
0x22: {  	[sflag:s30] =	ssyncset.done $0x0  }
0x23: {  	[sflag:s30] =	ssyncadd.s32 $0xFFFF8000  }
.LBB2_1:
0x24: {  	[dreg:$0x8] =	wrdreg s4;
	s1 =	simm.s32 $0x40;
	s0 =	simm.s32 $0x0  }
.LBB2_2:
0x25: {  	p0 =	sne.s32 s1, $0x3FC0;
	[tilespmem:s0+$0x17100] =	vst v1;
	s3 =	smov.u32 s1;
	s1 =	sadd.s32 $0x40, s1  }
.Ltmp2:
0x26: {  	[tilespmem:s0+$0x16100] =	vst v1;
	(pc) =	sbr.rel @p0 .LBB2_2-.Ltmp2, $3  }
0x27: {  	[tilespmem:s0+$0x14100] =	vst v1  }
0x28: {  	[tilespmem:s0+$0x15100] =	vst v1;
	_ =	sdelay $0x1  }
0x29: {  	s0 =	sshra.s32 s3, $0x2  }
0x2a: {  	[tilespmem:s0+$0x17100] =	vst v1  }
0x2b: {  	[tilespmem:s0+$0x16100] =	vst v1  }
0x2c: {  	[tilespmem:s0+$0x14100] =	vst v1;
	s22 =	simm.s32 $0x0;
	s29 =	rddreg [dreg:$0x3]  }
0x2d: {  	[tilespmem:s0+$0x15100] =	vst v1;
	s1 =	simm.s32 $0x80;
	s3 =	simm.s32 $0x400;
	s30 =	simm.s32 $0x1  }
0x2e: {  	[tilespmem:s22], [sflag:$0x1] =	stream.strided.gather [hbm4b:s29+s1], $0x8000, s3, s1, $0x38;
	[tilespmem:$0x18100] =	vst v63  }
0x2f: {  	_ =	swait.ge [sflag:s30], $0x8000  }
0x30: {  	[sflag:s30] =	ssyncset.done $0x0  }
0x31: {  	s0 =	simm.s32 $0x0;
	s31 =	rddreg [dreg:$0x4];
	[sflag:s30] =	ssyncadd.s32 $0xFFFF8000  }
0x32: {  	[tilespmem:s11], [sflag:$0x2] =	stream.strided.gather [hbm4b:s31+s1], $0x8000, s3, s1, $0x38;
	[tilespmem:$0x18100] =	vst v63  }
.LBB2_4:
0x33: {  	s6 =	sshra.s32 s0, $0x2  }
0x34: {  	v4 =	vld [tilespmem:s6+$0x0];
	_ =	sdelay $0x4  }
0x35: {  	v4 =	vshrl.u32 v4, $0x14  }
0x36: {  	v4 =	vand.u32 $0x7FF, v4;
	_ =	sdelay $0x3  }
0x37: {  	s1 =	simm.s32 $0x14100  }
0x38: {  	[tilespmem:v4+s1+$0x0] =	vst.idx.add.s32.msk $0xffff, v2  }
0x39: {  	v4 =	vld [tilespmem:s6+$0x10];
	_ =	sdelay $0x4  }
0x3a: {  	v4 =	vshrl.u32 v4, $0x14  }
0x3b: {  	v4 =	vand.u32 $0x7FF, v4;
	_ =	sdelay $0x3  }
0x3c: {  	s3 =	simm.s32 $0x15100  }
0x3d: {  	[tilespmem:v4+s3+$0x0] =	vst.idx.add.s32.msk $0xffff, v2  }
0x3e: {  	v4 =	vld [tilespmem:s6+$0x20];
	_ =	sdelay $0x4  }
0x3f: {  	v4 =	vshrl.u32 v4, $0x14  }
0x40: {  	v4 =	vand.u32 $0x7FF, v4;
	_ =	sdelay $0x3  }
0x41: {  	s4 =	simm.s32 $0x16100  }
0x42: {  	[tilespmem:v4+s4+$0x0] =	vst.idx.add.s32.msk $0xffff, v2  }
0x43: {  	v4 =	vld [tilespmem:s6+$0x30];
	_ =	sdelay $0x4  }
0x44: {  	v4 =	vshrl.u32 v4, $0x14  }
0x45: {  	v4 =	vand.u32 $0x7FF, v4;
	_ =	sdelay $0x3  }
0x46: {  	s5 =	simm.s32 $0x17100  }
0x47: {  	[tilespmem:v4+s5+$0x0] =	vst.idx.add.s32.msk $0xffff, v2  }
0x48: {  	v4 =	vld [tilespmem:s6+$0x40];
	_ =	sdelay $0x4  }
0x49: {  	v4 =	vshrl.u32 v4, $0x14  }
0x4a: {  	v4 =	vand.u32 $0x7FF, v4;
	_ =	sdelay $0x4  }
0x4b: {  	[tilespmem:v4+s1+$0x0] =	vst.idx.add.s32.msk $0xffff, v2  }
0x4c: {  	v4 =	vld [tilespmem:s6+$0x50];
	_ =	sdelay $0x4  }
0x4d: {  	v4 =	vshrl.u32 v4, $0x14  }
0x4e: {  	v4 =	vand.u32 $0x7FF, v4;
	_ =	sdelay $0x4  }
0x4f: {  	[tilespmem:v4+s3+$0x0] =	vst.idx.add.s32.msk $0xffff, v2  }
0x50: {  	v4 =	vld [tilespmem:s6+$0x60];
	_ =	sdelay $0x4  }
0x51: {  	v4 =	vshrl.u32 v4, $0x14  }
0x52: {  	v4 =	vand.u32 $0x7FF, v4;
	_ =	sdelay $0x4  }
0x53: {  	[tilespmem:v4+s4+$0x0] =	vst.idx.add.s32.msk $0xffff, v2  }
0x54: {  	v4 =	vld [tilespmem:s6+$0x70];
	_ =	sdelay $0x4  }
0x55: {  	v4 =	vshrl.u32 v4, $0x14  }
0x56: {  	p0 =	sne.s32 s0, $0x1FE00;
	v4 =	vand.u32 $0x7FF, v4  }
.Ltmp3:
0x57: {  	_ = 	snop;
	(pc) =	sbr.rel @p0 .LBB2_4-.Ltmp3, $2  }
0x58: {  	_ =	sdelay $0x2  }
0x59: {  	s0 =	sadd.s32 $0x200, s0;
	[tilespmem:v4+s5+$0x0] =	vst.idx.add.s32.msk $0xffff, v2  }
0x5a: {  	v4 =	vld [tilespmem:s1+$0x0]  }
0x5b: {  	v6 =	vld [tilespmem:s3+$0x0]  }
0x5c: {  	v5 =	vld [tilespmem:s4+$0x0]  }
0x5d: {  	v7 =	vld [tilespmem:s5+$0x0];
	_ =	sdelay $0x1  }
0x5e: {  	[tilespmem:s1+$0x0] =	vst v1  }
0x5f: {  	[tilespmem:s3+$0x0] =	vst v1;
	v4 =	vadd.s32 v4, v6  }
0x60: {  	[tilespmem:s4+$0x0] =	vst v1;
	v4 =	vadd.s32 v5, v4  }
0x61: {  	s8 =	simm.s32 $0x15110;
	[tilespmem:s5+$0x0] =	vst v1;
	v4 =	vadd.s32 v7, v4  }
0x62: {  	s0 =	simm.s32 $0x14110;
	v8 =	vld [tilespmem:s8+$0x0];
	(xrf0) =	vadd.scan.msk.s32 $0xffff, v4  }
0x63: {  	s7 =	simm.s32 $0x16110;
	v6 =	vld [tilespmem:s0+$0x0]  }
0x64: {  	s9 =	simm.s32 $0x17110;
	v5 =	vld [tilespmem:s7+$0x0]  }
0x65: {  	v7 =	vld [tilespmem:s9+$0x0];
	_ =	sdelay $0x1  }
0x66: {  	[tilespmem:s0+$0x0] =	vst v1  }
0x67: {  	[tilespmem:s8+$0x0] =	vst v1;
	v6 =	vadd.s32 v6, v8;
	v8, _, _ =	vpop (xrf0)  }
0x68: {  	[tilespmem:s7+$0x0] =	vst v1;
	v5 =	vadd.s32 v5, v6;
	(v2sf) =	vpush v8, $0xF  }
0x69: {  	s10 =	simm.s32 $0x14120;
	[tilespmem:s9+$0x0] =	vst v1;
	v7 =	vadd.s32 v7, v5  }
0x6a: {  	s16 =	simm.s32 $0x15120;
	v6 =	vld [tilespmem:s10+$0x0];
	(xrf0) =	vadd.scan.msk.s32 $0xffff, v7  }
0x6b: {  	v9 =	vld [tilespmem:s16+$0x0];
	_ =	sdelay $0x1  }
0x6c: {  	s17 =	simm.s32 $0x16120  }
0x6d: {  	s18 =	simm.s32 $0x17120;
	v5 =	vld [tilespmem:s17+$0x0]  }
0x6e: {  	v10 =	vld [tilespmem:s18+$0x0]  }
0x6f: {  	[tilespmem:s10+$0x0] =	vst v1;
	v6 =	vadd.s32 v6, v9;
	v9, _, _ =	vpop (xrf0)  }
0x70: {  	[tilespmem:s16+$0x0] =	vst v1;
	(v2sf) =	vpush v9, $0xF  }
0x71: {  	[tilespmem:s17+$0x0] =	vst v1  }
0x72: {  	s21 =	simm.s32 $0x15130;
	[tilespmem:s18+$0x0] =	vst v1;
	v5 =	vadd.s32 v5, v6  }
0x73: {  	s19 =	simm.s32 $0x14130;
	v11 =	vld [tilespmem:s21+$0x0];
	v10 =	vadd.s32 v10, v5  }
0x74: {  	s20 =	simm.s32 $0x16130;
	v8 =	vadd.s32 s22, v8;
	v6 =	vld [tilespmem:s19+$0x0];
	(xrf0) =	vadd.scan.msk.s32 $0xffff, v10  }
0x75: {  	s23 =	simm.s32 $0x17130;
	v4 =	vsub.s32 v8, v4;
	vm0 =	vgt.s32 v8, $0x7F00;
	v5 =	vld [tilespmem:s20+$0x0]  }
0x76: {  	v12 =	vld [tilespmem:s23+$0x0];
	v14 =	vnsel vm0, $0xFFFFFFFF, v3;
	v4 =	vxor.u32 $0x80000000, v4;
	s26 =	spop (v2sf)  }
0x77: {  	v4 =	vnsel vm0, $0xFFFFFFFF, v4;
	(xrf0) =	vmin.scan.msk.u32 $0xffff, v14;
	s3 =	sadd.s32 $0x0, s26  }
0x78: {  	[tilespmem:s19+$0x0] =	vst v1;
	(xrf0) =	vmin.scan.msk.u32 $0xffff, v4;
	v4 =	vadd.s32 s3, v9  }
0x79: {  	[tilespmem:s21+$0x0] =	vst v1;
	v6 =	vadd.s32 v6, v11;
	vm14 =	vgt.s32 v4, $0x7F00;
	v4 =	vsub.s32 v4, v7  }
0x7a: {  	[tilespmem:s20+$0x0] =	vst v1;
	v5 =	vadd.s32 v5, v6;
	v13, _, _ =	vpop (xrf0);
	v7 =	vnsel vm14, $0xFFFFFFFF, v3;
	v4 =	vxor.u32 $0x80000000, v4  }
0x7b: {  	s24 =	simm.s32 $0x14140;
	[tilespmem:s23+$0x0] =	vst v1;
	v5 =	vadd.s32 v12, v5;
	(v2sf) =	vpush v13, $0xF;
	v4 =	vnsel vm14, $0xFFFFFFFF, v4  }
0x7c: {  	s25 =	simm.s32 $0x16140;
	v8 =	vld [tilespmem:s24+$0x0];
	(xrf0) =	vadd.scan.msk.s32 $0xffff, v5  }
0x7d: {  	s29 =	simm.s32 $0x15140;
	v11 =	vld [tilespmem:s25+$0x0];
	(xrf0) =	vmin.scan.msk.u32 $0xffff, v7;
	v7, _, _ =	vpop (xrf0)  }
0x7e: {  	s30 =	simm.s32 $0x17140;
	v6 =	vld [tilespmem:s29+$0x0];
	(xrf0) =	vmin.scan.msk.u32 $0xffff, v4;
	v4, _, _ =	vpop (xrf0);
	(v2sf) =	vpush v7, $0xF  }
0x7f: {  	v9 =	vld [tilespmem:s30+$0x0];
	[tilespmem:s24+$0x0] =	vst v1;
	s31 =	spop (v2sf);
	(v2sf) =	vpush v4, $0xF  }
0x80: {  	[tilespmem:s29+$0x0] =	vst v1  }
0x81: {  	[tilespmem:s25+$0x0] =	vst v1  }
0x82: {  	s6 =	simm.s32 $0x14150;
	[tilespmem:s30+$0x0] =	vst v1  }
0x83: {  	s4 =	simm.s32 $0x15150;
	v62 =	vld [tilespmem:s6+$0x0];
	v4 =	vadd.s32 v8, v6;
	v6, _, _ =	vpop (xrf0)  }
0x84: {  	s7 =	simm.s32 $0x16150;
	v63 =	vld [tilespmem:s4+$0x0];
	v4 =	vadd.s32 v11, v4;
	(v2sf) =	vpush v6, $0xF;
	v11, _, _ =	vpop (xrf0)  }
0x85: {  	s5 =	sadd.s32 s3, s31;
	v8 =	vld [tilespmem:s7+$0x0];
	(v2sf) =	vpush v11, $0xF;
	v11, _, _ =	vpop (xrf0)  }
0x86: {  	s28 =	simm.s32 $0x80000030;
	s17 =	simm.s32 $0x17150;
	v13 =	vadd.s32 s5, v13;
	(v2sf) =	vpush v11, $0xF  }
0x87: {  	s1 =	simm.s32 $0x80000040;
	s0 =	simm.s32 $0x80000000;
	s10 =	simm.s32 $0x14160;
	vm15 =	vgt.s32 v13, $0x7F00;
	v7 =	vld [tilespmem:s17+$0x0];
	v10 =	vsub.s32 v13, v10;
	[tilespmem:s6+$0x0] =	vst v1;
	v4 =	vadd.s32 v9, v4  }
0x88: {  	s16 =	simm.s32 $0x16160;
	s21 =	simm.s32 $0x0;
	s26 =	simm.s32 $0x80000020;
	v10 =	vxor.u32 $0x80000000, v10;
	[tilespmem:s4+$0x0] =	vst v1;
	v9 =	vnsel vm15, $0xFFFFFFFF, v3;
	(xrf0) =	vadd.scan.msk.s32 $0xffff, v4  }
0x89: {  	s20 =	simm.s32 $0x0;
	s25 =	simm.s32 $0x80000050;
	s3 =	simm.s32 $0x80000010;
	v10 =	vnsel vm15, $0xFFFFFFFF, v10;
	[tilespmem:s7+$0x0] =	vst v1;
	(xrf0) =	vmin.scan.msk.u32 $0xffff, v9;
	v9 =	vadd.s32 v62, v63  }
0x8a: {  	s6 =	simm.s32 $0x80000060;
	s7 =	simm.s32 $0x17160;
	[tilespmem:s17+$0x0] =	vst v1;
	s17 =	spop (v2sf);
	(xrf0) =	vmin.scan.msk.u32 $0xffff, v10;
	v8 =	vadd.s32 v8, v9  }
.LBB2_6:
0x8b: {  	s18 =	smov.u32 s22;
	s4 =	sadd.s32 $0x10, s4  }
0x8c: {  	s5 =	sadd.s32 s5, s17;
	s23 =	smov.u32 s25;
	s25 =	smov.u32 s6  }
0x8d: {  	p0 =	sne.s32 s6, $0x800007F0;
	s6 =	sadd.s32 $0x10, s6;
	v9 =	vld [tilespmem:s10+$0x0];
	s17 =	spop (v2sf)  }
0x8e: {  	v13 =	vadd.s32 s5, v6;
	p1 =	seq.s32 s18, $0x0;
	v10 =	vld [tilespmem:s16+$0x0];
	v6, _, _ =	vpop (xrf0);
	s22 =	sxor.u32 $0x80000000, s17;
	s24 =	spop (v2sf)  }
0x8f: {  	v5 =	vsub.s32 v13, v5;
	vm0 =	vgt.s32 v13, $0x7F00;
	s0 =	sadd.s32 s0, s17;
	v12 =	vld [tilespmem:s4+$0x0];
	(v2sf) =	vpush v6, $0xF;
	v11, _, _ =	vpop (xrf0);
	p2 =	slt.s32 s22, $0x10;
	s22 =	simm.s32 $0x1  }
0x90: {  	v8 =	vadd.s32 v7, v8;
	v13 =	vnsel vm0, $0xFFFFFFFF, v3;
	s17 =	sxor.u32 $0x80000000, s24;
	v7 =	vld [tilespmem:s7+$0x0];
	(v2sf) =	vpush v11, $0xF;
	v11, _, _ =	vpop (xrf0);
	s22 =	simm.s32 @!p2 $0x0;
	p1 =	por !p2, !p1  }
.Ltmp4:
0x91: {  	v14 =	vxor.u32 $0x80000000, v5;
	[tilespmem:s10+$0x0] =	vst v1;
	(xrf0) =	vadd.scan.msk.s32 $0xffff, v8;
	(v2sf) =	vpush v11, $0xF;
	p1 =	por !p1, !p1;
	p2 =	sgt.s32 s18, s22;
	(pc) =	sbr.rel @p0 .LBB2_6-.Ltmp4, $4  }
0x92: {  	v11 =	vnsel vm0, $0xFFFFFFFF, v14;
	v5 =	vmovc v4;
	v4 =	vmov v8;
	[tilespmem:s4+$0x0] =	vst v1;
	(xrf0) =	vmin.scan.msk.u32 $0xffff, v13;
	s20 =	smov.u32 @p1 s0;
	s21 =	smov.u32 @p1 s17;
	s0 =	smov.u32 s3  }
0x93: {  	s22 =	smov.u32 @p2 s18;
	s3 =	smov.u32 s26;
	s26 =	smov.u32 s28;
	[tilespmem:s16+$0x0] =	vst v1;
	(xrf0) =	vmin.scan.msk.u32 $0xffff, v11  }
0x94: {  	s28 =	smov.u32 s1;
	s1 =	smov.u32 s23;
	v8 =	vadd.s32 v9, v12;
	[tilespmem:s7+$0x0] =	vst v1;
	s7 =	sadd.s32 $0x10, s7  }
0x95: {  	s10 =	sadd.s32 $0x10, s10;
	s16 =	sadd.s32 $0x10, s16;
	v8 =	vadd.s32 v10, v8;
	s17 =	spop (v2sf)  }
0x96: {  	_ = 	snop  }
0x97: {  	v9, _, _ =	vpop (xrf0)  }
0x98: {  	(v2sf) =	vpush v9, $0xF;
	_ =	sdelay $0x8  }
0x99: {  	s4 =	sadd.s32 s5, s17;
	v7 =	vadd.s32 v7, v8  }
0x9a: {  	s18 =	spop (v2sf);
	v6 =	vadd.s32 s4, v6;
	(xrf0) =	vadd.scan.msk.s32 $0xffff, v7  }
0x9b: {  	s23 =	spop (v2sf);
	v8, _, _ =	vpop (xrf0);
	vm0 =	vgt.s32 v6, $0x7F00  }
0x9c: {  	v5 =	vsub.s32 v6, v5;
	(v2sf) =	vpush v8, $0xF;
	v8, _, _ =	vpop (xrf0);
	v6 =	vnsel vm0, $0xFFFFFFFF, v3;
	s6 =	spop (v2sf)  }
0x9d: {  	(v2sf) =	vpush v8, $0xF;
	(xrf0) =	vmin.scan.msk.u32 $0xffff, v6;
	s4 =	sadd.s32 s4, s6;
	s19 =	spop (v2sf)  }
0x9e: {  	v5 =	vxor.u32 $0x80000000, v5;
	v6 =	vadd.s32 s4, v9;
	s24 =	spop (v2sf)  }
0x9f: {  	v5 =	vnsel vm0, $0xFFFFFFFF, v5;
	vm0 =	vgt.s32 v6, $0x7F00;
	s7 =	spop (v2sf)  }
0xa0: {  	(xrf0) =	vmin.scan.msk.u32 $0xffff, v5;
	v8, _, _ =	vpop (xrf0);
	v4 =	vsub.s32 v6, v4;
	v5 =	vnsel vm0, $0xFFFFFFFF, v3;
	s4 =	sadd.s32 s4, s7  }
0xa1: {  	v4 =	vxor.u32 $0x80000000, v4;
	(xrf0) =	vmin.scan.msk.u32 $0xffff, v5;
	v5 =	vadd.s32 s4, v8  }
0xa2: {  	(v2sf) =	vpush v8, $0xF;
	v4 =	vnsel vm0, $0xFFFFFFFF, v4;
	vm0 =	vgt.s32 v5, $0x7F00  }
0xa3: {  	v6, _, _ =	vpop (xrf0);
	(xrf0) =	vmin.scan.msk.u32 $0xffff, v4;
	v4 =	vnsel vm0, $0xFFFFFFFF, v3  }
0xa4: {  	(v2sf) =	vpush v6, $0xF  }
0xa5: {  	(xrf0) =	vmin.scan.msk.u32 $0xffff, v4  }
0xa6: {  	s29 =	sxor.u32 $0x80000000, s18;
	v4, _, _ =	vpop (xrf0)  }
0xa7: {  	p1 =	seq.s32 s22, $0x0;
	p0 =	slt.s32 s29, $0x10;
	s4 =	simm.s32 $0x1;
	(v2sf) =	vpush v4, $0xF;
	v4, _, _ =	vpop (xrf0)  }
0xa8: {  	s4 =	simm.s32 @!p0 $0x0;
	p0 =	por !p0, !p1;
	(v2sf) =	vpush v4, $0xF  }
0xa9: {  	p0 =	por !p0, !p0  }
0xaa: {  	s5 =	sadd.s32 s0, s18;
	s31 =	sxor.u32 $0x80000000, s19;
	s0 =	simm.s32 @!p0 $0x0;
	v4, _, _ =	vpop (xrf0)  }
0xab: {  	p2 =	slt.s32 s31, $0x10;
	s30 =	spop (v2sf);
	s0 =	simm.s32 @p0 $0x1;
	(v2sf) =	vpush v4, $0xF;
	v4, _, _ =	vpop (xrf0)  }
0xac: {  	p1 =	sgt.s32 s22, s4;
	[smem:$0x7FD] =	sst s0;
	s0 =	spop (v2sf);
	(v2sf) =	vpush v4, $0xF  }
0xad: {  	s20 =	smov.u32 @p0 s5;
	s4 =	smov.u32 @p1 s22;
	s5 =	simm.s32 $0x1  }
0xae: {  	s3 =	sadd.s32 s3, s19;
	p1 =	seq.s32 s4, $0x0;
	s5 =	simm.s32 @!p2 $0x0  }
0xaf: {  	s8 =	sxor.u32 $0x80000000, s30;
	p1 =	por !p2, !p1;
	p2 =	sgt.s32 s4, s5  }
0xb0: {  	p1 =	por !p1, !p1;
	s5 =	smov.u32 @p2 s4;
	p2 =	slt.s32 s8, $0x10  }
0xb1: {  	s4 =	simm.s32 $0x1;
	s9 =	spop (v2sf);
	s20 =	smov.u32 @p1 s3  }
0xb2: {  	p3 =	seq.s32 s5, $0x0;
	s4 =	simm.s32 @!p2 $0x0;
	s3 =	sadd.s32 s26, s30  }
0xb3: {  	p2 =	por !p2, !p3;
	p3 =	sgt.s32 s5, s4;
	s6 =	spop (v2sf)  }
0xb4: {  	p2 =	por !p2, !p2;
	s4 =	smov.u32 @p3 s5;
	s10 =	sxor.u32 $0x80000000, s6  }
0xb5: {  	s20 =	smov.u32 @p2 s3;
	s3 =	simm.s32 $0x1;
	p3 =	slt.s32 s10, $0x10  }
0xb6: {  	s22 =	simm.s32 $0x40;
	s3 =	simm.s32 @!p3 $0x0;
	s26 =	spop (v2sf)  }
0xb7: {  	p4 =	seq.s32 s4, $0x0;
	p5 =	sgt.s32 s4, s3;
	s16 =	spop (v2sf)  }
0xb8: {  	p3 =	por !p3, !p4;
	s3 =	smov.u32 @p5 s4;
	s17 =	sxor.u32 $0x80000000, s16  }
0xb9: {  	s4 =	simm.s32 $0x1;
	p6 =	seq.s32 s3, $0x0;
	p5 =	slt.s32 s17, $0x10  }
0xba: {  	s29 =	spop (v2sf);
	s1 =	sadd.s32 s1, s16;
	s4 =	simm.s32 @!p5 $0x0  }
0xbb: {  	v6 =	vld [tilespmem:s22+$0xFFFFFFC0];
	s18 =	spop (v2sf);
	p6 =	por !p5, !p6;
	p4 =	sgt.s32 s3, s4  }
0xbc: {  	p5 =	por !p3, !p3;
	s19 =	sxor.u32 $0x80000000, s18;
	s4 =	smov.u32 @p4 s3  }
0xbd: {  	p0 =	slt.s32 s19, $0x10;
	s3 =	sadd.s32 s28, s6;
	p4 =	seq.s32 s4, $0x0  }
0xbe: {  	s20 =	smov.u32 @p5 s3;
	p0 =	por !p0, !p4;
	p4 =	por !p6, !p6  }
0xbf: {  	v4 =	vsub.s32 v5, v7;
	s20 =	smov.u32 @p4 s1;
	s1 =	sadd.s32 s25, s18;
	p3 =	por !p0, !p0  }
0xc0: {  	v7 =	vand.u32 $0x7FFFFFFF, v6;
	v5 =	vxor.u32 $0x80000000, v4;
	s20 =	smov.u32 @p3 s1  }
0xc1: {  	v8 =	vshrl.u32 v7, $0x14;
	v7 =	vshrl.u32 v7, $0xA;
	v4 =	vmov s20  }
0xc2: {  	v5 =	vnsel vm0, $0xFFFFFFFF, v5;
	v7 =	vand.u32 $0x3FF, v7;
	vm0 =	veq.s32 v8, v4  }
0xc3: {  	(xrf0) =	vmin.scan.msk.u32 $0xffff, v5;
	v5 =	vor.u32 $0x800, v7;
	v7 =	vsel vm0, $0x1, v1  }
0xc4: {  	(xrf0) =	vadd.scan.msk.s32 $0xffff, v7  }
0xc5: {  	vm1 =	vgt.s32 v8, v4  }
0xc6: {  	v7 =	vnsel vm1, $0x0, v6  }
0xc7: {  	[tilespmem:s22+$0xFFFFFFC0] =	vst v7  }
0xc8: {  	s31 =	simm.s32 $0x0;
	s30 =	simm.s32 $0x0;
	[tilespmem:v5+s12+$0x0] =	vst.idx.add.s32.msk vm0, v2  }
0xc9: {  	v5, _, _ =	vpop (xrf0);
	[tilespmem:s30+$0x10000] =	vst.msk vm0, v6;
	v6 =	vor.u32 s31, v0  }
0xca: {  	(v2sf) =	vpush v5, $0xF;
	[tilespmem:s30+$0x12080] =	vst.msk vm0, v6;
	v5, _, _ =	vpop (xrf0)  }
0xcb: {  	v6 =	vld [tilespmem:s22+$0xFFFFFFD0];
	(v2sf) =	vpush v5, $0xF;
	_ =	sdelay $0x4  }
0xcc: {  	v5 =	vand.u32 $0x7FFFFFFF, v6  }
0xcd: {  	v7 =	vshrl.u32 v5, $0x14  }
0xce: {  	vm0 =	veq.s32 v7, v4  }
0xcf: {  	v8 =	vsel vm0, $0x1, v1  }
0xd0: {  	v5 =	vshrl.u32 v5, $0xA;
	(xrf0) =	vadd.scan.msk.s32 $0xffff, v8  }
0xd1: {  	v5 =	vand.u32 $0x3FF, v5  }
0xd2: {  	vm1 =	vgt.s32 v7, v4;
	v5 =	vor.u32 $0x800, v5  }
0xd3: {  	v7 =	vnsel vm1, $0x0, v6;
	_ =	sdelay $0x1  }
0xd4: {  	s1 =	spop (v2sf)  }
0xd5: {  	[tilespmem:s22+$0xFFFFFFD0] =	vst v7;
	s4 =	spop (v2sf);
	v7, _, _ =	vpop (xrf0)  }
0xd6: {  	s5 =	simm.s32 $0x10;
	[tilespmem:v5+s13+$0x0] =	vst.idx.add.s32.msk vm0, v2;
	s3 =	sadd.s32 $0x0, s4;
	(v2sf) =	vpush v7, $0xF  }
0xd7: {  	v5 =	vor.u32 s5, v0;
	[tilespmem:s3+$0x10000] =	vst.msk vm0, v6  }
0xd8: {  	[tilespmem:s3+$0x12080] =	vst.msk vm0, v5  }
0xd9: {  	v5 =	vld [tilespmem:s22+$0xFFFFFFE0];
	_ =	sdelay $0x4  }
0xda: {  	v6 =	vand.u32 $0x7FFFFFFF, v5  }
0xdb: {  	v7 =	vshrl.u32 v6, $0x14;
	v6 =	vshrl.u32 v6, $0xA  }
0xdc: {  	vm0 =	veq.s32 v7, v4;
	v6 =	vand.u32 $0x3FF, v6  }
0xdd: {  	v6 =	vor.u32 $0x800, v6;
	_ =	sdelay $0x1  }
0xde: {  	vm1 =	vgt.s32 v7, v4;
	v8 =	vsel vm0, $0x1, v1  }
0xdf: {  	v7 =	vnsel vm1, $0x0, v5;
	(xrf0) =	vadd.scan.msk.s32 $0xffff, v8  }
0xe0: {  	[tilespmem:s22+$0xFFFFFFE0] =	vst v7;
	s6 =	spop (v2sf)  }
0xe1: {  	s7 =	simm.s32 $0x20;
	s3 =	sadd.s32 s3, s6;
	[tilespmem:v6+s14+$0x0] =	vst.idx.add.s32.msk vm0, v2  }
0xe2: {  	[tilespmem:s3+$0x10000] =	vst.msk vm0, v5;
	v5 =	vor.u32 s7, v0;
	_ =	sdelay $0x2  }
0xe3: {  	[tilespmem:s3+$0x12080] =	vst.msk vm0, v5;
	v5, _, _ =	vpop (xrf0)  }
0xe4: {  	v6 =	vld [tilespmem:s22+$0xFFFFFFF0];
	(v2sf) =	vpush v5, $0xF;
	_ =	sdelay $0x4  }
0xe5: {  	v5 =	vand.u32 $0x7FFFFFFF, v6  }
0xe6: {  	v7 =	vshrl.u32 v5, $0x14  }
0xe7: {  	vm0 =	veq.s32 v7, v4  }
0xe8: {  	v8 =	vsel vm0, $0x1, v1  }
0xe9: {  	v5 =	vshrl.u32 v5, $0xA;
	(xrf0) =	vadd.scan.msk.s32 $0xffff, v8  }
0xea: {  	v5 =	vand.u32 $0x3FF, v5  }
0xeb: {  	vm1 =	vgt.s32 v7, v4;
	v5 =	vor.u32 $0x800, v5  }
0xec: {  	v7 =	vnsel vm1, $0x0, v6;
	_ =	sdelay $0x2  }
0xed: {  	[tilespmem:s22+$0xFFFFFFF0] =	vst v7;
	v7, _, _ =	vpop (xrf0);
	s8 =	spop (v2sf)  }
0xee: {  	s9 =	simm.s32 $0x30;
	[tilespmem:v5+s15+$0x0] =	vst.idx.add.s32.msk vm0, v2;
	(v2sf) =	vpush v7, $0xF;
	s3 =	sadd.s32 s3, s8  }
0xef: {  	v5 =	vor.u32 s9, v0;
	[tilespmem:s3+$0x10000] =	vst.msk vm0, v6  }
0xf0: {  	[tilespmem:s3+$0x12080] =	vst.msk vm0, v5  }
0xf1: {  	v5 =	vld [tilespmem:s22+$0x0];
	_ =	sdelay $0x4  }
0xf2: {  	v6 =	vand.u32 $0x7FFFFFFF, v5  }
0xf3: {  	v7 =	vshrl.u32 v6, $0x14;
	v6 =	vshrl.u32 v6, $0xA  }
0xf4: {  	vm0 =	veq.s32 v7, v4;
	v6 =	vand.u32 $0x3FF, v6  }
0xf5: {  	v6 =	vor.u32 $0x800, v6;
	_ =	sdelay $0x1  }
0xf6: {  	vm1 =	vgt.s32 v7, v4;
	v8 =	vsel vm0, $0x1, v1  }
0xf7: {  	v7 =	vnsel vm1, $0x0, v5;
	(xrf0) =	vadd.scan.msk.s32 $0xffff, v8  }
0xf8: {  	[tilespmem:s22+$0x0] =	vst v7;
	s10 =	spop (v2sf)  }
0xf9: {  	s16 =	simm.s32 $0x40;
	s3 =	sadd.s32 s3, s10;
	[tilespmem:v6+s12+$0x0] =	vst.idx.add.s32.msk vm0, v2  }
0xfa: {  	[tilespmem:s3+$0x10000] =	vst.msk vm0, v5;
	v5 =	vor.u32 s16, v0;
	_ =	sdelay $0x2  }
0xfb: {  	[tilespmem:s3+$0x12080] =	vst.msk vm0, v5;
	v5, _, _ =	vpop (xrf0)  }
0xfc: {  	v6 =	vld [tilespmem:s22+$0x10];
	(v2sf) =	vpush v5, $0xF;
	_ =	sdelay $0x4  }
0xfd: {  	v5 =	vand.u32 $0x7FFFFFFF, v6  }
0xfe: {  	v7 =	vshrl.u32 v5, $0x14  }
0xff: {  	vm0 =	veq.s32 v7, v4  }
0x100: {  	v8 =	vsel vm0, $0x1, v1  }
0x101: {  	v5 =	vshrl.u32 v5, $0xA;
	(xrf0) =	vadd.scan.msk.s32 $0xffff, v8  }
0x102: {  	v5 =	vand.u32 $0x3FF, v5  }
0x103: {  	vm1 =	vgt.s32 v7, v4;
	v5 =	vor.u32 $0x800, v5  }
0x104: {  	v7 =	vnsel vm1, $0x0, v6;
	_ =	sdelay $0x2  }
0x105: {  	[tilespmem:s22+$0x10] =	vst v7;
	v7, _, _ =	vpop (xrf0);
	s17 =	spop (v2sf)  }
0x106: {  	s18 =	simm.s32 $0x50;
	[tilespmem:v5+s13+$0x0] =	vst.idx.add.s32.msk vm0, v2;
	(v2sf) =	vpush v7, $0xF;
	s3 =	sadd.s32 s3, s17  }
0x107: {  	v5 =	vor.u32 s18, v0;
	[tilespmem:s3+$0x10000] =	vst.msk vm0, v6  }
0x108: {  	[tilespmem:s3+$0x12080] =	vst.msk vm0, v5  }
0x109: {  	v5 =	vld [tilespmem:s22+$0x20];
	_ =	sdelay $0x4  }
0x10a: {  	v6 =	vand.u32 $0x7FFFFFFF, v5  }
0x10b: {  	v7 =	vshrl.u32 v6, $0x14;
	v6 =	vshrl.u32 v6, $0xA  }
0x10c: {  	vm0 =	veq.s32 v7, v4;
	v6 =	vand.u32 $0x3FF, v6  }
0x10d: {  	v6 =	vor.u32 $0x800, v6  }
0x10e: {  	v8 =	vsel vm0, $0x1, v1  }
0x10f: {  	vm1 =	vgt.s32 v7, v4;
	(xrf0) =	vadd.scan.msk.s32 $0xffff, v8  }
0x110: {  	v7 =	vnsel vm1, $0x0, v5  }
0x111: {  	[tilespmem:s22+$0x20] =	vst v7;
	s19 =	spop (v2sf)  }
0x112: {  	s25 =	simm.s32 $0x60;
	s3 =	sadd.s32 s3, s19;
	[tilespmem:v6+s14+$0x0] =	vst.idx.add.s32.msk vm0, v2  }
0x113: {  	[tilespmem:s3+$0x10000] =	vst.msk vm0, v5;
	v5 =	vor.u32 s25, v0  }
0x114: {  	[tilespmem:s3+$0x12080] =	vst.msk vm0, v5  }
0x115: {  	v6, _, _ =	vpop (xrf0);
	v5 =	vld [tilespmem:s22+$0x30]  }
0x116: {  	(v2sf) =	vpush v6, $0xF;
	_ =	sdelay $0x3  }
0x117: {  	v6 =	vand.u32 $0x7FFFFFFF, v5  }
0x118: {  	v7 =	vshrl.u32 v6, $0x14  }
0x119: {  	vm0 =	veq.s32 v7, v4  }
0x11a: {  	v8 =	vsel vm0, $0x1, v1  }
0x11b: {  	(xrf0) =	vadd.scan.msk.s32 $0xffff, v8  }
0x11c: {  	v6 =	vshrl.u32 v6, $0xA  }
0x11d: {  	v6 =	vand.u32 $0x3FF, v6  }
0x11e: {  	v6 =	vor.u32 $0x800, v6;
	_ =	sdelay $0x1  }
0x11f: {  	vm1 =	vgt.s32 v7, v4  }
0x120: {  	v7 =	vnsel vm1, $0x0, v5;
	v8, _, _ =	vpop (xrf0)  }
0x121: {  	[tilespmem:s22+$0x30] =	vst v7;
	s28 =	spop (v2sf);
	(v2sf) =	vpush v8, $0xF  }
0x122: {  	s30 =	simm.s32 $0x70;
	[tilespmem:v6+s15+$0x0] =	vst.idx.add.s32.msk vm0, v2;
	s3 =	sadd.s32 s3, s28  }
0x123: {  	[tilespmem:s3+$0x10000] =	vst.msk vm0, v5;
	v5 =	vor.u32 s30, v0  }
0x124: {  	s22 =	simm.s32 $0xC0;
	[tilespmem:s3+$0x12080] =	vst.msk vm0, v5  }
0x125: {  	v5 =	vld [tilespmem:s22+$0xFFFFFFC0];
	_ =	sdelay $0x1  }
0x126: {  	s31 =	sld [smem:$0x7FD];
	_ =	sdelay $0x2  }
0x127: {  	p0 =	seq.s32 s31, $0x1;
	s4 =	sxor.u32 $0x80000000, s23;
	v6 =	vand.u32 $0x7FFFFFFF, v5  }
0x128: {  	s21 =	smov.u32 @p0 s4;
	s4 =	sxor.u32 $0x80000000, s24;
	v7 =	vshrl.u32 v6, $0x14;
	v6 =	vshrl.u32 v6, $0xA  }
0x129: {  	s0 =	sxor.u32 $0x80000000, s0;
	s21 =	smov.u32 @p1 s4;
	vm0 =	veq.s32 v7, v4;
	v6 =	vand.u32 $0x3FF, v6  }
0x12a: {  	s21 =	smov.u32 @p2 s0;
	s0 =	sxor.u32 $0x80000000, s26;
	v8 =	vsel vm0, $0x1, v1;
	v6 =	vor.u32 $0x800, v6  }
0x12b: {  	s21 =	smov.u32 @p5 s0;
	s0 =	sxor.u32 $0x80000000, s29;
	vm1 =	vgt.s32 v7, v4;
	(xrf0) =	vadd.scan.msk.s32 $0xffff, v8  }
0x12c: {  	s23 =	simm.s32 $0xF0;
	s21 =	smov.u32 @p4 s0;
	s0 =	sxor.u32 $0x80000000, s1;
	v7 =	vnsel vm1, $0x0, v5  }
0x12d: {  	s21 =	smov.u32 @p3 s0;
	s0 =	simm.s32 $0x170;
	[tilespmem:s22+$0xFFFFFFC0] =	vst v7;
	s1 =	spop (v2sf)  }
.LBB2_8:
0x12e: {  	s4 =	sadd.s32 $0xFFFFFF90, s23  }
0x12f: {  	[tilespmem:v6+s12+$0x0] =	vst.idx.add.s32.msk vm0, v2;
	s1 =	sadd.s32 s3, s1;
	s25 =	smov.u32 s0;
	s24 =	sadd.s32 $0x80, s0  }
0x130: {  	p0 =	sne.s32 s0, $0x7FF0;
	[tilespmem:s1+$0x10000] =	vst.msk vm0, v5;
	v6 =	vor.u32 s4, v0  }
0x131: {  	[tilespmem:s1+$0x12080] =	vst.msk vm0, v6;
	v5, _, _ =	vpop (xrf0)  }
0x132: {  	v6 =	vld [tilespmem:s22+$0xFFFFFFD0];
	(v2sf) =	vpush v5, $0xF;
	_ =	sdelay $0x4  }
0x133: {  	v5 =	vand.u32 $0x7FFFFFFF, v6  }
0x134: {  	v7 =	vshrl.u32 v5, $0x14;
	v5 =	vshrl.u32 v5, $0xA  }
0x135: {  	vm0 =	veq.s32 v7, v4;
	vm1 =	vgt.s32 v7, v4;
	v5 =	vand.u32 $0x3FF, v5  }
0x136: {  	v7 =	vnsel vm1, $0x0, v6;
	v5 =	vor.u32 $0x800, v5;
	v8 =	vsel vm0, $0x1, v1  }
0x137: {  	(xrf0) =	vadd.scan.msk.s32 $0xffff, v8;
	_ =	sdelay $0x5  }
0x138: {  	[tilespmem:s22+$0xFFFFFFD0] =	vst v7;
	s0 =	spop (v2sf);
	v7, _, _ =	vpop (xrf0)  }
0x139: {  	s0 =	sadd.s32 s1, s0;
	s1 =	sadd.s32 $0xFFFFFFA0, s23;
	[tilespmem:v5+s13+$0x0] =	vst.idx.add.s32.msk vm0, v2;
	(v2sf) =	vpush v7, $0xF  }
0x13a: {  	[tilespmem:s0+$0x10000] =	vst.msk vm0, v6;
	v5 =	vor.u32 s1, v0  }
0x13b: {  	[tilespmem:s0+$0x12080] =	vst.msk vm0, v5  }
0x13c: {  	v5 =	vld [tilespmem:s22+$0xFFFFFFE0];
	_ =	sdelay $0x4  }
0x13d: {  	v6 =	vand.u32 $0x7FFFFFFF, v5  }
0x13e: {  	v7 =	vshrl.u32 v6, $0x14;
	v6 =	vshrl.u32 v6, $0xA  }
0x13f: {  	vm0 =	veq.s32 v7, v4;
	vm1 =	vgt.s32 v7, v4;
	v6 =	vand.u32 $0x3FF, v6  }
0x140: {  	v7 =	vnsel vm1, $0x0, v5;
	v6 =	vor.u32 $0x800, v6;
	v8 =	vsel vm0, $0x1, v1  }
0x141: {  	(xrf0) =	vadd.scan.msk.s32 $0xffff, v8;
	_ =	sdelay $0x2  }
0x142: {  	[tilespmem:s22+$0xFFFFFFE0] =	vst v7;
	s1 =	spop (v2sf)  }
0x143: {  	s0 =	sadd.s32 s0, s1;
	s1 =	sadd.s32 $0xFFFFFFB0, s23;
	[tilespmem:v6+s14+$0x0] =	vst.idx.add.s32.msk vm0, v2  }
0x144: {  	[tilespmem:s0+$0x10000] =	vst.msk vm0, v5;
	v6 =	vor.u32 s1, v0  }
0x145: {  	[tilespmem:s0+$0x12080] =	vst.msk vm0, v6;
	v5, _, _ =	vpop (xrf0)  }
0x146: {  	v6 =	vld [tilespmem:s22+$0xFFFFFFF0];
	(v2sf) =	vpush v5, $0xF;
	_ =	sdelay $0x4  }
0x147: {  	v5 =	vand.u32 $0x7FFFFFFF, v6  }
0x148: {  	v7 =	vshrl.u32 v5, $0x14;
	v5 =	vshrl.u32 v5, $0xA  }
0x149: {  	vm0 =	veq.s32 v7, v4;
	v5 =	vand.u32 $0x3FF, v5  }
0x14a: {  	v5 =	vor.u32 $0x800, v5;
	v8 =	vsel vm0, $0x1, v1  }
0x14b: {  	(xrf0) =	vadd.scan.msk.s32 $0xffff, v8  }
0x14c: {  	vm1 =	vgt.s32 v7, v4  }
0x14d: {  	v7 =	vnsel vm1, $0x0, v6  }
0x14e: {  	[tilespmem:s22+$0xFFFFFFF0] =	vst v7  }
0x14f: {  	[tilespmem:v5+s15+$0x0] =	vst.idx.add.s32.msk vm0, v2;
	_ =	sdelay $0x1  }
0x150: {  	s1 =	spop (v2sf);
	v5, _, _ =	vpop (xrf0)  }
0x151: {  	s0 =	sadd.s32 s0, s1;
	s1 =	sadd.s32 $0xFFFFFFC0, s23;
	(v2sf) =	vpush v5, $0xF  }
0x152: {  	[tilespmem:s0+$0x10000] =	vst.msk vm0, v6;
	v5 =	vor.u32 s1, v0  }
0x153: {  	[tilespmem:s0+$0x12080] =	vst.msk vm0, v5  }
0x154: {  	v5 =	vld [tilespmem:s22+$0x0];
	_ =	sdelay $0x4  }
0x155: {  	v6 =	vand.u32 $0x7FFFFFFF, v5  }
0x156: {  	v7 =	vshrl.u32 v6, $0x14;
	v6 =	vshrl.u32 v6, $0xA  }
0x157: {  	vm0 =	veq.s32 v7, v4;
	vm1 =	vgt.s32 v7, v4;
	v6 =	vand.u32 $0x3FF, v6  }
0x158: {  	v7 =	vnsel vm1, $0x0, v5;
	v6 =	vor.u32 $0x800, v6;
	v8 =	vsel vm0, $0x1, v1  }
0x159: {  	[tilespmem:s22+$0x0] =	vst v7;
	(xrf0) =	vadd.scan.msk.s32 $0xffff, v8;
	_ =	sdelay $0x2  }
0x15a: {  	s1 =	spop (v2sf)  }
0x15b: {  	s0 =	sadd.s32 s0, s1;
	s1 =	sadd.s32 $0xFFFFFFD0, s23;
	[tilespmem:v6+s12+$0x0] =	vst.idx.add.s32.msk vm0, v2  }
0x15c: {  	[tilespmem:s0+$0x10000] =	vst.msk vm0, v5;
	v6 =	vor.u32 s1, v0  }
0x15d: {  	[tilespmem:s0+$0x12080] =	vst.msk vm0, v6;
	v5, _, _ =	vpop (xrf0)  }
0x15e: {  	v6 =	vld [tilespmem:s22+$0x10];
	(v2sf) =	vpush v5, $0xF;
	_ =	sdelay $0x4  }
0x15f: {  	v5 =	vand.u32 $0x7FFFFFFF, v6  }
0x160: {  	v7 =	vshrl.u32 v5, $0x14;
	v5 =	vshrl.u32 v5, $0xA  }
0x161: {  	vm0 =	veq.s32 v7, v4;
	vm1 =	vgt.s32 v7, v4;
	v5 =	vand.u32 $0x3FF, v5  }
0x162: {  	v7 =	vnsel vm1, $0x0, v6;
	v5 =	vor.u32 $0x800, v5;
	v8 =	vsel vm0, $0x1, v1  }
0x163: {  	[tilespmem:s22+$0x10] =	vst v7;
	(xrf0) =	vadd.scan.msk.s32 $0xffff, v8;
	_ =	sdelay $0x3  }
0x164: {  	[tilespmem:v5+s13+$0x0] =	vst.idx.add.s32.msk vm0, v2;
	_ =	sdelay $0x1  }
0x165: {  	s1 =	spop (v2sf);
	v5, _, _ =	vpop (xrf0)  }
0x166: {  	s0 =	sadd.s32 s0, s1;
	s1 =	sadd.s32 $0xFFFFFFE0, s23;
	(v2sf) =	vpush v5, $0xF  }
0x167: {  	[tilespmem:s0+$0x10000] =	vst.msk vm0, v6;
	v5 =	vor.u32 s1, v0  }
0x168: {  	[tilespmem:s0+$0x12080] =	vst.msk vm0, v5  }
0x169: {  	v5 =	vld [tilespmem:s22+$0x20];
	_ =	sdelay $0x4  }
0x16a: {  	v6 =	vand.u32 $0x7FFFFFFF, v5  }
0x16b: {  	v7 =	vshrl.u32 v6, $0x14;
	v6 =	vshrl.u32 v6, $0xA  }
0x16c: {  	vm0 =	veq.s32 v7, v4;
	vm1 =	vgt.s32 v7, v4;
	v6 =	vand.u32 $0x3FF, v6  }
0x16d: {  	v7 =	vnsel vm1, $0x0, v5;
	v6 =	vor.u32 $0x800, v6;
	v8 =	vsel vm0, $0x1, v1  }
0x16e: {  	[tilespmem:s22+$0x20] =	vst v7;
	(xrf0) =	vadd.scan.msk.s32 $0xffff, v8;
	_ =	sdelay $0x2  }
0x16f: {  	s1 =	spop (v2sf)  }
0x170: {  	s0 =	sadd.s32 s0, s1;
	s1 =	sadd.s32 $0xFFFFFFF0, s23;
	[tilespmem:v6+s14+$0x0] =	vst.idx.add.s32.msk vm0, v2  }
0x171: {  	[tilespmem:s0+$0x10000] =	vst.msk vm0, v5;
	v6 =	vor.u32 s1, v0  }
0x172: {  	[tilespmem:s0+$0x12080] =	vst.msk vm0, v6;
	v5, _, _ =	vpop (xrf0)  }
0x173: {  	v6 =	vld [tilespmem:s22+$0x30];
	(v2sf) =	vpush v5, $0xF;
	_ =	sdelay $0x4  }
0x174: {  	v5 =	vand.u32 $0x7FFFFFFF, v6  }
0x175: {  	v7 =	vshrl.u32 v5, $0x14;
	v5 =	vshrl.u32 v5, $0xA  }
0x176: {  	vm0 =	veq.s32 v7, v4;
	vm1 =	vgt.s32 v7, v4;
	v5 =	vand.u32 $0x3FF, v5  }
0x177: {  	v7 =	vnsel vm1, $0x0, v6;
	v5 =	vor.u32 $0x800, v5;
	v8 =	vsel vm0, $0x1, v1  }
0x178: {  	[tilespmem:s22+$0x30] =	vst v7;
	(xrf0) =	vadd.scan.msk.s32 $0xffff, v8;
	_ =	sdelay $0x3  }
0x179: {  	[tilespmem:v5+s15+$0x0] =	vst.idx.add.s32.msk vm0, v2;
	_ =	sdelay $0x1  }
0x17a: {  	s1 =	spop (v2sf);
	v5, _, _ =	vpop (xrf0)  }
0x17b: {  	s3 =	sadd.s32 s0, s1;
	(v2sf) =	vpush v5, $0xF  }
0x17c: {  	v5 =	vor.u32 s23, v0;
	s23 =	smov.u32 s25;
	[tilespmem:s3+$0x10000] =	vst.msk vm0, v6  }
0x17d: {  	s22 =	sadd.s32 $0x80, s22;
	[tilespmem:s3+$0x12080] =	vst.msk vm0, v5  }
0x17e: {  	v5 =	vld [tilespmem:s22+$0xFFFFFFC0];
	_ =	sdelay $0x4  }
0x17f: {  	v6 =	vand.u32 $0x7FFFFFFF, v5  }
0x180: {  	v7 =	vshrl.u32 v6, $0x14;
	v6 =	vshrl.u32 v6, $0xA  }
0x181: {  	vm0 =	veq.s32 v7, v4;
	vm1 =	vgt.s32 v7, v4;
	v6 =	vand.u32 $0x3FF, v6  }
.Ltmp5:
0x182: {  	v7 =	vnsel vm1, $0x0, v5;
	v6 =	vor.u32 $0x800, v6;
	v8 =	vsel vm0, $0x1, v1;
	(pc) =	sbr.rel @p0 .LBB2_8-.Ltmp5, $2  }
0x183: {  	(xrf0) =	vadd.scan.msk.s32 $0xffff, v8;
	_ =	sdelay $0x2  }
0x184: {  	s0 =	smov.u32 s24;
	[tilespmem:s22+$0xFFFFFFC0] =	vst v7;
	s1 =	spop (v2sf)  }
0x185: {  	_ =	sdelay $0x3  }
0x186: {  	v7, _, _ =	vpop (xrf0)  }
0x187: {  	s0 =	sadd.s32 $0xFFFFFF90, s23;
	[tilespmem:v6+s12+$0x0] =	vst.idx.add.s32.msk vm0, v2;
	s1 =	sadd.s32 s3, s1;
	(v2sf) =	vpush v7, $0xF  }
0x188: {  	[tilespmem:s1+$0x10000] =	vst.msk vm0, v5;
	v5 =	vor.u32 s0, v0  }
0x189: {  	[tilespmem:s1+$0x12080] =	vst.msk vm0, v5  }
0x18a: {  	v5 =	vld [tilespmem:s22+$0xFFFFFFD0];
	_ =	sdelay $0x4  }
0x18b: {  	v6 =	vand.u32 $0x7FFFFFFF, v5  }
0x18c: {  	v7 =	vshrl.u32 v6, $0x14;
	v6 =	vshrl.u32 v6, $0xA  }
0x18d: {  	vm12 =	veq.s32 v7, v4;
	v6 =	vand.u32 $0x3FF, v6  }
0x18e: {  	v6 =	vor.u32 $0x800, v6;
	v8 =	vsel vm12, $0x1, v1  }
0x18f: {  	(xrf0) =	vadd.scan.msk.s32 $0xffff, v8  }
0x190: {  	vm1 =	vgt.s32 v7, v4  }
0x191: {  	v7 =	vnsel vm1, $0x0, v5  }
0x192: {  	[tilespmem:s22+$0xFFFFFFD0] =	vst v7;
	s3 =	spop (v2sf)  }
0x193: {  	s4 =	sadd.s32 $0xFFFFFFA0, s23;
	[tilespmem:v6+s13+$0x0] =	vst.idx.add.s32.msk vm12, v2;
	s0 =	sadd.s32 s1, s3  }
0x194: {  	[tilespmem:s0+$0x10000] =	vst.msk vm12, v5;
	v5 =	vor.u32 s4, v0  }
0x195: {  	v6, _, _ =	vpop (xrf0);
	[tilespmem:s0+$0x12080] =	vst.msk vm12, v5  }
0x196: {  	(v2sf) =	vpush v6, $0xF;
	v5 =	vld [tilespmem:s22+$0xFFFFFFE0];
	_ =	sdelay $0x4  }
0x197: {  	v6 =	vand.u32 $0x7FFFFFFF, v5  }
0x198: {  	v7 =	vshrl.u32 v6, $0x14  }
0x199: {  	vm13 =	veq.s32 v7, v4  }
0x19a: {  	v8 =	vsel vm13, $0x1, v1  }
0x19b: {  	v6 =	vshrl.u32 v6, $0xA;
	(xrf0) =	vadd.scan.msk.s32 $0xffff, v8  }
0x19c: {  	v6 =	vand.u32 $0x3FF, v6  }
0x19d: {  	vm14 =	vgt.s32 v7, v4;
	v6 =	vor.u32 $0x800, v6  }
0x19e: {  	v7 =	vnsel vm14, $0x0, v5;
	_ =	sdelay $0x2  }
0x19f: {  	[tilespmem:s22+$0xFFFFFFE0] =	vst v7;
	s5 =	spop (v2sf);
	v7, _, _ =	vpop (xrf0)  }
0x1a0: {  	s6 =	sadd.s32 $0xFFFFFFB0, s23;
	s0 =	sadd.s32 s0, s5;
	[tilespmem:v6+s14+$0x0] =	vst.idx.add.s32.msk vm13, v2;
	(v2sf) =	vpush v7, $0xF  }
0x1a1: {  	[tilespmem:s0+$0x10000] =	vst.msk vm13, v5;
	v5 =	vor.u32 s6, v0  }
0x1a2: {  	[tilespmem:s0+$0x12080] =	vst.msk vm13, v5  }
0x1a3: {  	v5 =	vld [tilespmem:s22+$0xFFFFFFF0];
	_ =	sdelay $0x4  }
0x1a4: {  	v6 =	vand.u32 $0x7FFFFFFF, v5  }
0x1a5: {  	v7 =	vshrl.u32 v6, $0x14;
	v6 =	vshrl.u32 v6, $0xA  }
0x1a6: {  	vm15 =	veq.s32 v7, v4;
	v6 =	vand.u32 $0x3FF, v6  }
0x1a7: {  	v6 =	vor.u32 $0x800, v6;
	v8 =	vsel vm15, $0x1, v1  }
0x1a8: {  	(xrf0) =	vadd.scan.msk.s32 $0xffff, v8  }
0x1a9: {  	vm4 =	vgt.s32 v7, v4  }
0x1aa: {  	v7 =	vnsel vm4, $0x0, v5  }
0x1ab: {  	[tilespmem:s22+$0xFFFFFFF0] =	vst v7;
	s7 =	spop (v2sf)  }
0x1ac: {  	s8 =	sadd.s32 $0xFFFFFFC0, s23;
	[tilespmem:v6+s15+$0x0] =	vst.idx.add.s32.msk vm15, v2;
	s0 =	sadd.s32 s0, s7  }
0x1ad: {  	[tilespmem:s0+$0x10000] =	vst.msk vm15, v5;
	v5 =	vor.u32 s8, v0  }
0x1ae: {  	v6, _, _ =	vpop (xrf0);
	[tilespmem:s0+$0x12080] =	vst.msk vm15, v5  }
0x1af: {  	(v2sf) =	vpush v6, $0xF;
	v5 =	vld [tilespmem:s22+$0x0];
	_ =	sdelay $0x4  }
0x1b0: {  	v6 =	vand.u32 $0x7FFFFFFF, v5  }
0x1b1: {  	v7 =	vshrl.u32 v6, $0x14  }
0x1b2: {  	vm5 =	veq.s32 v7, v4  }
0x1b3: {  	v8 =	vsel vm5, $0x1, v1  }
0x1b4: {  	v6 =	vshrl.u32 v6, $0xA;
	(xrf0) =	vadd.scan.msk.s32 $0xffff, v8  }
0x1b5: {  	v6 =	vand.u32 $0x3FF, v6  }
0x1b6: {  	vm6 =	vgt.s32 v7, v4;
	v6 =	vor.u32 $0x800, v6  }
0x1b7: {  	v7 =	vnsel vm6, $0x0, v5;
	_ =	sdelay $0x2  }
0x1b8: {  	[tilespmem:s22+$0x0] =	vst v7;
	s9 =	spop (v2sf);
	v7, _, _ =	vpop (xrf0)  }
0x1b9: {  	s10 =	sadd.s32 $0xFFFFFFD0, s23;
	s0 =	sadd.s32 s0, s9;
	[tilespmem:v6+s12+$0x0] =	vst.idx.add.s32.msk vm5, v2;
	(v2sf) =	vpush v7, $0xF  }
0x1ba: {  	[tilespmem:s0+$0x10000] =	vst.msk vm5, v5;
	v5 =	vor.u32 s10, v0  }
0x1bb: {  	[tilespmem:s0+$0x12080] =	vst.msk vm5, v5  }
0x1bc: {  	v5 =	vld [tilespmem:s22+$0x10];
	_ =	sdelay $0x4  }
0x1bd: {  	v6 =	vand.u32 $0x7FFFFFFF, v5  }
0x1be: {  	v7 =	vshrl.u32 v6, $0x14;
	v6 =	vshrl.u32 v6, $0xA  }
0x1bf: {  	vm7 =	veq.s32 v7, v4;
	v6 =	vand.u32 $0x3FF, v6  }
0x1c0: {  	v6 =	vor.u32 $0x800, v6;
	v8 =	vsel vm7, $0x1, v1  }
0x1c1: {  	(xrf0) =	vadd.scan.msk.s32 $0xffff, v8  }
0x1c2: {  	vm8 =	vgt.s32 v7, v4  }
0x1c3: {  	v7 =	vnsel vm8, $0x0, v5  }
0x1c4: {  	[tilespmem:s22+$0x10] =	vst v7;
	s16 =	spop (v2sf)  }
0x1c5: {  	s17 =	sadd.s32 $0xFFFFFFE0, s23;
	[tilespmem:v6+s13+$0x0] =	vst.idx.add.s32.msk vm7, v2;
	s0 =	sadd.s32 s0, s16  }
0x1c6: {  	[tilespmem:s0+$0x10000] =	vst.msk vm7, v5;
	v5 =	vor.u32 s17, v0  }
0x1c7: {  	v6, _, _ =	vpop (xrf0);
	[tilespmem:s0+$0x12080] =	vst.msk vm7, v5  }
0x1c8: {  	(v2sf) =	vpush v6, $0xF;
	v5 =	vld [tilespmem:s22+$0x20];
	_ =	sdelay $0x4  }
0x1c9: {  	v6 =	vand.u32 $0x7FFFFFFF, v5  }
0x1ca: {  	v7 =	vshrl.u32 v6, $0x14  }
0x1cb: {  	vm9 =	veq.s32 v7, v4  }
0x1cc: {  	v8 =	vsel vm9, $0x1, v1  }
0x1cd: {  	v6 =	vshrl.u32 v6, $0xA;
	(xrf0) =	vadd.scan.msk.s32 $0xffff, v8  }
0x1ce: {  	v6 =	vand.u32 $0x3FF, v6  }
0x1cf: {  	vm10 =	vgt.s32 v7, v4;
	v6 =	vor.u32 $0x800, v6  }
0x1d0: {  	v7 =	vnsel vm10, $0x0, v5;
	_ =	sdelay $0x2  }
0x1d1: {  	[tilespmem:s22+$0x20] =	vst v7;
	s18 =	spop (v2sf);
	v7, _, _ =	vpop (xrf0)  }
0x1d2: {  	s19 =	sadd.s32 $0xFFFFFFF0, s23;
	s0 =	sadd.s32 s0, s18;
	[tilespmem:v6+s14+$0x0] =	vst.idx.add.s32.msk vm9, v2;
	(v2sf) =	vpush v7, $0xF  }
0x1d3: {  	[tilespmem:s0+$0x10000] =	vst.msk vm9, v5;
	v5 =	vor.u32 s19, v0  }
0x1d4: {  	[tilespmem:s0+$0x12080] =	vst.msk vm9, v5  }
0x1d5: {  	v5 =	vld [tilespmem:s22+$0x30];
	_ =	sdelay $0x4  }
0x1d6: {  	v6 =	vand.u32 $0x7FFFFFFF, v5  }
0x1d7: {  	v7 =	vshrl.u32 v6, $0x14;
	v6 =	vshrl.u32 v6, $0xA  }
0x1d8: {  	vm11 =	veq.s32 v7, v4;
	v6 =	vand.u32 $0x3FF, v6  }
0x1d9: {  	v6 =	vor.u32 $0x800, v6;
	_ =	sdelay $0x1  }
0x1da: {  	vm12 =	vgt.s32 v7, v4  }
0x1db: {  	v4 =	vnsel vm12, $0x0, v5  }
0x1dc: {  	[tilespmem:s22+$0x30] =	vst v4;
	s24 =	spop (v2sf)  }
0x1dd: {  	[tilespmem:v6+s15+$0x0] =	vst.idx.add.s32.msk vm11, v2;
	s0 =	sadd.s32 s0, s24  }
0x1de: {  	v4 =	vor.u32 s23, v0;
	[tilespmem:s0+$0x10000] =	vst.msk vm11, v5  }
0x1df: {  	s25 =	simm.s32 $0x14900;
	[tilespmem:s0+$0x12080] =	vst.msk vm11, v4  }
0x1e0: {  	s4 =	simm.s32 $0x15900;
	v4 =	vld [tilespmem:s25+$0x0]  }
0x1e1: {  	s26 =	simm.s32 $0x16900;
	v6 =	vld [tilespmem:s4+$0x0]  }
0x1e2: {  	s5 =	simm.s32 $0x17900;
	v5 =	vld [tilespmem:s26+$0x0]  }
0x1e3: {  	v7 =	vld [tilespmem:s5+$0x0]  }
0x1e4: {  	[tilespmem:s25+$0x0] =	vst v1  }
0x1e5: {  	[tilespmem:s4+$0x0] =	vst v1  }
0x1e6: {  	[tilespmem:s26+$0x0] =	vst v1;
	v4 =	vadd.s32 v4, v6  }
0x1e7: {  	v8 =	vsel vm11, $0x1, v1;
	[tilespmem:s5+$0x0] =	vst v1;
	s5 =	simm.s32 $0x15910;
	v4 =	vadd.s32 v5, v4  }
0x1e8: {  	s30 =	simm.s32 $0x14910;
	(xrf0) =	vadd.scan.msk.s32 $0xffff, v8;
	v8 =	vld [tilespmem:s5+$0x0];
	v7 =	vadd.s32 v7, v4  }
0x1e9: {  	v6 =	vld [tilespmem:s30+$0x0];
	(xrf0) =	vadd.scan.msk.s32 $0xffff, v7;
	_ =	sdelay $0x4  }
0x1ea: {  	s31 =	simm.s32 $0x16910;
	v6 =	vadd.s32 v6, v8;
	v8, _, _ =	vpop (xrf0)  }
0x1eb: {  	s6 =	simm.s32 $0x17910;
	v5 =	vld [tilespmem:s31+$0x0];
	(v2sf) =	vpush v8, $0xF;
	v8, _, _ =	vpop (xrf0)  }
0x1ec: {  	v4 =	vld [tilespmem:s6+$0x0];
	[tilespmem:s30+$0x0] =	vst v1;
	(v2sf) =	vpush v8, $0xF  }
0x1ed: {  	[tilespmem:s5+$0x0] =	vst v1  }
0x1ee: {  	[tilespmem:s31+$0x0] =	vst v1  }
0x1ef: {  	s7 =	simm.s32 $0x14920;
	[tilespmem:s6+$0x0] =	vst v1  }
0x1f0: {  	s8 =	simm.s32 $0x15920;
	v5 =	vadd.s32 v5, v6;
	v6 =	vld [tilespmem:s7+$0x0]  }
0x1f1: {  	s9 =	simm.s32 $0x16920;
	v9 =	vld [tilespmem:s8+$0x0]  }
0x1f2: {  	s10 =	simm.s32 $0x17920;
	v5 =	vadd.s32 v4, v5;
	v4 =	vld [tilespmem:s9+$0x0]  }
0x1f3: {  	v10 =	vld [tilespmem:s10+$0x0];
	(xrf0) =	vadd.scan.msk.s32 $0xffff, v5  }
0x1f4: {  	[tilespmem:s7+$0x0] =	vst v1  }
0x1f5: {  	[tilespmem:s8+$0x0] =	vst v1  }
0x1f6: {  	[tilespmem:s9+$0x0] =	vst v1;
	v6 =	vadd.s32 v6, v9  }
0x1f7: {  	s18 =	simm.s32 $0x15930;
	[tilespmem:s10+$0x0] =	vst v1;
	v4 =	vadd.s32 v4, v6  }
0x1f8: {  	s28 =	simm.s32 $0x0;
	s16 =	simm.s32 $0x14930;
	s22 =	ssub.s32 $0x7F00, s21;
	v12 =	vld [tilespmem:s18+$0x0];
	v10 =	vadd.s32 v10, v4  }
0x1f9: {  	s17 =	simm.s32 $0x16930;
	v8 =	vadd.s32 s28, v8;
	v6 =	vld [tilespmem:s16+$0x0];
	v4 =	vmov s22;
	v9, _, _ =	vpop (xrf0);
	(xrf0) =	vadd.scan.msk.s32 $0xffff, v10  }
0x1fa: {  	s19 =	simm.s32 $0x17930;
	v11 =	vld [tilespmem:s17+$0x0];
	v7 =	vsub.s32 v8, v7;
	vm13 =	vgt.s32 v8, v4;
	(v2sf) =	vpush v9, $0xF;
	s24 =	spop (v2sf)  }
0x1fb: {  	v13 =	vld [tilespmem:s19+$0x0];
	v7 =	vxor.u32 $0x80000000, v7;
	v15 =	vnsel vm13, $0xFFFFFFFF, v3;
	s6 =	spop (v2sf)  }
0x1fc: {  	v7 =	vnsel vm13, $0xFFFFFFFF, v7;
	(xrf0) =	vmin.scan.msk.u32 $0xffff, v15;
	s6 =	sadd.s32 $0x0, s6  }
0x1fd: {  	[tilespmem:s16+$0x0] =	vst v1;
	(xrf0) =	vmin.scan.msk.u32 $0xffff, v7;
	v7 =	vadd.s32 s6, v9  }
0x1fe: {  	[tilespmem:s18+$0x0] =	vst v1;
	v6 =	vadd.s32 v6, v12;
	vm14 =	vgt.s32 v7, v4;
	v5 =	vsub.s32 v7, v5  }
0x1ff: {  	[tilespmem:s17+$0x0] =	vst v1;
	v6 =	vadd.s32 v11, v6;
	v14, _, _ =	vpop (xrf0);
	v7 =	vnsel vm14, $0xFFFFFFFF, v3;
	v5 =	vxor.u32 $0x80000000, v5  }
0x200: {  	s23 =	simm.s32 $0x14940;
	[tilespmem:s19+$0x0] =	vst v1;
	v6 =	vadd.s32 v13, v6;
	(v2sf) =	vpush v14, $0xF;
	v5 =	vnsel vm14, $0xFFFFFFFF, v5  }
0x201: {  	s25 =	simm.s32 $0x16940;
	v8 =	vld [tilespmem:s23+$0x0];
	(xrf0) =	vadd.scan.msk.s32 $0xffff, v6  }
0x202: {  	s26 =	simm.s32 $0x15940;
	v59 =	vld [tilespmem:s25+$0x0];
	(xrf0) =	vmin.scan.msk.u32 $0xffff, v7;
	v7, _, _ =	vpop (xrf0)  }
0x203: {  	s7 =	simm.s32 $0x17940;
	v11 =	vld [tilespmem:s26+$0x0];
	(xrf0) =	vmin.scan.msk.u32 $0xffff, v5;
	v5, _, _ =	vpop (xrf0);
	(v2sf) =	vpush v7, $0xF  }
0x204: {  	v9 =	vld [tilespmem:s7+$0x0];
	[tilespmem:s23+$0x0] =	vst v1;
	(v2sf) =	vpush v5, $0xF  }
0x205: {  	[tilespmem:s26+$0x0] =	vst v1  }
0x206: {  	[tilespmem:s25+$0x0] =	vst v1  }
0x207: {  	s30 =	simm.s32 $0x14950;
	[tilespmem:s7+$0x0] =	vst v1  }
0x208: {  	s10 =	simm.s32 $0x15950;
	v60 =	vld [tilespmem:s30+$0x0];
	v7, _, _ =	vpop (xrf0)  }
0x209: {  	s16 =	simm.s32 $0x16950;
	s31 =	spop (v2sf);
	v61 =	vld [tilespmem:s10+$0x0];
	(v2sf) =	vpush v7, $0xF;
	v62, _, _ =	vpop (xrf0)  }
0x20a: {  	s4 =	sadd.s32 s6, s31;
	v5 =	vadd.s32 v8, v11;
	v11 =	vld [tilespmem:s16+$0x0];
	(v2sf) =	vpush v62, $0xF;
	v63, _, _ =	vpop (xrf0)  }
0x20b: {  	s29 =	simm.s32 $0x80000010;
	s3 =	simm.s32 $0x80000000;
	s5 =	simm.s32 $0x17950;
	v14 =	vadd.s32 s4, v14;
	v5 =	vadd.s32 v59, v5;
	(v2sf) =	vpush v63, $0xF  }
0x20c: {  	s21 =	simm.s32 $0x80000040;
	s1 =	sadd.s32 s0, s24;
	s0 =	simm.s32 $0x80000050;
	vm15 =	vgt.s32 v14, v4;
	v10 =	vsub.s32 v14, v10;
	v8 =	vld [tilespmem:s5+$0x0];
	[tilespmem:s30+$0x0] =	vst v1;
	v5 =	vadd.s32 v9, v5  }
0x20d: {  	s24 =	simm.s32 $0x0;
	s26 =	simm.s32 $0x80000020;
	s25 =	simm.s32 $0x80000030;
	v10 =	vxor.u32 $0x80000000, v10;
	[tilespmem:s10+$0x0] =	vst v1;
	v9 =	vnsel vm15, $0xFFFFFFFF, v3;
	(xrf0) =	vadd.scan.msk.s32 $0xffff, v5  }
0x20e: {  	s23 =	simm.s32 $0x0;
	s7 =	simm.s32 $0x15960;
	s6 =	simm.s32 $0x80000060;
	v10 =	vnsel vm15, $0xFFFFFFFF, v10;
	[tilespmem:s16+$0x0] =	vst v1;
	(xrf0) =	vmin.scan.msk.u32 $0xffff, v9;
	v9 =	vadd.s32 v60, v61  }
0x20f: {  	s10 =	simm.s32 $0x16960;
	s16 =	simm.s32 $0x14960;
	s17 =	spop (v2sf);
	[tilespmem:s5+$0x0] =	vst v1;
	(xrf0) =	vmin.scan.msk.u32 $0xffff, v10;
	v9 =	vadd.s32 v11, v9  }
.LBB2_10:
0x210: {  	s18 =	smov.u32 s28;
	s5 =	sadd.s32 $0x10, s5  }
0x211: {  	s4 =	sadd.s32 s4, s17;
	s30 =	smov.u32 s0;
	s0 =	smov.u32 s6  }
0x212: {  	p0 =	sne.s32 s6, $0x800003F0;
	s6 =	sadd.s32 $0x10, s6;
	v10 =	vld [tilespmem:s16+$0x0];
	s17 =	spop (v2sf)  }
0x213: {  	v14 =	vadd.s32 s4, v7;
	p1 =	seq.s32 s18, $0x0;
	v11 =	vld [tilespmem:s10+$0x0];
	v7, _, _ =	vpop (xrf0);
	s28 =	sxor.u32 $0x80000000, s17;
	s31 =	spop (v2sf)  }
0x214: {  	v6 =	vsub.s32 v14, v6;
	vm0 =	vgt.s32 v14, v4;
	s3 =	sadd.s32 s3, s17;
	v13 =	vld [tilespmem:s7+$0x0];
	(v2sf) =	vpush v7, $0xF;
	v12, _, _ =	vpop (xrf0);
	p2 =	slt.s32 s28, $0x10;
	s28 =	simm.s32 $0x1  }
0x215: {  	v9 =	vadd.s32 v8, v9;
	v14 =	vnsel vm0, $0xFFFFFFFF, v3;
	s17 =	sxor.u32 $0x80000000, s31;
	v8 =	vld [tilespmem:s5+$0x0];
	(v2sf) =	vpush v12, $0xF;
	v12, _, _ =	vpop (xrf0);
	s28 =	simm.s32 @!p2 $0x0;
	p1 =	por !p2, !p1  }
.Ltmp6:
0x216: {  	v15 =	vxor.u32 $0x80000000, v6;
	[tilespmem:s16+$0x0] =	vst v1;
	(xrf0) =	vadd.scan.msk.s32 $0xffff, v9;
	(v2sf) =	vpush v12, $0xF;
	p1 =	por !p1, !p1;
	p2 =	sgt.s32 s18, s28;
	(pc) =	sbr.rel @p0 .LBB2_10-.Ltmp6, $4  }
0x217: {  	v12 =	vnsel vm0, $0xFFFFFFFF, v15;
	v6 =	vmovc v5;
	v5 =	vmov v9;
	[tilespmem:s7+$0x0] =	vst v1;
	(xrf0) =	vmin.scan.msk.u32 $0xffff, v14;
	s24 =	smov.u32 @p1 s3;
	s23 =	smov.u32 @p1 s17;
	s3 =	smov.u32 s29  }
0x218: {  	s28 =	smov.u32 @p2 s18;
	s29 =	smov.u32 s26;
	s26 =	smov.u32 s25;
	[tilespmem:s10+$0x0] =	vst v1;
	(xrf0) =	vmin.scan.msk.u32 $0xffff, v12  }
0x219: {  	s7 =	sadd.s32 $0x10, s7;
	s25 =	smov.u32 s21;
	s21 =	smov.u32 s30;
	v9 =	vadd.s32 v10, v13;
	[tilespmem:s5+$0x0] =	vst v1  }
0x21a: {  	s16 =	sadd.s32 $0x10, s16;
	s10 =	sadd.s32 $0x10, s10;
	v9 =	vadd.s32 v11, v9;
	s17 =	spop (v2sf)  }
0x21b: {  	_ = 	snop  }
0x21c: {  	v10, _, _ =	vpop (xrf0)  }
0x21d: {  	(v2sf) =	vpush v10, $0xF;
	_ =	sdelay $0x5  }
0x21e: {  	s4 =	sadd.s32 s4, s17  }
0x21f: {  	s5 =	spop (v2sf);
	v8 =	vadd.s32 v8, v9;
	v7 =	vadd.s32 s4, v7;
	v62, _, _ =	vpop (xrf0)  }
0x220: {  	s6 =	spop (v2sf);
	vm0 =	vgt.s32 v7, v4;
	(xrf0) =	vadd.scan.msk.s32 $0xffff, v8;
	(v2sf) =	vpush v62, $0xF  }
0x221: {  	v11 =	vnsel vm0, $0xFFFFFFFF, v3;
	s7 =	spop (v2sf)  }
0x222: {  	v6 =	vsub.s32 v7, v6;
	(xrf0) =	vmin.scan.msk.u32 $0xffff, v11;
	v7, _, _ =	vpop (xrf0);
	s4 =	sadd.s32 s4, s7  }
0x223: {  	v6 =	vxor.u32 $0x80000000, v6;
	(v2sf) =	vpush v7, $0xF;
	v7 =	vadd.s32 s4, v10  }
0x224: {  	v6 =	vnsel vm0, $0xFFFFFFFF, v6;
	vm14 =	vgt.s32 v7, v4  }
0x225: {  	(xrf0) =	vmin.scan.msk.u32 $0xffff, v6;
	s18 =	spop (v2sf);
	v6 =	vnsel vm14, $0xFFFFFFFF, v3  }
0x226: {  	v63, _, _ =	vpop (xrf0);
	s10 =	spop (v2sf)  }
0x227: {  	(v2sf) =	vpush v63, $0xF;
	(xrf0) =	vmin.scan.msk.u32 $0xffff, v6;
	s16 =	spop (v2sf)  }
0x228: {  	v5 =	vsub.s32 v7, v5;
	v6, _, _ =	vpop (xrf0);
	s4 =	sadd.s32 s4, s16  }
0x229: {  	s19 =	sxor.u32 $0x80000000, s5;
	v5 =	vxor.u32 $0x80000000, v5;
	(v2sf) =	vpush v6, $0xF;
	v6 =	vadd.s32 s4, v63  }
0x22a: {  	p0 =	seq.s32 s28, $0x0;
	p1 =	slt.s32 s19, $0x10;
	v5 =	vnsel vm14, $0xFFFFFFFF, v5;
	vm15 =	vgt.s32 v6, v4  }
0x22b: {  	p0 =	por !p1, !p0;
	(xrf0) =	vmin.scan.msk.u32 $0xffff, v5;
	v5 =	vnsel vm15, $0xFFFFFFFF, v3  }
0x22c: {  	s3 =	sadd.s32 s3, s5;
	p0 =	por !p0, !p0;
	v4, _, _ =	vpop (xrf0);
	(xrf0) =	vmin.scan.msk.u32 $0xffff, v5  }
0x22d: {  	s5 =	sxor.u32 $0x80000000, s6;
	s24 =	smov.u32 @p0 s3;
	(v2sf) =	vpush v4, $0xF;
	v4, _, _ =	vpop (xrf0);
	v5 =	vsub.s32 v6, v8  }
0x22e: {  	s23 =	smov.u32 @p0 s5;
	s3 =	simm.s32 $0x1;
	s4 =	simm.s32 $0x1;
	(v2sf) =	vpush v4, $0xF;
	v4 =	vxor.u32 $0x80000000, v5  }
0x22f: {  	s6 =	sadd.s32 s29, s18;
	s30 =	spop (v2sf);
	s4 =	simm.s32 @!p1 $0x0;
	v4 =	vnsel vm15, $0xFFFFFFFF, v4  }
0x230: {  	s7 =	sxor.u32 $0x80000000, s10;
	s5 =	sadd.s32 s26, s30;
	p1 =	sgt.s32 s28, s4  }
0x231: {  	s26 =	sadd.s32 $0xF, s1;
	s4 =	smov.u32 @p1 s28;
	s28 =	sxor.u32 $0x80000000, s18;
	v5, _, _ =	vpop (xrf0)  }
0x232: {  	s31 =	spop (v2sf);
	p4 =	seq.s32 s4, $0x0;
	p1 =	slt.s32 s28, $0x10;
	(xrf0) =	vmin.scan.msk.u32 $0xffff, v4;
	(v2sf) =	vpush v5, $0xF;
	v4, _, _ =	vpop (xrf0)  }
0x233: {  	s29 =	sshra.s32 s26, $0x1F;
	p0 =	por !p1, !p4;
	s3 =	simm.s32 @!p1 $0x0;
	(v2sf) =	vpush v4, $0xF  }
0x234: {  	s28 =	sand.u32 $0xF, s26;
	p0 =	por !p0, !p0;
	p1 =	sgt.s32 s4, s3  }
0x235: {  	s24 =	smov.u32 @p0 s6;
	s3 =	smov.u32 @p1 s4;
	s6 =	sxor.u32 $0x80000000, s30  }
0x236: {  	s8 =	spop (v2sf);
	p1 =	seq.s32 s3, $0x0;
	p2 =	slt.s32 s6, $0x10  }
0x237: {  	s4 =	simm.s32 $0x1;
	s23 =	smov.u32 @p0 s7;
	p5 =	por !p2, !p1  }
0x238: {  	s6 =	sxor.u32 $0x80000000, s31;
	s4 =	simm.s32 @!p2 $0x0;
	p0 =	por !p5, !p5  }
0x239: {  	p1 =	sgt.s32 s3, s4;
	s24 =	smov.u32 @p0 s5;
	s9 =	spop (v2sf)  }
0x23a: {  	s4 =	smov.u32 @p1 s3;
	s23 =	smov.u32 @p0 s6;
	s10 =	sxor.u32 $0x80000000, s9  }
0x23b: {  	s5 =	simm.s32 $0x1;
	p6 =	seq.s32 s4, $0x0;
	p1 =	slt.s32 s10, $0x10  }
0x23c: {  	v4, _, _ =	vpop (xrf0);
	s6 =	sadd.s32 s25, s9;
	p0 =	por !p1, !p6;
	s5 =	simm.s32 @!p1 $0x0  }
0x23d: {  	(v2sf) =	vpush v4, $0xF;
	p0 =	por !p0, !p0;
	p1 =	sgt.s32 s4, s5;
	s16 =	spop (v2sf)  }
0x23e: {  	s24 =	smov.u32 @p0 s6;
	s5 =	smov.u32 @p1 s4;
	s17 =	spop (v2sf)  }
0x23f: {  	s4 =	simm.s32 $0x1;
	s3 =	sxor.u32 $0x80000000, s16;
	s18 =	sxor.u32 $0x80000000, s17  }
0x240: {  	p2 =	seq.s32 s5, $0x0;
	s23 =	smov.u32 @p0 s3;
	p1 =	slt.s32 s18, $0x10  }
0x241: {  	s6 =	sadd.s32 s21, s17;
	s4 =	simm.s32 @!p1 $0x0;
	s19 =	spop (v2sf)  }
0x242: {  	p0 =	por !p1, !p2;
	p1 =	sgt.s32 s5, s4;
	s21 =	spop (v2sf)  }
0x243: {  	p5 =	slt.s32 s26, $0x1;
	s4 =	smov.u32 @p1 s5;
	s25 =	sxor.u32 $0x80000000, s21  }
0x244: {  	p6 =	sne.s32 s28, $0x0;
	p1 =	seq.s32 s4, $0x0;
	p3 =	slt.s32 s25, $0x10  }
0x245: {  	s5 =	sshrl.u32 s29, $0x1C;
	p4 =	por !p3, !p1;
	p1 =	por !p5, !p6  }
0x246: {  	s4 =	sadd.s32 s5, s26;
	s5 =	simm.s32 $0x1;
	p1 =	por !p1, !p1  }
0x247: {  	s4 =	sshra.s32 s4, $0x4;
	s5 =	simm.s32 @!p1 $0x0  }
0x248: {  	p0 =	por !p0, !p0;
	s3 =	sxor.u32 $0x80000000, s19;
	s5 =	ssub.s32 s4, s5  }
0x249: {  	s24 =	smov.u32 @p0 s6;
	s23 =	smov.u32 @p0 s3;
	p0 =	slt.s32 s5, $0x1  }
.Ltmp7:
0x24a: {  	_ = 	snop;
	(pc) =	sbr.rel @p0 .LBB2_18-.Ltmp7, $4  }
0x24b: {  	_ = 	snop  }
0x24c: {  	s0 =	sadd.s32 s0, s21;
	s30 =	spop (v2sf);
	p1 =	por !p4, !p4  }
0x24d: {  	s31 =	sshll.u32 s20, $0xA;
	s3 =	sxor.u32 $0x80000000, s30;
	s24 =	smov.u32 @p1 s0  }
0x24e: {  	v4 =	vmov s1;
	s23 =	smov.u32 @p1 s3;
	s6 =	sor.u32 s31, s24  }
0x24f: {  	p2 =	seq.s32 s5, $0x1  }
.Ltmp8:
0x250: {  	_ = 	snop;
	(pc) =	sbr.rel @p2 .LBB2_13-.Ltmp8, $3  }
0x251: {  	_ =	sdelay $0x1  }
0x252: {  	s1 =	simm.s32 $0x10000  }
0x253: {  	v5 =	vmov s6;
	s0 =	simm.s32 $0x0;
	p1 =	por $0x0, $0x0;
	v6 =	vld [tilespmem:s1+$0x0];
	s1 =	sadd.s32 $0xFFFFFFFF, s5  }
0x254: {  	_ =	sdelay $0x3  }
0x255: {  	v7 =	vshrl.u32 v6, $0xA  }
0x256: {  	v8 =	vor.u32 s0, v0;
	v7 =	vand.u32 $0x1FFFFF, v7  }
0x257: {  	vm0 =	vlt.s32 v8, v4;
	vm1 =	veq.s32 v7, v5  }
0x258: {  	v6 =	vand.u32 $0x3FF, v6;
	vm0 =	vmand vm0, vm1  }
0x259: {  	v6 =	vor.u32 $0xC00, v6  }
0x25a: {  	p2 =	seq.s32 s1, $0x1  }
.Ltmp9:
0x25b: {  	_ = 	snop;
	(pc) =	sbr.rel @p2 .LBB2_15-.Ltmp9, $3  }
0x25c: {  	_ =	sdelay $0x1  }
0x25d: {  	s3 =	simm.s32 $0x10010;
	[tilespmem:v6+s12+$0x0] =	vst.idx.add.s32.msk vm0, v2  }
0x25e: {  	s4 =	sadd.s32 $0xFFFFFFFF, s1;
	p1 =	por $0x1, $0x1;
	s1 =	simm.s32 $0x0;
	v6 =	vld [tilespmem:s3+$0x0]  }
.LBB2_16:
0x25f: {  	p2 =	seq.s32 s4, $0x1;
	_ =	sdelay $0x3  }
0x260: {  	s1 =	sadd.s32 $0x10, s1;
	v7 =	vshrl.u32 v6, $0xA  }
0x261: {  	v8 =	vor.u32 s1, v0;
	v7 =	vand.u32 $0x1FFFFF, v7  }
0x262: {  	vm0 =	vlt.s32 v8, v4;
	vm1 =	veq.s32 v7, v5  }
0x263: {  	v6 =	vand.u32 $0x3FF, v6;
	vm0 =	vmand vm0, vm1  }
0x264: {  	v6 =	vor.u32 $0xC00, v6;
	_ =	sdelay $0x1  }
.Ltmp10:
0x265: {  	(pc) =	sbr.rel @!p2 .LBB2_16-.Ltmp10, $3  }
0x266: {  	_ =	sdelay $0x1  }
0x267: {  	s3 =	sadd.s32 $0x10, s3;
	[tilespmem:v6+s12+$0x0] =	vst.idx.add.s32.msk vm0, v2  }
0x268: {  	s4 =	sadd.s32 $0xFFFFFFFF, s4;
	v6 =	vld [tilespmem:s3+$0x0]  }
.LBB2_17:
0x269: {  	_ =	sdelay $0x2  }
0x26a: {  	s1 =	sadd.s32 @p1 $0x10, s1  }
0x26b: {  	s0 =	smov.u32 @p1 s1;
	v7 =	vshrl.u32 v6, $0xA  }
0x26c: {  	v8 =	vor.u32 s0, v0;
	v7 =	vand.u32 $0x1FFFFF, v7  }
0x26d: {  	vm0 =	vlt.s32 v8, v4;
	vm1 =	veq.s32 v7, v5  }
0x26e: {  	v5 =	vand.u32 $0x3FF, v6;
	vm0 =	vmand vm0, vm1  }
0x26f: {  	v5 =	vor.u32 $0xC00, v5;
	_ =	sdelay $0x4  }
0x270: {  	[tilespmem:v5+s12+$0x0] =	vst.idx.add.s32.msk vm0, v2  }
.LBB2_18:
0x271: {  	s4 =	simm.s32 $0x14D00  }
0x272: {  	s0 =	simm.s32 $0x17D00;
	v6 =	vld [tilespmem:s4+$0x0]  }
0x273: {  	s3 =	simm.s32 $0x15D00;
	v7 =	vld [tilespmem:s0+$0x0]  }
0x274: {  	s7 =	simm.s32 $0x16D00;
	v9 =	vld [tilespmem:s3+$0x0]  }
0x275: {  	v8 =	vld [tilespmem:s7+$0x0];
	[tilespmem:s4+$0x0] =	vst v1  }
0x276: {  	[tilespmem:s3+$0x0] =	vst v1  }
0x277: {  	[tilespmem:s7+$0x0] =	vst v1  }
0x278: {  	s8 =	simm.s32 $0x14D10;
	[tilespmem:s0+$0x0] =	vst v1  }
0x279: {  	s16 =	simm.s32 $0x15D10;
	v10 =	vld [tilespmem:s8+$0x0];
	v6 =	vadd.s32 v6, v9  }
0x27a: {  	s10 =	simm.s32 $0x16D10;
	v13 =	vld [tilespmem:s16+$0x0];
	v6 =	vadd.s32 v8, v6  }
0x27b: {  	s9 =	simm.s32 $0x17D10;
	v12 =	vld [tilespmem:s10+$0x0];
	v6 =	vadd.s32 v7, v6  }
0x27c: {  	v11 =	vld [tilespmem:s9+$0x0];
	(xrf0) =	vadd.scan.msk.s32 $0xffff, v6  }
0x27d: {  	[tilespmem:s8+$0x0] =	vst v1  }
0x27e: {  	[tilespmem:s16+$0x0] =	vst v1  }
0x27f: {  	[tilespmem:s10+$0x0] =	vst v1;
	v10 =	vadd.s32 v10, v13  }
0x280: {  	s17 =	simm.s32 $0x14D20;
	[tilespmem:s9+$0x0] =	vst v1;
	v10 =	vadd.s32 v12, v10  }
0x281: {  	s18 =	simm.s32 $0x15D20;
	v6 =	vld [tilespmem:s17+$0x0];
	v10 =	vadd.s32 v11, v10  }
0x282: {  	s19 =	simm.s32 $0x16D20;
	v7 =	vld [tilespmem:s18+$0x0];
	v59, _, _ =	vpop (xrf0);
	(xrf0) =	vadd.scan.msk.s32 $0xffff, v10  }
0x283: {  	s20 =	simm.s32 $0x17D20;
	v8 =	vld [tilespmem:s19+$0x0];
	(v2sf) =	vpush v59, $0xF  }
0x284: {  	v9 =	vld [tilespmem:s20+$0x0];
	_ =	sdelay $0x2  }
0x285: {  	s1 =	ssub.s32 s22, s23;
	s22 =	simm.s32 $0x0;
	[tilespmem:s17+$0x0] =	vst v1;
	v6 =	vadd.s32 v6, v7  }
0x286: {  	v5 =	vmov s1;
	[tilespmem:s18+$0x0] =	vst v1;
	v6 =	vadd.s32 v8, v6;
	v7 =	vadd.s32 s22, v59;
	v8, _, _ =	vpop (xrf0)  }
0x287: {  	[tilespmem:s19+$0x0] =	vst v1;
	v6 =	vadd.s32 v9, v6;
	vm0 =	vgt.s32 v7, v5;
	(v2sf) =	vpush v8, $0xF  }
0x288: {  	s25 =	simm.s32 $0x15D30;
	[tilespmem:s20+$0x0] =	vst v1;
	(xrf0) =	vadd.scan.msk.s32 $0xffff, v6;
	v6 =	vnsel vm0, $0xFFFFFFFF, v3  }
0x289: {  	s24 =	simm.s32 $0x16D30;
	v10 =	vld [tilespmem:s25+$0x0];
	(xrf0) =	vmin.scan.msk.u32 $0xffff, v6  }
0x28a: {  	s21 =	simm.s32 $0x14D30;
	v9 =	vld [tilespmem:s24+$0x0]  }
0x28b: {  	s23 =	simm.s32 $0x17D30;
	v7 =	vld [tilespmem:s21+$0x0]  }
0x28c: {  	v6 =	vld [tilespmem:s23+$0x0];
	[tilespmem:s21+$0x0] =	vst v1  }
0x28d: {  	[tilespmem:s25+$0x0] =	vst v1  }
0x28e: {  	[tilespmem:s24+$0x0] =	vst v1;
	v11, _, _ =	vpop (xrf0)  }
0x28f: {  	s26 =	simm.s32 $0x14D40;
	[tilespmem:s23+$0x0] =	vst v1;
	(v2sf) =	vpush v11, $0xF;
	v60, _, _ =	vpop (xrf0)  }
0x290: {  	s3 =	simm.s32 $0x15D40;
	v61 =	vld [tilespmem:s26+$0x0];
	(v2sf) =	vpush v60, $0xF;
	s7 =	spop (v2sf)  }
0x291: {  	[dreg:$0x9] =	wrdreg s5;
	s4 =	simm.s32 $0x16D40;
	v7 =	vadd.s32 v7, v10;
	v62 =	vld [tilespmem:s3+$0x0];
	s5 =	sadd.s32 $0x0, s7  }
0x292: {  	[dreg:$0xb] =	wrdreg s6;
	s6 =	simm.s32 $0x17D40;
	v14 =	vld [tilespmem:s4+$0x0];
	v7 =	vadd.s32 v9, v7;
	v8 =	vadd.s32 s5, v8  }
0x293: {  	v10 =	vld [tilespmem:s6+$0x0];
	v6 =	vadd.s32 v6, v7;
	vm14 =	vgt.s32 v8, v5  }
0x294: {  	(xrf0) =	vadd.scan.msk.s32 $0xffff, v6;
	v6 =	vnsel vm14, $0xFFFFFFFF, v3  }
0x295: {  	[tilespmem:s26+$0x0] =	vst v1;
	(xrf0) =	vmin.scan.msk.u32 $0xffff, v6  }
0x296: {  	[tilespmem:s3+$0x0] =	vst v1;
	v7 =	vadd.s32 v61, v62;
	s19 =	spop (v2sf)  }
0x297: {  	s31 =	simm.s32 $0x80000030;
	[tilespmem:s4+$0x0] =	vst v1;
	v6 =	vadd.s32 v14, v7;
	s4 =	sadd.s32 s5, s19  }
0x298: {  	s30 =	simm.s32 $0x80000040;
	s29 =	simm.s32 $0x80000050;
	v6 =	vadd.s32 v10, v6;
	v10 =	vadd.s32 s4, v11  }
0x299: {  	s28 =	simm.s32 $0x80000060;
	s8 =	simm.s32 $0x14D50;
	[tilespmem:s6+$0x0] =	vst v1  }
0x29a: {  	s1 =	simm.s32 $0x80000020;
	v9 =	vld [tilespmem:s8+$0x0];
	v63, _, _ =	vpop (xrf0);
	s7 =	simm.s32 $0x15D50;
	(xrf0) =	vadd.scan.msk.s32 $0xffff, v6  }
0x29b: {  	s0 =	simm.s32 $0x80000010;
	s10 =	simm.s32 $0x16D50;
	(v2sf) =	vpush v63, $0xF;
	v6 =	vld [tilespmem:s7+$0x0];
	vm15 =	vgt.s32 v10, v5;
	v10, _, _ =	vpop (xrf0)  }
0x29c: {  	s16 =	simm.s32 $0x17D60;
	s9 =	simm.s32 $0x17D50;
	s17 =	simm.s32 $0x14D60;
	v8 =	vld [tilespmem:s10+$0x0];
	(v2sf) =	vpush v10, $0xF  }
0x29d: {  	p1 =	por $0x1, $0x1;
	s18 =	simm.s32 $0x800000B0;
	s25 =	simm.s32 $0x80000080;
	v7 =	vld [tilespmem:s9+$0x0];
	[tilespmem:s8+$0x0] =	vst v1;
	v10 =	vnsel vm15, $0xFFFFFFFF, v3  }
0x29e: {  	s24 =	simm.s32 $0x80000090;
	s23 =	simm.s32 $0x800000A0;
	s20 =	spop (v2sf);
	[tilespmem:s7+$0x0] =	vst v1;
	(xrf0) =	vmin.scan.msk.u32 $0xffff, v10  }
0x29f: {  	s26 =	simm.s32 $0x80000070;
	s4 =	sadd.s32 s4, s20;
	[tilespmem:s10+$0x0] =	vst v1;
	s21 =	spop (v2sf)  }
0x2a0: {  	s3 =	simm.s32 $0x0;
	[tilespmem:s9+$0x0] =	vst v1;
	s6 =	sxor.u32 $0x80000000, s21;
	s5 =	sadd.s32 $0x80000000, s21;
	v10 =	vadd.s32 v9, v6;
	v6, _, _ =	vpop (xrf0);
	v9 =	vadd.s32 s4, v63  }
.LBB2_19:
0x2a1: {  	s8 =	smov.u32 s3  }
0x2a2: {  	p2 =	sne.s32 s18, $0x800003F0;
	p3 =	slt.s32 s6, $0x10;
	s6 =	smov.u32 s22  }
0x2a3: {  	s9 =	smov.u32 s0;
	s0 =	smov.u32 s1;
	s10 =	sadd.s32 $0x10, s10  }
0x2a4: {  	v8 =	vadd.s32 v8, v10;
	vm0 =	vgt.s32 v9, v5;
	s3 =	simm.s32 $0x1;
	v11 =	vld [tilespmem:s17+$0x0];
	(v2sf) =	vpush v6, $0xF;
	v9, _, _ =	vpop (xrf0);
	s6 =	smov.u32 @p1 s5;
	s5 =	smov.u32 s16  }
0x2a5: {  	s7 =	sadd.s32 $0x10, s7;
	v10 =	vadd.s32 v7, v8;
	v12 =	vnsel vm0, $0xFFFFFFFF, v3;
	s3 =	simm.s32 @!p3 $0x0;
	v7 =	vld [tilespmem:s16+$0x0];
	(v2sf) =	vpush v9, $0xF;
	s22 =	smov.u32 @p3 s6  }
0x2a6: {  	s1 =	smov.u32 s31;
	s31 =	smov.u32 s30;
	p1 =	sgt.s32 s8, s3;
	v8 =	vld [tilespmem:s10+$0x0];
	(xrf0) =	vadd.scan.msk.s32 $0xffff, v10  }
0x2a7: {  	s30 =	smov.u32 s29;
	s29 =	smov.u32 s28;
	s3 =	smov.u32 @p1 s8;
	v9 =	vld [tilespmem:s7+$0x0];
	(xrf0) =	vmin.scan.msk.u32 $0xffff, v12  }
.Ltmp11:
0x2a8: {  	s28 =	smov.u32 s26;
	s26 =	smov.u32 s25;
	(pc) =	sbr.rel @p2 .LBB2_19-.Ltmp11, $4  }
0x2a9: {  	s25 =	smov.u32 s24;
	s24 =	smov.u32 s23;
	s23 =	smov.u32 s18;
	[tilespmem:s17+$0x0] =	vst v1  }
0x2aa: {  	s16 =	sadd.s32 $0x10, s16;
	s17 =	sadd.s32 $0x10, s17;
	[tilespmem:s7+$0x0] =	vst v1;
	s6 =	spop (v2sf)  }
0x2ab: {  	p1 =	seq.s32 s3, $0x0;
	[tilespmem:s10+$0x0] =	vst v1;
	s4 =	sadd.s32 s4, s6;
	s8 =	spop (v2sf)  }
0x2ac: {  	s18 =	sadd.s32 $0x10, s18;
	v10 =	vadd.s32 v11, v9;
	[tilespmem:s5+$0x0] =	vst v1;
	v9 =	vadd.s32 s4, v6;
	v6, _, _ =	vpop (xrf0);
	s6 =	sxor.u32 $0x80000000, s8;
	s5 =	sadd.s32 s9, s8  }
0x2ad: {  	v11 =	vld [tilespmem:s17+$0x0];
	v8 =	vadd.s32 v8, v10  }
0x2ae: {  	v12 =	vld [tilespmem:s16+$0x0];
	s8 =	sadd.s32 $0x10, s10;
	v7 =	vadd.s32 v7, v8  }
0x2af: {  	s7 =	sadd.s32 $0x10, s7;
	v13 =	vld [tilespmem:s8+$0x0];
	(xrf0) =	vadd.scan.msk.s32 $0xffff, v7  }
0x2b0: {  	v40 =	vld [tilespmem:s7+$0x0];
	[tilespmem:s17+$0x0] =	vst v1  }
0x2b1: {  	[tilespmem:s7+$0x0] =	vst v1  }
0x2b2: {  	(v2sf) =	vpush v6, $0xF;
	[tilespmem:s8+$0x0] =	vst v1  }
0x2b3: {  	s9 =	sadd.s32 $0x10, s17;
	[tilespmem:s16+$0x0] =	vst v1  }
0x2b4: {  	s19 =	sadd.s32 $0x10, s16;
	v14, _, _ =	vpop (xrf0);
	v7 =	vld [tilespmem:s9+$0x0]  }
0x2b5: {  	(v2sf) =	vpush v14, $0xF;
	s8 =	sadd.s32 $0x10, s8;
	v41 =	vld [tilespmem:s19+$0x0];
	v42, _, _ =	vpop (xrf0)  }
0x2b6: {  	s7 =	sadd.s32 $0x10, s7;
	v15 =	vld [tilespmem:s8+$0x0];
	(v2sf) =	vpush v42, $0xF  }
0x2b7: {  	v16 =	vld [tilespmem:s7+$0x0];
	[tilespmem:s9+$0x0] =	vst v1  }
0x2b8: {  	[tilespmem:s7+$0x0] =	vst v1  }
0x2b9: {  	[tilespmem:s8+$0x0] =	vst v1  }
0x2ba: {  	s9 =	sadd.s32 $0x10, s9;
	[tilespmem:s19+$0x0] =	vst v1  }
0x2bb: {  	vm0 =	vgt.s32 v9, v5;
	s21 =	sadd.s32 $0x10, s19;
	v10 =	vadd.s32 v11, v40;
	s20 =	spop (v2sf);
	v43 =	vld [tilespmem:s9+$0x0]  }
0x2bc: {  	v9 =	vnsel vm0, $0xFFFFFFFF, v3;
	v10 =	vadd.s32 v13, v10;
	s4 =	sadd.s32 s4, s20;
	s8 =	sadd.s32 $0x10, s8;
	v45 =	vld [tilespmem:s21+$0x0]  }
0x2bd: {  	(xrf0) =	vmin.scan.msk.u32 $0xffff, v9;
	s7 =	sadd.s32 $0x10, s7;
	v44 =	vadd.s32 v12, v10;
	v6 =	vadd.s32 s4, v6;
	v46 =	vld [tilespmem:s8+$0x0]  }
0x2be: {  	(xrf0) =	vadd.scan.msk.s32 $0xffff, v44;
	vm9 =	vgt.s32 v6, v5;
	v6 =	vld [tilespmem:s7+$0x0];
	[tilespmem:s9+$0x0] =	vst v1  }
0x2bf: {  	v7 =	vadd.s32 v7, v16;
	[tilespmem:s7+$0x0] =	vst v1  }
0x2c0: {  	s16 =	spop (v2sf);
	v47 =	vnsel vm9, $0xFFFFFFFF, v3;
	v7 =	vadd.s32 v15, v7;
	[tilespmem:s8+$0x0] =	vst v1  }
0x2c1: {  	s9 =	sadd.s32 $0x10, s9;
	(xrf0) =	vmin.scan.msk.u32 $0xffff, v47;
	v7 =	vadd.s32 v41, v7;
	[tilespmem:s21+$0x0] =	vst v1;
	s18 =	spop (v2sf)  }
0x2c2: {  	s7 =	sadd.s32 $0x10, s7;
	v50 =	vld [tilespmem:s9+$0x0];
	s4 =	sadd.s32 s4, s18  }
0x2c3: {  	v48, _, _ =	vpop (xrf0);
	s8 =	sadd.s32 $0x10, s8;
	(xrf0) =	vadd.scan.msk.s32 $0xffff, v7;
	v51 =	vld [tilespmem:s7+$0x0];
	v49 =	vadd.s32 s4, v42  }
0x2c4: {  	s17 =	sadd.s32 $0x10, s21;
	(v2sf) =	vpush v48, $0xF;
	v53 =	vld [tilespmem:s8+$0x0];
	v6 =	vadd.s32 v43, v6;
	v7, _, _ =	vpop (xrf0);
	s10 =	spop (v2sf);
	vm10 =	vgt.s32 v49, v5  }
0x2c5: {  	v55 =	vld [tilespmem:s17+$0x0];
	v6 =	vadd.s32 v46, v6;
	(v2sf) =	vpush v7, $0xF;
	v52 =	vnsel vm10, $0xFFFFFFFF, v3;
	s18 =	spop (v2sf)  }
0x2c6: {  	v6 =	vadd.s32 v45, v6;
	(xrf0) =	vmin.scan.msk.u32 $0xffff, v52;
	s19 =	sadd.s32 s4, s18  }
0x2c7: {  	v54, _, _ =	vpop (xrf0);
	(xrf0) =	vadd.scan.msk.s32 $0xffff, v6;
	v7 =	vadd.s32 s19, v7  }
0x2c8: {  	vm11 =	vgt.s32 v7, v5;
	v7 =	vadd.s32 v50, v51  }
0x2c9: {  	(v2sf) =	vpush v54, $0xF;
	v6, _, _ =	vpop (xrf0);
	v7 =	vadd.s32 v53, v7  }
0x2ca: {  	(v2sf) =	vpush v6, $0xF;
	v7 =	vadd.s32 v55, v7  }
0x2cb: {  	v56 =	vnsel vm11, $0xFFFFFFFF, v3  }
0x2cc: {  	v57, _, _ =	vpop (xrf0);
	(xrf0) =	vmin.scan.msk.u32 $0xffff, v56  }
0x2cd: {  	(v2sf) =	vpush v57, $0xF;
	(xrf0) =	vadd.scan.msk.s32 $0xffff, v7;
	v7, _, _ =	vpop (xrf0)  }
0x2ce: {  	(v2sf) =	vpush v7, $0xF;
	_ =	sdelay $0x1  }
0x2cf: {  	[tilespmem:s9+$0x0] =	vst v1  }
0x2d0: {  	p2 =	slt.s32 s6, $0x10;
	s21 =	simm.s32 $0x1;
	[tilespmem:s7+$0x0] =	vst v1  }
0x2d1: {  	s0 =	sadd.s32 s0, s16;
	s6 =	sadd.s32 $0x10, s7;
	s21 =	simm.s32 @!p2 $0x0;
	[tilespmem:s8+$0x0] =	vst v1;
	v58, _, _ =	vpop (xrf0)  }
0x2d2: {  	[tilespmem:s17+$0x0] =	vst v1;
	s18 =	spop (v2sf);
	s4 =	sadd.s32 $0x10, s9;
	s9 =	smov.u32 s22;
	(v2sf) =	vpush v58, $0xF;
	v59, _, _ =	vpop (xrf0)  }
0x2d3: {  	s7 =	sadd.s32 $0x10, s17;
	v61 =	vld [tilespmem:s6+$0x0];
	s9 =	smov.u32 @p1 s5;
	s20 =	spop (v2sf);
	(v2sf) =	vpush v59, $0xF  }
0x2d4: {  	v60 =	vld [tilespmem:s4+$0x0];
	s5 =	sadd.s32 $0x10, s8;
	p1 =	sgt.s32 s3, s21;
	s8 =	sadd.s32 s19, s20  }
0x2d5: {  	s1 =	sadd.s32 s1, s10;
	v62 =	vld [tilespmem:s5+$0x0];
	s22 =	smov.u32 @p2 s9;
	s21 =	smov.u32 @p1 s3;
	v6 =	vadd.s32 s8, v6  }
0x2d6: {  	v63 =	vld [tilespmem:s7+$0x0];
	s3 =	simm.s32 $0x1;
	p2 =	seq.s32 s21, $0x0;
	s9 =	smov.u32 s22;
	vm12 =	vgt.s32 v6, v5  }
0x2d7: {  	s9 =	smov.u32 @p2 s0;
	s19 =	sxor.u32 $0x80000000, s16;
	s17 =	spop (v2sf);
	v6 =	vnsel vm12, $0xFFFFFFFF, v3  }
0x2d8: {  	s0 =	simm.s32 $0x1;
	p1 =	slt.s32 s19, $0x10;
	(xrf0) =	vmin.scan.msk.u32 $0xffff, v6;
	s20 =	spop (v2sf)  }
0x2d9: {  	s16 =	sxor.u32 $0x80000000, s10;
	s3 =	simm.s32 @!p1 $0x0;
	v6 =	vadd.s32 v60, v61;
	s8 =	sadd.s32 s8, s20  }
0x2da: {  	s22 =	smov.u32 @p1 s9;
	p1 =	slt.s32 s16, $0x10;
	p2 =	sgt.s32 s21, s3;
	v6 =	vadd.s32 v62, v6;
	v7 =	vadd.s32 s8, v7  }
0x2db: {  	s10 =	smov.u32 s22;
	s3 =	smov.u32 @p2 s21;
	v6 =	vadd.s32 v63, v6;
	vm13 =	vgt.s32 v7, v5;
	s9 =	spop (v2sf)  }
0x2dc: {  	s0 =	simm.s32 @!p1 $0x0;
	p2 =	seq.s32 s3, $0x0;
	(xrf0) =	vadd.scan.msk.s32 $0xffff, v6;
	v7 =	vnsel vm13, $0xFFFFFFFF, v3;
	s19 =	spop (v2sf)  }
0x2dd: {  	s10 =	smov.u32 @p2 s1;
	p2 =	sgt.s32 s3, s0;
	(xrf0) =	vmin.scan.msk.u32 $0xffff, v7;
	s8 =	sadd.s32 s8, s19  }
0x2de: {  	s20 =	sxor.u32 $0x80000000, s18;
	s22 =	smov.u32 @p1 s10;
	s0 =	smov.u32 @p2 s3;
	v6, _, _ =	vpop (xrf0);
	v7 =	vadd.s32 s8, v59  }
0x2df: {  	s10 =	sadd.s32 s31, s18;
	p1 =	seq.s32 s0, $0x0;
	s1 =	smov.u32 s22;
	(v2sf) =	vpush v6, $0xF;
	vm14 =	vgt.s32 v7, v5  }
0x2e0: {  	p2 =	slt.s32 s20, $0x10;
	s1 =	smov.u32 @p1 s10;
	s10 =	simm.s32 $0x1;
	v6 =	vnsel vm14, $0xFFFFFFFF, v3  }
0x2e1: {  	s16 =	sxor.u32 $0x80000000, s17;
	s10 =	simm.s32 @!p2 $0x0;
	s21 =	spop (v2sf)  }
0x2e2: {  	s22 =	smov.u32 @p2 s1;
	p2 =	slt.s32 s16, $0x10;
	s31 =	spop (v2sf);
	v7, _, _ =	vpop (xrf0)  }
0x2e3: {  	s1 =	simm.s32 $0x1;
	p1 =	sgt.s32 s0, s10;
	(xrf0) =	vmin.scan.msk.u32 $0xffff, v6;
	s8 =	sadd.s32 s8, s31;
	(v2sf) =	vpush v7, $0xF;
	v6, _, _ =	vpop (xrf0)  }
0x2e4: {  	s1 =	simm.s32 @!p2 $0x0;
	s10 =	smov.u32 @p1 s0;
	(v2sf) =	vpush v6, $0xF;
	v6 =	vadd.s32 s8, v7  }
0x2e5: {  	s0 =	sadd.s32 s30, s17;
	p1 =	seq.s32 s10, $0x0;
	s8 =	smov.u32 s22;
	vm15 =	vgt.s32 v6, v5  }
0x2e6: {  	p3 =	sgt.s32 s10, s1;
	s8 =	smov.u32 @p1 s0;
	v5 =	vnsel vm15, $0xFFFFFFFF, v3  }
0x2e7: {  	s17 =	sxor.u32 $0x80000000, s9;
	s1 =	smov.u32 @p3 s10;
	s22 =	smov.u32 @p2 s8  }
0x2e8: {  	s8 =	sadd.s32 s29, s9;
	p2 =	slt.s32 s17, $0x10;
	s9 =	simm.s32 $0x1;
	(xrf0) =	vmin.scan.msk.u32 $0xffff, v5  }
0x2e9: {  	p1 =	seq.s32 s1, $0x0;
	s0 =	smov.u32 s22;
	s9 =	simm.s32 @!p2 $0x0;
	v5, _, _ =	vpop (xrf0)  }
0x2ea: {  	s0 =	smov.u32 @p1 s8;
	p1 =	sgt.s32 s1, s9;
	(v2sf) =	vpush v5, $0xF  }
0x2eb: {  	s18 =	sxor.u32 $0x80000000, s21;
	s22 =	smov.u32 @p2 s0;
	s9 =	smov.u32 @p1 s1  }
0x2ec: {  	p1 =	slt.s32 s18, $0x10;
	s0 =	simm.s32 $0x1;
	s1 =	sadd.s32 s28, s21  }
0x2ed: {  	p2 =	seq.s32 s9, $0x0;
	s3 =	smov.u32 s22;
	s0 =	simm.s32 @!p1 $0x0  }
0x2ee: {  	s19 =	spop (v2sf);
	s3 =	smov.u32 @p2 s1;
	p2 =	sgt.s32 s9, s0;
	v5, _, _ =	vpop (xrf0)  }
0x2ef: {  	s20 =	sxor.u32 $0x80000000, s19;
	s22 =	smov.u32 @p1 s3;
	s0 =	smov.u32 @p2 s9;
	(v2sf) =	vpush v5, $0xF  }
0x2f0: {  	s3 =	sadd.s32 s26, s19;
	p1 =	seq.s32 s0, $0x0;
	s1 =	smov.u32 s22  }
0x2f1: {  	p2 =	slt.s32 s20, $0x10;
	s1 =	smov.u32 @p1 s3;
	s3 =	simm.s32 $0x1  }
0x2f2: {  	s3 =	simm.s32 @!p2 $0x0  }
0x2f3: {  	p1 =	sgt.s32 s0, s3  }
0x2f4: {  	s21 =	spop (v2sf);
	s3 =	smov.u32 @p1 s0  }
0x2f5: {  	s22 =	smov.u32 @p2 s1;
	p2 =	seq.s32 s3, $0x0;
	s8 =	spop (v2sf)  }
0x2f6: {  	s26 =	sxor.u32 $0x80000000, s8;
	s1 =	sadd.s32 s25, s8;
	s8 =	smov.u32 s22  }
0x2f7: {  	s0 =	simm.s32 $0x1;
	p1 =	slt.s32 s26, $0x10;
	s8 =	smov.u32 @p2 s1  }
0x2f8: {  	s0 =	simm.s32 @!p1 $0x0;
	s22 =	smov.u32 @p1 s8  }
0x2f9: {  	s8 =	simm.s32 $0x1;
	p2 =	sgt.s32 s3, s0;
	s28 =	spop (v2sf)  }
0x2fa: {  	s0 =	smov.u32 @p2 s3;
	s3 =	smov.u32 s22;
	s29 =	sxor.u32 $0x80000000, s28  }
0x2fb: {  	p1 =	seq.s32 s0, $0x0;
	s1 =	sadd.s32 s24, s28;
	p2 =	slt.s32 s29, $0x10  }
0x2fc: {  	s3 =	smov.u32 @p1 s1;
	s8 =	simm.s32 @!p2 $0x0  }
.Ltmp12:
0x2fd: {  	s22 =	smov.u32 @p2 s3;
	p1 =	sgt.s32 s0, s8;
	(pc) =	sbr.rel @p0 .LBB2_27-.Ltmp12, $4  }
0x2fe: {  	[tilespmem:s4+$0x0] =	vst v1;
	s30 =	spop (v2sf);
	s3 =	smov.u32 s22;
	s8 =	smov.u32 @p1 s0  }
0x2ff: {  	[tilespmem:s6+$0x0] =	vst v1;
	s31 =	sxor.u32 $0x80000000, s30;
	s0 =	sadd.s32 s23, s30;
	p1 =	seq.s32 s8, $0x0  }
0x300: {  	[tilespmem:s5+$0x0] =	vst v1;
	p2 =	slt.s32 s31, $0x10;
	s3 =	smov.u32 @p1 s0  }
0x301: {  	[tilespmem:s7+$0x0] =	vst v1;
	s22 =	smov.u32 @p2 s3  }
0x302: {  	s4 =	rddreg [dreg:$0x9]  }
0x303: {  	p1 =	sne.s32 s4, $0x1  }
.Ltmp13:
0x304: {  	_ = 	snop;
	(pc) =	sbr.rel @!p1 .LBB2_22-.Ltmp13, $4  }
0x305: {  	s0 =	rddreg [dreg:$0xb]  }
0x306: {  	s0 =	sshll.u32 s0, $0xA  }
0x307: {  	s3 =	simm.s32 $0x10000;
	p0 =	por $0x0, $0x0;
	s1 =	sor.u32 s0, s22  }
0x308: {  	v6 =	vld [tilespmem:s3+$0x0];
	s3 =	sadd.s32 $0xFFFFFFFF, s4;
	s0 =	simm.s32 $0x12080;
	v5 =	vmov s1;
	s1 =	simm.s32 $0x0  }
0x309: {  	_ =	sdelay $0x3  }
0x30a: {  	v8 =	vld [tilespmem:s0+$0x0];
	v9 =	vor.u32 s1, v0;
	v7 =	vand.u32 $0x7FFFFFFF, v6  }
0x30b: {  	vm0 =	vlt.s32 v9, v4;
	vm1 =	vle.s32 v5, v7  }
0x30c: {  	vm0 =	vmand vm0, vm1;
	_ =	sdelay $0x1  }
0x30d: {  	p1 =	sne.s32 s3, $0x1  }
.Ltmp14:
0x30e: {  	_ = 	snop;
	(pc) =	sbr.rel @!p1 .LBB2_24-.Ltmp14, $3  }
0x30f: {  	_ =	sdelay $0x1  }
0x310: {  	s5 =	simm.s32 $0x10010;
	s6 =	sadd.s32 $0xFFFFFFFF, s3;
	[tilespmem:v8+s2+$0x0] =	vst.idx.msk vm0, v6  }
0x311: {  	p0 =	por $0x1, $0x1;
	s3 =	simm.s32 $0x12080;
	s4 =	simm.s32 $0x0;
	v6 =	vld [tilespmem:s5+$0x0]  }
.LBB2_25:
0x312: {  	p1 =	sne.s32 s6, $0x1;
	_ =	sdelay $0x2  }
0x313: {  	s3 =	sadd.s32 $0x10, s3;
	s4 =	sadd.s32 $0x10, s4  }
0x314: {  	v9 =	vor.u32 s4, v0;
	v7 =	vand.u32 $0x7FFFFFFF, v6;
	v8 =	vld [tilespmem:s3+$0x0]  }
0x315: {  	vm0 =	vlt.s32 v9, v4;
	vm1 =	vle.s32 v5, v7  }
0x316: {  	vm0 =	vmand vm0, vm1;
	_ =	sdelay $0x2  }
.Ltmp15:
0x317: {  	(pc) =	sbr.rel @p1 .LBB2_25-.Ltmp15, $3  }
0x318: {  	_ =	sdelay $0x1  }
0x319: {  	s5 =	sadd.s32 $0x10, s5;
	[tilespmem:v8+s2+$0x0] =	vst.idx.msk vm0, v6  }
0x31a: {  	s6 =	sadd.s32 $0xFFFFFFFF, s6;
	v6 =	vld [tilespmem:s5+$0x0]  }
.LBB2_26:
0x31b: {  	_ =	sdelay $0x1  }
0x31c: {  	s3 =	sadd.s32 @p0 $0x10, s3;
	s4 =	sadd.s32 @p0 $0x10, s4  }
0x31d: {  	s0 =	smov.u32 @p0 s3;
	s1 =	smov.u32 @p0 s4  }
0x31e: {  	v8 =	vld [tilespmem:s0+$0x0];
	v9 =	vor.u32 s1, v0;
	v7 =	vand.u32 $0x7FFFFFFF, v6  }
0x31f: {  	vm0 =	vlt.s32 v9, v4;
	vm1 =	vle.s32 v5, v7  }
0x320: {  	vm0 =	vmand vm0, vm1;
	_ =	sdelay $0x5  }
0x321: {  	[tilespmem:v8+s2+$0x0] =	vst.idx.msk vm0, v6  }
.LBB2_27:
0x322: {  	s22 =	simm.s32 $0x0;
	s0 =	rddreg [dreg:$0x5]  }
0x323: {  	s1 =	simm.s32 $0x80;
	s3 =	simm.s32 $0x400;
	s31 =	simm.s32 $0x2  }
0x324: {  	[hbm4b:s0+s1] =	stream.strided.scatter [tilespmem:s22], [sflag:$0x3], $0x8000, s3, s1, $0x38;
	[tilespmem:$0x18100] =	vst v63  }
0x325: {  	_ =	swait.ge [sflag:s31], $0x8000  }
0x326: {  	[sflag:s31] =	ssyncset.done $0x0  }
0x327: {  	s0 =	simm.s32 $0x0;
	[sflag:s31] =	ssyncadd.s32 $0xFFFF8000  }
.LBB2_28:
0x328: {  	s6 =	sshra.s32 s0, $0x2  }
0x329: {  	v4 =	vld [tilespmem:s6+$0x8000];
	_ =	sdelay $0x4  }
0x32a: {  	v4 =	vshrl.u32 v4, $0x14  }
0x32b: {  	v4 =	vand.u32 $0x7FF, v4;
	_ =	sdelay $0x3  }
0x32c: {  	s1 =	simm.s32 $0x14100  }
0x32d: {  	[tilespmem:v4+s1+$0x0] =	vst.idx.add.s32.msk $0xffff, v2  }
0x32e: {  	v4 =	vld [tilespmem:s6+$0x8010];
	_ =	sdelay $0x4  }
0x32f: {  	v4 =	vshrl.u32 v4, $0x14  }
0x330: {  	v4 =	vand.u32 $0x7FF, v4;
	_ =	sdelay $0x3  }
0x331: {  	s3 =	simm.s32 $0x15100  }
0x332: {  	[tilespmem:v4+s3+$0x0] =	vst.idx.add.s32.msk $0xffff, v2  }
0x333: {  	v4 =	vld [tilespmem:s6+$0x8020];
	_ =	sdelay $0x4  }
0x334: {  	v4 =	vshrl.u32 v4, $0x14  }
0x335: {  	v4 =	vand.u32 $0x7FF, v4;
	_ =	sdelay $0x3  }
0x336: {  	s4 =	simm.s32 $0x16100  }
0x337: {  	[tilespmem:v4+s4+$0x0] =	vst.idx.add.s32.msk $0xffff, v2  }
0x338: {  	v4 =	vld [tilespmem:s6+$0x8030];
	_ =	sdelay $0x4  }
0x339: {  	v4 =	vshrl.u32 v4, $0x14  }
0x33a: {  	v4 =	vand.u32 $0x7FF, v4;
	_ =	sdelay $0x3  }
0x33b: {  	s5 =	simm.s32 $0x17100  }
0x33c: {  	[tilespmem:v4+s5+$0x0] =	vst.idx.add.s32.msk $0xffff, v2  }
0x33d: {  	v4 =	vld [tilespmem:s6+$0x8040];
	_ =	sdelay $0x4  }
0x33e: {  	v4 =	vshrl.u32 v4, $0x14  }
0x33f: {  	v4 =	vand.u32 $0x7FF, v4;
	_ =	sdelay $0x4  }
0x340: {  	[tilespmem:v4+s1+$0x0] =	vst.idx.add.s32.msk $0xffff, v2  }
0x341: {  	v4 =	vld [tilespmem:s6+$0x8050];
	_ =	sdelay $0x4  }
0x342: {  	v4 =	vshrl.u32 v4, $0x14  }
0x343: {  	v4 =	vand.u32 $0x7FF, v4;
	_ =	sdelay $0x4  }
0x344: {  	[tilespmem:v4+s3+$0x0] =	vst.idx.add.s32.msk $0xffff, v2  }
0x345: {  	v4 =	vld [tilespmem:s6+$0x8060];
	_ =	sdelay $0x4  }
0x346: {  	v4 =	vshrl.u32 v4, $0x14  }
0x347: {  	v4 =	vand.u32 $0x7FF, v4;
	_ =	sdelay $0x4  }
0x348: {  	[tilespmem:v4+s4+$0x0] =	vst.idx.add.s32.msk $0xffff, v2  }
0x349: {  	v4 =	vld [tilespmem:s6+$0x8070];
	_ =	sdelay $0x4  }
0x34a: {  	v4 =	vshrl.u32 v4, $0x14  }
0x34b: {  	p0 =	sne.s32 s0, $0x1FE00;
	v4 =	vand.u32 $0x7FF, v4  }
.Ltmp16:
0x34c: {  	_ = 	snop;
	(pc) =	sbr.rel @p0 .LBB2_28-.Ltmp16, $2  }
0x34d: {  	_ =	sdelay $0x2  }
0x34e: {  	s0 =	sadd.s32 $0x200, s0;
	[tilespmem:v4+s5+$0x0] =	vst.idx.add.s32.msk $0xffff, v2  }
0x34f: {  	v4 =	vld [tilespmem:s1+$0x0]  }
0x350: {  	v6 =	vld [tilespmem:s3+$0x0]  }
0x351: {  	v5 =	vld [tilespmem:s4+$0x0]  }
0x352: {  	v7 =	vld [tilespmem:s5+$0x0];
	_ =	sdelay $0x1  }
0x353: {  	[tilespmem:s1+$0x0] =	vst v1  }
0x354: {  	[tilespmem:s3+$0x0] =	vst v1;
	v4 =	vadd.s32 v4, v6  }
0x355: {  	[tilespmem:s4+$0x0] =	vst v1;
	v4 =	vadd.s32 v5, v4  }
0x356: {  	s8 =	simm.s32 $0x15110;
	[tilespmem:s5+$0x0] =	vst v1;
	v4 =	vadd.s32 v7, v4  }
0x357: {  	s0 =	simm.s32 $0x14110;
	v8 =	vld [tilespmem:s8+$0x0];
	(xrf0) =	vadd.scan.msk.s32 $0xffff, v4  }
0x358: {  	s7 =	simm.s32 $0x16110;
	v6 =	vld [tilespmem:s0+$0x0]  }
0x359: {  	s9 =	simm.s32 $0x17110;
	v5 =	vld [tilespmem:s7+$0x0]  }
0x35a: {  	v7 =	vld [tilespmem:s9+$0x0];
	_ =	sdelay $0x1  }
0x35b: {  	[tilespmem:s0+$0x0] =	vst v1  }
0x35c: {  	[tilespmem:s8+$0x0] =	vst v1;
	v6 =	vadd.s32 v6, v8;
	v8, _, _ =	vpop (xrf0)  }
0x35d: {  	[tilespmem:s7+$0x0] =	vst v1;
	v5 =	vadd.s32 v5, v6;
	(v2sf) =	vpush v8, $0xF  }
0x35e: {  	s10 =	simm.s32 $0x14120;
	[tilespmem:s9+$0x0] =	vst v1;
	v7 =	vadd.s32 v7, v5  }
0x35f: {  	s16 =	simm.s32 $0x15120;
	v6 =	vld [tilespmem:s10+$0x0];
	(xrf0) =	vadd.scan.msk.s32 $0xffff, v7  }
0x360: {  	v9 =	vld [tilespmem:s16+$0x0];
	_ =	sdelay $0x1  }
0x361: {  	s17 =	simm.s32 $0x16120  }
0x362: {  	s18 =	simm.s32 $0x17120;
	v5 =	vld [tilespmem:s17+$0x0]  }
0x363: {  	v10 =	vld [tilespmem:s18+$0x0]  }
0x364: {  	[tilespmem:s10+$0x0] =	vst v1;
	v6 =	vadd.s32 v6, v9;
	v9, _, _ =	vpop (xrf0)  }
0x365: {  	[tilespmem:s16+$0x0] =	vst v1;
	(v2sf) =	vpush v9, $0xF  }
0x366: {  	[tilespmem:s17+$0x0] =	vst v1  }
0x367: {  	s21 =	simm.s32 $0x15130;
	[tilespmem:s18+$0x0] =	vst v1;
	v5 =	vadd.s32 v5, v6  }
0x368: {  	s19 =	simm.s32 $0x14130;
	v11 =	vld [tilespmem:s21+$0x0];
	v10 =	vadd.s32 v10, v5  }
0x369: {  	s20 =	simm.s32 $0x16130;
	v8 =	vadd.s32 s22, v8;
	v6 =	vld [tilespmem:s19+$0x0];
	(xrf0) =	vadd.scan.msk.s32 $0xffff, v10  }
0x36a: {  	s23 =	simm.s32 $0x17130;
	v4 =	vsub.s32 v8, v4;
	vm0 =	vgt.s32 v8, $0x7F00;
	v5 =	vld [tilespmem:s20+$0x0]  }
0x36b: {  	v12 =	vld [tilespmem:s23+$0x0];
	v14 =	vnsel vm0, $0xFFFFFFFF, v3;
	v4 =	vxor.u32 $0x80000000, v4;
	s26 =	spop (v2sf)  }
0x36c: {  	v4 =	vnsel vm0, $0xFFFFFFFF, v4;
	(xrf0) =	vmin.scan.msk.u32 $0xffff, v14;
	s3 =	sadd.s32 $0x0, s26  }
0x36d: {  	[tilespmem:s19+$0x0] =	vst v1;
	(xrf0) =	vmin.scan.msk.u32 $0xffff, v4;
	v4 =	vadd.s32 s3, v9  }
0x36e: {  	[tilespmem:s21+$0x0] =	vst v1;
	v6 =	vadd.s32 v6, v11;
	vm14 =	vgt.s32 v4, $0x7F00;
	v4 =	vsub.s32 v4, v7  }
0x36f: {  	[tilespmem:s20+$0x0] =	vst v1;
	v5 =	vadd.s32 v5, v6;
	v13, _, _ =	vpop (xrf0);
	v7 =	vnsel vm14, $0xFFFFFFFF, v3;
	v4 =	vxor.u32 $0x80000000, v4  }
0x370: {  	s24 =	simm.s32 $0x14140;
	[tilespmem:s23+$0x0] =	vst v1;
	v5 =	vadd.s32 v12, v5;
	(v2sf) =	vpush v13, $0xF;
	v4 =	vnsel vm14, $0xFFFFFFFF, v4  }
0x371: {  	s25 =	simm.s32 $0x16140;
	v8 =	vld [tilespmem:s24+$0x0];
	(xrf0) =	vadd.scan.msk.s32 $0xffff, v5  }
0x372: {  	s29 =	simm.s32 $0x15140;
	v11 =	vld [tilespmem:s25+$0x0];
	(xrf0) =	vmin.scan.msk.u32 $0xffff, v7;
	v7, _, _ =	vpop (xrf0)  }
0x373: {  	s30 =	simm.s32 $0x17140;
	v6 =	vld [tilespmem:s29+$0x0];
	(xrf0) =	vmin.scan.msk.u32 $0xffff, v4;
	v4, _, _ =	vpop (xrf0);
	(v2sf) =	vpush v7, $0xF  }
0x374: {  	v9 =	vld [tilespmem:s30+$0x0];
	[tilespmem:s24+$0x0] =	vst v1;
	s31 =	spop (v2sf);
	(v2sf) =	vpush v4, $0xF  }
0x375: {  	[tilespmem:s29+$0x0] =	vst v1  }
0x376: {  	[tilespmem:s25+$0x0] =	vst v1  }
0x377: {  	s6 =	simm.s32 $0x14150;
	[tilespmem:s30+$0x0] =	vst v1  }
0x378: {  	s4 =	simm.s32 $0x15150;
	v62 =	vld [tilespmem:s6+$0x0];
	v4 =	vadd.s32 v8, v6;
	v6, _, _ =	vpop (xrf0)  }
0x379: {  	s7 =	simm.s32 $0x16150;
	v63 =	vld [tilespmem:s4+$0x0];
	v4 =	vadd.s32 v11, v4;
	(v2sf) =	vpush v6, $0xF;
	v11, _, _ =	vpop (xrf0)  }
0x37a: {  	s5 =	sadd.s32 s3, s31;
	v8 =	vld [tilespmem:s7+$0x0];
	(v2sf) =	vpush v11, $0xF;
	v11, _, _ =	vpop (xrf0)  }
0x37b: {  	s28 =	simm.s32 $0x80000030;
	s8 =	simm.s32 $0x17150;
	v13 =	vadd.s32 s5, v13;
	(v2sf) =	vpush v11, $0xF  }
0x37c: {  	s1 =	simm.s32 $0x80000040;
	s0 =	simm.s32 $0x80000000;
	s10 =	simm.s32 $0x14160;
	vm15 =	vgt.s32 v13, $0x7F00;
	v7 =	vld [tilespmem:s8+$0x0];
	v10 =	vsub.s32 v13, v10;
	[tilespmem:s6+$0x0] =	vst v1;
	v4 =	vadd.s32 v9, v4  }
0x37d: {  	s16 =	simm.s32 $0x16160;
	s21 =	simm.s32 $0x0;
	s26 =	simm.s32 $0x80000020;
	v10 =	vxor.u32 $0x80000000, v10;
	[tilespmem:s4+$0x0] =	vst v1;
	v9 =	vnsel vm15, $0xFFFFFFFF, v3;
	(xrf0) =	vadd.scan.msk.s32 $0xffff, v4  }
0x37e: {  	s20 =	simm.s32 $0x0;
	s25 =	simm.s32 $0x80000050;
	s3 =	simm.s32 $0x80000010;
	v10 =	vnsel vm15, $0xFFFFFFFF, v10;
	[tilespmem:s7+$0x0] =	vst v1;
	(xrf0) =	vmin.scan.msk.u32 $0xffff, v9;
	v9 =	vadd.s32 v62, v63  }
0x37f: {  	s6 =	simm.s32 $0x80000060;
	s7 =	simm.s32 $0x17160;
	s17 =	spop (v2sf);
	[tilespmem:s8+$0x0] =	vst v1;
	(xrf0) =	vmin.scan.msk.u32 $0xffff, v10;
	v8 =	vadd.s32 v8, v9  }
.LBB2_30:
0x380: {  	s8 =	smov.u32 s22;
	s4 =	sadd.s32 $0x10, s4  }
0x381: {  	s5 =	sadd.s32 s5, s17;
	s17 =	smov.u32 s25;
	s25 =	smov.u32 s6  }
0x382: {  	p1 =	seq.s32 s22, $0x0;
	p0 =	sne.s32 s6, $0x800007F0;
	v9 =	vld [tilespmem:s10+$0x0];
	s9 =	spop (v2sf)  }
0x383: {  	s6 =	sadd.s32 $0x10, s6;
	v13 =	vadd.s32 s5, v6;
	v10 =	vld [tilespmem:s16+$0x0];
	v6, _, _ =	vpop (xrf0);
	s18 =	sxor.u32 $0x80000000, s9;
	s19 =	spop (v2sf)  }
0x384: {  	s22 =	simm.s32 $0x1;
	v5 =	vsub.s32 v13, v5;
	vm0 =	vgt.s32 v13, $0x7F00;
	s0 =	sadd.s32 s0, s9;
	v12 =	vld [tilespmem:s4+$0x0];
	(v2sf) =	vpush v6, $0xF;
	v11, _, _ =	vpop (xrf0);
	p2 =	slt.s32 s18, $0x10  }
0x385: {  	v8 =	vadd.s32 v7, v8;
	v13 =	vnsel vm0, $0xFFFFFFFF, v3;
	s9 =	sxor.u32 $0x80000000, s19;
	v7 =	vld [tilespmem:s7+$0x0];
	(v2sf) =	vpush v11, $0xF;
	v11, _, _ =	vpop (xrf0);
	s22 =	simm.s32 @!p2 $0x0;
	p1 =	por !p2, !p1  }
.Ltmp17:
0x386: {  	v14 =	vxor.u32 $0x80000000, v5;
	[tilespmem:s10+$0x0] =	vst v1;
	(xrf0) =	vadd.scan.msk.s32 $0xffff, v8;
	(v2sf) =	vpush v11, $0xF;
	p1 =	por !p1, !p1;
	p2 =	sgt.s32 s8, s22;
	(pc) =	sbr.rel @p0 .LBB2_30-.Ltmp17, $4  }
0x387: {  	v11 =	vnsel vm0, $0xFFFFFFFF, v14;
	v5 =	vmovc v4;
	v4 =	vmov v8;
	[tilespmem:s4+$0x0] =	vst v1;
	(xrf0) =	vmin.scan.msk.u32 $0xffff, v13;
	s20 =	smov.u32 @p1 s0;
	s21 =	smov.u32 @p1 s9;
	s0 =	smov.u32 s3  }
0x388: {  	s22 =	smov.u32 @p2 s8;
	s3 =	smov.u32 s26;
	s26 =	smov.u32 s28;
	[tilespmem:s16+$0x0] =	vst v1;
	(xrf0) =	vmin.scan.msk.u32 $0xffff, v11  }
0x389: {  	s28 =	smov.u32 s1;
	s1 =	smov.u32 s17;
	v8 =	vadd.s32 v9, v12;
	[tilespmem:s7+$0x0] =	vst v1;
	s7 =	sadd.s32 $0x10, s7  }
0x38a: {  	s10 =	sadd.s32 $0x10, s10;
	s16 =	sadd.s32 $0x10, s16;
	v8 =	vadd.s32 v10, v8;
	s17 =	spop (v2sf)  }
0x38b: {  	_ = 	snop  }
0x38c: {  	v9, _, _ =	vpop (xrf0)  }
0x38d: {  	(v2sf) =	vpush v9, $0xF;
	_ =	sdelay $0x8  }
0x38e: {  	s4 =	sadd.s32 s5, s17;
	v7 =	vadd.s32 v7, v8  }
0x38f: {  	s18 =	spop (v2sf);
	v6 =	vadd.s32 s4, v6;
	(xrf0) =	vadd.scan.msk.s32 $0xffff, v7  }
0x390: {  	s23 =	spop (v2sf);
	v8, _, _ =	vpop (xrf0);
	vm0 =	vgt.s32 v6, $0x7F00  }
0x391: {  	v5 =	vsub.s32 v6, v5;
	(v2sf) =	vpush v8, $0xF;
	v8, _, _ =	vpop (xrf0);
	v6 =	vnsel vm0, $0xFFFFFFFF, v3;
	s6 =	spop (v2sf)  }
0x392: {  	(v2sf) =	vpush v8, $0xF;
	(xrf0) =	vmin.scan.msk.u32 $0xffff, v6;
	s4 =	sadd.s32 s4, s6;
	s19 =	spop (v2sf)  }
0x393: {  	v5 =	vxor.u32 $0x80000000, v5;
	v6 =	vadd.s32 s4, v9;
	s24 =	spop (v2sf)  }
0x394: {  	v5 =	vnsel vm0, $0xFFFFFFFF, v5;
	vm0 =	vgt.s32 v6, $0x7F00;
	s7 =	spop (v2sf)  }
0x395: {  	(xrf0) =	vmin.scan.msk.u32 $0xffff, v5;
	v8, _, _ =	vpop (xrf0);
	v4 =	vsub.s32 v6, v4;
	v5 =	vnsel vm0, $0xFFFFFFFF, v3;
	s4 =	sadd.s32 s4, s7  }
0x396: {  	v4 =	vxor.u32 $0x80000000, v4;
	(xrf0) =	vmin.scan.msk.u32 $0xffff, v5;
	v5 =	vadd.s32 s4, v8  }
0x397: {  	(v2sf) =	vpush v8, $0xF;
	v4 =	vnsel vm0, $0xFFFFFFFF, v4;
	vm0 =	vgt.s32 v5, $0x7F00  }
0x398: {  	v6, _, _ =	vpop (xrf0);
	(xrf0) =	vmin.scan.msk.u32 $0xffff, v4;
	v4 =	vnsel vm0, $0xFFFFFFFF, v3  }
0x399: {  	(v2sf) =	vpush v6, $0xF  }
0x39a: {  	(xrf0) =	vmin.scan.msk.u32 $0xffff, v4  }
0x39b: {  	s29 =	sxor.u32 $0x80000000, s18;
	v4, _, _ =	vpop (xrf0)  }
0x39c: {  	p1 =	seq.s32 s22, $0x0;
	p0 =	slt.s32 s29, $0x10;
	s4 =	simm.s32 $0x1;
	(v2sf) =	vpush v4, $0xF;
	v4, _, _ =	vpop (xrf0)  }
0x39d: {  	s4 =	simm.s32 @!p0 $0x0;
	p0 =	por !p0, !p1;
	(v2sf) =	vpush v4, $0xF  }
0x39e: {  	p0 =	por !p0, !p0  }
0x39f: {  	s5 =	sadd.s32 s0, s18;
	s31 =	sxor.u32 $0x80000000, s19;
	s0 =	simm.s32 @!p0 $0x0;
	v4, _, _ =	vpop (xrf0)  }
0x3a0: {  	p2 =	slt.s32 s31, $0x10;
	s30 =	spop (v2sf);
	s0 =	simm.s32 @p0 $0x1;
	(v2sf) =	vpush v4, $0xF;
	v4, _, _ =	vpop (xrf0)  }
0x3a1: {  	p1 =	sgt.s32 s22, s4;
	[smem:$0x7FC] =	sst s0;
	s0 =	spop (v2sf);
	(v2sf) =	vpush v4, $0xF  }
0x3a2: {  	s20 =	smov.u32 @p0 s5;
	s4 =	smov.u32 @p1 s22;
	s5 =	simm.s32 $0x1  }
0x3a3: {  	s3 =	sadd.s32 s3, s19;
	p1 =	seq.s32 s4, $0x0;
	s5 =	simm.s32 @!p2 $0x0  }
0x3a4: {  	s8 =	sxor.u32 $0x80000000, s30;
	p1 =	por !p2, !p1;
	p2 =	sgt.s32 s4, s5  }
0x3a5: {  	p1 =	por !p1, !p1;
	s5 =	smov.u32 @p2 s4;
	p2 =	slt.s32 s8, $0x10  }
0x3a6: {  	s4 =	simm.s32 $0x1;
	s9 =	spop (v2sf);
	s20 =	smov.u32 @p1 s3  }
0x3a7: {  	p3 =	seq.s32 s5, $0x0;
	s4 =	simm.s32 @!p2 $0x0;
	s3 =	sadd.s32 s26, s30  }
0x3a8: {  	p2 =	por !p2, !p3;
	p3 =	sgt.s32 s5, s4;
	s6 =	spop (v2sf)  }
0x3a9: {  	p2 =	por !p2, !p2;
	s4 =	smov.u32 @p3 s5;
	s10 =	sxor.u32 $0x80000000, s6  }
0x3aa: {  	s20 =	smov.u32 @p2 s3;
	s3 =	simm.s32 $0x1;
	p3 =	slt.s32 s10, $0x10  }
0x3ab: {  	s22 =	simm.s32 $0x8040;
	s3 =	simm.s32 @!p3 $0x0;
	s26 =	spop (v2sf)  }
0x3ac: {  	p4 =	seq.s32 s4, $0x0;
	p5 =	sgt.s32 s4, s3;
	s16 =	spop (v2sf)  }
0x3ad: {  	p3 =	por !p3, !p4;
	s3 =	smov.u32 @p5 s4;
	s17 =	sxor.u32 $0x80000000, s16  }
0x3ae: {  	s4 =	simm.s32 $0x1;
	p6 =	seq.s32 s3, $0x0;
	p5 =	slt.s32 s17, $0x10  }
0x3af: {  	s29 =	spop (v2sf);
	s1 =	sadd.s32 s1, s16;
	s4 =	simm.s32 @!p5 $0x0  }
0x3b0: {  	v6 =	vld [tilespmem:s22+$0xFFFFFFC0];
	s18 =	spop (v2sf);
	p6 =	por !p5, !p6;
	p4 =	sgt.s32 s3, s4  }
0x3b1: {  	p5 =	por !p3, !p3;
	s19 =	sxor.u32 $0x80000000, s18;
	s4 =	smov.u32 @p4 s3  }
0x3b2: {  	p0 =	slt.s32 s19, $0x10;
	s3 =	sadd.s32 s28, s6;
	p4 =	seq.s32 s4, $0x0  }
0x3b3: {  	s20 =	smov.u32 @p5 s3;
	p0 =	por !p0, !p4;
	p4 =	por !p6, !p6  }
0x3b4: {  	v4 =	vsub.s32 v5, v7;
	s20 =	smov.u32 @p4 s1;
	s1 =	sadd.s32 s25, s18;
	p3 =	por !p0, !p0  }
0x3b5: {  	v7 =	vand.u32 $0x7FFFFFFF, v6;
	v5 =	vxor.u32 $0x80000000, v4;
	s20 =	smov.u32 @p3 s1  }
0x3b6: {  	v8 =	vshrl.u32 v7, $0x14;
	v7 =	vshrl.u32 v7, $0xA;
	v4 =	vmov s20  }
0x3b7: {  	v5 =	vnsel vm0, $0xFFFFFFFF, v5;
	v7 =	vand.u32 $0x3FF, v7;
	vm0 =	veq.s32 v8, v4  }
0x3b8: {  	(xrf0) =	vmin.scan.msk.u32 $0xffff, v5;
	v5 =	vor.u32 $0x800, v7;
	v7 =	vsel vm0, $0x1, v1  }
0x3b9: {  	(xrf0) =	vadd.scan.msk.s32 $0xffff, v7  }
0x3ba: {  	vm1 =	vgt.s32 v8, v4  }
0x3bb: {  	v7 =	vnsel vm1, $0x0, v6  }
0x3bc: {  	[tilespmem:s22+$0xFFFFFFC0] =	vst v7  }
0x3bd: {  	s31 =	simm.s32 $0x0;
	s30 =	simm.s32 $0x0;
	[tilespmem:v5+s12+$0x0] =	vst.idx.add.s32.msk vm0, v2  }
0x3be: {  	v5, _, _ =	vpop (xrf0);
	[tilespmem:s30+$0x10000] =	vst.msk vm0, v6;
	v6 =	vor.u32 s31, v0  }
0x3bf: {  	(v2sf) =	vpush v5, $0xF;
	[tilespmem:s30+$0x12080] =	vst.msk vm0, v6;
	v5, _, _ =	vpop (xrf0)  }
0x3c0: {  	v6 =	vld [tilespmem:s22+$0xFFFFFFD0];
	(v2sf) =	vpush v5, $0xF;
	_ =	sdelay $0x4  }
0x3c1: {  	v5 =	vand.u32 $0x7FFFFFFF, v6  }
0x3c2: {  	v7 =	vshrl.u32 v5, $0x14  }
0x3c3: {  	vm0 =	veq.s32 v7, v4  }
0x3c4: {  	v8 =	vsel vm0, $0x1, v1  }
0x3c5: {  	v5 =	vshrl.u32 v5, $0xA;
	(xrf0) =	vadd.scan.msk.s32 $0xffff, v8  }
0x3c6: {  	v5 =	vand.u32 $0x3FF, v5  }
0x3c7: {  	vm1 =	vgt.s32 v7, v4;
	v5 =	vor.u32 $0x800, v5  }
0x3c8: {  	v7 =	vnsel vm1, $0x0, v6;
	_ =	sdelay $0x1  }
0x3c9: {  	s1 =	spop (v2sf)  }
0x3ca: {  	[tilespmem:s22+$0xFFFFFFD0] =	vst v7;
	s4 =	spop (v2sf);
	v7, _, _ =	vpop (xrf0)  }
0x3cb: {  	s5 =	simm.s32 $0x10;
	[tilespmem:v5+s13+$0x0] =	vst.idx.add.s32.msk vm0, v2;
	s3 =	sadd.s32 $0x0, s4;
	(v2sf) =	vpush v7, $0xF  }
0x3cc: {  	v5 =	vor.u32 s5, v0;
	[tilespmem:s3+$0x10000] =	vst.msk vm0, v6  }
0x3cd: {  	[tilespmem:s3+$0x12080] =	vst.msk vm0, v5  }
0x3ce: {  	v5 =	vld [tilespmem:s22+$0xFFFFFFE0];
	_ =	sdelay $0x4  }
0x3cf: {  	v6 =	vand.u32 $0x7FFFFFFF, v5  }
0x3d0: {  	v7 =	vshrl.u32 v6, $0x14;
	v6 =	vshrl.u32 v6, $0xA  }
0x3d1: {  	vm0 =	veq.s32 v7, v4;
	v6 =	vand.u32 $0x3FF, v6  }
0x3d2: {  	v6 =	vor.u32 $0x800, v6;
	_ =	sdelay $0x1  }
0x3d3: {  	vm1 =	vgt.s32 v7, v4;
	v8 =	vsel vm0, $0x1, v1  }
0x3d4: {  	v7 =	vnsel vm1, $0x0, v5;
	(xrf0) =	vadd.scan.msk.s32 $0xffff, v8  }
0x3d5: {  	[tilespmem:s22+$0xFFFFFFE0] =	vst v7;
	s6 =	spop (v2sf)  }
0x3d6: {  	s7 =	simm.s32 $0x20;
	s3 =	sadd.s32 s3, s6;
	[tilespmem:v6+s14+$0x0] =	vst.idx.add.s32.msk vm0, v2  }
0x3d7: {  	[tilespmem:s3+$0x10000] =	vst.msk vm0, v5;
	v5 =	vor.u32 s7, v0;
	_ =	sdelay $0x2  }
0x3d8: {  	[tilespmem:s3+$0x12080] =	vst.msk vm0, v5;
	v5, _, _ =	vpop (xrf0)  }
0x3d9: {  	v6 =	vld [tilespmem:s22+$0xFFFFFFF0];
	(v2sf) =	vpush v5, $0xF;
	_ =	sdelay $0x4  }
0x3da: {  	v5 =	vand.u32 $0x7FFFFFFF, v6  }
0x3db: {  	v7 =	vshrl.u32 v5, $0x14  }
0x3dc: {  	vm0 =	veq.s32 v7, v4  }
0x3dd: {  	v8 =	vsel vm0, $0x1, v1  }
0x3de: {  	v5 =	vshrl.u32 v5, $0xA;
	(xrf0) =	vadd.scan.msk.s32 $0xffff, v8  }
0x3df: {  	v5 =	vand.u32 $0x3FF, v5  }
0x3e0: {  	vm1 =	vgt.s32 v7, v4;
	v5 =	vor.u32 $0x800, v5  }
0x3e1: {  	v7 =	vnsel vm1, $0x0, v6;
	_ =	sdelay $0x2  }
0x3e2: {  	[tilespmem:s22+$0xFFFFFFF0] =	vst v7;
	v7, _, _ =	vpop (xrf0);
	s8 =	spop (v2sf)  }
0x3e3: {  	s9 =	simm.s32 $0x30;
	[tilespmem:v5+s15+$0x0] =	vst.idx.add.s32.msk vm0, v2;
	(v2sf) =	vpush v7, $0xF;
	s3 =	sadd.s32 s3, s8  }
0x3e4: {  	v5 =	vor.u32 s9, v0;
	[tilespmem:s3+$0x10000] =	vst.msk vm0, v6  }
0x3e5: {  	[tilespmem:s3+$0x12080] =	vst.msk vm0, v5  }
0x3e6: {  	v5 =	vld [tilespmem:s22+$0x0];
	_ =	sdelay $0x4  }
0x3e7: {  	v6 =	vand.u32 $0x7FFFFFFF, v5  }
0x3e8: {  	v7 =	vshrl.u32 v6, $0x14;
	v6 =	vshrl.u32 v6, $0xA  }
0x3e9: {  	vm0 =	veq.s32 v7, v4;
	v6 =	vand.u32 $0x3FF, v6  }
0x3ea: {  	v6 =	vor.u32 $0x800, v6;
	_ =	sdelay $0x1  }
0x3eb: {  	vm1 =	vgt.s32 v7, v4;
	v8 =	vsel vm0, $0x1, v1  }
0x3ec: {  	v7 =	vnsel vm1, $0x0, v5;
	(xrf0) =	vadd.scan.msk.s32 $0xffff, v8  }
0x3ed: {  	[tilespmem:s22+$0x0] =	vst v7;
	s10 =	spop (v2sf)  }
0x3ee: {  	s16 =	simm.s32 $0x40;
	s3 =	sadd.s32 s3, s10;
	[tilespmem:v6+s12+$0x0] =	vst.idx.add.s32.msk vm0, v2  }
0x3ef: {  	[tilespmem:s3+$0x10000] =	vst.msk vm0, v5;
	v5 =	vor.u32 s16, v0;
	_ =	sdelay $0x2  }
0x3f0: {  	[tilespmem:s3+$0x12080] =	vst.msk vm0, v5;
	v5, _, _ =	vpop (xrf0)  }
0x3f1: {  	v6 =	vld [tilespmem:s22+$0x10];
	(v2sf) =	vpush v5, $0xF;
	_ =	sdelay $0x4  }
0x3f2: {  	v5 =	vand.u32 $0x7FFFFFFF, v6  }
0x3f3: {  	v7 =	vshrl.u32 v5, $0x14  }
0x3f4: {  	vm0 =	veq.s32 v7, v4  }
0x3f5: {  	v8 =	vsel vm0, $0x1, v1  }
0x3f6: {  	v5 =	vshrl.u32 v5, $0xA;
	(xrf0) =	vadd.scan.msk.s32 $0xffff, v8  }
0x3f7: {  	v5 =	vand.u32 $0x3FF, v5  }
0x3f8: {  	vm1 =	vgt.s32 v7, v4;
	v5 =	vor.u32 $0x800, v5  }
0x3f9: {  	v7 =	vnsel vm1, $0x0, v6;
	_ =	sdelay $0x2  }
0x3fa: {  	[tilespmem:s22+$0x10] =	vst v7;
	v7, _, _ =	vpop (xrf0);
	s17 =	spop (v2sf)  }
0x3fb: {  	s18 =	simm.s32 $0x50;
	[tilespmem:v5+s13+$0x0] =	vst.idx.add.s32.msk vm0, v2;
	(v2sf) =	vpush v7, $0xF;
	s3 =	sadd.s32 s3, s17  }
0x3fc: {  	v5 =	vor.u32 s18, v0;
	[tilespmem:s3+$0x10000] =	vst.msk vm0, v6  }
0x3fd: {  	[tilespmem:s3+$0x12080] =	vst.msk vm0, v5  }
0x3fe: {  	v5 =	vld [tilespmem:s22+$0x20];
	_ =	sdelay $0x4  }
0x3ff: {  	v6 =	vand.u32 $0x7FFFFFFF, v5  }
0x400: {  	v7 =	vshrl.u32 v6, $0x14;
	v6 =	vshrl.u32 v6, $0xA  }
0x401: {  	vm0 =	veq.s32 v7, v4;
	v6 =	vand.u32 $0x3FF, v6  }
0x402: {  	v6 =	vor.u32 $0x800, v6  }
0x403: {  	v8 =	vsel vm0, $0x1, v1  }
0x404: {  	vm1 =	vgt.s32 v7, v4;
	(xrf0) =	vadd.scan.msk.s32 $0xffff, v8  }
0x405: {  	v7 =	vnsel vm1, $0x0, v5  }
0x406: {  	[tilespmem:s22+$0x20] =	vst v7;
	s19 =	spop (v2sf)  }
0x407: {  	s25 =	simm.s32 $0x60;
	s3 =	sadd.s32 s3, s19;
	[tilespmem:v6+s14+$0x0] =	vst.idx.add.s32.msk vm0, v2  }
0x408: {  	[tilespmem:s3+$0x10000] =	vst.msk vm0, v5;
	v5 =	vor.u32 s25, v0  }
0x409: {  	[tilespmem:s3+$0x12080] =	vst.msk vm0, v5  }
0x40a: {  	v6, _, _ =	vpop (xrf0);
	v5 =	vld [tilespmem:s22+$0x30]  }
0x40b: {  	(v2sf) =	vpush v6, $0xF;
	_ =	sdelay $0x3  }
0x40c: {  	v6 =	vand.u32 $0x7FFFFFFF, v5  }
0x40d: {  	v7 =	vshrl.u32 v6, $0x14  }
0x40e: {  	vm0 =	veq.s32 v7, v4  }
0x40f: {  	v8 =	vsel vm0, $0x1, v1  }
0x410: {  	(xrf0) =	vadd.scan.msk.s32 $0xffff, v8  }
0x411: {  	v6 =	vshrl.u32 v6, $0xA  }
0x412: {  	v6 =	vand.u32 $0x3FF, v6  }
0x413: {  	v6 =	vor.u32 $0x800, v6;
	_ =	sdelay $0x1  }
0x414: {  	vm1 =	vgt.s32 v7, v4  }
0x415: {  	v7 =	vnsel vm1, $0x0, v5;
	v8, _, _ =	vpop (xrf0)  }
0x416: {  	[tilespmem:s22+$0x30] =	vst v7;
	s28 =	spop (v2sf);
	(v2sf) =	vpush v8, $0xF  }
0x417: {  	s30 =	simm.s32 $0x70;
	[tilespmem:v6+s15+$0x0] =	vst.idx.add.s32.msk vm0, v2;
	s3 =	sadd.s32 s3, s28  }
0x418: {  	[tilespmem:s3+$0x10000] =	vst.msk vm0, v5;
	v5 =	vor.u32 s30, v0  }
0x419: {  	s22 =	simm.s32 $0x80C0;
	[tilespmem:s3+$0x12080] =	vst.msk vm0, v5  }
0x41a: {  	v5 =	vld [tilespmem:s22+$0xFFFFFFC0];
	_ =	sdelay $0x1  }
0x41b: {  	s31 =	sld [smem:$0x7FC];
	_ =	sdelay $0x2  }
0x41c: {  	p0 =	seq.s32 s31, $0x1;
	s4 =	sxor.u32 $0x80000000, s23;
	v6 =	vand.u32 $0x7FFFFFFF, v5  }
0x41d: {  	s21 =	smov.u32 @p0 s4;
	s4 =	sxor.u32 $0x80000000, s24;
	v7 =	vshrl.u32 v6, $0x14;
	v6 =	vshrl.u32 v6, $0xA  }
0x41e: {  	s0 =	sxor.u32 $0x80000000, s0;
	s21 =	smov.u32 @p1 s4;
	vm0 =	veq.s32 v7, v4;
	v6 =	vand.u32 $0x3FF, v6  }
0x41f: {  	s21 =	smov.u32 @p2 s0;
	s0 =	sxor.u32 $0x80000000, s26;
	v8 =	vsel vm0, $0x1, v1;
	v6 =	vor.u32 $0x800, v6  }
0x420: {  	s21 =	smov.u32 @p5 s0;
	s0 =	sxor.u32 $0x80000000, s29;
	vm1 =	vgt.s32 v7, v4;
	(xrf0) =	vadd.scan.msk.s32 $0xffff, v8  }
0x421: {  	s23 =	simm.s32 $0xF0;
	s21 =	smov.u32 @p4 s0;
	s0 =	sxor.u32 $0x80000000, s1;
	v7 =	vnsel vm1, $0x0, v5  }
0x422: {  	s21 =	smov.u32 @p3 s0;
	s0 =	simm.s32 $0x170;
	[tilespmem:s22+$0xFFFFFFC0] =	vst v7;
	s1 =	spop (v2sf)  }
.LBB2_32:
0x423: {  	s4 =	sadd.s32 $0xFFFFFF90, s23  }
0x424: {  	[tilespmem:v6+s12+$0x0] =	vst.idx.add.s32.msk vm0, v2;
	s1 =	sadd.s32 s3, s1;
	s25 =	smov.u32 s0;
	s24 =	sadd.s32 $0x80, s0  }
0x425: {  	p0 =	sne.s32 s0, $0x7FF0;
	[tilespmem:s1+$0x10000] =	vst.msk vm0, v5;
	v6 =	vor.u32 s4, v0  }
0x426: {  	[tilespmem:s1+$0x12080] =	vst.msk vm0, v6;
	v5, _, _ =	vpop (xrf0)  }
0x427: {  	v6 =	vld [tilespmem:s22+$0xFFFFFFD0];
	(v2sf) =	vpush v5, $0xF;
	_ =	sdelay $0x4  }
0x428: {  	v5 =	vand.u32 $0x7FFFFFFF, v6  }
0x429: {  	v7 =	vshrl.u32 v5, $0x14;
	v5 =	vshrl.u32 v5, $0xA  }
0x42a: {  	vm0 =	veq.s32 v7, v4;
	vm1 =	vgt.s32 v7, v4;
	v5 =	vand.u32 $0x3FF, v5  }
0x42b: {  	v7 =	vnsel vm1, $0x0, v6;
	v5 =	vor.u32 $0x800, v5;
	v8 =	vsel vm0, $0x1, v1  }
0x42c: {  	(xrf0) =	vadd.scan.msk.s32 $0xffff, v8;
	_ =	sdelay $0x5  }
0x42d: {  	[tilespmem:s22+$0xFFFFFFD0] =	vst v7;
	s0 =	spop (v2sf);
	v7, _, _ =	vpop (xrf0)  }
0x42e: {  	s0 =	sadd.s32 s1, s0;
	s1 =	sadd.s32 $0xFFFFFFA0, s23;
	[tilespmem:v5+s13+$0x0] =	vst.idx.add.s32.msk vm0, v2;
	(v2sf) =	vpush v7, $0xF  }
0x42f: {  	[tilespmem:s0+$0x10000] =	vst.msk vm0, v6;
	v5 =	vor.u32 s1, v0  }
0x430: {  	[tilespmem:s0+$0x12080] =	vst.msk vm0, v5  }
0x431: {  	v5 =	vld [tilespmem:s22+$0xFFFFFFE0];
	_ =	sdelay $0x4  }
0x432: {  	v6 =	vand.u32 $0x7FFFFFFF, v5  }
0x433: {  	v7 =	vshrl.u32 v6, $0x14;
	v6 =	vshrl.u32 v6, $0xA  }
0x434: {  	vm0 =	veq.s32 v7, v4;
	vm1 =	vgt.s32 v7, v4;
	v6 =	vand.u32 $0x3FF, v6  }
0x435: {  	v7 =	vnsel vm1, $0x0, v5;
	v6 =	vor.u32 $0x800, v6;
	v8 =	vsel vm0, $0x1, v1  }
0x436: {  	(xrf0) =	vadd.scan.msk.s32 $0xffff, v8;
	_ =	sdelay $0x2  }
0x437: {  	[tilespmem:s22+$0xFFFFFFE0] =	vst v7;
	s1 =	spop (v2sf)  }
0x438: {  	s0 =	sadd.s32 s0, s1;
	s1 =	sadd.s32 $0xFFFFFFB0, s23;
	[tilespmem:v6+s14+$0x0] =	vst.idx.add.s32.msk vm0, v2  }
0x439: {  	[tilespmem:s0+$0x10000] =	vst.msk vm0, v5;
	v6 =	vor.u32 s1, v0  }
0x43a: {  	[tilespmem:s0+$0x12080] =	vst.msk vm0, v6;
	v5, _, _ =	vpop (xrf0)  }
0x43b: {  	v6 =	vld [tilespmem:s22+$0xFFFFFFF0];
	(v2sf) =	vpush v5, $0xF;
	_ =	sdelay $0x4  }
0x43c: {  	v5 =	vand.u32 $0x7FFFFFFF, v6  }
0x43d: {  	v7 =	vshrl.u32 v5, $0x14;
	v5 =	vshrl.u32 v5, $0xA  }
0x43e: {  	vm0 =	veq.s32 v7, v4;
	v5 =	vand.u32 $0x3FF, v5  }
0x43f: {  	v5 =	vor.u32 $0x800, v5;
	v8 =	vsel vm0, $0x1, v1  }
0x440: {  	(xrf0) =	vadd.scan.msk.s32 $0xffff, v8  }
0x441: {  	vm1 =	vgt.s32 v7, v4  }
0x442: {  	v7 =	vnsel vm1, $0x0, v6  }
0x443: {  	[tilespmem:s22+$0xFFFFFFF0] =	vst v7  }
0x444: {  	[tilespmem:v5+s15+$0x0] =	vst.idx.add.s32.msk vm0, v2;
	_ =	sdelay $0x1  }
0x445: {  	s1 =	spop (v2sf);
	v5, _, _ =	vpop (xrf0)  }
0x446: {  	s0 =	sadd.s32 s0, s1;
	s1 =	sadd.s32 $0xFFFFFFC0, s23;
	(v2sf) =	vpush v5, $0xF  }
0x447: {  	[tilespmem:s0+$0x10000] =	vst.msk vm0, v6;
	v5 =	vor.u32 s1, v0  }
0x448: {  	[tilespmem:s0+$0x12080] =	vst.msk vm0, v5  }
0x449: {  	v5 =	vld [tilespmem:s22+$0x0];
	_ =	sdelay $0x4  }
0x44a: {  	v6 =	vand.u32 $0x7FFFFFFF, v5  }
0x44b: {  	v7 =	vshrl.u32 v6, $0x14;
	v6 =	vshrl.u32 v6, $0xA  }
0x44c: {  	vm0 =	veq.s32 v7, v4;
	vm1 =	vgt.s32 v7, v4;
	v6 =	vand.u32 $0x3FF, v6  }
0x44d: {  	v7 =	vnsel vm1, $0x0, v5;
	v6 =	vor.u32 $0x800, v6;
	v8 =	vsel vm0, $0x1, v1  }
0x44e: {  	[tilespmem:s22+$0x0] =	vst v7;
	(xrf0) =	vadd.scan.msk.s32 $0xffff, v8;
	_ =	sdelay $0x2  }
0x44f: {  	s1 =	spop (v2sf)  }
0x450: {  	s0 =	sadd.s32 s0, s1;
	s1 =	sadd.s32 $0xFFFFFFD0, s23;
	[tilespmem:v6+s12+$0x0] =	vst.idx.add.s32.msk vm0, v2  }
0x451: {  	[tilespmem:s0+$0x10000] =	vst.msk vm0, v5;
	v6 =	vor.u32 s1, v0  }
0x452: {  	[tilespmem:s0+$0x12080] =	vst.msk vm0, v6;
	v5, _, _ =	vpop (xrf0)  }
0x453: {  	v6 =	vld [tilespmem:s22+$0x10];
	(v2sf) =	vpush v5, $0xF;
	_ =	sdelay $0x4  }
0x454: {  	v5 =	vand.u32 $0x7FFFFFFF, v6  }
0x455: {  	v7 =	vshrl.u32 v5, $0x14;
	v5 =	vshrl.u32 v5, $0xA  }
0x456: {  	vm0 =	veq.s32 v7, v4;
	vm1 =	vgt.s32 v7, v4;
	v5 =	vand.u32 $0x3FF, v5  }
0x457: {  	v7 =	vnsel vm1, $0x0, v6;
	v5 =	vor.u32 $0x800, v5;
	v8 =	vsel vm0, $0x1, v1  }
0x458: {  	[tilespmem:s22+$0x10] =	vst v7;
	(xrf0) =	vadd.scan.msk.s32 $0xffff, v8;
	_ =	sdelay $0x3  }
0x459: {  	[tilespmem:v5+s13+$0x0] =	vst.idx.add.s32.msk vm0, v2;
	_ =	sdelay $0x1  }
0x45a: {  	s1 =	spop (v2sf);
	v5, _, _ =	vpop (xrf0)  }
0x45b: {  	s0 =	sadd.s32 s0, s1;
	s1 =	sadd.s32 $0xFFFFFFE0, s23;
	(v2sf) =	vpush v5, $0xF  }
0x45c: {  	[tilespmem:s0+$0x10000] =	vst.msk vm0, v6;
	v5 =	vor.u32 s1, v0  }
0x45d: {  	[tilespmem:s0+$0x12080] =	vst.msk vm0, v5  }
0x45e: {  	v5 =	vld [tilespmem:s22+$0x20];
	_ =	sdelay $0x4  }
0x45f: {  	v6 =	vand.u32 $0x7FFFFFFF, v5  }
0x460: {  	v7 =	vshrl.u32 v6, $0x14;
	v6 =	vshrl.u32 v6, $0xA  }
0x461: {  	vm0 =	veq.s32 v7, v4;
	vm1 =	vgt.s32 v7, v4;
	v6 =	vand.u32 $0x3FF, v6  }
0x462: {  	v7 =	vnsel vm1, $0x0, v5;
	v6 =	vor.u32 $0x800, v6;
	v8 =	vsel vm0, $0x1, v1  }
0x463: {  	[tilespmem:s22+$0x20] =	vst v7;
	(xrf0) =	vadd.scan.msk.s32 $0xffff, v8;
	_ =	sdelay $0x2  }
0x464: {  	s1 =	spop (v2sf)  }
0x465: {  	s0 =	sadd.s32 s0, s1;
	s1 =	sadd.s32 $0xFFFFFFF0, s23;
	[tilespmem:v6+s14+$0x0] =	vst.idx.add.s32.msk vm0, v2  }
0x466: {  	[tilespmem:s0+$0x10000] =	vst.msk vm0, v5;
	v6 =	vor.u32 s1, v0  }
0x467: {  	[tilespmem:s0+$0x12080] =	vst.msk vm0, v6;
	v5, _, _ =	vpop (xrf0)  }
0x468: {  	v6 =	vld [tilespmem:s22+$0x30];
	(v2sf) =	vpush v5, $0xF;
	_ =	sdelay $0x4  }
0x469: {  	v5 =	vand.u32 $0x7FFFFFFF, v6  }
0x46a: {  	v7 =	vshrl.u32 v5, $0x14;
	v5 =	vshrl.u32 v5, $0xA  }
0x46b: {  	vm0 =	veq.s32 v7, v4;
	vm1 =	vgt.s32 v7, v4;
	v5 =	vand.u32 $0x3FF, v5  }
0x46c: {  	v7 =	vnsel vm1, $0x0, v6;
	v5 =	vor.u32 $0x800, v5;
	v8 =	vsel vm0, $0x1, v1  }
0x46d: {  	[tilespmem:s22+$0x30] =	vst v7;
	(xrf0) =	vadd.scan.msk.s32 $0xffff, v8;
	_ =	sdelay $0x3  }
0x46e: {  	[tilespmem:v5+s15+$0x0] =	vst.idx.add.s32.msk vm0, v2;
	_ =	sdelay $0x1  }
0x46f: {  	s1 =	spop (v2sf);
	v5, _, _ =	vpop (xrf0)  }
0x470: {  	s3 =	sadd.s32 s0, s1;
	(v2sf) =	vpush v5, $0xF  }
0x471: {  	v5 =	vor.u32 s23, v0;
	s23 =	smov.u32 s25;
	[tilespmem:s3+$0x10000] =	vst.msk vm0, v6  }
0x472: {  	s22 =	sadd.s32 $0x80, s22;
	[tilespmem:s3+$0x12080] =	vst.msk vm0, v5  }
0x473: {  	v5 =	vld [tilespmem:s22+$0xFFFFFFC0];
	_ =	sdelay $0x4  }
0x474: {  	v6 =	vand.u32 $0x7FFFFFFF, v5  }
0x475: {  	v7 =	vshrl.u32 v6, $0x14;
	v6 =	vshrl.u32 v6, $0xA  }
0x476: {  	vm0 =	veq.s32 v7, v4;
	vm1 =	vgt.s32 v7, v4;
	v6 =	vand.u32 $0x3FF, v6  }
.Ltmp18:
0x477: {  	v7 =	vnsel vm1, $0x0, v5;
	v6 =	vor.u32 $0x800, v6;
	v8 =	vsel vm0, $0x1, v1;
	(pc) =	sbr.rel @p0 .LBB2_32-.Ltmp18, $2  }
0x478: {  	(xrf0) =	vadd.scan.msk.s32 $0xffff, v8;
	_ =	sdelay $0x2  }
0x479: {  	s0 =	smov.u32 s24;
	[tilespmem:s22+$0xFFFFFFC0] =	vst v7;
	s1 =	spop (v2sf)  }
0x47a: {  	_ =	sdelay $0x3  }
0x47b: {  	v7, _, _ =	vpop (xrf0)  }
0x47c: {  	s0 =	sadd.s32 $0xFFFFFF90, s23;
	[tilespmem:v6+s12+$0x0] =	vst.idx.add.s32.msk vm0, v2;
	s1 =	sadd.s32 s3, s1;
	(v2sf) =	vpush v7, $0xF  }
0x47d: {  	[tilespmem:s1+$0x10000] =	vst.msk vm0, v5;
	v5 =	vor.u32 s0, v0  }
0x47e: {  	[tilespmem:s1+$0x12080] =	vst.msk vm0, v5  }
0x47f: {  	v5 =	vld [tilespmem:s22+$0xFFFFFFD0];
	_ =	sdelay $0x4  }
0x480: {  	v6 =	vand.u32 $0x7FFFFFFF, v5  }
0x481: {  	v7 =	vshrl.u32 v6, $0x14;
	v6 =	vshrl.u32 v6, $0xA  }
0x482: {  	vm12 =	veq.s32 v7, v4;
	v6 =	vand.u32 $0x3FF, v6  }
0x483: {  	v6 =	vor.u32 $0x800, v6;
	v8 =	vsel vm12, $0x1, v1  }
0x484: {  	(xrf0) =	vadd.scan.msk.s32 $0xffff, v8  }
0x485: {  	vm1 =	vgt.s32 v7, v4  }
0x486: {  	v7 =	vnsel vm1, $0x0, v5  }
0x487: {  	[tilespmem:s22+$0xFFFFFFD0] =	vst v7;
	s3 =	spop (v2sf)  }
0x488: {  	s4 =	sadd.s32 $0xFFFFFFA0, s23;
	[tilespmem:v6+s13+$0x0] =	vst.idx.add.s32.msk vm12, v2;
	s0 =	sadd.s32 s1, s3  }
0x489: {  	[tilespmem:s0+$0x10000] =	vst.msk vm12, v5;
	v5 =	vor.u32 s4, v0  }
0x48a: {  	v6, _, _ =	vpop (xrf0);
	[tilespmem:s0+$0x12080] =	vst.msk vm12, v5  }
0x48b: {  	(v2sf) =	vpush v6, $0xF;
	v5 =	vld [tilespmem:s22+$0xFFFFFFE0];
	_ =	sdelay $0x4  }
0x48c: {  	v6 =	vand.u32 $0x7FFFFFFF, v5  }
0x48d: {  	v7 =	vshrl.u32 v6, $0x14  }
0x48e: {  	vm13 =	veq.s32 v7, v4  }
0x48f: {  	v8 =	vsel vm13, $0x1, v1  }
0x490: {  	v6 =	vshrl.u32 v6, $0xA;
	(xrf0) =	vadd.scan.msk.s32 $0xffff, v8  }
0x491: {  	v6 =	vand.u32 $0x3FF, v6  }
0x492: {  	vm14 =	vgt.s32 v7, v4;
	v6 =	vor.u32 $0x800, v6  }
0x493: {  	v7 =	vnsel vm14, $0x0, v5;
	_ =	sdelay $0x2  }
0x494: {  	[tilespmem:s22+$0xFFFFFFE0] =	vst v7;
	s5 =	spop (v2sf);
	v7, _, _ =	vpop (xrf0)  }
0x495: {  	s6 =	sadd.s32 $0xFFFFFFB0, s23;
	s0 =	sadd.s32 s0, s5;
	[tilespmem:v6+s14+$0x0] =	vst.idx.add.s32.msk vm13, v2;
	(v2sf) =	vpush v7, $0xF  }
0x496: {  	[tilespmem:s0+$0x10000] =	vst.msk vm13, v5;
	v5 =	vor.u32 s6, v0  }
0x497: {  	[tilespmem:s0+$0x12080] =	vst.msk vm13, v5  }
0x498: {  	v5 =	vld [tilespmem:s22+$0xFFFFFFF0];
	_ =	sdelay $0x4  }
0x499: {  	v6 =	vand.u32 $0x7FFFFFFF, v5  }
0x49a: {  	v7 =	vshrl.u32 v6, $0x14;
	v6 =	vshrl.u32 v6, $0xA  }
0x49b: {  	vm15 =	veq.s32 v7, v4;
	v6 =	vand.u32 $0x3FF, v6  }
0x49c: {  	v6 =	vor.u32 $0x800, v6;
	v8 =	vsel vm15, $0x1, v1  }
0x49d: {  	(xrf0) =	vadd.scan.msk.s32 $0xffff, v8  }
0x49e: {  	vm4 =	vgt.s32 v7, v4  }
0x49f: {  	v7 =	vnsel vm4, $0x0, v5  }
0x4a0: {  	[tilespmem:s22+$0xFFFFFFF0] =	vst v7;
	s7 =	spop (v2sf)  }
0x4a1: {  	s8 =	sadd.s32 $0xFFFFFFC0, s23;
	[tilespmem:v6+s15+$0x0] =	vst.idx.add.s32.msk vm15, v2;
	s0 =	sadd.s32 s0, s7  }
0x4a2: {  	[tilespmem:s0+$0x10000] =	vst.msk vm15, v5;
	v5 =	vor.u32 s8, v0  }
0x4a3: {  	v6, _, _ =	vpop (xrf0);
	[tilespmem:s0+$0x12080] =	vst.msk vm15, v5  }
0x4a4: {  	(v2sf) =	vpush v6, $0xF;
	v5 =	vld [tilespmem:s22+$0x0];
	_ =	sdelay $0x4  }
0x4a5: {  	v6 =	vand.u32 $0x7FFFFFFF, v5  }
0x4a6: {  	v7 =	vshrl.u32 v6, $0x14  }
0x4a7: {  	vm5 =	veq.s32 v7, v4  }
0x4a8: {  	v8 =	vsel vm5, $0x1, v1  }
0x4a9: {  	v6 =	vshrl.u32 v6, $0xA;
	(xrf0) =	vadd.scan.msk.s32 $0xffff, v8  }
0x4aa: {  	v6 =	vand.u32 $0x3FF, v6  }
0x4ab: {  	vm6 =	vgt.s32 v7, v4;
	v6 =	vor.u32 $0x800, v6  }
0x4ac: {  	v7 =	vnsel vm6, $0x0, v5;
	_ =	sdelay $0x2  }
0x4ad: {  	[tilespmem:s22+$0x0] =	vst v7;
	s9 =	spop (v2sf);
	v7, _, _ =	vpop (xrf0)  }
0x4ae: {  	s10 =	sadd.s32 $0xFFFFFFD0, s23;
	s0 =	sadd.s32 s0, s9;
	[tilespmem:v6+s12+$0x0] =	vst.idx.add.s32.msk vm5, v2;
	(v2sf) =	vpush v7, $0xF  }
0x4af: {  	[tilespmem:s0+$0x10000] =	vst.msk vm5, v5;
	v5 =	vor.u32 s10, v0  }
0x4b0: {  	[tilespmem:s0+$0x12080] =	vst.msk vm5, v5  }
0x4b1: {  	v5 =	vld [tilespmem:s22+$0x10];
	_ =	sdelay $0x4  }
0x4b2: {  	v6 =	vand.u32 $0x7FFFFFFF, v5  }
0x4b3: {  	v7 =	vshrl.u32 v6, $0x14;
	v6 =	vshrl.u32 v6, $0xA  }
0x4b4: {  	vm7 =	veq.s32 v7, v4;
	v6 =	vand.u32 $0x3FF, v6  }
0x4b5: {  	v6 =	vor.u32 $0x800, v6;
	v8 =	vsel vm7, $0x1, v1  }
0x4b6: {  	(xrf0) =	vadd.scan.msk.s32 $0xffff, v8  }
0x4b7: {  	vm8 =	vgt.s32 v7, v4  }
0x4b8: {  	v7 =	vnsel vm8, $0x0, v5  }
0x4b9: {  	[tilespmem:s22+$0x10] =	vst v7;
	s16 =	spop (v2sf)  }
0x4ba: {  	s17 =	sadd.s32 $0xFFFFFFE0, s23;
	[tilespmem:v6+s13+$0x0] =	vst.idx.add.s32.msk vm7, v2;
	s0 =	sadd.s32 s0, s16  }
0x4bb: {  	[tilespmem:s0+$0x10000] =	vst.msk vm7, v5;
	v5 =	vor.u32 s17, v0  }
0x4bc: {  	v6, _, _ =	vpop (xrf0);
	[tilespmem:s0+$0x12080] =	vst.msk vm7, v5  }
0x4bd: {  	(v2sf) =	vpush v6, $0xF;
	v5 =	vld [tilespmem:s22+$0x20];
	_ =	sdelay $0x4  }
0x4be: {  	v6 =	vand.u32 $0x7FFFFFFF, v5  }
0x4bf: {  	v7 =	vshrl.u32 v6, $0x14  }
0x4c0: {  	vm9 =	veq.s32 v7, v4  }
0x4c1: {  	v8 =	vsel vm9, $0x1, v1  }
0x4c2: {  	v6 =	vshrl.u32 v6, $0xA;
	(xrf0) =	vadd.scan.msk.s32 $0xffff, v8  }
0x4c3: {  	v6 =	vand.u32 $0x3FF, v6  }
0x4c4: {  	vm10 =	vgt.s32 v7, v4;
	v6 =	vor.u32 $0x800, v6  }
0x4c5: {  	v7 =	vnsel vm10, $0x0, v5;
	_ =	sdelay $0x2  }
0x4c6: {  	[tilespmem:s22+$0x20] =	vst v7;
	s18 =	spop (v2sf);
	v7, _, _ =	vpop (xrf0)  }
0x4c7: {  	s19 =	sadd.s32 $0xFFFFFFF0, s23;
	s0 =	sadd.s32 s0, s18;
	[tilespmem:v6+s14+$0x0] =	vst.idx.add.s32.msk vm9, v2;
	(v2sf) =	vpush v7, $0xF  }
0x4c8: {  	[tilespmem:s0+$0x10000] =	vst.msk vm9, v5;
	v5 =	vor.u32 s19, v0  }
0x4c9: {  	[tilespmem:s0+$0x12080] =	vst.msk vm9, v5  }
0x4ca: {  	v5 =	vld [tilespmem:s22+$0x30];
	_ =	sdelay $0x4  }
0x4cb: {  	v6 =	vand.u32 $0x7FFFFFFF, v5  }
0x4cc: {  	v7 =	vshrl.u32 v6, $0x14;
	v6 =	vshrl.u32 v6, $0xA  }
0x4cd: {  	vm11 =	veq.s32 v7, v4;
	v6 =	vand.u32 $0x3FF, v6  }
0x4ce: {  	v6 =	vor.u32 $0x800, v6;
	_ =	sdelay $0x1  }
0x4cf: {  	vm12 =	vgt.s32 v7, v4  }
0x4d0: {  	v4 =	vnsel vm12, $0x0, v5  }
0x4d1: {  	[tilespmem:s22+$0x30] =	vst v4;
	s24 =	spop (v2sf)  }
0x4d2: {  	[tilespmem:v6+s15+$0x0] =	vst.idx.add.s32.msk vm11, v2;
	s0 =	sadd.s32 s0, s24  }
0x4d3: {  	v4 =	vor.u32 s23, v0;
	[tilespmem:s0+$0x10000] =	vst.msk vm11, v5  }
0x4d4: {  	s25 =	simm.s32 $0x14900;
	[tilespmem:s0+$0x12080] =	vst.msk vm11, v4  }
0x4d5: {  	s4 =	simm.s32 $0x15900;
	v4 =	vld [tilespmem:s25+$0x0]  }
0x4d6: {  	s26 =	simm.s32 $0x16900;
	v6 =	vld [tilespmem:s4+$0x0]  }
0x4d7: {  	s5 =	simm.s32 $0x17900;
	v5 =	vld [tilespmem:s26+$0x0]  }
0x4d8: {  	v7 =	vld [tilespmem:s5+$0x0]  }
0x4d9: {  	[tilespmem:s25+$0x0] =	vst v1  }
0x4da: {  	[tilespmem:s4+$0x0] =	vst v1  }
0x4db: {  	[tilespmem:s26+$0x0] =	vst v1;
	v4 =	vadd.s32 v4, v6  }
0x4dc: {  	v8 =	vsel vm11, $0x1, v1;
	[tilespmem:s5+$0x0] =	vst v1;
	s5 =	simm.s32 $0x15910;
	v4 =	vadd.s32 v5, v4  }
0x4dd: {  	s30 =	simm.s32 $0x14910;
	(xrf0) =	vadd.scan.msk.s32 $0xffff, v8;
	v8 =	vld [tilespmem:s5+$0x0];
	v7 =	vadd.s32 v7, v4  }
0x4de: {  	v6 =	vld [tilespmem:s30+$0x0];
	(xrf0) =	vadd.scan.msk.s32 $0xffff, v7;
	_ =	sdelay $0x4  }
0x4df: {  	s31 =	simm.s32 $0x16910;
	v6 =	vadd.s32 v6, v8;
	v8, _, _ =	vpop (xrf0)  }
0x4e0: {  	s6 =	simm.s32 $0x17910;
	v5 =	vld [tilespmem:s31+$0x0];
	(v2sf) =	vpush v8, $0xF;
	v8, _, _ =	vpop (xrf0)  }
0x4e1: {  	v4 =	vld [tilespmem:s6+$0x0];
	[tilespmem:s30+$0x0] =	vst v1;
	(v2sf) =	vpush v8, $0xF  }
0x4e2: {  	[tilespmem:s5+$0x0] =	vst v1  }
0x4e3: {  	[tilespmem:s31+$0x0] =	vst v1  }
0x4e4: {  	s7 =	simm.s32 $0x14920;
	[tilespmem:s6+$0x0] =	vst v1  }
0x4e5: {  	s8 =	simm.s32 $0x15920;
	v5 =	vadd.s32 v5, v6;
	v6 =	vld [tilespmem:s7+$0x0]  }
0x4e6: {  	s9 =	simm.s32 $0x16920;
	v9 =	vld [tilespmem:s8+$0x0]  }
0x4e7: {  	s10 =	simm.s32 $0x17920;
	v5 =	vadd.s32 v4, v5;
	v4 =	vld [tilespmem:s9+$0x0]  }
0x4e8: {  	v10 =	vld [tilespmem:s10+$0x0];
	(xrf0) =	vadd.scan.msk.s32 $0xffff, v5  }
0x4e9: {  	[tilespmem:s7+$0x0] =	vst v1  }
0x4ea: {  	[tilespmem:s8+$0x0] =	vst v1  }
0x4eb: {  	[tilespmem:s9+$0x0] =	vst v1;
	v6 =	vadd.s32 v6, v9  }
0x4ec: {  	s18 =	simm.s32 $0x15930;
	[tilespmem:s10+$0x0] =	vst v1;
	v4 =	vadd.s32 v4, v6  }
0x4ed: {  	s28 =	simm.s32 $0x0;
	s16 =	simm.s32 $0x14930;
	s22 =	ssub.s32 $0x7F00, s21;
	v12 =	vld [tilespmem:s18+$0x0];
	v10 =	vadd.s32 v10, v4  }
0x4ee: {  	s17 =	simm.s32 $0x16930;
	v8 =	vadd.s32 s28, v8;
	v6 =	vld [tilespmem:s16+$0x0];
	v4 =	vmov s22;
	v9, _, _ =	vpop (xrf0);
	(xrf0) =	vadd.scan.msk.s32 $0xffff, v10  }
0x4ef: {  	s19 =	simm.s32 $0x17930;
	v11 =	vld [tilespmem:s17+$0x0];
	v7 =	vsub.s32 v8, v7;
	vm13 =	vgt.s32 v8, v4;
	(v2sf) =	vpush v9, $0xF;
	s24 =	spop (v2sf)  }
0x4f0: {  	v13 =	vld [tilespmem:s19+$0x0];
	v7 =	vxor.u32 $0x80000000, v7;
	v15 =	vnsel vm13, $0xFFFFFFFF, v3;
	s6 =	spop (v2sf)  }
0x4f1: {  	v7 =	vnsel vm13, $0xFFFFFFFF, v7;
	(xrf0) =	vmin.scan.msk.u32 $0xffff, v15;
	s6 =	sadd.s32 $0x0, s6  }
0x4f2: {  	[tilespmem:s16+$0x0] =	vst v1;
	(xrf0) =	vmin.scan.msk.u32 $0xffff, v7;
	v7 =	vadd.s32 s6, v9  }
0x4f3: {  	[tilespmem:s18+$0x0] =	vst v1;
	v6 =	vadd.s32 v6, v12;
	vm14 =	vgt.s32 v7, v4;
	v5 =	vsub.s32 v7, v5  }
0x4f4: {  	[tilespmem:s17+$0x0] =	vst v1;
	v6 =	vadd.s32 v11, v6;
	v14, _, _ =	vpop (xrf0);
	v7 =	vnsel vm14, $0xFFFFFFFF, v3;
	v5 =	vxor.u32 $0x80000000, v5  }
0x4f5: {  	s23 =	simm.s32 $0x14940;
	[tilespmem:s19+$0x0] =	vst v1;
	v6 =	vadd.s32 v13, v6;
	(v2sf) =	vpush v14, $0xF;
	v5 =	vnsel vm14, $0xFFFFFFFF, v5  }
0x4f6: {  	s25 =	simm.s32 $0x16940;
	v8 =	vld [tilespmem:s23+$0x0];
	(xrf0) =	vadd.scan.msk.s32 $0xffff, v6  }
0x4f7: {  	s26 =	simm.s32 $0x15940;
	v59 =	vld [tilespmem:s25+$0x0];
	(xrf0) =	vmin.scan.msk.u32 $0xffff, v7;
	v7, _, _ =	vpop (xrf0)  }
0x4f8: {  	s7 =	simm.s32 $0x17940;
	v11 =	vld [tilespmem:s26+$0x0];
	(xrf0) =	vmin.scan.msk.u32 $0xffff, v5;
	v5, _, _ =	vpop (xrf0);
	(v2sf) =	vpush v7, $0xF  }
0x4f9: {  	v9 =	vld [tilespmem:s7+$0x0];
	[tilespmem:s23+$0x0] =	vst v1;
	(v2sf) =	vpush v5, $0xF  }
0x4fa: {  	[tilespmem:s26+$0x0] =	vst v1  }
0x4fb: {  	[tilespmem:s25+$0x0] =	vst v1  }
0x4fc: {  	s30 =	simm.s32 $0x14950;
	[tilespmem:s7+$0x0] =	vst v1  }
0x4fd: {  	s8 =	simm.s32 $0x15950;
	v60 =	vld [tilespmem:s30+$0x0];
	v7, _, _ =	vpop (xrf0)  }
0x4fe: {  	s9 =	simm.s32 $0x16950;
	s31 =	spop (v2sf);
	v61 =	vld [tilespmem:s8+$0x0];
	(v2sf) =	vpush v7, $0xF;
	v62, _, _ =	vpop (xrf0)  }
0x4ff: {  	s4 =	sadd.s32 s6, s31;
	v5 =	vadd.s32 v8, v11;
	v11 =	vld [tilespmem:s9+$0x0];
	(v2sf) =	vpush v62, $0xF;
	v63, _, _ =	vpop (xrf0)  }
0x500: {  	s29 =	simm.s32 $0x80000010;
	s3 =	simm.s32 $0x80000000;
	s5 =	simm.s32 $0x17950;
	v14 =	vadd.s32 s4, v14;
	v5 =	vadd.s32 v59, v5;
	(v2sf) =	vpush v63, $0xF  }
0x501: {  	s21 =	simm.s32 $0x80000040;
	s10 =	simm.s32 $0x16960;
	s16 =	simm.s32 $0x14960;
	vm15 =	vgt.s32 v14, v4;
	v10 =	vsub.s32 v14, v10;
	v8 =	vld [tilespmem:s5+$0x0];
	[tilespmem:s30+$0x0] =	vst v1;
	v5 =	vadd.s32 v9, v5  }
0x502: {  	s1 =	sadd.s32 s0, s24;
	s0 =	simm.s32 $0x80000050;
	s24 =	simm.s32 $0x0;
	v10 =	vxor.u32 $0x80000000, v10;
	[tilespmem:s8+$0x0] =	vst v1;
	v9 =	vnsel vm15, $0xFFFFFFFF, v3;
	(xrf0) =	vadd.scan.msk.s32 $0xffff, v5  }
0x503: {  	s23 =	simm.s32 $0x0;
	s26 =	simm.s32 $0x80000020;
	s25 =	simm.s32 $0x80000030;
	v10 =	vnsel vm15, $0xFFFFFFFF, v10;
	[tilespmem:s9+$0x0] =	vst v1;
	(xrf0) =	vmin.scan.msk.u32 $0xffff, v9;
	v9 =	vadd.s32 v60, v61  }
0x504: {  	s7 =	simm.s32 $0x15960;
	s6 =	simm.s32 $0x80000060;
	s17 =	spop (v2sf);
	[tilespmem:s5+$0x0] =	vst v1;
	(xrf0) =	vmin.scan.msk.u32 $0xffff, v10;
	v9 =	vadd.s32 v11, v9  }
.LBB2_34:
0x505: {  	s8 =	smov.u32 s28;
	s5 =	sadd.s32 $0x10, s5  }
0x506: {  	s4 =	sadd.s32 s4, s17;
	s17 =	smov.u32 s0;
	s0 =	smov.u32 s6  }
0x507: {  	p1 =	seq.s32 s28, $0x0;
	p0 =	sne.s32 s6, $0x800003F0;
	v10 =	vld [tilespmem:s16+$0x0];
	s9 =	spop (v2sf)  }
0x508: {  	s6 =	sadd.s32 $0x10, s6;
	v14 =	vadd.s32 s4, v7;
	v11 =	vld [tilespmem:s10+$0x0];
	v7, _, _ =	vpop (xrf0);
	s18 =	sxor.u32 $0x80000000, s9;
	s19 =	spop (v2sf)  }
0x509: {  	s28 =	simm.s32 $0x1;
	v6 =	vsub.s32 v14, v6;
	vm0 =	vgt.s32 v14, v4;
	s3 =	sadd.s32 s3, s9;
	v13 =	vld [tilespmem:s7+$0x0];
	(v2sf) =	vpush v7, $0xF;
	v12, _, _ =	vpop (xrf0);
	p2 =	slt.s32 s18, $0x10  }
0x50a: {  	v9 =	vadd.s32 v8, v9;
	v14 =	vnsel vm0, $0xFFFFFFFF, v3;
	s9 =	sxor.u32 $0x80000000, s19;
	v8 =	vld [tilespmem:s5+$0x0];
	(v2sf) =	vpush v12, $0xF;
	v12, _, _ =	vpop (xrf0);
	s28 =	simm.s32 @!p2 $0x0;
	p1 =	por !p2, !p1  }
.Ltmp19:
0x50b: {  	v15 =	vxor.u32 $0x80000000, v6;
	[tilespmem:s16+$0x0] =	vst v1;
	(xrf0) =	vadd.scan.msk.s32 $0xffff, v9;
	(v2sf) =	vpush v12, $0xF;
	p1 =	por !p1, !p1;
	p2 =	sgt.s32 s8, s28;
	(pc) =	sbr.rel @p0 .LBB2_34-.Ltmp19, $4  }
0x50c: {  	v12 =	vnsel vm0, $0xFFFFFFFF, v15;
	v6 =	vmovc v5;
	v5 =	vmov v9;
	[tilespmem:s7+$0x0] =	vst v1;
	(xrf0) =	vmin.scan.msk.u32 $0xffff, v14;
	s24 =	smov.u32 @p1 s3;
	s23 =	smov.u32 @p1 s9;
	s3 =	smov.u32 s29  }
0x50d: {  	s28 =	smov.u32 @p2 s8;
	s29 =	smov.u32 s26;
	s26 =	smov.u32 s25;
	[tilespmem:s10+$0x0] =	vst v1;
	(xrf0) =	vmin.scan.msk.u32 $0xffff, v12  }
0x50e: {  	s7 =	sadd.s32 $0x10, s7;
	s25 =	smov.u32 s21;
	s21 =	smov.u32 s17;
	v9 =	vadd.s32 v10, v13;
	[tilespmem:s5+$0x0] =	vst v1  }
0x50f: {  	s16 =	sadd.s32 $0x10, s16;
	s10 =	sadd.s32 $0x10, s10;
	v9 =	vadd.s32 v11, v9;
	s17 =	spop (v2sf)  }
0x510: {  	_ = 	snop  }
0x511: {  	v10, _, _ =	vpop (xrf0)  }
0x512: {  	(v2sf) =	vpush v10, $0xF;
	_ =	sdelay $0x5  }
0x513: {  	s4 =	sadd.s32 s4, s17  }
0x514: {  	s5 =	spop (v2sf);
	v7 =	vadd.s32 s4, v7;
	v62, _, _ =	vpop (xrf0)  }
0x515: {  	v8 =	vadd.s32 v8, v9;
	s6 =	spop (v2sf);
	vm0 =	vgt.s32 v7, v4;
	(v2sf) =	vpush v62, $0xF  }
0x516: {  	(xrf0) =	vadd.scan.msk.s32 $0xffff, v8;
	v11 =	vnsel vm0, $0xFFFFFFFF, v3;
	s7 =	spop (v2sf)  }
0x517: {  	v6 =	vsub.s32 v7, v6;
	(xrf0) =	vmin.scan.msk.u32 $0xffff, v11;
	v7, _, _ =	vpop (xrf0);
	s4 =	sadd.s32 s4, s7  }
0x518: {  	v6 =	vxor.u32 $0x80000000, v6;
	(v2sf) =	vpush v7, $0xF;
	v7 =	vadd.s32 s4, v10  }
0x519: {  	v6 =	vnsel vm0, $0xFFFFFFFF, v6;
	vm14 =	vgt.s32 v7, v4  }
0x51a: {  	(xrf0) =	vmin.scan.msk.u32 $0xffff, v6;
	s18 =	spop (v2sf);
	v6 =	vnsel vm14, $0xFFFFFFFF, v3  }
0x51b: {  	s8 =	spop (v2sf)  }
0x51c: {  	v63, _, _ =	vpop (xrf0);
	(xrf0) =	vmin.scan.msk.u32 $0xffff, v6;
	s9 =	spop (v2sf)  }
0x51d: {  	(v2sf) =	vpush v63, $0xF;
	v5 =	vsub.s32 v7, v5;
	v6, _, _ =	vpop (xrf0);
	s4 =	sadd.s32 s4, s9  }
0x51e: {  	s19 =	sxor.u32 $0x80000000, s5;
	v5 =	vxor.u32 $0x80000000, v5;
	(v2sf) =	vpush v6, $0xF;
	v6 =	vadd.s32 s4, v63  }
0x51f: {  	p0 =	seq.s32 s28, $0x0;
	p1 =	slt.s32 s19, $0x10;
	v5 =	vnsel vm14, $0xFFFFFFFF, v5;
	vm15 =	vgt.s32 v6, v4  }
0x520: {  	p0 =	por !p1, !p0;
	(xrf0) =	vmin.scan.msk.u32 $0xffff, v5;
	v5 =	vnsel vm15, $0xFFFFFFFF, v3  }
0x521: {  	s3 =	sadd.s32 s3, s5;
	p0 =	por !p0, !p0;
	v4, _, _ =	vpop (xrf0);
	(xrf0) =	vmin.scan.msk.u32 $0xffff, v5  }
0x522: {  	s5 =	sxor.u32 $0x80000000, s6;
	s24 =	smov.u32 @p0 s3;
	(v2sf) =	vpush v4, $0xF;
	v4, _, _ =	vpop (xrf0);
	v5 =	vsub.s32 v6, v8  }
0x523: {  	s23 =	smov.u32 @p0 s5;
	s3 =	simm.s32 $0x1;
	s4 =	simm.s32 $0x1;
	(v2sf) =	vpush v4, $0xF;
	v4 =	vxor.u32 $0x80000000, v5  }
0x524: {  	s6 =	sadd.s32 s29, s18;
	s30 =	spop (v2sf);
	s4 =	simm.s32 @!p1 $0x0;
	v4 =	vnsel vm15, $0xFFFFFFFF, v4  }
0x525: {  	s7 =	sxor.u32 $0x80000000, s8;
	s5 =	sadd.s32 s26, s30;
	p1 =	sgt.s32 s28, s4  }
0x526: {  	s26 =	sadd.s32 $0xF, s1;
	s4 =	smov.u32 @p1 s28;
	s28 =	sxor.u32 $0x80000000, s18;
	v5, _, _ =	vpop (xrf0)  }
0x527: {  	s31 =	spop (v2sf);
	p4 =	seq.s32 s4, $0x0;
	p1 =	slt.s32 s28, $0x10;
	(xrf0) =	vmin.scan.msk.u32 $0xffff, v4;
	(v2sf) =	vpush v5, $0xF;
	v4, _, _ =	vpop (xrf0)  }
0x528: {  	s29 =	sshra.s32 s26, $0x1F;
	p0 =	por !p1, !p4;
	s3 =	simm.s32 @!p1 $0x0;
	(v2sf) =	vpush v4, $0xF  }
0x529: {  	s28 =	sand.u32 $0xF, s26;
	p0 =	por !p0, !p0;
	p1 =	sgt.s32 s4, s3  }
0x52a: {  	s24 =	smov.u32 @p0 s6;
	s3 =	smov.u32 @p1 s4;
	s6 =	sxor.u32 $0x80000000, s30  }
0x52b: {  	s4 =	simm.s32 $0x1;
	p1 =	seq.s32 s3, $0x0;
	p2 =	slt.s32 s6, $0x10  }
0x52c: {  	s23 =	smov.u32 @p0 s7;
	s7 =	spop (v2sf);
	p5 =	por !p2, !p1  }
0x52d: {  	s6 =	sxor.u32 $0x80000000, s31;
	s4 =	simm.s32 @!p2 $0x0;
	p0 =	por !p5, !p5  }
0x52e: {  	p1 =	sgt.s32 s3, s4;
	s24 =	smov.u32 @p0 s5;
	s9 =	spop (v2sf)  }
0x52f: {  	s4 =	smov.u32 @p1 s3;
	s23 =	smov.u32 @p0 s6;
	s10 =	sxor.u32 $0x80000000, s9  }
0x530: {  	s5 =	simm.s32 $0x1;
	p6 =	seq.s32 s4, $0x0;
	p1 =	slt.s32 s10, $0x10  }
0x531: {  	v4, _, _ =	vpop (xrf0);
	s6 =	sadd.s32 s25, s9;
	p0 =	por !p1, !p6;
	s5 =	simm.s32 @!p1 $0x0  }
0x532: {  	(v2sf) =	vpush v4, $0xF;
	p0 =	por !p0, !p0;
	p1 =	sgt.s32 s4, s5;
	s16 =	spop (v2sf)  }
0x533: {  	s24 =	smov.u32 @p0 s6;
	s5 =	smov.u32 @p1 s4;
	s17 =	spop (v2sf)  }
0x534: {  	s4 =	simm.s32 $0x1;
	s3 =	sxor.u32 $0x80000000, s16;
	s18 =	sxor.u32 $0x80000000, s17  }
0x535: {  	p2 =	seq.s32 s5, $0x0;
	s23 =	smov.u32 @p0 s3;
	p1 =	slt.s32 s18, $0x10  }
0x536: {  	s6 =	sadd.s32 s21, s17;
	s4 =	simm.s32 @!p1 $0x0;
	s19 =	spop (v2sf)  }
0x537: {  	p0 =	por !p1, !p2;
	p1 =	sgt.s32 s5, s4;
	s21 =	spop (v2sf)  }
0x538: {  	p5 =	slt.s32 s26, $0x1;
	s4 =	smov.u32 @p1 s5;
	s25 =	sxor.u32 $0x80000000, s21  }
0x539: {  	p6 =	sne.s32 s28, $0x0;
	p1 =	seq.s32 s4, $0x0;
	p3 =	slt.s32 s25, $0x10  }
0x53a: {  	s5 =	sshrl.u32 s29, $0x1C;
	p4 =	por !p3, !p1;
	p1 =	por !p5, !p6  }
0x53b: {  	s4 =	sadd.s32 s5, s26;
	s5 =	simm.s32 $0x1;
	p1 =	por !p1, !p1  }
0x53c: {  	s4 =	sshra.s32 s4, $0x4;
	s5 =	simm.s32 @!p1 $0x0  }
0x53d: {  	p0 =	por !p0, !p0;
	s3 =	sxor.u32 $0x80000000, s19;
	s5 =	ssub.s32 s4, s5  }
0x53e: {  	s24 =	smov.u32 @p0 s6;
	s23 =	smov.u32 @p0 s3;
	p0 =	slt.s32 s5, $0x1  }
.Ltmp20:
0x53f: {  	_ = 	snop;
	(pc) =	sbr.rel @p0 .LBB2_42-.Ltmp20, $4  }
0x540: {  	_ = 	snop  }
0x541: {  	s0 =	sadd.s32 s0, s21;
	s30 =	spop (v2sf);
	p1 =	por !p4, !p4  }
0x542: {  	s31 =	sshll.u32 s20, $0xA;
	s3 =	sxor.u32 $0x80000000, s30;
	s24 =	smov.u32 @p1 s0  }
0x543: {  	v4 =	vmov s1;
	s23 =	smov.u32 @p1 s3;
	s6 =	sor.u32 s31, s24  }
0x544: {  	p2 =	seq.s32 s5, $0x1  }
.Ltmp21:
0x545: {  	_ = 	snop;
	(pc) =	sbr.rel @p2 .LBB2_37-.Ltmp21, $3  }
0x546: {  	_ =	sdelay $0x1  }
0x547: {  	s1 =	simm.s32 $0x10000  }
0x548: {  	v5 =	vmov s6;
	s0 =	simm.s32 $0x0;
	p1 =	por $0x0, $0x0;
	v6 =	vld [tilespmem:s1+$0x0];
	s1 =	sadd.s32 $0xFFFFFFFF, s5  }
0x549: {  	_ =	sdelay $0x3  }
0x54a: {  	v7 =	vshrl.u32 v6, $0xA  }
0x54b: {  	v8 =	vor.u32 s0, v0;
	v7 =	vand.u32 $0x1FFFFF, v7  }
0x54c: {  	vm0 =	vlt.s32 v8, v4;
	vm1 =	veq.s32 v7, v5  }
0x54d: {  	v6 =	vand.u32 $0x3FF, v6;
	vm0 =	vmand vm0, vm1  }
0x54e: {  	v6 =	vor.u32 $0xC00, v6  }
0x54f: {  	p2 =	seq.s32 s1, $0x1  }
.Ltmp22:
0x550: {  	_ = 	snop;
	(pc) =	sbr.rel @p2 .LBB2_39-.Ltmp22, $3  }
0x551: {  	_ =	sdelay $0x1  }
0x552: {  	s3 =	simm.s32 $0x10010;
	[tilespmem:v6+s12+$0x0] =	vst.idx.add.s32.msk vm0, v2  }
0x553: {  	s4 =	sadd.s32 $0xFFFFFFFF, s1;
	p1 =	por $0x1, $0x1;
	s1 =	simm.s32 $0x0;
	v6 =	vld [tilespmem:s3+$0x0]  }
.LBB2_40:
0x554: {  	p2 =	seq.s32 s4, $0x1;
	_ =	sdelay $0x3  }
0x555: {  	s1 =	sadd.s32 $0x10, s1;
	v7 =	vshrl.u32 v6, $0xA  }
0x556: {  	v8 =	vor.u32 s1, v0;
	v7 =	vand.u32 $0x1FFFFF, v7  }
0x557: {  	vm0 =	vlt.s32 v8, v4;
	vm1 =	veq.s32 v7, v5  }
0x558: {  	v6 =	vand.u32 $0x3FF, v6;
	vm0 =	vmand vm0, vm1  }
0x559: {  	v6 =	vor.u32 $0xC00, v6;
	_ =	sdelay $0x1  }
.Ltmp23:
0x55a: {  	(pc) =	sbr.rel @!p2 .LBB2_40-.Ltmp23, $3  }
0x55b: {  	_ =	sdelay $0x1  }
0x55c: {  	s3 =	sadd.s32 $0x10, s3;
	[tilespmem:v6+s12+$0x0] =	vst.idx.add.s32.msk vm0, v2  }
0x55d: {  	s4 =	sadd.s32 $0xFFFFFFFF, s4;
	v6 =	vld [tilespmem:s3+$0x0]  }
.LBB2_41:
0x55e: {  	_ =	sdelay $0x2  }
0x55f: {  	s1 =	sadd.s32 @p1 $0x10, s1  }
0x560: {  	s0 =	smov.u32 @p1 s1;
	v7 =	vshrl.u32 v6, $0xA  }
0x561: {  	v8 =	vor.u32 s0, v0;
	v7 =	vand.u32 $0x1FFFFF, v7  }
0x562: {  	vm0 =	vlt.s32 v8, v4;
	vm1 =	veq.s32 v7, v5  }
0x563: {  	v5 =	vand.u32 $0x3FF, v6;
	vm0 =	vmand vm0, vm1  }
0x564: {  	v5 =	vor.u32 $0xC00, v5;
	_ =	sdelay $0x4  }
0x565: {  	[tilespmem:v5+s12+$0x0] =	vst.idx.add.s32.msk vm0, v2  }
.LBB2_42:
0x566: {  	s4 =	simm.s32 $0x14D00  }
0x567: {  	s0 =	simm.s32 $0x17D00;
	v6 =	vld [tilespmem:s4+$0x0]  }
0x568: {  	s3 =	simm.s32 $0x15D00;
	v7 =	vld [tilespmem:s0+$0x0]  }
0x569: {  	s7 =	simm.s32 $0x16D00;
	v9 =	vld [tilespmem:s3+$0x0]  }
0x56a: {  	v8 =	vld [tilespmem:s7+$0x0];
	[tilespmem:s4+$0x0] =	vst v1  }
0x56b: {  	[tilespmem:s3+$0x0] =	vst v1  }
0x56c: {  	[tilespmem:s7+$0x0] =	vst v1  }
0x56d: {  	s8 =	simm.s32 $0x14D10;
	[tilespmem:s0+$0x0] =	vst v1  }
0x56e: {  	s16 =	simm.s32 $0x15D10;
	v10 =	vld [tilespmem:s8+$0x0];
	v6 =	vadd.s32 v6, v9  }
0x56f: {  	s10 =	simm.s32 $0x16D10;
	v13 =	vld [tilespmem:s16+$0x0];
	v6 =	vadd.s32 v8, v6  }
0x570: {  	s9 =	simm.s32 $0x17D10;
	v12 =	vld [tilespmem:s10+$0x0];
	v6 =	vadd.s32 v7, v6  }
0x571: {  	v11 =	vld [tilespmem:s9+$0x0];
	(xrf0) =	vadd.scan.msk.s32 $0xffff, v6  }
0x572: {  	[tilespmem:s8+$0x0] =	vst v1  }
0x573: {  	[tilespmem:s16+$0x0] =	vst v1  }
0x574: {  	[tilespmem:s10+$0x0] =	vst v1;
	v10 =	vadd.s32 v10, v13  }
0x575: {  	s17 =	simm.s32 $0x14D20;
	[tilespmem:s9+$0x0] =	vst v1;
	v10 =	vadd.s32 v12, v10  }
0x576: {  	s18 =	simm.s32 $0x15D20;
	v6 =	vld [tilespmem:s17+$0x0];
	v10 =	vadd.s32 v11, v10  }
0x577: {  	s19 =	simm.s32 $0x16D20;
	v7 =	vld [tilespmem:s18+$0x0];
	v59, _, _ =	vpop (xrf0);
	(xrf0) =	vadd.scan.msk.s32 $0xffff, v10  }
0x578: {  	s20 =	simm.s32 $0x17D20;
	v8 =	vld [tilespmem:s19+$0x0];
	(v2sf) =	vpush v59, $0xF  }
0x579: {  	v9 =	vld [tilespmem:s20+$0x0];
	_ =	sdelay $0x2  }
0x57a: {  	s1 =	ssub.s32 s22, s23;
	s22 =	simm.s32 $0x0;
	[tilespmem:s17+$0x0] =	vst v1;
	v6 =	vadd.s32 v6, v7  }
0x57b: {  	v5 =	vmov s1;
	[tilespmem:s18+$0x0] =	vst v1;
	v6 =	vadd.s32 v8, v6;
	v7 =	vadd.s32 s22, v59;
	v8, _, _ =	vpop (xrf0)  }
0x57c: {  	[tilespmem:s19+$0x0] =	vst v1;
	v6 =	vadd.s32 v9, v6;
	vm0 =	vgt.s32 v7, v5;
	(v2sf) =	vpush v8, $0xF  }
0x57d: {  	s25 =	simm.s32 $0x15D30;
	[tilespmem:s20+$0x0] =	vst v1;
	(xrf0) =	vadd.scan.msk.s32 $0xffff, v6;
	v6 =	vnsel vm0, $0xFFFFFFFF, v3  }
0x57e: {  	s24 =	simm.s32 $0x16D30;
	v10 =	vld [tilespmem:s25+$0x0];
	(xrf0) =	vmin.scan.msk.u32 $0xffff, v6  }
0x57f: {  	s21 =	simm.s32 $0x14D30;
	v9 =	vld [tilespmem:s24+$0x0]  }
0x580: {  	s23 =	simm.s32 $0x17D30;
	v7 =	vld [tilespmem:s21+$0x0]  }
0x581: {  	v6 =	vld [tilespmem:s23+$0x0];
	[tilespmem:s21+$0x0] =	vst v1  }
0x582: {  	[tilespmem:s25+$0x0] =	vst v1  }
0x583: {  	[tilespmem:s24+$0x0] =	vst v1;
	v11, _, _ =	vpop (xrf0)  }
0x584: {  	s26 =	simm.s32 $0x14D40;
	[tilespmem:s23+$0x0] =	vst v1;
	(v2sf) =	vpush v11, $0xF;
	v60, _, _ =	vpop (xrf0)  }
0x585: {  	s3 =	simm.s32 $0x15D40;
	v61 =	vld [tilespmem:s26+$0x0];
	(v2sf) =	vpush v60, $0xF;
	s7 =	spop (v2sf)  }
0x586: {  	[dreg:$0xa] =	wrdreg s5;
	s4 =	simm.s32 $0x16D40;
	v7 =	vadd.s32 v7, v10;
	v62 =	vld [tilespmem:s3+$0x0];
	s5 =	sadd.s32 $0x0, s7  }
0x587: {  	[dreg:$0xc] =	wrdreg s6;
	s6 =	simm.s32 $0x17D40;
	v14 =	vld [tilespmem:s4+$0x0];
	v7 =	vadd.s32 v9, v7;
	v8 =	vadd.s32 s5, v8  }
0x588: {  	v10 =	vld [tilespmem:s6+$0x0];
	v6 =	vadd.s32 v6, v7;
	vm14 =	vgt.s32 v8, v5  }
0x589: {  	(xrf0) =	vadd.scan.msk.s32 $0xffff, v6;
	v6 =	vnsel vm14, $0xFFFFFFFF, v3  }
0x58a: {  	[tilespmem:s26+$0x0] =	vst v1;
	(xrf0) =	vmin.scan.msk.u32 $0xffff, v6  }
0x58b: {  	[tilespmem:s3+$0x0] =	vst v1;
	v7 =	vadd.s32 v61, v62;
	s19 =	spop (v2sf)  }
0x58c: {  	s31 =	simm.s32 $0x80000030;
	[tilespmem:s4+$0x0] =	vst v1;
	v6 =	vadd.s32 v14, v7;
	s4 =	sadd.s32 s5, s19  }
0x58d: {  	s30 =	simm.s32 $0x80000040;
	s29 =	simm.s32 $0x80000050;
	v6 =	vadd.s32 v10, v6;
	v10 =	vadd.s32 s4, v11  }
0x58e: {  	s28 =	simm.s32 $0x80000060;
	s8 =	simm.s32 $0x14D50;
	[tilespmem:s6+$0x0] =	vst v1  }
0x58f: {  	s1 =	simm.s32 $0x80000020;
	v9 =	vld [tilespmem:s8+$0x0];
	v63, _, _ =	vpop (xrf0);
	s7 =	simm.s32 $0x15D50;
	(xrf0) =	vadd.scan.msk.s32 $0xffff, v6  }
0x590: {  	s0 =	simm.s32 $0x80000010;
	s10 =	simm.s32 $0x16D50;
	(v2sf) =	vpush v63, $0xF;
	v6 =	vld [tilespmem:s7+$0x0];
	vm15 =	vgt.s32 v10, v5;
	v10, _, _ =	vpop (xrf0)  }
0x591: {  	s16 =	simm.s32 $0x17D60;
	s9 =	simm.s32 $0x17D50;
	s17 =	simm.s32 $0x14D60;
	v8 =	vld [tilespmem:s10+$0x0];
	(v2sf) =	vpush v10, $0xF  }
0x592: {  	p1 =	por $0x1, $0x1;
	s18 =	simm.s32 $0x800000B0;
	s25 =	simm.s32 $0x80000080;
	v7 =	vld [tilespmem:s9+$0x0];
	[tilespmem:s8+$0x0] =	vst v1;
	v10 =	vnsel vm15, $0xFFFFFFFF, v3  }
0x593: {  	s24 =	simm.s32 $0x80000090;
	s23 =	simm.s32 $0x800000A0;
	s20 =	spop (v2sf);
	[tilespmem:s7+$0x0] =	vst v1;
	(xrf0) =	vmin.scan.msk.u32 $0xffff, v10  }
0x594: {  	s26 =	simm.s32 $0x80000070;
	s4 =	sadd.s32 s4, s20;
	[tilespmem:s10+$0x0] =	vst v1;
	s21 =	spop (v2sf)  }
0x595: {  	s3 =	simm.s32 $0x0;
	[tilespmem:s9+$0x0] =	vst v1;
	s6 =	sxor.u32 $0x80000000, s21;
	s5 =	sadd.s32 $0x80000000, s21;
	v10 =	vadd.s32 v9, v6;
	v6, _, _ =	vpop (xrf0);
	v9 =	vadd.s32 s4, v63  }
.LBB2_43:
0x596: {  	s8 =	smov.u32 s3  }
0x597: {  	p2 =	sne.s32 s18, $0x800003F0;
	p3 =	slt.s32 s6, $0x10;
	s6 =	smov.u32 s22  }
0x598: {  	s9 =	smov.u32 s0;
	s0 =	smov.u32 s1;
	s10 =	sadd.s32 $0x10, s10  }
0x599: {  	v8 =	vadd.s32 v8, v10;
	vm0 =	vgt.s32 v9, v5;
	s3 =	simm.s32 $0x1;
	v11 =	vld [tilespmem:s17+$0x0];
	(v2sf) =	vpush v6, $0xF;
	v9, _, _ =	vpop (xrf0);
	s6 =	smov.u32 @p1 s5;
	s5 =	smov.u32 s16  }
0x59a: {  	s7 =	sadd.s32 $0x10, s7;
	v10 =	vadd.s32 v7, v8;
	v12 =	vnsel vm0, $0xFFFFFFFF, v3;
	s3 =	simm.s32 @!p3 $0x0;
	v7 =	vld [tilespmem:s16+$0x0];
	(v2sf) =	vpush v9, $0xF;
	s22 =	smov.u32 @p3 s6  }
0x59b: {  	s1 =	smov.u32 s31;
	s31 =	smov.u32 s30;
	p1 =	sgt.s32 s8, s3;
	v8 =	vld [tilespmem:s10+$0x0];
	(xrf0) =	vadd.scan.msk.s32 $0xffff, v10  }
0x59c: {  	s30 =	smov.u32 s29;
	s29 =	smov.u32 s28;
	s3 =	smov.u32 @p1 s8;
	v9 =	vld [tilespmem:s7+$0x0];
	(xrf0) =	vmin.scan.msk.u32 $0xffff, v12  }
.Ltmp24:
0x59d: {  	s28 =	smov.u32 s26;
	s26 =	smov.u32 s25;
	(pc) =	sbr.rel @p2 .LBB2_43-.Ltmp24, $4  }
0x59e: {  	s25 =	smov.u32 s24;
	s24 =	smov.u32 s23;
	s23 =	smov.u32 s18;
	[tilespmem:s17+$0x0] =	vst v1  }
0x59f: {  	s16 =	sadd.s32 $0x10, s16;
	s17 =	sadd.s32 $0x10, s17;
	[tilespmem:s7+$0x0] =	vst v1;
	s6 =	spop (v2sf)  }
0x5a0: {  	p1 =	seq.s32 s3, $0x0;
	[tilespmem:s10+$0x0] =	vst v1;
	s4 =	sadd.s32 s4, s6;
	s8 =	spop (v2sf)  }
0x5a1: {  	s18 =	sadd.s32 $0x10, s18;
	v10 =	vadd.s32 v11, v9;
	[tilespmem:s5+$0x0] =	vst v1;
	v9 =	vadd.s32 s4, v6;
	v6, _, _ =	vpop (xrf0);
	s6 =	sxor.u32 $0x80000000, s8;
	s5 =	sadd.s32 s9, s8  }
0x5a2: {  	v11 =	vld [tilespmem:s17+$0x0];
	v8 =	vadd.s32 v8, v10  }
0x5a3: {  	v12 =	vld [tilespmem:s16+$0x0];
	s8 =	sadd.s32 $0x10, s10;
	v7 =	vadd.s32 v7, v8  }
0x5a4: {  	s7 =	sadd.s32 $0x10, s7;
	v13 =	vld [tilespmem:s8+$0x0];
	(xrf0) =	vadd.scan.msk.s32 $0xffff, v7  }
0x5a5: {  	v40 =	vld [tilespmem:s7+$0x0];
	[tilespmem:s17+$0x0] =	vst v1  }
0x5a6: {  	[tilespmem:s7+$0x0] =	vst v1  }
0x5a7: {  	(v2sf) =	vpush v6, $0xF;
	[tilespmem:s8+$0x0] =	vst v1  }
0x5a8: {  	s9 =	sadd.s32 $0x10, s17;
	[tilespmem:s16+$0x0] =	vst v1  }
0x5a9: {  	s19 =	sadd.s32 $0x10, s16;
	v14, _, _ =	vpop (xrf0);
	v7 =	vld [tilespmem:s9+$0x0]  }
0x5aa: {  	(v2sf) =	vpush v14, $0xF;
	s8 =	sadd.s32 $0x10, s8;
	v41 =	vld [tilespmem:s19+$0x0];
	v42, _, _ =	vpop (xrf0)  }
0x5ab: {  	s7 =	sadd.s32 $0x10, s7;
	v15 =	vld [tilespmem:s8+$0x0];
	(v2sf) =	vpush v42, $0xF  }
0x5ac: {  	v16 =	vld [tilespmem:s7+$0x0];
	[tilespmem:s9+$0x0] =	vst v1  }
0x5ad: {  	[tilespmem:s7+$0x0] =	vst v1  }
0x5ae: {  	[tilespmem:s8+$0x0] =	vst v1  }
0x5af: {  	s9 =	sadd.s32 $0x10, s9;
	[tilespmem:s19+$0x0] =	vst v1  }
0x5b0: {  	vm0 =	vgt.s32 v9, v5;
	s21 =	sadd.s32 $0x10, s19;
	v10 =	vadd.s32 v11, v40;
	s20 =	spop (v2sf);
	v43 =	vld [tilespmem:s9+$0x0]  }
0x5b1: {  	v9 =	vnsel vm0, $0xFFFFFFFF, v3;
	v10 =	vadd.s32 v13, v10;
	s4 =	sadd.s32 s4, s20;
	s8 =	sadd.s32 $0x10, s8;
	v45 =	vld [tilespmem:s21+$0x0]  }
0x5b2: {  	(xrf0) =	vmin.scan.msk.u32 $0xffff, v9;
	s7 =	sadd.s32 $0x10, s7;
	v44 =	vadd.s32 v12, v10;
	v6 =	vadd.s32 s4, v6;
	v46 =	vld [tilespmem:s8+$0x0]  }
0x5b3: {  	(xrf0) =	vadd.scan.msk.s32 $0xffff, v44;
	vm9 =	vgt.s32 v6, v5;
	v6 =	vld [tilespmem:s7+$0x0];
	[tilespmem:s9+$0x0] =	vst v1  }
0x5b4: {  	v7 =	vadd.s32 v7, v16;
	[tilespmem:s7+$0x0] =	vst v1  }
0x5b5: {  	s16 =	spop (v2sf);
	v47 =	vnsel vm9, $0xFFFFFFFF, v3;
	v7 =	vadd.s32 v15, v7;
	[tilespmem:s8+$0x0] =	vst v1  }
0x5b6: {  	s9 =	sadd.s32 $0x10, s9;
	(xrf0) =	vmin.scan.msk.u32 $0xffff, v47;
	v7 =	vadd.s32 v41, v7;
	[tilespmem:s21+$0x0] =	vst v1;
	s18 =	spop (v2sf)  }
0x5b7: {  	s7 =	sadd.s32 $0x10, s7;
	v50 =	vld [tilespmem:s9+$0x0];
	s4 =	sadd.s32 s4, s18  }
0x5b8: {  	v48, _, _ =	vpop (xrf0);
	s8 =	sadd.s32 $0x10, s8;
	(xrf0) =	vadd.scan.msk.s32 $0xffff, v7;
	v51 =	vld [tilespmem:s7+$0x0];
	v49 =	vadd.s32 s4, v42  }
0x5b9: {  	s17 =	sadd.s32 $0x10, s21;
	(v2sf) =	vpush v48, $0xF;
	v53 =	vld [tilespmem:s8+$0x0];
	v6 =	vadd.s32 v43, v6;
	v7, _, _ =	vpop (xrf0);
	s10 =	spop (v2sf);
	vm10 =	vgt.s32 v49, v5  }
0x5ba: {  	v55 =	vld [tilespmem:s17+$0x0];
	v6 =	vadd.s32 v46, v6;
	(v2sf) =	vpush v7, $0xF;
	v52 =	vnsel vm10, $0xFFFFFFFF, v3;
	s18 =	spop (v2sf)  }
0x5bb: {  	v6 =	vadd.s32 v45, v6;
	(xrf0) =	vmin.scan.msk.u32 $0xffff, v52;
	s19 =	sadd.s32 s4, s18  }
0x5bc: {  	v54, _, _ =	vpop (xrf0);
	(xrf0) =	vadd.scan.msk.s32 $0xffff, v6;
	v7 =	vadd.s32 s19, v7  }
0x5bd: {  	vm11 =	vgt.s32 v7, v5;
	v7 =	vadd.s32 v50, v51  }
0x5be: {  	(v2sf) =	vpush v54, $0xF;
	v6, _, _ =	vpop (xrf0);
	v7 =	vadd.s32 v53, v7  }
0x5bf: {  	(v2sf) =	vpush v6, $0xF;
	v7 =	vadd.s32 v55, v7  }
0x5c0: {  	v56 =	vnsel vm11, $0xFFFFFFFF, v3  }
0x5c1: {  	v57, _, _ =	vpop (xrf0);
	(xrf0) =	vmin.scan.msk.u32 $0xffff, v56  }
0x5c2: {  	(v2sf) =	vpush v57, $0xF;
	(xrf0) =	vadd.scan.msk.s32 $0xffff, v7;
	v7, _, _ =	vpop (xrf0)  }
0x5c3: {  	(v2sf) =	vpush v7, $0xF;
	_ =	sdelay $0x1  }
0x5c4: {  	[tilespmem:s9+$0x0] =	vst v1  }
0x5c5: {  	p2 =	slt.s32 s6, $0x10;
	s21 =	simm.s32 $0x1;
	[tilespmem:s7+$0x0] =	vst v1  }
0x5c6: {  	s0 =	sadd.s32 s0, s16;
	s6 =	sadd.s32 $0x10, s7;
	s21 =	simm.s32 @!p2 $0x0;
	[tilespmem:s8+$0x0] =	vst v1;
	v58, _, _ =	vpop (xrf0)  }
0x5c7: {  	[tilespmem:s17+$0x0] =	vst v1;
	s18 =	spop (v2sf);
	s4 =	sadd.s32 $0x10, s9;
	s9 =	smov.u32 s22;
	(v2sf) =	vpush v58, $0xF;
	v59, _, _ =	vpop (xrf0)  }
0x5c8: {  	s7 =	sadd.s32 $0x10, s17;
	v61 =	vld [tilespmem:s6+$0x0];
	s9 =	smov.u32 @p1 s5;
	s20 =	spop (v2sf);
	(v2sf) =	vpush v59, $0xF  }
0x5c9: {  	v60 =	vld [tilespmem:s4+$0x0];
	s5 =	sadd.s32 $0x10, s8;
	p1 =	sgt.s32 s3, s21;
	s8 =	sadd.s32 s19, s20  }
0x5ca: {  	s1 =	sadd.s32 s1, s10;
	v62 =	vld [tilespmem:s5+$0x0];
	s22 =	smov.u32 @p2 s9;
	s21 =	smov.u32 @p1 s3;
	v6 =	vadd.s32 s8, v6  }
0x5cb: {  	v63 =	vld [tilespmem:s7+$0x0];
	s3 =	simm.s32 $0x1;
	p2 =	seq.s32 s21, $0x0;
	s9 =	smov.u32 s22;
	vm12 =	vgt.s32 v6, v5  }
0x5cc: {  	s9 =	smov.u32 @p2 s0;
	s19 =	sxor.u32 $0x80000000, s16;
	s17 =	spop (v2sf);
	v6 =	vnsel vm12, $0xFFFFFFFF, v3  }
0x5cd: {  	s0 =	simm.s32 $0x1;
	p1 =	slt.s32 s19, $0x10;
	(xrf0) =	vmin.scan.msk.u32 $0xffff, v6;
	s20 =	spop (v2sf)  }
0x5ce: {  	s16 =	sxor.u32 $0x80000000, s10;
	s3 =	simm.s32 @!p1 $0x0;
	v6 =	vadd.s32 v60, v61;
	s8 =	sadd.s32 s8, s20  }
0x5cf: {  	s22 =	smov.u32 @p1 s9;
	p1 =	slt.s32 s16, $0x10;
	p2 =	sgt.s32 s21, s3;
	v6 =	vadd.s32 v62, v6;
	v7 =	vadd.s32 s8, v7  }
0x5d0: {  	s10 =	smov.u32 s22;
	s3 =	smov.u32 @p2 s21;
	v6 =	vadd.s32 v63, v6;
	vm13 =	vgt.s32 v7, v5;
	s9 =	spop (v2sf)  }
0x5d1: {  	s0 =	simm.s32 @!p1 $0x0;
	p2 =	seq.s32 s3, $0x0;
	(xrf0) =	vadd.scan.msk.s32 $0xffff, v6;
	v7 =	vnsel vm13, $0xFFFFFFFF, v3;
	s19 =	spop (v2sf)  }
0x5d2: {  	s10 =	smov.u32 @p2 s1;
	p2 =	sgt.s32 s3, s0;
	(xrf0) =	vmin.scan.msk.u32 $0xffff, v7;
	s8 =	sadd.s32 s8, s19  }
0x5d3: {  	s20 =	sxor.u32 $0x80000000, s18;
	s22 =	smov.u32 @p1 s10;
	s0 =	smov.u32 @p2 s3;
	v6, _, _ =	vpop (xrf0);
	v7 =	vadd.s32 s8, v59  }
0x5d4: {  	s10 =	sadd.s32 s31, s18;
	p1 =	seq.s32 s0, $0x0;
	s1 =	smov.u32 s22;
	(v2sf) =	vpush v6, $0xF;
	vm14 =	vgt.s32 v7, v5  }
0x5d5: {  	p2 =	slt.s32 s20, $0x10;
	s1 =	smov.u32 @p1 s10;
	s10 =	simm.s32 $0x1;
	v6 =	vnsel vm14, $0xFFFFFFFF, v3  }
0x5d6: {  	s16 =	sxor.u32 $0x80000000, s17;
	s10 =	simm.s32 @!p2 $0x0;
	s21 =	spop (v2sf)  }
0x5d7: {  	s22 =	smov.u32 @p2 s1;
	p2 =	slt.s32 s16, $0x10;
	s31 =	spop (v2sf);
	v7, _, _ =	vpop (xrf0)  }
0x5d8: {  	s1 =	simm.s32 $0x1;
	p1 =	sgt.s32 s0, s10;
	(xrf0) =	vmin.scan.msk.u32 $0xffff, v6;
	s8 =	sadd.s32 s8, s31;
	(v2sf) =	vpush v7, $0xF;
	v6, _, _ =	vpop (xrf0)  }
0x5d9: {  	s1 =	simm.s32 @!p2 $0x0;
	s10 =	smov.u32 @p1 s0;
	(v2sf) =	vpush v6, $0xF;
	v6 =	vadd.s32 s8, v7  }
0x5da: {  	s0 =	sadd.s32 s30, s17;
	p1 =	seq.s32 s10, $0x0;
	s8 =	smov.u32 s22;
	vm15 =	vgt.s32 v6, v5  }
0x5db: {  	p3 =	sgt.s32 s10, s1;
	s8 =	smov.u32 @p1 s0;
	v5 =	vnsel vm15, $0xFFFFFFFF, v3  }
0x5dc: {  	s17 =	sxor.u32 $0x80000000, s9;
	s1 =	smov.u32 @p3 s10;
	s22 =	smov.u32 @p2 s8  }
0x5dd: {  	s8 =	sadd.s32 s29, s9;
	p2 =	slt.s32 s17, $0x10;
	s9 =	simm.s32 $0x1;
	(xrf0) =	vmin.scan.msk.u32 $0xffff, v5  }
0x5de: {  	p1 =	seq.s32 s1, $0x0;
	s0 =	smov.u32 s22;
	s9 =	simm.s32 @!p2 $0x0;
	v5, _, _ =	vpop (xrf0)  }
0x5df: {  	s0 =	smov.u32 @p1 s8;
	p1 =	sgt.s32 s1, s9;
	(v2sf) =	vpush v5, $0xF  }
0x5e0: {  	s18 =	sxor.u32 $0x80000000, s21;
	s22 =	smov.u32 @p2 s0;
	s9 =	smov.u32 @p1 s1  }
0x5e1: {  	p1 =	slt.s32 s18, $0x10;
	s0 =	simm.s32 $0x1;
	s1 =	sadd.s32 s28, s21  }
0x5e2: {  	p2 =	seq.s32 s9, $0x0;
	s3 =	smov.u32 s22;
	s0 =	simm.s32 @!p1 $0x0  }
0x5e3: {  	s19 =	spop (v2sf);
	s3 =	smov.u32 @p2 s1;
	p2 =	sgt.s32 s9, s0;
	v5, _, _ =	vpop (xrf0)  }
0x5e4: {  	s20 =	sxor.u32 $0x80000000, s19;
	s22 =	smov.u32 @p1 s3;
	s0 =	smov.u32 @p2 s9;
	(v2sf) =	vpush v5, $0xF  }
0x5e5: {  	s3 =	sadd.s32 s26, s19;
	p1 =	seq.s32 s0, $0x0;
	s1 =	smov.u32 s22  }
0x5e6: {  	p2 =	slt.s32 s20, $0x10;
	s1 =	smov.u32 @p1 s3;
	s3 =	simm.s32 $0x1  }
0x5e7: {  	s3 =	simm.s32 @!p2 $0x0  }
0x5e8: {  	p1 =	sgt.s32 s0, s3  }
0x5e9: {  	s21 =	spop (v2sf);
	s3 =	smov.u32 @p1 s0  }
0x5ea: {  	s22 =	smov.u32 @p2 s1;
	p2 =	seq.s32 s3, $0x0;
	s8 =	spop (v2sf)  }
0x5eb: {  	s26 =	sxor.u32 $0x80000000, s8;
	s1 =	sadd.s32 s25, s8;
	s8 =	smov.u32 s22  }
0x5ec: {  	s0 =	simm.s32 $0x1;
	p1 =	slt.s32 s26, $0x10;
	s8 =	smov.u32 @p2 s1  }
0x5ed: {  	s0 =	simm.s32 @!p1 $0x0;
	s22 =	smov.u32 @p1 s8  }
0x5ee: {  	s8 =	simm.s32 $0x1;
	p2 =	sgt.s32 s3, s0;
	s28 =	spop (v2sf)  }
0x5ef: {  	s0 =	smov.u32 @p2 s3;
	s3 =	smov.u32 s22;
	s29 =	sxor.u32 $0x80000000, s28  }
0x5f0: {  	p1 =	seq.s32 s0, $0x0;
	s1 =	sadd.s32 s24, s28;
	p2 =	slt.s32 s29, $0x10  }
0x5f1: {  	s3 =	smov.u32 @p1 s1;
	s8 =	simm.s32 @!p2 $0x0  }
.Ltmp25:
0x5f2: {  	s22 =	smov.u32 @p2 s3;
	p1 =	sgt.s32 s0, s8;
	(pc) =	sbr.rel @p0 .LBB2_51-.Ltmp25, $4  }
0x5f3: {  	[tilespmem:s4+$0x0] =	vst v1;
	s30 =	spop (v2sf);
	s3 =	smov.u32 s22;
	s8 =	smov.u32 @p1 s0  }
0x5f4: {  	[tilespmem:s6+$0x0] =	vst v1;
	s31 =	sxor.u32 $0x80000000, s30;
	s0 =	sadd.s32 s23, s30;
	p1 =	seq.s32 s8, $0x0  }
0x5f5: {  	[tilespmem:s5+$0x0] =	vst v1;
	p2 =	slt.s32 s31, $0x10;
	s3 =	smov.u32 @p1 s0  }
0x5f6: {  	s4 =	rddreg [dreg:$0x8];
	[tilespmem:s7+$0x0] =	vst v1;
	s22 =	smov.u32 @p2 s3  }
0x5f7: {  	s4 =	rddreg [dreg:$0xa]  }
0x5f8: {  	p1 =	sne.s32 s4, $0x1  }
.Ltmp26:
0x5f9: {  	_ = 	snop;
	(pc) =	sbr.rel @!p1 .LBB2_46-.Ltmp26, $4  }
0x5fa: {  	s0 =	rddreg [dreg:$0xc];
	s3 =	simm.s32 $0x10000  }
0x5fb: {  	s0 =	sshll.u32 s0, $0xA;
	v6 =	vld [tilespmem:s3+$0x0]  }
0x5fc: {  	p0 =	por $0x0, $0x0;
	s1 =	sor.u32 s0, s22  }
0x5fd: {  	s3 =	sadd.s32 $0xFFFFFFFF, s4;
	s0 =	simm.s32 $0x12080;
	v5 =	vmov s1;
	s1 =	simm.s32 $0x0  }
0x5fe: {  	_ =	sdelay $0x1  }
0x5ff: {  	v8 =	vld [tilespmem:s0+$0x0];
	v9 =	vor.u32 s1, v0;
	v7 =	vand.u32 $0x7FFFFFFF, v6  }
0x600: {  	vm0 =	vlt.s32 v9, v4;
	vm1 =	vle.s32 v5, v7  }
0x601: {  	vm0 =	vmand vm0, vm1;
	_ =	sdelay $0x3  }
0x602: {  	p1 =	sne.s32 s3, $0x1  }
.Ltmp27:
0x603: {  	_ = 	snop;
	(pc) =	sbr.rel @!p1 .LBB2_48-.Ltmp27, $4  }
0x604: {  	s5 =	simm.s32 $0x10010;
	[tilespmem:v8+s11+$0x0] =	vst.idx.msk vm0, v6  }
0x605: {  	v6 =	vld [tilespmem:s5+$0x0]  }
0x606: {  	s6 =	sadd.s32 $0xFFFFFFFF, s3  }
0x607: {  	p0 =	por $0x1, $0x1;
	s3 =	simm.s32 $0x12080;
	s4 =	simm.s32 $0x0  }
.LBB2_49:
0x608: {  	p1 =	sne.s32 s6, $0x1;
	_ =	sdelay $0x2  }
0x609: {  	s3 =	sadd.s32 $0x10, s3;
	s4 =	sadd.s32 $0x10, s4  }
0x60a: {  	v7 =	vand.u32 $0x7FFFFFFF, v6;
	v9 =	vor.u32 s4, v0;
	v8 =	vld [tilespmem:s3+$0x0]  }
0x60b: {  	vm1 =	vle.s32 v5, v7;
	vm0 =	vlt.s32 v9, v4  }
0x60c: {  	vm0 =	vmand vm0, vm1;
	_ =	sdelay $0x2  }
.Ltmp28:
0x60d: {  	(pc) =	sbr.rel @p1 .LBB2_49-.Ltmp28, $3  }
0x60e: {  	_ =	sdelay $0x1  }
0x60f: {  	s5 =	sadd.s32 $0x10, s5;
	[tilespmem:v8+s11+$0x0] =	vst.idx.msk vm0, v6  }
0x610: {  	s6 =	sadd.s32 $0xFFFFFFFF, s6;
	v6 =	vld [tilespmem:s5+$0x0]  }
.Ltmp29:
0x611: {  	_ = 	snop;
	(pc) =	sbr.rel .LBB2_50-.Ltmp29, $1  }
0x612: {  	_ =	sdelay $0x3  }
.LBB2_13:
.Ltmp30:
0x613: {  	(pc) =	sbr.rel .LBB2_17-.Ltmp30, $2  }
0x614: {  	_ =	sdelay $0x2  }
0x615: {  	s1 =	simm.s32 $0x0  }
.LBB2_22:
.Ltmp31:
0x616: {  	(pc) =	sbr.rel .LBB2_26-.Ltmp31, $2  }
0x617: {  	_ =	sdelay $0x2  }
0x618: {  	s3 =	simm.s32 $0x12080;
	s4 =	simm.s32 $0x0  }
.LBB2_37:
.Ltmp32:
0x619: {  	(pc) =	sbr.rel .LBB2_41-.Ltmp32, $2  }
0x61a: {  	_ =	sdelay $0x2  }
0x61b: {  	s1 =	simm.s32 $0x0  }
.LBB2_15:
.Ltmp33:
0x61c: {  	(pc) =	sbr.rel .LBB2_17-.Ltmp33, $2  }
0x61d: {  	_ =	sdelay $0x2  }
0x61e: {  	s1 =	simm.s32 $0x0  }
.LBB2_24:
.Ltmp34:
0x61f: {  	(pc) =	sbr.rel .LBB2_26-.Ltmp34, $2  }
0x620: {  	_ =	sdelay $0x2  }
0x621: {  	s3 =	simm.s32 $0x12080;
	s4 =	simm.s32 $0x0  }
.LBB2_39:
.Ltmp35:
0x622: {  	(pc) =	sbr.rel .LBB2_41-.Ltmp35, $2  }
0x623: {  	_ =	sdelay $0x2  }
0x624: {  	s1 =	simm.s32 $0x0  }
.LBB2_48:
.Ltmp36:
0x625: {  	(pc) =	sbr.rel .LBB2_50-.Ltmp36, $2  }
0x626: {  	_ =	sdelay $0x2  }
0x627: {  	s3 =	simm.s32 $0x12080;
	s4 =	simm.s32 $0x0  }
.LBB2_52:
0x628: {  	_ =	sfence.sel $0x180000  }
0x629: {  	[bflag:$0x0] =	sbarrier.arrive $0xFFFF  }
0x62a: {  	_ =	strace $0x90000047  }
0x62b: {  	s0 =	stileid.u32;
	[bflag:$0x2] =	sbarrier.arrive $0xFFFF  }
0x62c: {  	p0 =	sne.s32 s0, $0x0;
	s0 =	rddreg [dreg:$0x2]  }
0x62d: {  	s0 =	sadd.s32 @!p0 $0x100000, s0  }
0x62e: {  	[sflag:s0] =	ssyncadd.tile.s32 @!p0 $0x1;
	_ =	shalt  }
.Lfunc_end2:
_tile_overlayer_lowered:
.L_overlay_start_2:
0x62f: {  	(tag) =	ssettag $0x2  }
0x630: {  	s0 =	rddreg [dreg:$0x0];
	s2 =	stileid.u32  }
0x631: {  	s1 =	rddreg [dreg:$0x1];
	p0 =	sne.s32 s2, $0x0  }
0x632: {  	s3 =	rddreg [dreg:$0x2];
	[bflag:$0x3] =	sbarrier.arrive $0xFFFF;
	s2 =	simm.s32 @!p0 $0x1C05  }
0x633: {  	[timem:s3], [sflag:s2] =	dma.local @!p0 [hbm:s0], s1  }
0x634: {  	s0 =	simm.s32 @!p0 $0x5  }
0x635: {  	_ =	swait.ge @!p0 [sflag:s0], s1  }
0x636: {  	s1 =	ssub.s32 @!p0 $0x0, s1;
	[sflag:s0] =	ssyncset.done @!p0 $0x0  }
0x637: {  	[sflag:s0] =	ssyncadd.s32 @!p0 s1  }
0x638: {  	[bflag:$0x3] =	sbarrier.arrive $0xFFFF  }
0x639: {  	_ =	shalt  }

</sc_bundles>
